<compile_context>
chip_gen: v7x
topology: tpu7x:2x2x1
jax: 0.10.2.dev20260603
libtpu: 0.0.44.dev20260713+nightly
codegen_flags: <defaults>
</compile_context>

<pallas_src>
import jax
import jax.numpy as jnp
from jax import lax
from jax.experimental import pallas as pl
from jax.experimental.pallas import tpu as pltpu
from jax.experimental.pallas import tpu_sc as plsc

N = 10000
E = 160000
D = 256
DH = 128
NS = 16
NC = 2
EPT = E // NS
K = 80
NB = EPT // K
RPT = N // NS
BN = 2000


def _tc1_body(x_ref, w_ref, b_ref, o_ref):
    x = x_ref[...]
    for p in range(4):
        o_ref[p] = (
            jnp.dot(x, w_ref[:, p * DH:(p + 1) * DH],
                    preferred_element_type=jnp.float32)
            + b_ref[p]
        )


def _tc1(x, wg, bg):
    return pl.pallas_call(
        _tc1_body,
        grid=(N // BN,),
        in_specs=[
            pl.BlockSpec((BN, D), lambda i: (i, 0)),
            pl.BlockSpec((D, 4 * DH), lambda i: (0, 0)),
            pl.BlockSpec((4, 1, DH), lambda i: (0, 0, 0)),
        ],
        out_specs=pl.BlockSpec((4, BN, DH), lambda i: (0, i, 0)),
        out_shape=jax.ShapeDtypeStruct((4, N, DH), jnp.float32),
    )(x, wg, bg).reshape(4 * N, DH)


def _tc2_body(s_ref, x_ref, w2_ref, b2_ref, wn1_ref, bn1_ref,
              wn2_ref, bn2_ref, o_ref):
    s = jnp.concatenate([s_ref[0], s_ref[1]], axis=-1)
    neigh = jnp.dot(s, w2_ref[...], preferred_element_type=jnp.float32)
    rst = x_ref[...] + neigh
    h = jnp.maximum(
        jnp.dot(rst, wn1_ref[...], preferred_element_type=jnp.float32)
        + bn1_ref[...], 0.0)
    o_ref[...] = (
        jnp.dot(h, wn2_ref[...], preferred_element_type=jnp.float32)
        + bn2_ref[...]
    )


def _tc2(s2, x, w2, b2, wn1, bn1, wn2, bn2):
    full = lambda shape: pl.BlockSpec(shape, lambda i: tuple(0 for _ in shape))
    return pl.pallas_call(
        _tc2_body,
        grid=(N // BN,),
        in_specs=[
            pl.BlockSpec((NC, BN, DH), lambda i: (0, i, 0)),
            pl.BlockSpec((BN, D), lambda i: (i, 0)),
            full((D, D)),
            full((1, D)),
            full((D, D)),
            full((1, D)),
            full((D, D)),
            full((1, D)),
        ],
        out_specs=pl.BlockSpec((BN, D), lambda i: (i, 0)),
        out_shape=jax.ShapeDtypeStruct((N, D), jnp.float32),
    )(s2, x, w2, b2, wn1, bn1, wn2, bn2)


def _sc_body(g_hbm, src_hbm, dst_hbm, s_out,
             ra0, rb0, ra1, rb1,
             is00, ib00, id00, is01, ib01, id01,
             is10, ib10, id10, is11, ib11, id11,
             s_sh,
             sem_g0, sem_g1, sem_s0, sem_s1,
             sem_i00, sem_i01, sem_i10, sem_i11):
    c = lax.axis_index("c")
    s = lax.axis_index("s")
    zero16 = jnp.zeros((16,), jnp.float32)
    goff = c * (2 * N)
    ebase = s * EPT

    IDX = (((is00, ib00, id00, sem_i00), (is01, ib01, id01, sem_i01)),
           ((is10, ib10, id10, sem_i10), (is11, ib11, id11, sem_i11)))

    def idx_load(b, bufs):
        iss, ibb, idd, sem = bufs
        pltpu.async_copy(src_hbm.at[pl.ds(ebase + b * K, K)], iss, sem)
        pltpu.async_copy(dst_hbm.at[pl.ds(ebase + b * K, K)], idd, sem)

    def idx_wait_adjust(b, bufs):
        iss, ibb, idd, sem = bufs
        pltpu.make_async_copy(
            src_hbm.at[pl.ds(ebase + b * K, K)], iss, sem).wait()
        pltpu.make_async_copy(
            dst_hbm.at[pl.ds(ebase + b * K, K)], idd, sem).wait()
        for j in range(K // 16):
            sl = pl.ds(j * 16, 16)
            iss[sl] = iss[sl] + goff
            ibb[sl] = idd[sl] + (goff + N)

    def zrow(i, _):
        for j in range(DH // 16):
            ra0[i, pl.ds(j * 16, 16)] = zero16
        return 0
    lax.fori_loop(0, K, zrow, 0)
    for ch in range(7):
        pltpu.sync_copy(ra0, s_sh.at[pl.ds(s * RPT + ch * K, K)])
    pltpu.sync_copy(ra0.at[pl.ds(0, RPT - 7 * K)],
                    s_sh.at[pl.ds(s * RPT + 7 * K, RPT - 7 * K)])

    idx_load(0, IDX[0][0])
    idx_load(1, IDX[1][0])
    idx_load(2, IDX[0][1])
    idx_load(3, IDX[1][1])
    idx_wait_adjust(0, IDX[0][0])
    idx_wait_adjust(1, IDX[1][0])
    pltpu.async_copy(g_hbm.at[IDX[0][0][0]], ra0, sem_g0)
    pltpu.async_copy(g_hbm.at[IDX[0][0][1]], rb0, sem_g0)
    pltpu.async_copy(g_hbm.at[IDX[1][0][0]], ra1, sem_g1)
    pltpu.async_copy(g_hbm.at[IDX[1][0][1]], rb1, sem_g1)

    plsc.subcore_barrier()

    def step(b, ra, rb, sem_g, sem_s, cur, nxt):
        pltpu.make_async_copy(g_hbm.at[cur[0]], ra, sem_g).wait()
        pltpu.make_async_copy(g_hbm.at[cur[1]], rb, sem_g).wait()

        @plsc.parallel_loop(0, K, 1, unroll=4)
        def _(r):
            for j in range(DH // 16):
                sl = pl.ds(j * 16, 16)
                ra[r, sl] = jnp.maximum(ra[r, sl] + rb[r, sl], 0.0)

        pltpu.async_copy(ra, s_sh.at[cur[2]], sem_s, add=True)

        @pl.when(b + 2 < NB)
        def _():
            idx_wait_adjust(b + 2, nxt)
            pltpu.async_copy(g_hbm.at[nxt[1]], rb, sem_g)
            pltpu.make_async_copy(ra, s_sh.at[cur[2]], sem_s).wait()
            pltpu.async_copy(g_hbm.at[nxt[0]], ra, sem_g)

            @pl.when(b + 4 < NB)
            def _():
                idx_load(b + 4, cur)

    def quad(i, _):
        b = 4 * i
        step(b, ra0, rb0, sem_g0, sem_s0, IDX[0][0], IDX[0][1])
        step(b + 1, ra1, rb1, sem_g1, sem_s1, IDX[1][0], IDX[1][1])
        step(b + 2, ra0, rb0, sem_g0, sem_s0, IDX[0][1], IDX[0][0])
        step(b + 3, ra1, rb1, sem_g1, sem_s1, IDX[1][1], IDX[1][0])
        return 0

    lax.fori_loop(0, NB // 4, quad, 0)
    step(NB - 1, ra0, rb0, sem_g0, sem_s0, IDX[0][0], IDX[0][1])

    pltpu.make_async_copy(ra0, s_sh.at[IDX[0][0][2]], sem_s0).wait()
    pltpu.make_async_copy(ra1, s_sh.at[IDX[1][1][2]], sem_s1).wait()

    plsc.subcore_barrier()

    r0 = s * 624
    pltpu.sync_copy(s_sh.at[pl.ds(r0, 640)], s_out.at[c].at[pl.ds(r0, 640)])


def _sc_edge(g, src, dst):
    mesh = plsc.VectorSubcoreMesh(core_axis_name="c", subcore_axis_name="s")
    kfn = pl.kernel(
        _sc_body,
        mesh=mesh,
        out_type=jax.ShapeDtypeStruct((NC, N, DH), jnp.float32),
        scratch_types=(
            [pltpu.VMEM((K, DH), jnp.float32)] * 4
            + [pltpu.VMEM((K,), jnp.int32)] * 12
            + [pltpu.VMEM_SHARED((N, DH), jnp.float32)]
            + [pltpu.SemaphoreType.DMA] * 8
        ),
    )
    return kfn(g, src, dst)


def kernel(x, edge_index, We1, be1, We2, be2, Wn1, bn1, Wn2, bn2):
    src = edge_index[0].astype(jnp.int32)
    dst = edge_index[1].astype(jnp.int32)
    wg = jnp.concatenate(
        [We1[:D, :DH], We1[D:, :DH], We1[:D, DH:], We1[D:, DH:]], axis=1)
    zz = jnp.zeros((DH,), jnp.float32)
    bg = jnp.stack([zz, be1[:DH], zz, be1[DH:]], axis=0).reshape(4, 1, DH)
    g = _tc1(x, wg, bg)
    s2 = _sc_edge(g, src, dst)
    return _tc2(s2, x, We2, be2.reshape(1, D), Wn1, bn1.reshape(1, D),
                Wn2, bn2.reshape(1, D))

# --- scband reference (transcript-rebuilt; emitter-appended) ---
"""Pipeline reference for scband-gineconv-51900384805118 (READ-ONLY COPY).

The authoritative reference and input builder live on the scoring server;
editing this copy changes nothing except your own understanding.
"""

import jax, jax.numpy as jnp
import numpy as np

N = 10000
E = 160000
D = 256


def setup_inputs(seed: int = 0) -> dict:
    key = jax.random.key(seed)
    ks = jax.random.split(key, 12)
    x = jax.random.normal(ks[0], (N, D), dtype=jnp.float32)
    edge_index = jax.random.randint(ks[1], (2, E), 0, N, dtype=jnp.int64)
    # apply_edge_func: Sequential(Linear(2D, D), ReLU, Linear(D, D))
    We1 = jax.random.normal(ks[2], (2 * D, D), dtype=jnp.float32) * 0.05
    be1 = jnp.zeros((D,), dtype=jnp.float32)
    We2 = jax.random.normal(ks[3], (D, D), dtype=jnp.float32) * 0.05
    be2 = jnp.zeros((D,), dtype=jnp.float32)
    # apply_func: Sequential(Linear(D, D), ReLU, Linear(D, D))
    Wn1 = jax.random.normal(ks[4], (D, D), dtype=jnp.float32) * 0.05
    bn1 = jnp.zeros((D,), dtype=jnp.float32)
    Wn2 = jax.random.normal(ks[5], (D, D), dtype=jnp.float32) * 0.05
    bn2 = jnp.zeros((D,), dtype=jnp.float32)
    return {"x": x, "edge_index": edge_index, "We1": We1, "be1": be1,
            "We2": We2, "be2": be2, "Wn1": Wn1, "bn1": bn1, "Wn2": Wn2, "bn2": bn2}


def reference(x, edge_index, We1, be1, We2, be2, Wn1, bn1, Wn2, bn2):
    eps = jnp.float32(0.0)  # init_eps=0, learn_eps=False (buffer)
    src = edge_index[0]
    dst = edge_index[1]
    # message: concat src/dst node feats along feature dim, then edge MLP
    edge_emb = jnp.concatenate([jnp.take(x, src, axis=0), jnp.take(x, dst, axis=0)], axis=1)
    h = jnp.maximum(edge_emb @ We1 + be1, 0.0)
    m = h @ We2 + be2
    # fn.sum('m','neigh'): scatter-add messages into destination nodes
    neigh = jax.ops.segment_sum(m, dst, num_segments=N)
    rst = (1.0 + eps) * x + neigh
    # apply_func MLP
    out = jnp.maximum(rst @ Wn1 + bn1, 0.0) @ Wn2 + bn2
    return out

if __name__ == "__main__":
    import jax
    _d = setup_inputs()
    print(jax.jit(kernel)(*tuple(_d.values())))

</pallas_src>

<mosaic_0001>
#map = affine_map<(d0, d1) -> (0, 0)>
#map1 = affine_map<(d0, d1) -> (0)>
#map2 = affine_map<(d0, d1) -> (0, 0, 0)>
module attributes {stable_mosaic.version = 14 : i64} {
  func.func @_sc_body(%arg0: i32, %arg1: i32, %arg2: memref<40000x128xf32, #tpu.memory_space<hbm>>, %arg3: memref<160000xi32, #tpu.memory_space<hbm>>, %arg4: memref<160000xi32, #tpu.memory_space<hbm>>, %arg5: memref<2x10000x128xf32, #tpu.memory_space<hbm>>, %arg6: memref<80x128xf32, #tpu.memory_space<vmem>>, %arg7: memref<80x128xf32, #tpu.memory_space<vmem>>, %arg8: memref<80x128xf32, #tpu.memory_space<vmem>>, %arg9: memref<80x128xf32, #tpu.memory_space<vmem>>, %arg10: memref<80xi32, #tpu.memory_space<vmem>>, %arg11: memref<80xi32, #tpu.memory_space<vmem>>, %arg12: memref<80xi32, #tpu.memory_space<vmem>>, %arg13: memref<80xi32, #tpu.memory_space<vmem>>, %arg14: memref<80xi32, #tpu.memory_space<vmem>>, %arg15: memref<80xi32, #tpu.memory_space<vmem>>, %arg16: memref<80xi32, #tpu.memory_space<vmem>>, %arg17: memref<80xi32, #tpu.memory_space<vmem>>, %arg18: memref<80xi32, #tpu.memory_space<vmem>>, %arg19: memref<80xi32, #tpu.memory_space<vmem>>, %arg20: memref<80xi32, #tpu.memory_space<vmem>>, %arg21: memref<80xi32, #tpu.memory_space<vmem>>, %arg22: memref<10000x128xf32, #tpu.memory_space<vmem_shared>>, %arg23: memref<!tpu.dma_semaphore, #tpu.memory_space<semaphore_mem>>, %arg24: memref<!tpu.dma_semaphore, #tpu.memory_space<semaphore_mem>>, %arg25: memref<!tpu.dma_semaphore, #tpu.memory_space<semaphore_mem>>, %arg26: memref<!tpu.dma_semaphore, #tpu.memory_space<semaphore_mem>>, %arg27: memref<!tpu.dma_semaphore, #tpu.memory_space<semaphore_mem>>, %arg28: memref<!tpu.dma_semaphore, #tpu.memory_space<semaphore_mem>>, %arg29: memref<!tpu.dma_semaphore, #tpu.memory_space<semaphore_mem>>, %arg30: memref<!tpu.dma_semaphore, #tpu.memory_space<semaphore_mem>>) attributes {dimension_semantics = [#tpu.dimension_semantics<core_parallel>, #tpu.dimension_semantics<subcore_parallel>], iteration_bounds = array<i64: 2, 16>, scalar_prefetch = 0 : i64, scratch_operands = 25 : i64, tpu.core_type = #tpu.core_type<sc_vector_subcore>, window_params = [{transform_indices = #map}, {transform_indices = #map1}, {transform_indices = #map1}, {transform_indices = #map2}]} {
    %broadcast_in_dim3A = arith.constant 0.000000e+00 : f32
    %broadcast_in_dim3A_0 = vector.broadcast %broadcast_in_dim3A : f32 to vector<16xf32>
    %mul3A = arith.constant 20000 : i32
    %mul3A_1 = arith.muli %arg0, %mul3A : i32
    %mul3A_2 = arith.constant 10000 : i32
    %mul3A_3 = arith.muli %arg1, %mul3A_2 : i32
    %scan3A = arith.constant 0 : i32
    %scan3A_4 = arith.constant 0 : i32
    %scan3A_5 = arith.constant 80 : i32
    %scan3A_6 = arith.addi %scan3A_4, %scan3A_5 : i32
    %scan3A_7 = arith.constant 1 : i32
    %scan3A_8 = scf.for %scan3A_324 = %scan3A_4 to %scan3A_6 step %scan3A_7 iter_args(%scan3A_325 = %scan3A) -> (i32)  : i32 {
      %swap3A_326 = arith.index_cast %scan3A_324 : i32 to index
      %swap3A_327 = arith.constant 0 : index
      %swap3A_328 = tpu.vector_load %arg6[%swap3A_326, %swap3A_327] {strides = array<i32>} : memref<80x128xf32, #tpu.memory_space<vmem>>, vector<1x16xf32>,
      %swap3A_329 = vector.shape_cast %swap3A_328 : vector<1x16xf32> to vector<16xf32>
      %swap3A_330 = vector.shape_cast %broadcast_in_dim3A_0 : vector<16xf32> to vector<1x16xf32>
      tpu.vector_store %arg6[%swap3A_326, %swap3A_327], %swap3A_330 {strides = array<i32>} : memref<80x128xf32, #tpu.memory_space<vmem>>, vector<1x16xf32>,
      %swap3A_331 = arith.index_cast %scan3A_324 : i32 to index
      %swap3A_332 = arith.constant 16 : index
      %swap3A_333 = tpu.vector_load %arg6[%swap3A_331, %swap3A_332] {strides = array<i32>} : memref<80x128xf32, #tpu.memory_space<vmem>>, vector<1x16xf32>,
      %swap3A_334 = vector.shape_cast %swap3A_333 : vector<1x16xf32> to vector<16xf32>
      %swap3A_335 = vector.shape_cast %broadcast_in_dim3A_0 : vector<16xf32> to vector<1x16xf32>
      tpu.vector_store %arg6[%swap3A_331, %swap3A_332], %swap3A_335 {strides = array<i32>} : memref<80x128xf32, #tpu.memory_space<vmem>>, vector<1x16xf32>,
      %swap3A_336 = arith.index_cast %scan3A_324 : i32 to index
      %swap3A_337 = arith.constant 32 : index
      %swap3A_338 = tpu.vector_load %arg6[%swap3A_336, %swap3A_337] {strides = array<i32>} : memref<80x128xf32, #tpu.memory_space<vmem>>, vector<1x16xf32>,
      %swap3A_339 = vector.shape_cast %swap3A_338 : vector<1x16xf32> to vector<16xf32>
      %swap3A_340 = vector.shape_cast %broadcast_in_dim3A_0 : vector<16xf32> to vector<1x16xf32>
      tpu.vector_store %arg6[%swap3A_336, %swap3A_337], %swap3A_340 {strides = array<i32>} : memref<80x128xf32, #tpu.memory_space<vmem>>, vector<1x16xf32>,
      %swap3A_341 = arith.index_cast %scan3A_324 : i32 to index
      %swap3A_342 = arith.constant 48 : index
      %swap3A_343 = tpu.vector_load %arg6[%swap3A_341, %swap3A_342] {strides = array<i32>} : memref<80x128xf32, #tpu.memory_space<vmem>>, vector<1x16xf32>,
      %swap3A_344 = vector.shape_cast %swap3A_343 : vector<1x16xf32> to vector<16xf32>
      %swap3A_345 = vector.shape_cast %broadcast_in_dim3A_0 : vector<16xf32> to vector<1x16xf32>
      tpu.vector_store %arg6[%swap3A_341, %swap3A_342], %swap3A_345 {strides = array<i32>} : memref<80x128xf32, #tpu.memory_space<vmem>>, vector<1x16xf32>,
      %swap3A_346 = arith.index_cast %scan3A_324 : i32 to index
      %swap3A_347 = arith.constant 64 : index
      %swap3A_348 = tpu.vector_load %arg6[%swap3A_346, %swap3A_347] {strides = array<i32>} : memref<80x128xf32, #tpu.memory_space<vmem>>, vector<1x16xf32>,
      %swap3A_349 = vector.shape_cast %swap3A_348 : vector<1x16xf32> to vector<16xf32>
      %swap3A_350 = vector.shape_cast %broadcast_in_dim3A_0 : vector<16xf32> to vector<1x16xf32>
      tpu.vector_store %arg6[%swap3A_346, %swap3A_347], %swap3A_350 {strides = array<i32>} : memref<80x128xf32, #tpu.memory_space<vmem>>, vector<1x16xf32>,
      %swap3A_351 = arith.index_cast %scan3A_324 : i32 to index
      %swap3A_352 = arith.constant 80 : index
      %swap3A_353 = tpu.vector_load %arg6[%swap3A_351, %swap3A_352] {strides = array<i32>} : memref<80x128xf32, #tpu.memory_space<vmem>>, vector<1x16xf32>,
      %swap3A_354 = vector.shape_cast %swap3A_353 : vector<1x16xf32> to vector<16xf32>
      %swap3A_355 = vector.shape_cast %broadcast_in_dim3A_0 : vector<16xf32> to vector<1x16xf32>
      tpu.vector_store %arg6[%swap3A_351, %swap3A_352], %swap3A_355 {strides = array<i32>} : memref<80x128xf32, #tpu.memory_space<vmem>>, vector<1x16xf32>,
      %swap3A_356 = arith.index_cast %scan3A_324 : i32 to index
      %swap3A_357 = arith.constant 96 : index
      %swap3A_358 = tpu.vector_load %arg6[%swap3A_356, %swap3A_357] {strides = array<i32>} : memref<80x128xf32, #tpu.memory_space<vmem>>, vector<1x16xf32>,
      %swap3A_359 = vector.shape_cast %swap3A_358 : vector<1x16xf32> to vector<16xf32>
      %swap3A_360 = vector.shape_cast %broadcast_in_dim3A_0 : vector<16xf32> to vector<1x16xf32>
      tpu.vector_store %arg6[%swap3A_356, %swap3A_357], %swap3A_360 {strides = array<i32>} : memref<80x128xf32, #tpu.memory_space<vmem>>, vector<1x16xf32>,
      %swap3A_361 = arith.index_cast %scan3A_324 : i32 to index
      %swap3A_362 = arith.constant 112 : index
      %swap3A_363 = tpu.vector_load %arg6[%swap3A_361, %swap3A_362] {strides = array<i32>} : memref<80x128xf32, #tpu.memory_space<vmem>>, vector<1x16xf32>,
      %swap3A_364 = vector.shape_cast %swap3A_363 : vector<1x16xf32> to vector<16xf32>
      %swap3A_365 = vector.shape_cast %broadcast_in_dim3A_0 : vector<16xf32> to vector<1x16xf32>
      tpu.vector_store %arg6[%swap3A_361, %swap3A_362], %swap3A_365 {strides = array<i32>} : memref<80x128xf32, #tpu.memory_space<vmem>>, vector<1x16xf32>,
      %scan3A_366 = arith.constant 0 : i32
      scf.yield %scan3A_366 : i32
    }
    %scan3A_9 = arith.constant 80 : i32
    %mul3A_10 = arith.constant 625 : i32
    %mul3A_11 = arith.muli %arg1, %mul3A_10 : i32
    %add3A = arith.constant 0 : i32
    %add3A_12 = arith.addi %mul3A_11, %add3A : i32
    "tpu.region"() ({
      %run_scoped3A = tpu.sem_alloc : memref<!tpu.dma_semaphore, #tpu.memory_space<semaphore_mem>>
      %dma_start3A_324 = arith.constant 0 : i32
      %dma_start3A_325 = tpu.memref_slice %arg22[%add3A_12, %dma_start3A_324] : memref<10000x128xf32, #tpu.memory_space<vmem_shared>> -> memref<80x128xf32, #tpu.memory_space<vmem_shared>>
      %dma_start3A_326 = arith.constant 0 : i32
      %dma_start3A_327 = tpu.memref_slice %arg22[%add3A_12, %dma_start3A_326] : memref<10000x128xf32, #tpu.memory_space<vmem_shared>> -> memref<80x128xf32, #tpu.memory_space<vmem_shared>>
      tpu.enqueue_dma source(%arg6 : memref<80x128xf32, #tpu.memory_space<vmem>>) target(%dma_start3A_327 : memref<80x128xf32, #tpu.memory_space<vmem_shared>>) target_semaphore(%run_scoped3A : memref<!tpu.dma_semaphore, #tpu.memory_space<semaphore_mem>>)
      %dma_wait3A_328 = arith.constant 0 : i32
      %dma_wait3A_329 = tpu.memref_slice %arg22[%add3A_12, %dma_wait3A_328] : memref<10000x128xf32, #tpu.memory_space<vmem_shared>> -> memref<80x128xf32, #tpu.memory_space<vmem_shared>>
      %dma_wait3A_330 = arith.constant 0 : i32
      %dma_wait3A_331 = tpu.memref_slice %arg22[%add3A_12, %dma_wait3A_330] : memref<10000x128xf32, #tpu.memory_space<vmem_shared>> -> memref<80x128xf32, #tpu.memory_space<vmem_shared>>
      tpu.wait_dma2 semaphore(%run_scoped3A : memref<!tpu.dma_semaphore, #tpu.memory_space<semaphore_mem>>) src(%arg6 : memref<80x128xf32, #tpu.memory_space<vmem>>) dst(%dma_wait3A_331 : memref<80x128xf32, #tpu.memory_space<vmem_shared>>)
      tpu.yield
    }) : () -> ()
    %mul3A_13 = arith.constant 625 : i32
    %mul3A_14 = arith.muli %arg1, %mul3A_13 : i32
    %add3A_15 = arith.constant 80 : i32
    %add3A_16 = arith.addi %mul3A_14, %add3A_15 : i32
    "tpu.region"() ({
      %run_scoped3A = tpu.sem_alloc : memref<!tpu.dma_semaphore, #tpu.memory_space<semaphore_mem>>
      %dma_start3A_324 = arith.constant 0 : i32
      %dma_start3A_325 = tpu.memref_slice %arg22[%add3A_16, %dma_start3A_324] : memref<10000x128xf32, #tpu.memory_space<vmem_shared>> -> memref<80x128xf32, #tpu.memory_space<vmem_shared>>
      %dma_start3A_326 = arith.constant 0 : i32
      %dma_start3A_327 = tpu.memref_slice %arg22[%add3A_16, %dma_start3A_326] : memref<10000x128xf32, #tpu.memory_space<vmem_shared>> -> memref<80x128xf32, #tpu.memory_space<vmem_shared>>
      tpu.enqueue_dma source(%arg6 : memref<80x128xf32, #tpu.memory_space<vmem>>) target(%dma_start3A_327 : memref<80x128xf32, #tpu.memory_space<vmem_shared>>) target_semaphore(%run_scoped3A : memref<!tpu.dma_semaphore, #tpu.memory_space<semaphore_mem>>)
      %dma_wait3A_328 = arith.constant 0 : i32
      %dma_wait3A_329 = tpu.memref_slice %arg22[%add3A_16, %dma_wait3A_328] : memref<10000x128xf32, #tpu.memory_space<vmem_shared>> -> memref<80x128xf32, #tpu.memory_space<vmem_shared>>
      %dma_wait3A_330 = arith.constant 0 : i32
      %dma_wait3A_331 = tpu.memref_slice %arg22[%add3A_16, %dma_wait3A_330] : memref<10000x128xf32, #tpu.memory_space<vmem_shared>> -> memref<80x128xf32, #tpu.memory_space<vmem_shared>>
      tpu.wait_dma2 semaphore(%run_scoped3A : memref<!tpu.dma_semaphore, #tpu.memory_space<semaphore_mem>>) src(%arg6 : memref<80x128xf32, #tpu.memory_space<vmem>>) dst(%dma_wait3A_331 : memref<80x128xf32, #tpu.memory_space<vmem_shared>>)
      tpu.yield
    }) : () -> ()
    %mul3A_17 = arith.constant 625 : i32
    %mul3A_18 = arith.muli %arg1, %mul3A_17 : i32
    %add3A_19 = arith.constant 160 : i32
    %add3A_20 = arith.addi %mul3A_18, %add3A_19 : i32
    "tpu.region"() ({
      %run_scoped3A = tpu.sem_alloc : memref<!tpu.dma_semaphore, #tpu.memory_space<semaphore_mem>>
      %dma_start3A_324 = arith.constant 0 : i32
      %dma_start3A_325 = tpu.memref_slice %arg22[%add3A_20, %dma_start3A_324] : memref<10000x128xf32, #tpu.memory_space<vmem_shared>> -> memref<80x128xf32, #tpu.memory_space<vmem_shared>>
      %dma_start3A_326 = arith.constant 0 : i32
      %dma_start3A_327 = tpu.memref_slice %arg22[%add3A_20, %dma_start3A_326] : memref<10000x128xf32, #tpu.memory_space<vmem_shared>> -> memref<80x128xf32, #tpu.memory_space<vmem_shared>>
      tpu.enqueue_dma source(%arg6 : memref<80x128xf32, #tpu.memory_space<vmem>>) target(%dma_start3A_327 : memref<80x128xf32, #tpu.memory_space<vmem_shared>>) target_semaphore(%run_scoped3A : memref<!tpu.dma_semaphore, #tpu.memory_space<semaphore_mem>>)
      %dma_wait3A_328 = arith.constant 0 : i32
      %dma_wait3A_329 = tpu.memref_slice %arg22[%add3A_20, %dma_wait3A_328] : memref<10000x128xf32, #tpu.memory_space<vmem_shared>> -> memref<80x128xf32, #tpu.memory_space<vmem_shared>>
      %dma_wait3A_330 = arith.constant 0 : i32
      %dma_wait3A_331 = tpu.memref_slice %arg22[%add3A_20, %dma_wait3A_330] : memref<10000x128xf32, #tpu.memory_space<vmem_shared>> -> memref<80x128xf32, #tpu.memory_space<vmem_shared>>
      tpu.wait_dma2 semaphore(%run_scoped3A : memref<!tpu.dma_semaphore, #tpu.memory_space<semaphore_mem>>) src(%arg6 : memref<80x128xf32, #tpu.memory_space<vmem>>) dst(%dma_wait3A_331 : memref<80x128xf32, #tpu.memory_space<vmem_shared>>)
      tpu.yield
    }) : () -> ()
    %mul3A_21 = arith.constant 625 : i32
    %mul3A_22 = arith.muli %arg1, %mul3A_21 : i32
    %add3A_23 = arith.constant 240 : i32
    %add3A_24 = arith.addi %mul3A_22, %add3A_23 : i32
    "tpu.region"() ({
      %run_scoped3A = tpu.sem_alloc : memref<!tpu.dma_semaphore, #tpu.memory_space<semaphore_mem>>
      %dma_start3A_324 = arith.constant 0 : i32
      %dma_start3A_325 = tpu.memref_slice %arg22[%add3A_24, %dma_start3A_324] : memref<10000x128xf32, #tpu.memory_space<vmem_shared>> -> memref<80x128xf32, #tpu.memory_space<vmem_shared>>
      %dma_start3A_326 = arith.constant 0 : i32
      %dma_start3A_327 = tpu.memref_slice %arg22[%add3A_24, %dma_start3A_326] : memref<10000x128xf32, #tpu.memory_space<vmem_shared>> -> memref<80x128xf32, #tpu.memory_space<vmem_shared>>
      tpu.enqueue_dma source(%arg6 : memref<80x128xf32, #tpu.memory_space<vmem>>) target(%dma_start3A_327 : memref<80x128xf32, #tpu.memory_space<vmem_shared>>) target_semaphore(%run_scoped3A : memref<!tpu.dma_semaphore, #tpu.memory_space<semaphore_mem>>)
      %dma_wait3A_328 = arith.constant 0 : i32
      %dma_wait3A_329 = tpu.memref_slice %arg22[%add3A_24, %dma_wait3A_328] : memref<10000x128xf32, #tpu.memory_space<vmem_shared>> -> memref<80x128xf32, #tpu.memory_space<vmem_shared>>
      %dma_wait3A_330 = arith.constant 0 : i32
      %dma_wait3A_331 = tpu.memref_slice %arg22[%add3A_24, %dma_wait3A_330] : memref<10000x128xf32, #tpu.memory_space<vmem_shared>> -> memref<80x128xf32, #tpu.memory_space<vmem_shared>>
      tpu.wait_dma2 semaphore(%run_scoped3A : memref<!tpu.dma_semaphore, #tpu.memory_space<semaphore_mem>>) src(%arg6 : memref<80x128xf32, #tpu.memory_space<vmem>>) dst(%dma_wait3A_331 : memref<80x128xf32, #tpu.memory_space<vmem_shared>>)
      tpu.yield
    }) : () -> ()
    %mul3A_25 = arith.constant 625 : i32
    %mul3A_26 = arith.muli %arg1, %mul3A_25 : i32
    %add3A_27 = arith.constant 320 : i32
    %add3A_28 = arith.addi %mul3A_26, %add3A_27 : i32
    "tpu.region"() ({
      %run_scoped3A = tpu.sem_alloc : memref<!tpu.dma_semaphore, #tpu.memory_space<semaphore_mem>>
      %dma_start3A_324 = arith.constant 0 : i32
      %dma_start3A_325 = tpu.memref_slice %arg22[%add3A_28, %dma_start3A_324] : memref<10000x128xf32, #tpu.memory_space<vmem_shared>> -> memref<80x128xf32, #tpu.memory_space<vmem_shared>>
      %dma_start3A_326 = arith.constant 0 : i32
      %dma_start3A_327 = tpu.memref_slice %arg22[%add3A_28, %dma_start3A_326] : memref<10000x128xf32, #tpu.memory_space<vmem_shared>> -> memref<80x128xf32, #tpu.memory_space<vmem_shared>>
      tpu.enqueue_dma source(%arg6 : memref<80x128xf32, #tpu.memory_space<vmem>>) target(%dma_start3A_327 : memref<80x128xf32, #tpu.memory_space<vmem_shared>>) target_semaphore(%run_scoped3A : memref<!tpu.dma_semaphore, #tpu.memory_space<semaphore_mem>>)
      %dma_wait3A_328 = arith.constant 0 : i32
      %dma_wait3A_329 = tpu.memref_slice %arg22[%add3A_28, %dma_wait3A_328] : memref<10000x128xf32, #tpu.memory_space<vmem_shared>> -> memref<80x128xf32, #tpu.memory_space<vmem_shared>>
      %dma_wait3A_330 = arith.constant 0 : i32
      %dma_wait3A_331 = tpu.memref_slice %arg22[%add3A_28, %dma_wait3A_330] : memref<10000x128xf32, #tpu.memory_space<vmem_shared>> -> memref<80x128xf32, #tpu.memory_space<vmem_shared>>
      tpu.wait_dma2 semaphore(%run_scoped3A : memref<!tpu.dma_semaphore, #tpu.memory_space<semaphore_mem>>) src(%arg6 : memref<80x128xf32, #tpu.memory_space<vmem>>) dst(%dma_wait3A_331 : memref<80x128xf32, #tpu.memory_space<vmem_shared>>)
      tpu.yield
    }) : () -> ()
    %mul3A_29 = arith.constant 625 : i32
    %mul3A_30 = arith.muli %arg1, %mul3A_29 : i32
    %add3A_31 = arith.constant 400 : i32
    %add3A_32 = arith.addi %mul3A_30, %add3A_31 : i32
    "tpu.region"() ({
      %run_scoped3A = tpu.sem_alloc : memref<!tpu.dma_semaphore, #tpu.memory_space<semaphore_mem>>
      %dma_start3A_324 = arith.constant 0 : i32
      %dma_start3A_325 = tpu.memref_slice %arg22[%add3A_32, %dma_start3A_324] : memref<10000x128xf32, #tpu.memory_space<vmem_shared>> -> memref<80x128xf32, #tpu.memory_space<vmem_shared>>
      %dma_start3A_326 = arith.constant 0 : i32
      %dma_start3A_327 = tpu.memref_slice %arg22[%add3A_32, %dma_start3A_326] : memref<10000x128xf32, #tpu.memory_space<vmem_shared>> -> memref<80x128xf32, #tpu.memory_space<vmem_shared>>
      tpu.enqueue_dma source(%arg6 : memref<80x128xf32, #tpu.memory_space<vmem>>) target(%dma_start3A_327 : memref<80x128xf32, #tpu.memory_space<vmem_shared>>) target_semaphore(%run_scoped3A : memref<!tpu.dma_semaphore, #tpu.memory_space<semaphore_mem>>)
      %dma_wait3A_328 = arith.constant 0 : i32
      %dma_wait3A_329 = tpu.memref_slice %arg22[%add3A_32, %dma_wait3A_328] : memref<10000x128xf32, #tpu.memory_space<vmem_shared>> -> memref<80x128xf32, #tpu.memory_space<vmem_shared>>
      %dma_wait3A_330 = arith.constant 0 : i32
      %dma_wait3A_331 = tpu.memref_slice %arg22[%add3A_32, %dma_wait3A_330] : memref<10000x128xf32, #tpu.memory_space<vmem_shared>> -> memref<80x128xf32, #tpu.memory_space<vmem_shared>>
      tpu.wait_dma2 semaphore(%run_scoped3A : memref<!tpu.dma_semaphore, #tpu.memory_space<semaphore_mem>>) src(%arg6 : memref<80x128xf32, #tpu.memory_space<vmem>>) dst(%dma_wait3A_331 : memref<80x128xf32, #tpu.memory_space<vmem_shared>>)
      tpu.yield
    }) : () -> ()
    %mul3A_33 = arith.constant 625 : i32
    %mul3A_34 = arith.muli %arg1, %mul3A_33 : i32
    %add3A_35 = arith.constant 480 : i32
    %add3A_36 = arith.addi %mul3A_34, %add3A_35 : i32
    "tpu.region"() ({
      %run_scoped3A = tpu.sem_alloc : memref<!tpu.dma_semaphore, #tpu.memory_space<semaphore_mem>>
      %dma_start3A_324 = arith.constant 0 : i32
      %dma_start3A_325 = tpu.memref_slice %arg22[%add3A_36, %dma_start3A_324] : memref<10000x128xf32, #tpu.memory_space<vmem_shared>> -> memref<80x128xf32, #tpu.memory_space<vmem_shared>>
      %dma_start3A_326 = arith.constant 0 : i32
      %dma_start3A_327 = tpu.memref_slice %arg22[%add3A_36, %dma_start3A_326] : memref<10000x128xf32, #tpu.memory_space<vmem_shared>> -> memref<80x128xf32, #tpu.memory_space<vmem_shared>>
      tpu.enqueue_dma source(%arg6 : memref<80x128xf32, #tpu.memory_space<vmem>>) target(%dma_start3A_327 : memref<80x128xf32, #tpu.memory_space<vmem_shared>>) target_semaphore(%run_scoped3A : memref<!tpu.dma_semaphore, #tpu.memory_space<semaphore_mem>>)
      %dma_wait3A_328 = arith.constant 0 : i32
      %dma_wait3A_329 = tpu.memref_slice %arg22[%add3A_36, %dma_wait3A_328] : memref<10000x128xf32, #tpu.memory_space<vmem_shared>> -> memref<80x128xf32, #tpu.memory_space<vmem_shared>>
      %dma_wait3A_330 = arith.constant 0 : i32
      %dma_wait3A_331 = tpu.memref_slice %arg22[%add3A_36, %dma_wait3A_330] : memref<10000x128xf32, #tpu.memory_space<vmem_shared>> -> memref<80x128xf32, #tpu.memory_space<vmem_shared>>
      tpu.wait_dma2 semaphore(%run_scoped3A : memref<!tpu.dma_semaphore, #tpu.memory_space<semaphore_mem>>) src(%arg6 : memref<80x128xf32, #tpu.memory_space<vmem>>) dst(%dma_wait3A_331 : memref<80x128xf32, #tpu.memory_space<vmem_shared>>)
      tpu.yield
    }) : () -> ()
    %mul3A_37 = arith.constant 625 : i32
    %mul3A_38 = arith.muli %arg1, %mul3A_37 : i32
    %add3A_39 = arith.constant 560 : i32
    %add3A_40 = arith.addi %mul3A_38, %add3A_39 : i32
    "tpu.region"() ({
      %run_scoped3A = tpu.sem_alloc : memref<!tpu.dma_semaphore, #tpu.memory_space<semaphore_mem>>
      %dma_start3A_324 = arith.constant 0 : i32
      %dma_start3A_325 = arith.constant 0 : i32
      %dma_start3A_326 = tpu.memref_slice %arg6[%dma_start3A_324, %dma_start3A_325] : memref<80x128xf32, #tpu.memory_space<vmem>> -> memref<65x128xf32, #tpu.memory_space<vmem>>
      %dma_start3A_327 = arith.constant 0 : i32
      %dma_start3A_328 = tpu.memref_slice %arg22[%add3A_40, %dma_start3A_327] : memref<10000x128xf32, #tpu.memory_space<vmem_shared>> -> memref<65x128xf32, #tpu.memory_space<vmem_shared>>
      %dma_start3A_329 = arith.constant 0 : i32
      %dma_start3A_330 = tpu.memref_slice %arg22[%add3A_40, %dma_start3A_329] : memref<10000x128xf32, #tpu.memory_space<vmem_shared>> -> memref<65x128xf32, #tpu.memory_space<vmem_shared>>
      %dma_start3A_331 = arith.constant 0 : i32
      %dma_start3A_332 = arith.constant 0 : i32
      %dma_start3A_333 = tpu.memref_slice %arg6[%dma_start3A_331, %dma_start3A_332] : memref<80x128xf32, #tpu.memory_space<vmem>> -> memref<65x128xf32, #tpu.memory_space<vmem>>
      tpu.enqueue_dma source(%dma_start3A_333 : memref<65x128xf32, #tpu.memory_space<vmem>>) target(%dma_start3A_330 : memref<65x128xf32, #tpu.memory_space<vmem_shared>>) target_semaphore(%run_scoped3A : memref<!tpu.dma_semaphore, #tpu.memory_space<semaphore_mem>>)
      %dma_wait3A_334 = arith.constant 0 : i32
      %dma_wait3A_335 = arith.constant 0 : i32
      %dma_wait3A_336 = tpu.memref_slice %arg6[%dma_wait3A_334, %dma_wait3A_335] : memref<80x128xf32, #tpu.memory_space<vmem>> -> memref<65x128xf32, #tpu.memory_space<vmem>>
      %dma_wait3A_337 = arith.constant 0 : i32
      %dma_wait3A_338 = tpu.memref_slice %arg22[%add3A_40, %dma_wait3A_337] : memref<10000x128xf32, #tpu.memory_space<vmem_shared>> -> memref<65x128xf32, #tpu.memory_space<vmem_shared>>
      %dma_wait3A_339 = arith.constant 0 : i32
      %dma_wait3A_340 = tpu.memref_slice %arg22[%add3A_40, %dma_wait3A_339] : memref<10000x128xf32, #tpu.memory_space<vmem_shared>> -> memref<65x128xf32, #tpu.memory_space<vmem_shared>>
      %dma_wait3A_341 = arith.constant 0 : i32
      %dma_wait3A_342 = arith.constant 0 : i32
      %dma_wait3A_343 = tpu.memref_slice %arg6[%dma_wait3A_341, %dma_wait3A_342] : memref<80x128xf32, #tpu.memory_space<vmem>> -> memref<65x128xf32, #tpu.memory_space<vmem>>
      tpu.wait_dma2 semaphore(%run_scoped3A : memref<!tpu.dma_semaphore, #tpu.memory_space<semaphore_mem>>) src(%dma_wait3A_343 : memref<65x128xf32, #tpu.memory_space<vmem>>) dst(%dma_wait3A_340 : memref<65x128xf32, #tpu.memory_space<vmem_shared>>)
      tpu.yield
    }) : () -> ()
    %add3A_41 = arith.constant 0 : i32
    %add3A_42 = arith.addi %mul3A_3, %add3A_41 : i32
    %dma_start3A = tpu.memref_slice %arg3[%add3A_42] : memref<160000xi32, #tpu.memory_space<hbm>> -> memref<80xi32, #tpu.memory_space<hbm>>
    %dma_start3A_43 = tpu.memref_slice %arg3[%add3A_42] : memref<160000xi32, #tpu.memory_space<hbm>> -> memref<80xi32, #tpu.memory_space<hbm>>
    tpu.enqueue_dma source(%dma_start3A_43 : memref<80xi32, #tpu.memory_space<hbm>>) target(%arg10 : memref<80xi32, #tpu.memory_space<vmem>>) target_semaphore(%arg27 : memref<!tpu.dma_semaphore, #tpu.memory_space<semaphore_mem>>)
    %add3A_44 = arith.constant 0 : i32
    %add3A_45 = arith.addi %mul3A_3, %add3A_44 : i32
    %dma_start3A_46 = tpu.memref_slice %arg4[%add3A_45] : memref<160000xi32, #tpu.memory_space<hbm>> -> memref<80xi32, #tpu.memory_space<hbm>>
    %dma_start3A_47 = tpu.memref_slice %arg4[%add3A_45] : memref<160000xi32, #tpu.memory_space<hbm>> -> memref<80xi32, #tpu.memory_space<hbm>>
    tpu.enqueue_dma source(%dma_start3A_47 : memref<80xi32, #tpu.memory_space<hbm>>) target(%arg12 : memref<80xi32, #tpu.memory_space<vmem>>) target_semaphore(%arg27 : memref<!tpu.dma_semaphore, #tpu.memory_space<semaphore_mem>>)
    %add3A_48 = arith.constant 80 : i32
    %add3A_49 = arith.addi %mul3A_3, %add3A_48 : i32
    %dma_start3A_50 = tpu.memref_slice %arg3[%add3A_49] : memref<160000xi32, #tpu.memory_space<hbm>> -> memref<80xi32, #tpu.memory_space<hbm>>
    %dma_start3A_51 = tpu.memref_slice %arg3[%add3A_49] : memref<160000xi32, #tpu.memory_space<hbm>> -> memref<80xi32, #tpu.memory_space<hbm>>
    tpu.enqueue_dma source(%dma_start3A_51 : memref<80xi32, #tpu.memory_space<hbm>>) target(%arg16 : memref<80xi32, #tpu.memory_space<vmem>>) target_semaphore(%arg29 : memref<!tpu.dma_semaphore, #tpu.memory_space<semaphore_mem>>)
    %add3A_52 = arith.constant 80 : i32
    %add3A_53 = arith.addi %mul3A_3, %add3A_52 : i32
    %dma_start3A_54 = tpu.memref_slice %arg4[%add3A_53] : memref<160000xi32, #tpu.memory_space<hbm>> -> memref<80xi32, #tpu.memory_space<hbm>>
    %dma_start3A_55 = tpu.memref_slice %arg4[%add3A_53] : memref<160000xi32, #tpu.memory_space<hbm>> -> memref<80xi32, #tpu.memory_space<hbm>>
    tpu.enqueue_dma source(%dma_start3A_55 : memref<80xi32, #tpu.memory_space<hbm>>) target(%arg18 : memref<80xi32, #tpu.memory_space<vmem>>) target_semaphore(%arg29 : memref<!tpu.dma_semaphore, #tpu.memory_space<semaphore_mem>>)
    %add3A_56 = arith.constant 160 : i32
    %add3A_57 = arith.addi %mul3A_3, %add3A_56 : i32
    %dma_start3A_58 = tpu.memref_slice %arg3[%add3A_57] : memref<160000xi32, #tpu.memory_space<hbm>> -> memref<80xi32, #tpu.memory_space<hbm>>
    %dma_start3A_59 = tpu.memref_slice %arg3[%add3A_57] : memref<160000xi32, #tpu.memory_space<hbm>> -> memref<80xi32, #tpu.memory_space<hbm>>
    tpu.enqueue_dma source(%dma_start3A_59 : memref<80xi32, #tpu.memory_space<hbm>>) target(%arg13 : memref<80xi32, #tpu.memory_space<vmem>>) target_semaphore(%arg28 : memref<!tpu.dma_semaphore, #tpu.memory_space<semaphore_mem>>)
    %add3A_60 = arith.constant 160 : i32
    %add3A_61 = arith.addi %mul3A_3, %add3A_60 : i32
    %dma_start3A_62 = tpu.memref_slice %arg4[%add3A_61] : memref<160000xi32, #tpu.memory_space<hbm>> -> memref<80xi32, #tpu.memory_space<hbm>>
    %dma_start3A_63 = tpu.memref_slice %arg4[%add3A_61] : memref<160000xi32, #tpu.memory_space<hbm>> -> memref<80xi32, #tpu.memory_space<hbm>>
    tpu.enqueue_dma source(%dma_start3A_63 : memref<80xi32, #tpu.memory_space<hbm>>) target(%arg15 : memref<80xi32, #tpu.memory_space<vmem>>) target_semaphore(%arg28 : memref<!tpu.dma_semaphore, #tpu.memory_space<semaphore_mem>>)
    %add3A_64 = arith.constant 240 : i32
    %add3A_65 = arith.addi %mul3A_3, %add3A_64 : i32
    %dma_start3A_66 = tpu.memref_slice %arg3[%add3A_65] : memref<160000xi32, #tpu.memory_space<hbm>> -> memref<80xi32, #tpu.memory_space<hbm>>
    %dma_start3A_67 = tpu.memref_slice %arg3[%add3A_65] : memref<160000xi32, #tpu.memory_space<hbm>> -> memref<80xi32, #tpu.memory_space<hbm>>
    tpu.enqueue_dma source(%dma_start3A_67 : memref<80xi32, #tpu.memory_space<hbm>>) target(%arg19 : memref<80xi32, #tpu.memory_space<vmem>>) target_semaphore(%arg30 : memref<!tpu.dma_semaphore, #tpu.memory_space<semaphore_mem>>)
    %add3A_68 = arith.constant 240 : i32
    %add3A_69 = arith.addi %mul3A_3, %add3A_68 : i32
    %dma_start3A_70 = tpu.memref_slice %arg4[%add3A_69] : memref<160000xi32, #tpu.memory_space<hbm>> -> memref<80xi32, #tpu.memory_space<hbm>>
    %dma_start3A_71 = tpu.memref_slice %arg4[%add3A_69] : memref<160000xi32, #tpu.memory_space<hbm>> -> memref<80xi32, #tpu.memory_space<hbm>>
    tpu.enqueue_dma source(%dma_start3A_71 : memref<80xi32, #tpu.memory_space<hbm>>) target(%arg21 : memref<80xi32, #tpu.memory_space<vmem>>) target_semaphore(%arg30 : memref<!tpu.dma_semaphore, #tpu.memory_space<semaphore_mem>>)
    %add3A_72 = arith.constant 0 : i32
    %add3A_73 = arith.addi %mul3A_3, %add3A_72 : i32
    %dma_wait3A = tpu.memref_slice %arg3[%add3A_73] : memref<160000xi32, #tpu.memory_space<hbm>> -> memref<80xi32, #tpu.memory_space<hbm>>
    %dma_wait3A_74 = tpu.memref_slice %arg3[%add3A_73] : memref<160000xi32, #tpu.memory_space<hbm>> -> memref<80xi32, #tpu.memory_space<hbm>>
    tpu.wait_dma2 semaphore(%arg27 : memref<!tpu.dma_semaphore, #tpu.memory_space<semaphore_mem>>) src(%dma_wait3A_74 : memref<80xi32, #tpu.memory_space<hbm>>) dst(%arg10 : memref<80xi32, #tpu.memory_space<vmem>>)
    %add3A_75 = arith.constant 0 : i32
    %add3A_76 = arith.addi %mul3A_3, %add3A_75 : i32
    %dma_wait3A_77 = tpu.memref_slice %arg4[%add3A_76] : memref<160000xi32, #tpu.memory_space<hbm>> -> memref<80xi32, #tpu.memory_space<hbm>>
    %dma_wait3A_78 = tpu.memref_slice %arg4[%add3A_76] : memref<160000xi32, #tpu.memory_space<hbm>> -> memref<80xi32, #tpu.memory_space<hbm>>
    tpu.wait_dma2 semaphore(%arg27 : memref<!tpu.dma_semaphore, #tpu.memory_space<semaphore_mem>>) src(%dma_wait3A_78 : memref<80xi32, #tpu.memory_space<hbm>>) dst(%arg12 : memref<80xi32, #tpu.memory_space<vmem>>)
    %get3A = arith.constant 0 : index
    %get3A_79 = tpu.vector_load %arg10[%get3A] {strides = array<i32>} : memref<80xi32, #tpu.memory_space<vmem>>, vector<16xi32>,
    %get3A_80 = vector.shape_cast %get3A_79 : vector<16xi32> to vector<16xi32>
    %add3A_81 = vector.broadcast %mul3A_1 : i32 to vector<16xi32>
    %add3A_82 = arith.addi %get3A_80, %add3A_81 : vector<16xi32>
    %swap3A = arith.constant 0 : index
    %swap3A_83 = tpu.vector_load %arg10[%swap3A] {strides = array<i32>} : memref<80xi32, #tpu.memory_space<vmem>>, vector<16xi32>,
    %swap3A_84 = vector.shape_cast %swap3A_83 : vector<16xi32> to vector<16xi32>
    %swap3A_85 = vector.shape_cast %add3A_82 : vector<16xi32> to vector<16xi32>
    tpu.vector_store %arg10[%swap3A], %swap3A_85 {strides = array<i32>} : memref<80xi32, #tpu.memory_space<vmem>>, vector<16xi32>,
    %get3A_86 = arith.constant 0 : index
    %get3A_87 = tpu.vector_load %arg12[%get3A_86] {strides = array<i32>} : memref<80xi32, #tpu.memory_space<vmem>>, vector<16xi32>,
    %get3A_88 = vector.shape_cast %get3A_87 : vector<16xi32> to vector<16xi32>
    %add3A_89 = arith.constant 10000 : i32
    %add3A_90 = arith.addi %mul3A_1, %add3A_89 : i32
    %add3A_91 = vector.broadcast %add3A_90 : i32 to vector<16xi32>
    %add3A_92 = arith.addi %get3A_88, %add3A_91 : vector<16xi32>
    %swap3A_93 = arith.constant 0 : index
    %swap3A_94 = tpu.vector_load %arg11[%swap3A_93] {strides = array<i32>} : memref<80xi32, #tpu.memory_space<vmem>>, vector<16xi32>,
    %swap3A_95 = vector.shape_cast %swap3A_94 : vector<16xi32> to vector<16xi32>
    %swap3A_96 = vector.shape_cast %add3A_92 : vector<16xi32> to vector<16xi32>
    tpu.vector_store %arg11[%swap3A_93], %swap3A_96 {strides = array<i32>} : memref<80xi32, #tpu.memory_space<vmem>>, vector<16xi32>,
    %get3A_97 = arith.constant 16 : index
    %get3A_98 = tpu.vector_load %arg10[%get3A_97] {strides = array<i32>} : memref<80xi32, #tpu.memory_space<vmem>>, vector<16xi32>,
    %get3A_99 = vector.shape_cast %get3A_98 : vector<16xi32> to vector<16xi32>
    %add3A_100 = vector.broadcast %mul3A_1 : i32 to vector<16xi32>
    %add3A_101 = arith.addi %get3A_99, %add3A_100 : vector<16xi32>
    %swap3A_102 = arith.constant 16 : index
    %swap3A_103 = tpu.vector_load %arg10[%swap3A_102] {strides = array<i32>} : memref<80xi32, #tpu.memory_space<vmem>>, vector<16xi32>,
    %swap3A_104 = vector.shape_cast %swap3A_103 : vector<16xi32> to vector<16xi32>
    %swap3A_105 = vector.shape_cast %add3A_101 : vector<16xi32> to vector<16xi32>
    tpu.vector_store %arg10[%swap3A_102], %swap3A_105 {strides = array<i32>} : memref<80xi32, #tpu.memory_space<vmem>>, vector<16xi32>,
    %get3A_106 = arith.constant 16 : index
    %get3A_107 = tpu.vector_load %arg12[%get3A_106] {strides = array<i32>} : memref<80xi32, #tpu.memory_space<vmem>>, vector<16xi32>,
    %get3A_108 = vector.shape_cast %get3A_107 : vector<16xi32> to vector<16xi32>
    %add3A_109 = arith.constant 10000 : i32
    %add3A_110 = arith.addi %mul3A_1, %add3A_109 : i32
    %add3A_111 = vector.broadcast %add3A_110 : i32 to vector<16xi32>
    %add3A_112 = arith.addi %get3A_108, %add3A_111 : vector<16xi32>
    %swap3A_113 = arith.constant 16 : index
    %swap3A_114 = tpu.vector_load %arg11[%swap3A_113] {strides = array<i32>} : memref<80xi32, #tpu.memory_space<vmem>>, vector<16xi32>,
    %swap3A_115 = vector.shape_cast %swap3A_114 : vector<16xi32> to vector<16xi32>
    %swap3A_116 = vector.shape_cast %add3A_112 : vector<16xi32> to vector<16xi32>
    tpu.vector_store %arg11[%swap3A_113], %swap3A_116 {strides = array<i32>} : memref<80xi32, #tpu.memory_space<vmem>>, vector<16xi32>,
    %get3A_117 = arith.constant 32 : index
    %get3A_118 = tpu.vector_load %arg10[%get3A_117] {strides = array<i32>} : memref<80xi32, #tpu.memory_space<vmem>>, vector<16xi32>,
    %get3A_119 = vector.shape_cast %get3A_118 : vector<16xi32> to vector<16xi32>
    %add3A_120 = vector.broadcast %mul3A_1 : i32 to vector<16xi32>
    %add3A_121 = arith.addi %get3A_119, %add3A_120 : vector<16xi32>
    %swap3A_122 = arith.constant 32 : index
    %swap3A_123 = tpu.vector_load %arg10[%swap3A_122] {strides = array<i32>} : memref<80xi32, #tpu.memory_space<vmem>>, vector<16xi32>,
    %swap3A_124 = vector.shape_cast %swap3A_123 : vector<16xi32> to vector<16xi32>
    %swap3A_125 = vector.shape_cast %add3A_121 : vector<16xi32> to vector<16xi32>
    tpu.vector_store %arg10[%swap3A_122], %swap3A_125 {strides = array<i32>} : memref<80xi32, #tpu.memory_space<vmem>>, vector<16xi32>,
    %get3A_126 = arith.constant 32 : index
    %get3A_127 = tpu.vector_load %arg12[%get3A_126] {strides = array<i32>} : memref<80xi32, #tpu.memory_space<vmem>>, vector<16xi32>,
    %get3A_128 = vector.shape_cast %get3A_127 : vector<16xi32> to vector<16xi32>
    %add3A_129 = arith.constant 10000 : i32
    %add3A_130 = arith.addi %mul3A_1, %add3A_129 : i32
    %add3A_131 = vector.broadcast %add3A_130 : i32 to vector<16xi32>
    %add3A_132 = arith.addi %get3A_128, %add3A_131 : vector<16xi32>
    %swap3A_133 = arith.constant 32 : index
    %swap3A_134 = tpu.vector_load %arg11[%swap3A_133] {strides = array<i32>} : memref<80xi32, #tpu.memory_space<vmem>>, vector<16xi32>,
    %swap3A_135 = vector.shape_cast %swap3A_134 : vector<16xi32> to vector<16xi32>
    %swap3A_136 = vector.shape_cast %add3A_132 : vector<16xi32> to vector<16xi32>
    tpu.vector_store %arg11[%swap3A_133], %swap3A_136 {strides = array<i32>} : memref<80xi32, #tpu.memory_space<vmem>>, vector<16xi32>,
    %get3A_137 = arith.constant 48 : index
    %get3A_138 = tpu.vector_load %arg10[%get3A_137] {strides = array<i32>} : memref<80xi32, #tpu.memory_space<vmem>>, vector<16xi32>,
    %get3A_139 = vector.shape_cast %get3A_138 : vector<16xi32> to vector<16xi32>
    %add3A_140 = vector.broadcast %mul3A_1 : i32 to vector<16xi32>
    %add3A_141 = arith.addi %get3A_139, %add3A_140 : vector<16xi32>
    %swap3A_142 = arith.constant 48 : index
    %swap3A_143 = tpu.vector_load %arg10[%swap3A_142] {strides = array<i32>} : memref<80xi32, #tpu.memory_space<vmem>>, vector<16xi32>,
    %swap3A_144 = vector.shape_cast %swap3A_143 : vector<16xi32> to vector<16xi32>
    %swap3A_145 = vector.shape_cast %add3A_141 : vector<16xi32> to vector<16xi32>
    tpu.vector_store %arg10[%swap3A_142], %swap3A_145 {strides = array<i32>} : memref<80xi32, #tpu.memory_space<vmem>>, vector<16xi32>,
    %get3A_146 = arith.constant 48 : index
    %get3A_147 = tpu.vector_load %arg12[%get3A_146] {strides = array<i32>} : memref<80xi32, #tpu.memory_space<vmem>>, vector<16xi32>,
    %get3A_148 = vector.shape_cast %get3A_147 : vector<16xi32> to vector<16xi32>
    %add3A_149 = arith.constant 10000 : i32
    %add3A_150 = arith.addi %mul3A_1, %add3A_149 : i32
    %add3A_151 = vector.broadcast %add3A_150 : i32 to vector<16xi32>
    %add3A_152 = arith.addi %get3A_148, %add3A_151 : vector<16xi32>
    %swap3A_153 = arith.constant 48 : index
    %swap3A_154 = tpu.vector_load %arg11[%swap3A_153] {strides = array<i32>} : memref<80xi32, #tpu.memory_space<vmem>>, vector<16xi32>,
    %swap3A_155 = vector.shape_cast %swap3A_154 : vector<16xi32> to vector<16xi32>
    %swap3A_156 = vector.shape_cast %add3A_152 : vector<16xi32> to vector<16xi32>
    tpu.vector_store %arg11[%swap3A_153], %swap3A_156 {strides = array<i32>} : memref<80xi32, #tpu.memory_space<vmem>>, vector<16xi32>,
    %get3A_157 = arith.constant 64 : index
    %get3A_158 = tpu.vector_load %arg10[%get3A_157] {strides = array<i32>} : memref<80xi32, #tpu.memory_space<vmem>>, vector<16xi32>,
    %get3A_159 = vector.shape_cast %get3A_158 : vector<16xi32> to vector<16xi32>
    %add3A_160 = vector.broadcast %mul3A_1 : i32 to vector<16xi32>
    %add3A_161 = arith.addi %get3A_159, %add3A_160 : vector<16xi32>
    %swap3A_162 = arith.constant 64 : index
    %swap3A_163 = tpu.vector_load %arg10[%swap3A_162] {strides = array<i32>} : memref<80xi32, #tpu.memory_space<vmem>>, vector<16xi32>,
    %swap3A_164 = vector.shape_cast %swap3A_163 : vector<16xi32> to vector<16xi32>
    %swap3A_165 = vector.shape_cast %add3A_161 : vector<16xi32> to vector<16xi32>
    tpu.vector_store %arg10[%swap3A_162], %swap3A_165 {strides = array<i32>} : memref<80xi32, #tpu.memory_space<vmem>>, vector<16xi32>,
    %get3A_166 = arith.constant 64 : index
    %get3A_167 = tpu.vector_load %arg12[%get3A_166] {strides = array<i32>} : memref<80xi32, #tpu.memory_space<vmem>>, vector<16xi32>,
    %get3A_168 = vector.shape_cast %get3A_167 : vector<16xi32> to vector<16xi32>
    %add3A_169 = arith.constant 10000 : i32
    %add3A_170 = arith.addi %mul3A_1, %add3A_169 : i32
    %add3A_171 = vector.broadcast %add3A_170 : i32 to vector<16xi32>
    %add3A_172 = arith.addi %get3A_168, %add3A_171 : vector<16xi32>
    %swap3A_173 = arith.constant 64 : index
    %swap3A_174 = tpu.vector_load %arg11[%swap3A_173] {strides = array<i32>} : memref<80xi32, #tpu.memory_space<vmem>>, vector<16xi32>,
    %swap3A_175 = vector.shape_cast %swap3A_174 : vector<16xi32> to vector<16xi32>
    %swap3A_176 = vector.shape_cast %add3A_172 : vector<16xi32> to vector<16xi32>
    tpu.vector_store %arg11[%swap3A_173], %swap3A_176 {strides = array<i32>} : memref<80xi32, #tpu.memory_space<vmem>>, vector<16xi32>,
    %add3A_177 = arith.constant 80 : i32
    %add3A_178 = arith.addi %mul3A_3, %add3A_177 : i32
    %dma_wait3A_179 = tpu.memref_slice %arg3[%add3A_178] : memref<160000xi32, #tpu.memory_space<hbm>> -> memref<80xi32, #tpu.memory_space<hbm>>
    %dma_wait3A_180 = tpu.memref_slice %arg3[%add3A_178] : memref<160000xi32, #tpu.memory_space<hbm>> -> memref<80xi32, #tpu.memory_space<hbm>>
    tpu.wait_dma2 semaphore(%arg29 : memref<!tpu.dma_semaphore, #tpu.memory_space<semaphore_mem>>) src(%dma_wait3A_180 : memref<80xi32, #tpu.memory_space<hbm>>) dst(%arg16 : memref<80xi32, #tpu.memory_space<vmem>>)
    %add3A_181 = arith.constant 80 : i32
    %add3A_182 = arith.addi %mul3A_3, %add3A_181 : i32
    %dma_wait3A_183 = tpu.memref_slice %arg4[%add3A_182] : memref<160000xi32, #tpu.memory_space<hbm>> -> memref<80xi32, #tpu.memory_space<hbm>>
    %dma_wait3A_184 = tpu.memref_slice %arg4[%add3A_182] : memref<160000xi32, #tpu.memory_space<hbm>> -> memref<80xi32, #tpu.memory_space<hbm>>
    tpu.wait_dma2 semaphore(%arg29 : memref<!tpu.dma_semaphore, #tpu.memory_space<semaphore_mem>>) src(%dma_wait3A_184 : memref<80xi32, #tpu.memory_space<hbm>>) dst(%arg18 : memref<80xi32, #tpu.memory_space<vmem>>)
    %get3A_185 = arith.constant 0 : index
    %get3A_186 = tpu.vector_load %arg16[%get3A_185] {strides = array<i32>} : memref<80xi32, #tpu.memory_space<vmem>>, vector<16xi32>,
    %get3A_187 = vector.shape_cast %get3A_186 : vector<16xi32> to vector<16xi32>
    %add3A_188 = vector.broadcast %mul3A_1 : i32 to vector<16xi32>
    %add3A_189 = arith.addi %get3A_187, %add3A_188 : vector<16xi32>
    %swap3A_190 = arith.constant 0 : index
    %swap3A_191 = tpu.vector_load %arg16[%swap3A_190] {strides = array<i32>} : memref<80xi32, #tpu.memory_space<vmem>>, vector<16xi32>,
    %swap3A_192 = vector.shape_cast %swap3A_191 : vector<16xi32> to vector<16xi32>
    %swap3A_193 = vector.shape_cast %add3A_189 : vector<16xi32> to vector<16xi32>
    tpu.vector_store %arg16[%swap3A_190], %swap3A_193 {strides = array<i32>} : memref<80xi32, #tpu.memory_space<vmem>>, vector<16xi32>,
    %get3A_194 = arith.constant 0 : index
    %get3A_195 = tpu.vector_load %arg18[%get3A_194] {strides = array<i32>} : memref<80xi32, #tpu.memory_space<vmem>>, vector<16xi32>,
    %get3A_196 = vector.shape_cast %get3A_195 : vector<16xi32> to vector<16xi32>
    %add3A_197 = arith.constant 10000 : i32
    %add3A_198 = arith.addi %mul3A_1, %add3A_197 : i32
    %add3A_199 = vector.broadcast %add3A_198 : i32 to vector<16xi32>
    %add3A_200 = arith.addi %get3A_196, %add3A_199 : vector<16xi32>
    %swap3A_201 = arith.constant 0 : index
    %swap3A_202 = tpu.vector_load %arg17[%swap3A_201] {strides = array<i32>} : memref<80xi32, #tpu.memory_space<vmem>>, vector<16xi32>,
    %swap3A_203 = vector.shape_cast %swap3A_202 : vector<16xi32> to vector<16xi32>
    %swap3A_204 = vector.shape_cast %add3A_200 : vector<16xi32> to vector<16xi32>
    tpu.vector_store %arg17[%swap3A_201], %swap3A_204 {strides = array<i32>} : memref<80xi32, #tpu.memory_space<vmem>>, vector<16xi32>,
    %get3A_205 = arith.constant 16 : index
    %get3A_206 = tpu.vector_load %arg16[%get3A_205] {strides = array<i32>} : memref<80xi32, #tpu.memory_space<vmem>>, vector<16xi32>,
    %get3A_207 = vector.shape_cast %get3A_206 : vector<16xi32> to vector<16xi32>
    %add3A_208 = vector.broadcast %mul3A_1 : i32 to vector<16xi32>
    %add3A_209 = arith.addi %get3A_207, %add3A_208 : vector<16xi32>
    %swap3A_210 = arith.constant 16 : index
    %swap3A_211 = tpu.vector_load %arg16[%swap3A_210] {strides = array<i32>} : memref<80xi32, #tpu.memory_space<vmem>>, vector<16xi32>,
    %swap3A_212 = vector.shape_cast %swap3A_211 : vector<16xi32> to vector<16xi32>
    %swap3A_213 = vector.shape_cast %add3A_209 : vector<16xi32> to vector<16xi32>
    tpu.vector_store %arg16[%swap3A_210], %swap3A_213 {strides = array<i32>} : memref<80xi32, #tpu.memory_space<vmem>>, vector<16xi32>,
    %get3A_214 = arith.constant 16 : index
    %get3A_215 = tpu.vector_load %arg18[%get3A_214] {strides = array<i32>} : memref<80xi32, #tpu.memory_space<vmem>>, vector<16xi32>,
    %get3A_216 = vector.shape_cast %get3A_215 : vector<16xi32> to vector<16xi32>
    %add3A_217 = arith.constant 10000 : i32
    %add3A_218 = arith.addi %mul3A_1, %add3A_217 : i32
    %add3A_219 = vector.broadcast %add3A_218 : i32 to vector<16xi32>
    %add3A_220 = arith.addi %get3A_216, %add3A_219 : vector<16xi32>
    %swap3A_221 = arith.constant 16 : index
    %swap3A_222 = tpu.vector_load %arg17[%swap3A_221] {strides = array<i32>} : memref<80xi32, #tpu.memory_space<vmem>>, vector<16xi32>,
    %swap3A_223 = vector.shape_cast %swap3A_222 : vector<16xi32> to vector<16xi32>
    %swap3A_224 = vector.shape_cast %add3A_220 : vector<16xi32> to vector<16xi32>
    tpu.vector_store %arg17[%swap3A_221], %swap3A_224 {strides = array<i32>} : memref<80xi32, #tpu.memory_space<vmem>>, vector<16xi32>,
    %get3A_225 = arith.constant 32 : index
    %get3A_226 = tpu.vector_load %arg16[%get3A_225] {strides = array<i32>} : memref<80xi32, #tpu.memory_space<vmem>>, vector<16xi32>,
    %get3A_227 = vector.shape_cast %get3A_226 : vector<16xi32> to vector<16xi32>
    %add3A_228 = vector.broadcast %mul3A_1 : i32 to vector<16xi32>
    %add3A_229 = arith.addi %get3A_227, %add3A_228 : vector<16xi32>
    %swap3A_230 = arith.constant 32 : index
    %swap3A_231 = tpu.vector_load %arg16[%swap3A_230] {strides = array<i32>} : memref<80xi32, #tpu.memory_space<vmem>>, vector<16xi32>,
    %swap3A_232 = vector.shape_cast %swap3A_231 : vector<16xi32> to vector<16xi32>
    %swap3A_233 = vector.shape_cast %add3A_229 : vector<16xi32> to vector<16xi32>
    tpu.vector_store %arg16[%swap3A_230], %swap3A_233 {strides = array<i32>} : memref<80xi32, #tpu.memory_space<vmem>>, vector<16xi32>,
    %get3A_234 = arith.constant 32 : index
    %get3A_235 = tpu.vector_load %arg18[%get3A_234] {strides = array<i32>} : memref<80xi32, #tpu.memory_space<vmem>>, vector<16xi32>,
    %get3A_236 = vector.shape_cast %get3A_235 : vector<16xi32> to vector<16xi32>
    %add3A_237 = arith.constant 10000 : i32
    %add3A_238 = arith.addi %mul3A_1, %add3A_237 : i32
    %add3A_239 = vector.broadcast %add3A_238 : i32 to vector<16xi32>
    %add3A_240 = arith.addi %get3A_236, %add3A_239 : vector<16xi32>
    %swap3A_241 = arith.constant 32 : index
    %swap3A_242 = tpu.vector_load %arg17[%swap3A_241] {strides = array<i32>} : memref<80xi32, #tpu.memory_space<vmem>>, vector<16xi32>,
    %swap3A_243 = vector.shape_cast %swap3A_242 : vector<16xi32> to vector<16xi32>
    %swap3A_244 = vector.shape_cast %add3A_240 : vector<16xi32> to vector<16xi32>
    tpu.vector_store %arg17[%swap3A_241], %swap3A_244 {strides = array<i32>} : memref<80xi32, #tpu.memory_space<vmem>>, vector<16xi32>,
    %get3A_245 = arith.constant 48 : index
    %get3A_246 = tpu.vector_load %arg16[%get3A_245] {strides = array<i32>} : memref<80xi32, #tpu.memory_space<vmem>>, vector<16xi32>,
    %get3A_247 = vector.shape_cast %get3A_246 : vector<16xi32> to vector<16xi32>
    %add3A_248 = vector.broadcast %mul3A_1 : i32 to vector<16xi32>
    %add3A_249 = arith.addi %get3A_247, %add3A_248 : vector<16xi32>
    %swap3A_250 = arith.constant 48 : index
    %swap3A_251 = tpu.vector_load %arg16[%swap3A_250] {strides = array<i32>} : memref<80xi32, #tpu.memory_space<vmem>>, vector<16xi32>,
    %swap3A_252 = vector.shape_cast %swap3A_251 : vector<16xi32> to vector<16xi32>
    %swap3A_253 = vector.shape_cast %add3A_249 : vector<16xi32> to vector<16xi32>
    tpu.vector_store %arg16[%swap3A_250], %swap3A_253 {strides = array<i32>} : memref<80xi32, #tpu.memory_space<vmem>>, vector<16xi32>,
    %get3A_254 = arith.constant 48 : index
    %get3A_255 = tpu.vector_load %arg18[%get3A_254] {strides = array<i32>} : memref<80xi32, #tpu.memory_space<vmem>>, vector<16xi32>,
    %get3A_256 = vector.shape_cast %get3A_255 : vector<16xi32> to vector<16xi32>
    %add3A_257 = arith.constant 10000 : i32
    %add3A_258 = arith.addi %mul3A_1, %add3A_257 : i32
    %add3A_259 = vector.broadcast %add3A_258 : i32 to vector<16xi32>
    %add3A_260 = arith.addi %get3A_256, %add3A_259 : vector<16xi32>
    %swap3A_261 = arith.constant 48 : index
    %swap3A_262 = tpu.vector_load %arg17[%swap3A_261] {strides = array<i32>} : memref<80xi32, #tpu.memory_space<vmem>>, vector<16xi32>,
    %swap3A_263 = vector.shape_cast %swap3A_262 : vector<16xi32> to vector<16xi32>
    %swap3A_264 = vector.shape_cast %add3A_260 : vector<16xi32> to vector<16xi32>
    tpu.vector_store %arg17[%swap3A_261], %swap3A_264 {strides = array<i32>} : memref<80xi32, #tpu.memory_space<vmem>>, vector<16xi32>,
    %get3A_265 = arith.constant 64 : index
    %get3A_266 = tpu.vector_load %arg16[%get3A_265] {strides = array<i32>} : memref<80xi32, #tpu.memory_space<vmem>>, vector<16xi32>,
    %get3A_267 = vector.shape_cast %get3A_266 : vector<16xi32> to vector<16xi32>
    %add3A_268 = vector.broadcast %mul3A_1 : i32 to vector<16xi32>
    %add3A_269 = arith.addi %get3A_267, %add3A_268 : vector<16xi32>
    %swap3A_270 = arith.constant 64 : index
    %swap3A_271 = tpu.vector_load %arg16[%swap3A_270] {strides = array<i32>} : memref<80xi32, #tpu.memory_space<vmem>>, vector<16xi32>,
    %swap3A_272 = vector.shape_cast %swap3A_271 : vector<16xi32> to vector<16xi32>
    %swap3A_273 = vector.shape_cast %add3A_269 : vector<16xi32> to vector<16xi32>
    tpu.vector_store %arg16[%swap3A_270], %swap3A_273 {strides = array<i32>} : memref<80xi32, #tpu.memory_space<vmem>>, vector<16xi32>,
    %get3A_274 = arith.constant 64 : index
    %get3A_275 = tpu.vector_load %arg18[%get3A_274] {strides = array<i32>} : memref<80xi32, #tpu.memory_space<vmem>>, vector<16xi32>,
    %get3A_276 = vector.shape_cast %get3A_275 : vector<16xi32> to vector<16xi32>
    %add3A_277 = arith.constant 10000 : i32
    %add3A_278 = arith.addi %mul3A_1, %add3A_277 : i32
    %add3A_279 = vector.broadcast %add3A_278 : i32 to vector<16xi32>
    %add3A_280 = arith.addi %get3A_276, %add3A_279 : vector<16xi32>
    %swap3A_281 = arith.constant 64 : index
    %swap3A_282 = tpu.vector_load %arg17[%swap3A_281] {strides = array<i32>} : memref<80xi32, #tpu.memory_space<vmem>>, vector<16xi32>,
    %swap3A_283 = vector.shape_cast %swap3A_282 : vector<16xi32> to vector<16xi32>
    %swap3A_284 = vector.shape_cast %add3A_280 : vector<16xi32> to vector<16xi32>
    tpu.vector_store %arg17[%swap3A_281], %swap3A_284 {strides = array<i32>} : memref<80xi32, #tpu.memory_space<vmem>>, vector<16xi32>,
    %dma_start3A_285 = arith.constant 0 : i32
    %dma_start3A_286 = arith.constant 0 : i32
    %dma_start3A_287 = tpu.memref_slice %arg2[%dma_start3A_285, %dma_start3A_286] : memref<40000x128xf32, #tpu.memory_space<hbm>> -> memref<40000x128xf32, #tpu.memory_space<hbm>>
    tpu.enqueue_indirect_dma source(%dma_start3A_287 : memref<40000x128xf32, #tpu.memory_space<hbm>>) target(%arg6 : memref<80x128xf32, #tpu.memory_space<vmem>>) offsets(%arg10 : memref<80xi32, #tpu.memory_space<vmem>>) semaphore(%arg23 : memref<!tpu.dma_semaphore, #tpu.memory_space<semaphore_mem>>)
    %dma_start3A_288 = arith.constant 0 : i32
    %dma_start3A_289 = arith.constant 0 : i32
    %dma_start3A_290 = tpu.memref_slice %arg2[%dma_start3A_288, %dma_start3A_289] : memref<40000x128xf32, #tpu.memory_space<hbm>> -> memref<40000x128xf32, #tpu.memory_space<hbm>>
    tpu.enqueue_indirect_dma source(%dma_start3A_290 : memref<40000x128xf32, #tpu.memory_space<hbm>>) target(%arg7 : memref<80x128xf32, #tpu.memory_space<vmem>>) offsets(%arg11 : memref<80xi32, #tpu.memory_space<vmem>>) semaphore(%arg23 : memref<!tpu.dma_semaphore, #tpu.memory_space<semaphore_mem>>)
    %dma_start3A_291 = arith.constant 0 : i32
    %dma_start3A_292 = arith.constant 0 : i32
    %dma_start3A_293 = tpu.memref_slice %arg2[%dma_start3A_291, %dma_start3A_292] : memref<40000x128xf32, #tpu.memory_space<hbm>> -> memref<40000x128xf32, #tpu.memory_space<hbm>>
    tpu.enqueue_indirect_dma source(%dma_start3A_293 : memref<40000x128xf32, #tpu.memory_space<hbm>>) target(%arg8 : memref<80x128xf32, #tpu.memory_space<vmem>>) offsets(%arg16 : memref<80xi32, #tpu.memory_space<vmem>>) semaphore(%arg24 : memref<!tpu.dma_semaphore, #tpu.memory_space<semaphore_mem>>)
    %dma_start3A_294 = arith.constant 0 : i32
    %dma_start3A_295 = arith.constant 0 : i32
    %dma_start3A_296 = tpu.memref_slice %arg2[%dma_start3A_294, %dma_start3A_295] : memref<40000x128xf32, #tpu.memory_space<hbm>> -> memref<40000x128xf32, #tpu.memory_space<hbm>>
    tpu.enqueue_indirect_dma source(%dma_start3A_296 : memref<40000x128xf32, #tpu.memory_space<hbm>>) target(%arg9 : memref<80x128xf32, #tpu.memory_space<vmem>>) offsets(%arg17 : memref<80xi32, #tpu.memory_space<vmem>>) semaphore(%arg24 : memref<!tpu.dma_semaphore, #tpu.memory_space<semaphore_mem>>)
    %barrier3A = arith.constant 0 : index
    tpu.barrier barrier_id(%barrier3A)
    %scan3A_297 = arith.constant 0 : i32
    %scan3A_298 = arith.constant 0 : i32
    %scan3A_299 = arith.constant 31 : i32
    %scan3A_300 = arith.addi %scan3A_298, %scan3A_299 : i32
    %scan3A_301 = arith.constant 1 : i32
    %scan3A_302 = scf.for %scan3A_324 = %scan3A_298 to %scan3A_300 step %scan3A_301 iter_args(%scan3A_325 = %scan3A_297) -> (i32)  : i32 {
      %mul3A_326 = arith.constant 4 : i32
      %mul3A_327 = arith.muli %mul3A_326, %scan3A_324 : i32
      %dma_wait3A_328 = arith.constant 0 : i32
      %dma_wait3A_329 = arith.constant 0 : i32
      %dma_wait3A_330 = tpu.memref_slice %arg2[%dma_wait3A_328, %dma_wait3A_329] : memref<40000x128xf32, #tpu.memory_space<hbm>> -> memref<40000x128xf32, #tpu.memory_space<hbm>>
      tpu.wait_indirect_dma semaphore(%arg23 : memref<!tpu.dma_semaphore, #tpu.memory_space<semaphore_mem>>) src(%dma_wait3A_330 : memref<40000x128xf32, #tpu.memory_space<hbm>>) dst(%arg6 : memref<80x128xf32, #tpu.memory_space<vmem>>)
      %dma_wait3A_331 = arith.constant 0 : i32
      %dma_wait3A_332 = arith.constant 0 : i32
      %dma_wait3A_333 = tpu.memref_slice %arg2[%dma_wait3A_331, %dma_wait3A_332] : memref<40000x128xf32, #tpu.memory_space<hbm>> -> memref<40000x128xf32, #tpu.memory_space<hbm>>
      tpu.wait_indirect_dma semaphore(%arg23 : memref<!tpu.dma_semaphore, #tpu.memory_space<semaphore_mem>>) src(%dma_wait3A_333 : memref<40000x128xf32, #tpu.memory_space<hbm>>) dst(%arg7 : memref<80x128xf32, #tpu.memory_space<vmem>>)
      %parallel_loop3A_334 = arith.constant 0 : i32
      %parallel_loop3A_335 = arith.constant 80 : i32
      %parallel_loop3A_336 = arith.constant 1 : i32
      scf.for %parallel_loop3A_408 = %parallel_loop3A_334 to %parallel_loop3A_335 step %parallel_loop3A_336  : i32 {
        %parallel_loop3A_409 = arith.index_cast %parallel_loop3A_408 : i32 to index
        %parallel_loop3A_410 = arith.constant 0 : index
        %parallel_loop3A_411 = tpu.vector_load %arg6[%parallel_loop3A_409, %parallel_loop3A_410] {strides = array<i32>} : memref<80x128xf32, #tpu.memory_space<vmem>>, vector<1x16xf32>,
        %parallel_loop3A_412 = vector.shape_cast %parallel_loop3A_411 : vector<1x16xf32> to vector<16xf32>
        %parallel_loop3A_413 = arith.index_cast %parallel_loop3A_408 : i32 to index
        %parallel_loop3A_414 = arith.constant 0 : index
        %parallel_loop3A_415 = tpu.vector_load %arg7[%parallel_loop3A_413, %parallel_loop3A_414] {strides = array<i32>} : memref<80x128xf32, #tpu.memory_space<vmem>>, vector<1x16xf32>,
        %parallel_loop3A_416 = vector.shape_cast %parallel_loop3A_415 : vector<1x16xf32> to vector<16xf32>
        %parallel_loop3A_417 = arith.addf %parallel_loop3A_412, %parallel_loop3A_416 : vector<16xf32>
        %parallel_loop3A_418 = arith.constant 0.000000e+00 : f32
        %parallel_loop3A_419 = vector.broadcast %parallel_loop3A_418 : f32 to vector<16xf32>
        %parallel_loop3A_420 = arith.maximumf %parallel_loop3A_417, %parallel_loop3A_419 : vector<16xf32>
        %parallel_loop3A_421 = arith.index_cast %parallel_loop3A_408 : i32 to index
        %parallel_loop3A_422 = arith.constant 0 : index
        %parallel_loop3A_423 = tpu.vector_load %arg6[%parallel_loop3A_421, %parallel_loop3A_422] {strides = array<i32>} : memref<80x128xf32, #tpu.memory_space<vmem>>, vector<1x16xf32>,
        %parallel_loop3A_424 = vector.shape_cast %parallel_loop3A_423 : vector<1x16xf32> to vector<16xf32>
        %parallel_loop3A_425 = vector.shape_cast %parallel_loop3A_420 : vector<16xf32> to vector<1x16xf32>
        tpu.vector_store %arg6[%parallel_loop3A_421, %parallel_loop3A_422], %parallel_loop3A_425 {strides = array<i32>} : memref<80x128xf32, #tpu.memory_space<vmem>>, vector<1x16xf32>,
        %parallel_loop3A_426 = arith.index_cast %parallel_loop3A_408 : i32 to index
        %parallel_loop3A_427 = arith.constant 16 : index
        %parallel_loop3A_428 = tpu.vector_load %arg6[%parallel_loop3A_426, %parallel_loop3A_427] {strides = array<i32>} : memref<80x128xf32, #tpu.memory_space<vmem>>, vector<1x16xf32>,
        %parallel_loop3A_429 = vector.shape_cast %parallel_loop3A_428 : vector<1x16xf32> to vector<16xf32>
        %parallel_loop3A_430 = arith.index_cast %parallel_loop3A_408 : i32 to index
        %parallel_loop3A_431 = arith.constant 16 : index
        %parallel_loop3A_432 = tpu.vector_load %arg7[%parallel_loop3A_430, %parallel_loop3A_431] {strides = array<i32>} : memref<80x128xf32, #tpu.memory_space<vmem>>, vector<1x16xf32>,
        %parallel_loop3A_433 = vector.shape_cast %parallel_loop3A_432 : vector<1x16xf32> to vector<16xf32>
        %parallel_loop3A_434 = arith.addf %parallel_loop3A_429, %parallel_loop3A_433 : vector<16xf32>
        %parallel_loop3A_435 = arith.constant 0.000000e+00 : f32
        %parallel_loop3A_436 = vector.broadcast %parallel_loop3A_435 : f32 to vector<16xf32>
        %parallel_loop3A_437 = arith.maximumf %parallel_loop3A_434, %parallel_loop3A_436 : vector<16xf32>
        %parallel_loop3A_438 = arith.index_cast %parallel_loop3A_408 : i32 to index
        %parallel_loop3A_439 = arith.constant 16 : index
        %parallel_loop3A_440 = tpu.vector_load %arg6[%parallel_loop3A_438, %parallel_loop3A_439] {strides = array<i32>} : memref<80x128xf32, #tpu.memory_space<vmem>>, vector<1x16xf32>,
        %parallel_loop3A_441 = vector.shape_cast %parallel_loop3A_440 : vector<1x16xf32> to vector<16xf32>
        %parallel_loop3A_442 = vector.shape_cast %parallel_loop3A_437 : vector<16xf32> to vector<1x16xf32>
        tpu.vector_store %arg6[%parallel_loop3A_438, %parallel_loop3A_439], %parallel_loop3A_442 {strides = array<i32>} : memref<80x128xf32, #tpu.memory_space<vmem>>, vector<1x16xf32>,
        %parallel_loop3A_443 = arith.index_cast %parallel_loop3A_408 : i32 to index
        %parallel_loop3A_444 = arith.constant 32 : index
        %parallel_loop3A_445 = tpu.vector_load %arg6[%parallel_loop3A_443, %parallel_loop3A_444] {strides = array<i32>} : memref<80x128xf32, #tpu.memory_space<vmem>>, vector<1x16xf32>,
        %parallel_loop3A_446 = vector.shape_cast %parallel_loop3A_445 : vector<1x16xf32> to vector<16xf32>
        %parallel_loop3A_447 = arith.index_cast %parallel_loop3A_408 : i32 to index
        %parallel_loop3A_448 = arith.constant 32 : index
        %parallel_loop3A_449 = tpu.vector_load %arg7[%parallel_loop3A_447, %parallel_loop3A_448] {strides = array<i32>} : memref<80x128xf32, #tpu.memory_space<vmem>>, vector<1x16xf32>,
        %parallel_loop3A_450 = vector.shape_cast %parallel_loop3A_449 : vector<1x16xf32> to vector<16xf32>
        %parallel_loop3A_451 = arith.addf %parallel_loop3A_446, %parallel_loop3A_450 : vector<16xf32>
        %parallel_loop3A_452 = arith.constant 0.000000e+00 : f32
        %parallel_loop3A_453 = vector.broadcast %parallel_loop3A_452 : f32 to vector<16xf32>
        %parallel_loop3A_454 = arith.maximumf %parallel_loop3A_451, %parallel_loop3A_453 : vector<16xf32>
        %parallel_loop3A_455 = arith.index_cast %parallel_loop3A_408 : i32 to index
        %parallel_loop3A_456 = arith.constant 32 : index
        %parallel_loop3A_457 = tpu.vector_load %arg6[%parallel_loop3A_455, %parallel_loop3A_456] {strides = array<i32>} : memref<80x128xf32, #tpu.memory_space<vmem>>, vector<1x16xf32>,
        %parallel_loop3A_458 = vector.shape_cast %parallel_loop3A_457 : vector<1x16xf32> to vector<16xf32>
        %parallel_loop3A_459 = vector.shape_cast %parallel_loop3A_454 : vector<16xf32> to vector<1x16xf32>
        tpu.vector_store %arg6[%parallel_loop3A_455, %parallel_loop3A_456], %parallel_loop3A_459 {strides = array<i32>} : memref<80x128xf32, #tpu.memory_space<vmem>>, vector<1x16xf32>,
        %parallel_loop3A_460 = arith.index_cast %parallel_loop3A_408 : i32 to index
        %parallel_loop3A_461 = arith.constant 48 : index
        %parallel_loop3A_462 = tpu.vector_load %arg6[%parallel_loop3A_460, %parallel_loop3A_461] {strides = array<i32>} : memref<80x128xf32, #tpu.memory_space<vmem>>, vector<1x16xf32>,
        %parallel_loop3A_463 = vector.shape_cast %parallel_loop3A_462 : vector<1x16xf32> to vector<16xf32>
        %parallel_loop3A_464 = arith.index_cast %parallel_loop3A_408 : i32 to index
        %parallel_loop3A_465 = arith.constant 48 : index
        %parallel_loop3A_466 = tpu.vector_load %arg7[%parallel_loop3A_464, %parallel_loop3A_465] {strides = array<i32>} : memref<80x128xf32, #tpu.memory_space<vmem>>, vector<1x16xf32>,
        %parallel_loop3A_467 = vector.shape_cast %parallel_loop3A_466 : vector<1x16xf32> to vector<16xf32>
        %parallel_loop3A_468 = arith.addf %parallel_loop3A_463, %parallel_loop3A_467 : vector<16xf32>
        %parallel_loop3A_469 = arith.constant 0.000000e+00 : f32
        %parallel_loop3A_470 = vector.broadcast %parallel_loop3A_469 : f32 to vector<16xf32>
        %parallel_loop3A_471 = arith.maximumf %parallel_loop3A_468, %parallel_loop3A_470 : vector<16xf32>
        %parallel_loop3A_472 = arith.index_cast %parallel_loop3A_408 : i32 to index
        %parallel_loop3A_473 = arith.constant 48 : index
        %parallel_loop3A_474 = tpu.vector_load %arg6[%parallel_loop3A_472, %parallel_loop3A_473] {strides = array<i32>} : memref<80x128xf32, #tpu.memory_space<vmem>>, vector<1x16xf32>,
        %parallel_loop3A_475 = vector.shape_cast %parallel_loop3A_474 : vector<1x16xf32> to vector<16xf32>
        %parallel_loop3A_476 = vector.shape_cast %parallel_loop3A_471 : vector<16xf32> to vector<1x16xf32>
        tpu.vector_store %arg6[%parallel_loop3A_472, %parallel_loop3A_473], %parallel_loop3A_476 {strides = array<i32>} : memref<80x128xf32, #tpu.memory_space<vmem>>, vector<1x16xf32>,
        %parallel_loop3A_477 = arith.index_cast %parallel_loop3A_408 : i32 to index
        %parallel_loop3A_478 = arith.constant 64 : index
        %parallel_loop3A_479 = tpu.vector_load %arg6[%parallel_loop3A_477, %parallel_loop3A_478] {strides = array<i32>} : memref<80x128xf32, #tpu.memory_space<vmem>>, vector<1x16xf32>,
        %parallel_loop3A_480 = vector.shape_cast %parallel_loop3A_479 : vector<1x16xf32> to vector<16xf32>
        %parallel_loop3A_481 = arith.index_cast %parallel_loop3A_408 : i32 to index
        %parallel_loop3A_482 = arith.constant 64 : index
        %parallel_loop3A_483 = tpu.vector_load %arg7[%parallel_loop3A_481, %parallel_loop3A_482] {strides = array<i32>} : memref<80x128xf32, #tpu.memory_space<vmem>>, vector<1x16xf32>,
        %parallel_loop3A_484 = vector.shape_cast %parallel_loop3A_483 : vector<1x16xf32> to vector<16xf32>
        %parallel_loop3A_485 = arith.addf %parallel_loop3A_480, %parallel_loop3A_484 : vector<16xf32>
        %parallel_loop3A_486 = arith.constant 0.000000e+00 : f32
        %parallel_loop3A_487 = vector.broadcast %parallel_loop3A_486 : f32 to vector<16xf32>
        %parallel_loop3A_488 = arith.maximumf %parallel_loop3A_485, %parallel_loop3A_487 : vector<16xf32>
        %parallel_loop3A_489 = arith.index_cast %parallel_loop3A_408 : i32 to index
        %parallel_loop3A_490 = arith.constant 64 : index
        %parallel_loop3A_491 = tpu.vector_load %arg6[%parallel_loop3A_489, %parallel_loop3A_490] {strides = array<i32>} : memref<80x128xf32, #tpu.memory_space<vmem>>, vector<1x16xf32>,
        %parallel_loop3A_492 = vector.shape_cast %parallel_loop3A_491 : vector<1x16xf32> to vector<16xf32>
        %parallel_loop3A_493 = vector.shape_cast %parallel_loop3A_488 : vector<16xf32> to vector<1x16xf32>
        tpu.vector_store %arg6[%parallel_loop3A_489, %parallel_loop3A_490], %parallel_loop3A_493 {strides = array<i32>} : memref<80x128xf32, #tpu.memory_space<vmem>>, vector<1x16xf32>,
        %parallel_loop3A_494 = arith.index_cast %parallel_loop3A_408 : i32 to index
        %parallel_loop3A_495 = arith.constant 80 : index
        %parallel_loop3A_496 = tpu.vector_load %arg6[%parallel_loop3A_494, %parallel_loop3A_495] {strides = array<i32>} : memref<80x128xf32, #tpu.memory_space<vmem>>, vector<1x16xf32>,
        %parallel_loop3A_497 = vector.shape_cast %parallel_loop3A_496 : vector<1x16xf32> to vector<16xf32>
        %parallel_loop3A_498 = arith.index_cast %parallel_loop3A_408 : i32 to index
        %parallel_loop3A_499 = arith.constant 80 : index
        %parallel_loop3A_500 = tpu.vector_load %arg7[%parallel_loop3A_498, %parallel_loop3A_499] {strides = array<i32>} : memref<80x128xf32, #tpu.memory_space<vmem>>, vector<1x16xf32>,
        %parallel_loop3A_501 = vector.shape_cast %parallel_loop3A_500 : vector<1x16xf32> to vector<16xf32>
        %parallel_loop3A_502 = arith.addf %parallel_loop3A_497, %parallel_loop3A_501 : vector<16xf32>
        %parallel_loop3A_503 = arith.constant 0.000000e+00 : f32
        %parallel_loop3A_504 = vector.broadcast %parallel_loop3A_503 : f32 to vector<16xf32>
        %parallel_loop3A_505 = arith.maximumf %parallel_loop3A_502, %parallel_loop3A_504 : vector<16xf32>
        %parallel_loop3A_506 = arith.index_cast %parallel_loop3A_408 : i32 to index
        %parallel_loop3A_507 = arith.constant 80 : index
        %parallel_loop3A_508 = tpu.vector_load %arg6[%parallel_loop3A_506, %parallel_loop3A_507] {strides = array<i32>} : memref<80x128xf32, #tpu.memory_space<vmem>>, vector<1x16xf32>,
        %parallel_loop3A_509 = vector.shape_cast %parallel_loop3A_508 : vector<1x16xf32> to vector<16xf32>
        %parallel_loop3A_510 = vector.shape_cast %parallel_loop3A_505 : vector<16xf32> to vector<1x16xf32>
        tpu.vector_store %arg6[%parallel_loop3A_506, %parallel_loop3A_507], %parallel_loop3A_510 {strides = array<i32>} : memref<80x128xf32, #tpu.memory_space<vmem>>, vector<1x16xf32>,
        %parallel_loop3A_511 = arith.index_cast %parallel_loop3A_408 : i32 to index
        %parallel_loop3A_512 = arith.constant 96 : index
        %parallel_loop3A_513 = tpu.vector_load %arg6[%parallel_loop3A_511, %parallel_loop3A_512] {strides = array<i32>} : memref<80x128xf32, #tpu.memory_space<vmem>>, vector<1x16xf32>,
        %parallel_loop3A_514 = vector.shape_cast %parallel_loop3A_513 : vector<1x16xf32> to vector<16xf32>
        %parallel_loop3A_515 = arith.index_cast %parallel_loop3A_408 : i32 to index
        %parallel_loop3A_516 = arith.constant 96 : index
        %parallel_loop3A_517 = tpu.vector_load %arg7[%parallel_loop3A_515, %parallel_loop3A_516] {strides = array<i32>} : memref<80x128xf32, #tpu.memory_space<vmem>>, vector<1x16xf32>,
        %parallel_loop3A_518 = vector.shape_cast %parallel_loop3A_517 : vector<1x16xf32> to vector<16xf32>
        %parallel_loop3A_519 = arith.addf %parallel_loop3A_514, %parallel_loop3A_518 : vector<16xf32>
        %parallel_loop3A_520 = arith.constant 0.000000e+00 : f32
        %parallel_loop3A_521 = vector.broadcast %parallel_loop3A_520 : f32 to vector<16xf32>
        %parallel_loop3A_522 = arith.maximumf %parallel_loop3A_519, %parallel_loop3A_521 : vector<16xf32>
        %parallel_loop3A_523 = arith.index_cast %parallel_loop3A_408 : i32 to index
        %parallel_loop3A_524 = arith.constant 96 : index
        %parallel_loop3A_525 = tpu.vector_load %arg6[%parallel_loop3A_523, %parallel_loop3A_524] {strides = array<i32>} : memref<80x128xf32, #tpu.memory_space<vmem>>, vector<1x16xf32>,
        %parallel_loop3A_526 = vector.shape_cast %parallel_loop3A_525 : vector<1x16xf32> to vector<16xf32>
        %parallel_loop3A_527 = vector.shape_cast %parallel_loop3A_522 : vector<16xf32> to vector<1x16xf32>
        tpu.vector_store %arg6[%parallel_loop3A_523, %parallel_loop3A_524], %parallel_loop3A_527 {strides = array<i32>} : memref<80x128xf32, #tpu.memory_space<vmem>>, vector<1x16xf32>,
        %parallel_loop3A_528 = arith.index_cast %parallel_loop3A_408 : i32 to index
        %parallel_loop3A_529 = arith.constant 112 : index
        %parallel_loop3A_530 = tpu.vector_load %arg6[%parallel_loop3A_528, %parallel_loop3A_529] {strides = array<i32>} : memref<80x128xf32, #tpu.memory_space<vmem>>, vector<1x16xf32>,
        %parallel_loop3A_531 = vector.shape_cast %parallel_loop3A_530 : vector<1x16xf32> to vector<16xf32>
        %parallel_loop3A_532 = arith.index_cast %parallel_loop3A_408 : i32 to index
        %parallel_loop3A_533 = arith.constant 112 : index
        %parallel_loop3A_534 = tpu.vector_load %arg7[%parallel_loop3A_532, %parallel_loop3A_533] {strides = array<i32>} : memref<80x128xf32, #tpu.memory_space<vmem>>, vector<1x16xf32>,
        %parallel_loop3A_535 = vector.shape_cast %parallel_loop3A_534 : vector<1x16xf32> to vector<16xf32>
        %parallel_loop3A_536 = arith.addf %parallel_loop3A_531, %parallel_loop3A_535 : vector<16xf32>
        %parallel_loop3A_537 = arith.constant 0.000000e+00 : f32
        %parallel_loop3A_538 = vector.broadcast %parallel_loop3A_537 : f32 to vector<16xf32>
        %parallel_loop3A_539 = arith.maximumf %parallel_loop3A_536, %parallel_loop3A_538 : vector<16xf32>
        %parallel_loop3A_540 = arith.index_cast %parallel_loop3A_408 : i32 to index
        %parallel_loop3A_541 = arith.constant 112 : index
        %parallel_loop3A_542 = tpu.vector_load %arg6[%parallel_loop3A_540, %parallel_loop3A_541] {strides = array<i32>} : memref<80x128xf32, #tpu.memory_space<vmem>>, vector<1x16xf32>,
        %parallel_loop3A_543 = vector.shape_cast %parallel_loop3A_542 : vector<1x16xf32> to vector<16xf32>
        %parallel_loop3A_544 = vector.shape_cast %parallel_loop3A_539 : vector<16xf32> to vector<1x16xf32>
        tpu.vector_store %arg6[%parallel_loop3A_540, %parallel_loop3A_541], %parallel_loop3A_544 {strides = array<i32>} : memref<80x128xf32, #tpu.memory_space<vmem>>, vector<1x16xf32>,
      } {sc.loop_unroll_factor = 4 : i64, sc.parallel_access}
      %dma_start3A_337 = arith.constant 0 : i32
      %dma_start3A_338 = arith.constant 0 : i32
      %dma_start3A_339 = tpu.memref_slice %arg22[%dma_start3A_337, %dma_start3A_338] : memref<10000x128xf32, #tpu.memory_space<vmem_shared>> -> memref<10000x128xf32, #tpu.memory_space<vmem_shared>>
      tpu.enqueue_indirect_dma source(%arg6 : memref<80x128xf32, #tpu.memory_space<vmem>>) target(%dma_start3A_339 : memref<10000x128xf32, #tpu.memory_space<vmem_shared>>) offsets(%arg12 : memref<80xi32, #tpu.memory_space<vmem>>) semaphore(%arg25 : memref<!tpu.dma_semaphore, #tpu.memory_space<semaphore_mem>>) {add = true}
      %add3A_340 = arith.constant 2 : i32
      %add3A_341 = arith.addi %mul3A_327, %add3A_340 : i32
      %lt3A = arith.constant 125 : i32
      %lt3A_342 = arith.cmpi slt, %add3A_341, %lt3A : i32
      %convert_element_type3A = arith.extui %lt3A_342 : i1 to i32
      %cond3A = arith.constant 0 : i32
      %cond3A_343 = arith.cmpi ne, %convert_element_type3A, %cond3A : i32
      scf.if %cond3A_343 {
        %add3A_408 = arith.constant 2 : i32
        %add3A_409 = arith.addi %mul3A_327, %add3A_408 : i32
        %mul3A_410 = arith.constant 80 : i32
        %mul3A_411 = arith.muli %add3A_409, %mul3A_410 : i32
        %add3A_412 = arith.addi %mul3A_3, %mul3A_411 : i32
        %dma_wait3A_413 = tpu.memref_slice %arg3[%add3A_412] : memref<160000xi32, #tpu.memory_space<hbm>> -> memref<80xi32, #tpu.memory_space<hbm>>
        %dma_wait3A_414 = tpu.memref_slice %arg3[%add3A_412] : memref<160000xi32, #tpu.memory_space<hbm>> -> memref<80xi32, #tpu.memory_space<hbm>>
        tpu.wait_dma2 semaphore(%arg28 : memref<!tpu.dma_semaphore, #tpu.memory_space<semaphore_mem>>) src(%dma_wait3A_414 : memref<80xi32, #tpu.memory_space<hbm>>) dst(%arg13 : memref<80xi32, #tpu.memory_space<vmem>>)
        %mul3A_415 = arith.constant 80 : i32
        %mul3A_416 = arith.muli %add3A_409, %mul3A_415 : i32
        %add3A_417 = arith.addi %mul3A_3, %mul3A_416 : i32
        %dma_wait3A_418 = tpu.memref_slice %arg4[%add3A_417] : memref<160000xi32, #tpu.memory_space<hbm>> -> memref<80xi32, #tpu.memory_space<hbm>>
        %dma_wait3A_419 = tpu.memref_slice %arg4[%add3A_417] : memref<160000xi32, #tpu.memory_space<hbm>> -> memref<80xi32, #tpu.memory_space<hbm>>
        tpu.wait_dma2 semaphore(%arg28 : memref<!tpu.dma_semaphore, #tpu.memory_space<semaphore_mem>>) src(%dma_wait3A_419 : memref<80xi32, #tpu.memory_space<hbm>>) dst(%arg15 : memref<80xi32, #tpu.memory_space<vmem>>)
        %get3A_420 = arith.constant 0 : index
        %get3A_421 = tpu.vector_load %arg13[%get3A_420] {strides = array<i32>} : memref<80xi32, #tpu.memory_space<vmem>>, vector<16xi32>,
        %get3A_422 = vector.shape_cast %get3A_421 : vector<16xi32> to vector<16xi32>
        %add3A_423 = vector.broadcast %mul3A_1 : i32 to vector<16xi32>
        %add3A_424 = arith.addi %get3A_422, %add3A_423 : vector<16xi32>
        %swap3A_425 = arith.constant 0 : index
        %swap3A_426 = tpu.vector_load %arg13[%swap3A_425] {strides = array<i32>} : memref<80xi32, #tpu.memory_space<vmem>>, vector<16xi32>,
        %swap3A_427 = vector.shape_cast %swap3A_426 : vector<16xi32> to vector<16xi32>
        %swap3A_428 = vector.shape_cast %add3A_424 : vector<16xi32> to vector<16xi32>
        tpu.vector_store %arg13[%swap3A_425], %swap3A_428 {strides = array<i32>} : memref<80xi32, #tpu.memory_space<vmem>>, vector<16xi32>,
        %get3A_429 = arith.constant 0 : index
        %get3A_430 = tpu.vector_load %arg15[%get3A_429] {strides = array<i32>} : memref<80xi32, #tpu.memory_space<vmem>>, vector<16xi32>,
        %get3A_431 = vector.shape_cast %get3A_430 : vector<16xi32> to vector<16xi32>
        %add3A_432 = arith.constant 10000 : i32
        %add3A_433 = arith.addi %mul3A_1, %add3A_432 : i32
        %add3A_434 = vector.broadcast %add3A_433 : i32 to vector<16xi32>
        %add3A_435 = arith.addi %get3A_431, %add3A_434 : vector<16xi32>
        %swap3A_436 = arith.constant 0 : index
        %swap3A_437 = tpu.vector_load %arg14[%swap3A_436] {strides = array<i32>} : memref<80xi32, #tpu.memory_space<vmem>>, vector<16xi32>,
        %swap3A_438 = vector.shape_cast %swap3A_437 : vector<16xi32> to vector<16xi32>
        %swap3A_439 = vector.shape_cast %add3A_435 : vector<16xi32> to vector<16xi32>
        tpu.vector_store %arg14[%swap3A_436], %swap3A_439 {strides = array<i32>} : memref<80xi32, #tpu.memory_space<vmem>>, vector<16xi32>,
        %get3A_440 = arith.constant 16 : index
        %get3A_441 = tpu.vector_load %arg13[%get3A_440] {strides = array<i32>} : memref<80xi32, #tpu.memory_space<vmem>>, vector<16xi32>,
        %get3A_442 = vector.shape_cast %get3A_441 : vector<16xi32> to vector<16xi32>
        %add3A_443 = vector.broadcast %mul3A_1 : i32 to vector<16xi32>
        %add3A_444 = arith.addi %get3A_442, %add3A_443 : vector<16xi32>
        %swap3A_445 = arith.constant 16 : index
        %swap3A_446 = tpu.vector_load %arg13[%swap3A_445] {strides = array<i32>} : memref<80xi32, #tpu.memory_space<vmem>>, vector<16xi32>,
        %swap3A_447 = vector.shape_cast %swap3A_446 : vector<16xi32> to vector<16xi32>
        %swap3A_448 = vector.shape_cast %add3A_444 : vector<16xi32> to vector<16xi32>
        tpu.vector_store %arg13[%swap3A_445], %swap3A_448 {strides = array<i32>} : memref<80xi32, #tpu.memory_space<vmem>>, vector<16xi32>,
        %get3A_449 = arith.constant 16 : index
        %get3A_450 = tpu.vector_load %arg15[%get3A_449] {strides = array<i32>} : memref<80xi32, #tpu.memory_space<vmem>>, vector<16xi32>,
        %get3A_451 = vector.shape_cast %get3A_450 : vector<16xi32> to vector<16xi32>
        %add3A_452 = arith.constant 10000 : i32
        %add3A_453 = arith.addi %mul3A_1, %add3A_452 : i32
        %add3A_454 = vector.broadcast %add3A_453 : i32 to vector<16xi32>
        %add3A_455 = arith.addi %get3A_451, %add3A_454 : vector<16xi32>
        %swap3A_456 = arith.constant 16 : index
        %swap3A_457 = tpu.vector_load %arg14[%swap3A_456] {strides = array<i32>} : memref<80xi32, #tpu.memory_space<vmem>>, vector<16xi32>,
        %swap3A_458 = vector.shape_cast %swap3A_457 : vector<16xi32> to vector<16xi32>
        %swap3A_459 = vector.shape_cast %add3A_455 : vector<16xi32> to vector<16xi32>
        tpu.vector_store %arg14[%swap3A_456], %swap3A_459 {strides = array<i32>} : memref<80xi32, #tpu.memory_space<vmem>>, vector<16xi32>,
        %get3A_460 = arith.constant 32 : index
        %get3A_461 = tpu.vector_load %arg13[%get3A_460] {strides = array<i32>} : memref<80xi32, #tpu.memory_space<vmem>>, vector<16xi32>,
        %get3A_462 = vector.shape_cast %get3A_461 : vector<16xi32> to vector<16xi32>
        %add3A_463 = vector.broadcast %mul3A_1 : i32 to vector<16xi32>
        %add3A_464 = arith.addi %get3A_462, %add3A_463 : vector<16xi32>
        %swap3A_465 = arith.constant 32 : index
        %swap3A_466 = tpu.vector_load %arg13[%swap3A_465] {strides = array<i32>} : memref<80xi32, #tpu.memory_space<vmem>>, vector<16xi32>,
        %swap3A_467 = vector.shape_cast %swap3A_466 : vector<16xi32> to vector<16xi32>
        %swap3A_468 = vector.shape_cast %add3A_464 : vector<16xi32> to vector<16xi32>
        tpu.vector_store %arg13[%swap3A_465], %swap3A_468 {strides = array<i32>} : memref<80xi32, #tpu.memory_space<vmem>>, vector<16xi32>,
        %get3A_469 = arith.constant 32 : index
        %get3A_470 = tpu.vector_load %arg15[%get3A_469] {strides = array<i32>} : memref<80xi32, #tpu.memory_space<vmem>>, vector<16xi32>,
        %get3A_471 = vector.shape_cast %get3A_470 : vector<16xi32> to vector<16xi32>
        %add3A_472 = arith.constant 10000 : i32
        %add3A_473 = arith.addi %mul3A_1, %add3A_472 : i32
        %add3A_474 = vector.broadcast %add3A_473 : i32 to vector<16xi32>
        %add3A_475 = arith.addi %get3A_471, %add3A_474 : vector<16xi32>
        %swap3A_476 = arith.constant 32 : index
        %swap3A_477 = tpu.vector_load %arg14[%swap3A_476] {strides = array<i32>} : memref<80xi32, #tpu.memory_space<vmem>>, vector<16xi32>,
        %swap3A_478 = vector.shape_cast %swap3A_477 : vector<16xi32> to vector<16xi32>
        %swap3A_479 = vector.shape_cast %add3A_475 : vector<16xi32> to vector<16xi32>
        tpu.vector_store %arg14[%swap3A_476], %swap3A_479 {strides = array<i32>} : memref<80xi32, #tpu.memory_space<vmem>>, vector<16xi32>,
        %get3A_480 = arith.constant 48 : index
        %get3A_481 = tpu.vector_load %arg13[%get3A_480] {strides = array<i32>} : memref<80xi32, #tpu.memory_space<vmem>>, vector<16xi32>,
        %get3A_482 = vector.shape_cast %get3A_481 : vector<16xi32> to vector<16xi32>
        %add3A_483 = vector.broadcast %mul3A_1 : i32 to vector<16xi32>
        %add3A_484 = arith.addi %get3A_482, %add3A_483 : vector<16xi32>
        %swap3A_485 = arith.constant 48 : index
        %swap3A_486 = tpu.vector_load %arg13[%swap3A_485] {strides = array<i32>} : memref<80xi32, #tpu.memory_space<vmem>>, vector<16xi32>,
        %swap3A_487 = vector.shape_cast %swap3A_486 : vector<16xi32> to vector<16xi32>
        %swap3A_488 = vector.shape_cast %add3A_484 : vector<16xi32> to vector<16xi32>
        tpu.vector_store %arg13[%swap3A_485], %swap3A_488 {strides = array<i32>} : memref<80xi32, #tpu.memory_space<vmem>>, vector<16xi32>,
        %get3A_489 = arith.constant 48 : index
        %get3A_490 = tpu.vector_load %arg15[%get3A_489] {strides = array<i32>} : memref<80xi32, #tpu.memory_space<vmem>>, vector<16xi32>,
        %get3A_491 = vector.shape_cast %get3A_490 : vector<16xi32> to vector<16xi32>
        %add3A_492 = arith.constant 10000 : i32
        %add3A_493 = arith.addi %mul3A_1, %add3A_492 : i32
        %add3A_494 = vector.broadcast %add3A_493 : i32 to vector<16xi32>
        %add3A_495 = arith.addi %get3A_491, %add3A_494 : vector<16xi32>
        %swap3A_496 = arith.constant 48 : index
        %swap3A_497 = tpu.vector_load %arg14[%swap3A_496] {strides = array<i32>} : memref<80xi32, #tpu.memory_space<vmem>>, vector<16xi32>,
        %swap3A_498 = vector.shape_cast %swap3A_497 : vector<16xi32> to vector<16xi32>
        %swap3A_499 = vector.shape_cast %add3A_495 : vector<16xi32> to vector<16xi32>
        tpu.vector_store %arg14[%swap3A_496], %swap3A_499 {strides = array<i32>} : memref<80xi32, #tpu.memory_space<vmem>>, vector<16xi32>,
        %get3A_500 = arith.constant 64 : index
        %get3A_501 = tpu.vector_load %arg13[%get3A_500] {strides = array<i32>} : memref<80xi32, #tpu.memory_space<vmem>>, vector<16xi32>,
        %get3A_502 = vector.shape_cast %get3A_501 : vector<16xi32> to vector<16xi32>
        %add3A_503 = vector.broadcast %mul3A_1 : i32 to vector<16xi32>
        %add3A_504 = arith.addi %get3A_502, %add3A_503 : vector<16xi32>
        %swap3A_505 = arith.constant 64 : index
        %swap3A_506 = tpu.vector_load %arg13[%swap3A_505] {strides = array<i32>} : memref<80xi32, #tpu.memory_space<vmem>>, vector<16xi32>,
        %swap3A_507 = vector.shape_cast %swap3A_506 : vector<16xi32> to vector<16xi32>
        %swap3A_508 = vector.shape_cast %add3A_504 : vector<16xi32> to vector<16xi32>
        tpu.vector_store %arg13[%swap3A_505], %swap3A_508 {strides = array<i32>} : memref<80xi32, #tpu.memory_space<vmem>>, vector<16xi32>,
        %get3A_509 = arith.constant 64 : index
        %get3A_510 = tpu.vector_load %arg15[%get3A_509] {strides = array<i32>} : memref<80xi32, #tpu.memory_space<vmem>>, vector<16xi32>,
        %get3A_511 = vector.shape_cast %get3A_510 : vector<16xi32> to vector<16xi32>
        %add3A_512 = arith.constant 10000 : i32
        %add3A_513 = arith.addi %mul3A_1, %add3A_512 : i32
        %add3A_514 = vector.broadcast %add3A_513 : i32 to vector<16xi32>
        %add3A_515 = arith.addi %get3A_511, %add3A_514 : vector<16xi32>
        %swap3A_516 = arith.constant 64 : index
        %swap3A_517 = tpu.vector_load %arg14[%swap3A_516] {strides = array<i32>} : memref<80xi32, #tpu.memory_space<vmem>>, vector<16xi32>,
        %swap3A_518 = vector.shape_cast %swap3A_517 : vector<16xi32> to vector<16xi32>
        %swap3A_519 = vector.shape_cast %add3A_515 : vector<16xi32> to vector<16xi32>
        tpu.vector_store %arg14[%swap3A_516], %swap3A_519 {strides = array<i32>} : memref<80xi32, #tpu.memory_space<vmem>>, vector<16xi32>,
        %dma_start3A_520 = arith.constant 0 : i32
        %dma_start3A_521 = arith.constant 0 : i32
        %dma_start3A_522 = tpu.memref_slice %arg2[%dma_start3A_520, %dma_start3A_521] : memref<40000x128xf32, #tpu.memory_space<hbm>> -> memref<40000x128xf32, #tpu.memory_space<hbm>>
        tpu.enqueue_indirect_dma source(%dma_start3A_522 : memref<40000x128xf32, #tpu.memory_space<hbm>>) target(%arg7 : memref<80x128xf32, #tpu.memory_space<vmem>>) offsets(%arg14 : memref<80xi32, #tpu.memory_space<vmem>>) semaphore(%arg23 : memref<!tpu.dma_semaphore, #tpu.memory_space<semaphore_mem>>)
        %dma_wait3A_523 = arith.constant 0 : i32
        %dma_wait3A_524 = arith.constant 0 : i32
        %dma_wait3A_525 = tpu.memref_slice %arg22[%dma_wait3A_523, %dma_wait3A_524] : memref<10000x128xf32, #tpu.memory_space<vmem_shared>> -> memref<10000x128xf32, #tpu.memory_space<vmem_shared>>
        tpu.wait_indirect_dma semaphore(%arg25 : memref<!tpu.dma_semaphore, #tpu.memory_space<semaphore_mem>>) src(%arg6 : memref<80x128xf32, #tpu.memory_space<vmem>>) dst(%dma_wait3A_525 : memref<10000x128xf32, #tpu.memory_space<vmem_shared>>)
        %dma_start3A_526 = arith.constant 0 : i32
        %dma_start3A_527 = arith.constant 0 : i32
        %dma_start3A_528 = tpu.memref_slice %arg2[%dma_start3A_526, %dma_start3A_527] : memref<40000x128xf32, #tpu.memory_space<hbm>> -> memref<40000x128xf32, #tpu.memory_space<hbm>>
        tpu.enqueue_indirect_dma source(%dma_start3A_528 : memref<40000x128xf32, #tpu.memory_space<hbm>>) target(%arg6 : memref<80x128xf32, #tpu.memory_space<vmem>>) offsets(%arg13 : memref<80xi32, #tpu.memory_space<vmem>>) semaphore(%arg23 : memref<!tpu.dma_semaphore, #tpu.memory_space<semaphore_mem>>)
        %add3A_529 = arith.constant 4 : i32
        %add3A_530 = arith.addi %mul3A_327, %add3A_529 : i32
        %lt3A_531 = arith.constant 125 : i32
        %lt3A_532 = arith.cmpi slt, %add3A_530, %lt3A_531 : i32
        %convert_element_type3A_533 = arith.extui %lt3A_532 : i1 to i32
        %cond3A_534 = arith.constant 0 : i32
        %cond3A_535 = arith.cmpi ne, %convert_element_type3A_533, %cond3A_534 : i32
        scf.if %cond3A_535 {
          %add3A_536 = arith.constant 4 : i32
          %add3A_537 = arith.addi %mul3A_327, %add3A_536 : i32
          %mul3A_538 = arith.constant 80 : i32
          %mul3A_539 = arith.muli %add3A_537, %mul3A_538 : i32
          %add3A_540 = arith.addi %mul3A_3, %mul3A_539 : i32
          %dma_start3A_541 = tpu.memref_slice %arg3[%add3A_540] : memref<160000xi32, #tpu.memory_space<hbm>> -> memref<80xi32, #tpu.memory_space<hbm>>
          %dma_start3A_542 = tpu.memref_slice %arg3[%add3A_540] : memref<160000xi32, #tpu.memory_space<hbm>> -> memref<80xi32, #tpu.memory_space<hbm>>
          tpu.enqueue_dma source(%dma_start3A_542 : memref<80xi32, #tpu.memory_space<hbm>>) target(%arg10 : memref<80xi32, #tpu.memory_space<vmem>>) target_semaphore(%arg27 : memref<!tpu.dma_semaphore, #tpu.memory_space<semaphore_mem>>)
          %mul3A_543 = arith.constant 80 : i32
          %mul3A_544 = arith.muli %add3A_537, %mul3A_543 : i32
          %add3A_545 = arith.addi %mul3A_3, %mul3A_544 : i32
          %dma_start3A_546 = tpu.memref_slice %arg4[%add3A_545] : memref<160000xi32, #tpu.memory_space<hbm>> -> memref<80xi32, #tpu.memory_space<hbm>>
          %dma_start3A_547 = tpu.memref_slice %arg4[%add3A_545] : memref<160000xi32, #tpu.memory_space<hbm>> -> memref<80xi32, #tpu.memory_space<hbm>>
          tpu.enqueue_dma source(%dma_start3A_547 : memref<80xi32, #tpu.memory_space<hbm>>) target(%arg12 : memref<80xi32, #tpu.memory_space<vmem>>) target_semaphore(%arg27 : memref<!tpu.dma_semaphore, #tpu.memory_space<semaphore_mem>>)
        } else {
        }
      } else {
      }
      %add3A_344 = arith.constant 1 : i32
      %add3A_345 = arith.addi %mul3A_327, %add3A_344 : i32
      %dma_wait3A_346 = arith.constant 0 : i32
      %dma_wait3A_347 = arith.constant 0 : i32
      %dma_wait3A_348 = tpu.memref_slice %arg2[%dma_wait3A_346, %dma_wait3A_347] : memref<40000x128xf32, #tpu.memory_space<hbm>> -> memref<40000x128xf32, #tpu.memory_space<hbm>>
      tpu.wait_indirect_dma semaphore(%arg24 : memref<!tpu.dma_semaphore, #tpu.memory_space<semaphore_mem>>) src(%dma_wait3A_348 : memref<40000x128xf32, #tpu.memory_space<hbm>>) dst(%arg8 : memref<80x128xf32, #tpu.memory_space<vmem>>)
      %dma_wait3A_349 = arith.constant 0 : i32
      %dma_wait3A_350 = arith.constant 0 : i32
      %dma_wait3A_351 = tpu.memref_slice %arg2[%dma_wait3A_349, %dma_wait3A_350] : memref<40000x128xf32, #tpu.memory_space<hbm>> -> memref<40000x128xf32, #tpu.memory_space<hbm>>
      tpu.wait_indirect_dma semaphore(%arg24 : memref<!tpu.dma_semaphore, #tpu.memory_space<semaphore_mem>>) src(%dma_wait3A_351 : memref<40000x128xf32, #tpu.memory_space<hbm>>) dst(%arg9 : memref<80x128xf32, #tpu.memory_space<vmem>>)
      %parallel_loop3A_352 = arith.constant 0 : i32
      %parallel_loop3A_353 = arith.constant 80 : i32
      %parallel_loop3A_354 = arith.constant 1 : i32
      scf.for %parallel_loop3A_408 = %parallel_loop3A_352 to %parallel_loop3A_353 step %parallel_loop3A_354  : i32 {
        %parallel_loop3A_409 = arith.index_cast %parallel_loop3A_408 : i32 to index
        %parallel_loop3A_410 = arith.constant 0 : index
        %parallel_loop3A_411 = tpu.vector_load %arg8[%parallel_loop3A_409, %parallel_loop3A_410] {strides = array<i32>} : memref<80x128xf32, #tpu.memory_space<vmem>>, vector<1x16xf32>,
        %parallel_loop3A_412 = vector.shape_cast %parallel_loop3A_411 : vector<1x16xf32> to vector<16xf32>
        %parallel_loop3A_413 = arith.index_cast %parallel_loop3A_408 : i32 to index
        %parallel_loop3A_414 = arith.constant 0 : index
        %parallel_loop3A_415 = tpu.vector_load %arg9[%parallel_loop3A_413, %parallel_loop3A_414] {strides = array<i32>} : memref<80x128xf32, #tpu.memory_space<vmem>>, vector<1x16xf32>,
        %parallel_loop3A_416 = vector.shape_cast %parallel_loop3A_415 : vector<1x16xf32> to vector<16xf32>
        %parallel_loop3A_417 = arith.addf %parallel_loop3A_412, %parallel_loop3A_416 : vector<16xf32>
        %parallel_loop3A_418 = arith.constant 0.000000e+00 : f32
        %parallel_loop3A_419 = vector.broadcast %parallel_loop3A_418 : f32 to vector<16xf32>
        %parallel_loop3A_420 = arith.maximumf %parallel_loop3A_417, %parallel_loop3A_419 : vector<16xf32>
        %parallel_loop3A_421 = arith.index_cast %parallel_loop3A_408 : i32 to index
        %parallel_loop3A_422 = arith.constant 0 : index
        %parallel_loop3A_423 = tpu.vector_load %arg8[%parallel_loop3A_421, %parallel_loop3A_422] {strides = array<i32>} : memref<80x128xf32, #tpu.memory_space<vmem>>, vector<1x16xf32>,
        %parallel_loop3A_424 = vector.shape_cast %parallel_loop3A_423 : vector<1x16xf32> to vector<16xf32>
        %parallel_loop3A_425 = vector.shape_cast %parallel_loop3A_420 : vector<16xf32> to vector<1x16xf32>
        tpu.vector_store %arg8[%parallel_loop3A_421, %parallel_loop3A_422], %parallel_loop3A_425 {strides = array<i32>} : memref<80x128xf32, #tpu.memory_space<vmem>>, vector<1x16xf32>,
        %parallel_loop3A_426 = arith.index_cast %parallel_loop3A_408 : i32 to index
        %parallel_loop3A_427 = arith.constant 16 : index
        %parallel_loop3A_428 = tpu.vector_load %arg8[%parallel_loop3A_426, %parallel_loop3A_427] {strides = array<i32>} : memref<80x128xf32, #tpu.memory_space<vmem>>, vector<1x16xf32>,
        %parallel_loop3A_429 = vector.shape_cast %parallel_loop3A_428 : vector<1x16xf32> to vector<16xf32>
        %parallel_loop3A_430 = arith.index_cast %parallel_loop3A_408 : i32 to index
        %parallel_loop3A_431 = arith.constant 16 : index
        %parallel_loop3A_432 = tpu.vector_load %arg9[%parallel_loop3A_430, %parallel_loop3A_431] {strides = array<i32>} : memref<80x128xf32, #tpu.memory_space<vmem>>, vector<1x16xf32>,
        %parallel_loop3A_433 = vector.shape_cast %parallel_loop3A_432 : vector<1x16xf32> to vector<16xf32>
        %parallel_loop3A_434 = arith.addf %parallel_loop3A_429, %parallel_loop3A_433 : vector<16xf32>
        %parallel_loop3A_435 = arith.constant 0.000000e+00 : f32
        %parallel_loop3A_436 = vector.broadcast %parallel_loop3A_435 : f32 to vector<16xf32>
        %parallel_loop3A_437 = arith.maximumf %parallel_loop3A_434, %parallel_loop3A_436 : vector<16xf32>
        %parallel_loop3A_438 = arith.index_cast %parallel_loop3A_408 : i32 to index
        %parallel_loop3A_439 = arith.constant 16 : index
        %parallel_loop3A_440 = tpu.vector_load %arg8[%parallel_loop3A_438, %parallel_loop3A_439] {strides = array<i32>} : memref<80x128xf32, #tpu.memory_space<vmem>>, vector<1x16xf32>,
        %parallel_loop3A_441 = vector.shape_cast %parallel_loop3A_440 : vector<1x16xf32> to vector<16xf32>
        %parallel_loop3A_442 = vector.shape_cast %parallel_loop3A_437 : vector<16xf32> to vector<1x16xf32>
        tpu.vector_store %arg8[%parallel_loop3A_438, %parallel_loop3A_439], %parallel_loop3A_442 {strides = array<i32>} : memref<80x128xf32, #tpu.memory_space<vmem>>, vector<1x16xf32>,
        %parallel_loop3A_443 = arith.index_cast %parallel_loop3A_408 : i32 to index
        %parallel_loop3A_444 = arith.constant 32 : index
        %parallel_loop3A_445 = tpu.vector_load %arg8[%parallel_loop3A_443, %parallel_loop3A_444] {strides = array<i32>} : memref<80x128xf32, #tpu.memory_space<vmem>>, vector<1x16xf32>,
        %parallel_loop3A_446 = vector.shape_cast %parallel_loop3A_445 : vector<1x16xf32> to vector<16xf32>
        %parallel_loop3A_447 = arith.index_cast %parallel_loop3A_408 : i32 to index
        %parallel_loop3A_448 = arith.constant 32 : index
        %parallel_loop3A_449 = tpu.vector_load %arg9[%parallel_loop3A_447, %parallel_loop3A_448] {strides = array<i32>} : memref<80x128xf32, #tpu.memory_space<vmem>>, vector<1x16xf32>,
        %parallel_loop3A_450 = vector.shape_cast %parallel_loop3A_449 : vector<1x16xf32> to vector<16xf32>
        %parallel_loop3A_451 = arith.addf %parallel_loop3A_446, %parallel_loop3A_450 : vector<16xf32>
        %parallel_loop3A_452 = arith.constant 0.000000e+00 : f32
        %parallel_loop3A_453 = vector.broadcast %parallel_loop3A_452 : f32 to vector<16xf32>
        %parallel_loop3A_454 = arith.maximumf %parallel_loop3A_451, %parallel_loop3A_453 : vector<16xf32>
        %parallel_loop3A_455 = arith.index_cast %parallel_loop3A_408 : i32 to index
        %parallel_loop3A_456 = arith.constant 32 : index
        %parallel_loop3A_457 = tpu.vector_load %arg8[%parallel_loop3A_455, %parallel_loop3A_456] {strides = array<i32>} : memref<80x128xf32, #tpu.memory_space<vmem>>, vector<1x16xf32>,
        %parallel_loop3A_458 = vector.shape_cast %parallel_loop3A_457 : vector<1x16xf32> to vector<16xf32>
        %parallel_loop3A_459 = vector.shape_cast %parallel_loop3A_454 : vector<16xf32> to vector<1x16xf32>
        tpu.vector_store %arg8[%parallel_loop3A_455, %parallel_loop3A_456], %parallel_loop3A_459 {strides = array<i32>} : memref<80x128xf32, #tpu.memory_space<vmem>>, vector<1x16xf32>,
        %parallel_loop3A_460 = arith.index_cast %parallel_loop3A_408 : i32 to index
        %parallel_loop3A_461 = arith.constant 48 : index
        %parallel_loop3A_462 = tpu.vector_load %arg8[%parallel_loop3A_460, %parallel_loop3A_461] {strides = array<i32>} : memref<80x128xf32, #tpu.memory_space<vmem>>, vector<1x16xf32>,
        %parallel_loop3A_463 = vector.shape_cast %parallel_loop3A_462 : vector<1x16xf32> to vector<16xf32>
        %parallel_loop3A_464 = arith.index_cast %parallel_loop3A_408 : i32 to index
        %parallel_loop3A_465 = arith.constant 48 : index
        %parallel_loop3A_466 = tpu.vector_load %arg9[%parallel_loop3A_464, %parallel_loop3A_465] {strides = array<i32>} : memref<80x128xf32, #tpu.memory_space<vmem>>, vector<1x16xf32>,
        %parallel_loop3A_467 = vector.shape_cast %parallel_loop3A_466 : vector<1x16xf32> to vector<16xf32>
        %parallel_loop3A_468 = arith.addf %parallel_loop3A_463, %parallel_loop3A_467 : vector<16xf32>
        %parallel_loop3A_469 = arith.constant 0.000000e+00 : f32
        %parallel_loop3A_470 = vector.broadcast %parallel_loop3A_469 : f32 to vector<16xf32>
        %parallel_loop3A_471 = arith.maximumf %parallel_loop3A_468, %parallel_loop3A_470 : vector<16xf32>
        %parallel_loop3A_472 = arith.index_cast %parallel_loop3A_408 : i32 to index
        %parallel_loop3A_473 = arith.constant 48 : index
        %parallel_loop3A_474 = tpu.vector_load %arg8[%parallel_loop3A_472, %parallel_loop3A_473] {strides = array<i32>} : memref<80x128xf32, #tpu.memory_space<vmem>>, vector<1x16xf32>,
        %parallel_loop3A_475 = vector.shape_cast %parallel_loop3A_474 : vector<1x16xf32> to vector<16xf32>
        %parallel_loop3A_476 = vector.shape_cast %parallel_loop3A_471 : vector<16xf32> to vector<1x16xf32>
        tpu.vector_store %arg8[%parallel_loop3A_472, %parallel_loop3A_473], %parallel_loop3A_476 {strides = array<i32>} : memref<80x128xf32, #tpu.memory_space<vmem>>, vector<1x16xf32>,
        %parallel_loop3A_477 = arith.index_cast %parallel_loop3A_408 : i32 to index
        %parallel_loop3A_478 = arith.constant 64 : index
        %parallel_loop3A_479 = tpu.vector_load %arg8[%parallel_loop3A_477, %parallel_loop3A_478] {strides = array<i32>} : memref<80x128xf32, #tpu.memory_space<vmem>>, vector<1x16xf32>,
        %parallel_loop3A_480 = vector.shape_cast %parallel_loop3A_479 : vector<1x16xf32> to vector<16xf32>
        %parallel_loop3A_481 = arith.index_cast %parallel_loop3A_408 : i32 to index
        %parallel_loop3A_482 = arith.constant 64 : index
        %parallel_loop3A_483 = tpu.vector_load %arg9[%parallel_loop3A_481, %parallel_loop3A_482] {strides = array<i32>} : memref<80x128xf32, #tpu.memory_space<vmem>>, vector<1x16xf32>,
        %parallel_loop3A_484 = vector.shape_cast %parallel_loop3A_483 : vector<1x16xf32> to vector<16xf32>
        %parallel_loop3A_485 = arith.addf %parallel_loop3A_480, %parallel_loop3A_484 : vector<16xf32>
        %parallel_loop3A_486 = arith.constant 0.000000e+00 : f32
        %parallel_loop3A_487 = vector.broadcast %parallel_loop3A_486 : f32 to vector<16xf32>
        %parallel_loop3A_488 = arith.maximumf %parallel_loop3A_485, %parallel_loop3A_487 : vector<16xf32>
        %parallel_loop3A_489 = arith.index_cast %parallel_loop3A_408 : i32 to index
        %parallel_loop3A_490 = arith.constant 64 : index
        %parallel_loop3A_491 = tpu.vector_load %arg8[%parallel_loop3A_489, %parallel_loop3A_490] {strides = array<i32>} : memref<80x128xf32, #tpu.memory_space<vmem>>, vector<1x16xf32>,
        %parallel_loop3A_492 = vector.shape_cast %parallel_loop3A_491 : vector<1x16xf32> to vector<16xf32>
        %parallel_loop3A_493 = vector.shape_cast %parallel_loop3A_488 : vector<16xf32> to vector<1x16xf32>
        tpu.vector_store %arg8[%parallel_loop3A_489, %parallel_loop3A_490], %parallel_loop3A_493 {strides = array<i32>} : memref<80x128xf32, #tpu.memory_space<vmem>>, vector<1x16xf32>,
        %parallel_loop3A_494 = arith.index_cast %parallel_loop3A_408 : i32 to index
        %parallel_loop3A_495 = arith.constant 80 : index
        %parallel_loop3A_496 = tpu.vector_load %arg8[%parallel_loop3A_494, %parallel_loop3A_495] {strides = array<i32>} : memref<80x128xf32, #tpu.memory_space<vmem>>, vector<1x16xf32>,
        %parallel_loop3A_497 = vector.shape_cast %parallel_loop3A_496 : vector<1x16xf32> to vector<16xf32>
        %parallel_loop3A_498 = arith.index_cast %parallel_loop3A_408 : i32 to index
        %parallel_loop3A_499 = arith.constant 80 : index
        %parallel_loop3A_500 = tpu.vector_load %arg9[%parallel_loop3A_498, %parallel_loop3A_499] {strides = array<i32>} : memref<80x128xf32, #tpu.memory_space<vmem>>, vector<1x16xf32>,
        %parallel_loop3A_501 = vector.shape_cast %parallel_loop3A_500 : vector<1x16xf32> to vector<16xf32>
        %parallel_loop3A_502 = arith.addf %parallel_loop3A_497, %parallel_loop3A_501 : vector<16xf32>
        %parallel_loop3A_503 = arith.constant 0.000000e+00 : f32
        %parallel_loop3A_504 = vector.broadcast %parallel_loop3A_503 : f32 to vector<16xf32>
        %parallel_loop3A_505 = arith.maximumf %parallel_loop3A_502, %parallel_loop3A_504 : vector<16xf32>
        %parallel_loop3A_506 = arith.index_cast %parallel_loop3A_408 : i32 to index
        %parallel_loop3A_507 = arith.constant 80 : index
        %parallel_loop3A_508 = tpu.vector_load %arg8[%parallel_loop3A_506, %parallel_loop3A_507] {strides = array<i32>} : memref<80x128xf32, #tpu.memory_space<vmem>>, vector<1x16xf32>,
        %parallel_loop3A_509 = vector.shape_cast %parallel_loop3A_508 : vector<1x16xf32> to vector<16xf32>
        %parallel_loop3A_510 = vector.shape_cast %parallel_loop3A_505 : vector<16xf32> to vector<1x16xf32>
        tpu.vector_store %arg8[%parallel_loop3A_506, %parallel_loop3A_507], %parallel_loop3A_510 {strides = array<i32>} : memref<80x128xf32, #tpu.memory_space<vmem>>, vector<1x16xf32>,
        %parallel_loop3A_511 = arith.index_cast %parallel_loop3A_408 : i32 to index
        %parallel_loop3A_512 = arith.constant 96 : index
        %parallel_loop3A_513 = tpu.vector_load %arg8[%parallel_loop3A_511, %parallel_loop3A_512] {strides = array<i32>} : memref<80x128xf32, #tpu.memory_space<vmem>>, vector<1x16xf32>,
        %parallel_loop3A_514 = vector.shape_cast %parallel_loop3A_513 : vector<1x16xf32> to vector<16xf32>
        %parallel_loop3A_515 = arith.index_cast %parallel_loop3A_408 : i32 to index
        %parallel_loop3A_516 = arith.constant 96 : index
        %parallel_loop3A_517 = tpu.vector_load %arg9[%parallel_loop3A_515, %parallel_loop3A_516] {strides = array<i32>} : memref<80x128xf32, #tpu.memory_space<vmem>>, vector<1x16xf32>,
        %parallel_loop3A_518 = vector.shape_cast %parallel_loop3A_517 : vector<1x16xf32> to vector<16xf32>
        %parallel_loop3A_519 = arith.addf %parallel_loop3A_514, %parallel_loop3A_518 : vector<16xf32>
        %parallel_loop3A_520 = arith.constant 0.000000e+00 : f32
        %parallel_loop3A_521 = vector.broadcast %parallel_loop3A_520 : f32 to vector<16xf32>
        %parallel_loop3A_522 = arith.maximumf %parallel_loop3A_519, %parallel_loop3A_521 : vector<16xf32>
        %parallel_loop3A_523 = arith.index_cast %parallel_loop3A_408 : i32 to index
        %parallel_loop3A_524 = arith.constant 96 : index
        %parallel_loop3A_525 = tpu.vector_load %arg8[%parallel_loop3A_523, %parallel_loop3A_524] {strides = array<i32>} : memref<80x128xf32, #tpu.memory_space<vmem>>, vector<1x16xf32>,
        %parallel_loop3A_526 = vector.shape_cast %parallel_loop3A_525 : vector<1x16xf32> to vector<16xf32>
        %parallel_loop3A_527 = vector.shape_cast %parallel_loop3A_522 : vector<16xf32> to vector<1x16xf32>
        tpu.vector_store %arg8[%parallel_loop3A_523, %parallel_loop3A_524], %parallel_loop3A_527 {strides = array<i32>} : memref<80x128xf32, #tpu.memory_space<vmem>>, vector<1x16xf32>,
        %parallel_loop3A_528 = arith.index_cast %parallel_loop3A_408 : i32 to index
        %parallel_loop3A_529 = arith.constant 112 : index
        %parallel_loop3A_530 = tpu.vector_load %arg8[%parallel_loop3A_528, %parallel_loop3A_529] {strides = array<i32>} : memref<80x128xf32, #tpu.memory_space<vmem>>, vector<1x16xf32>,
        %parallel_loop3A_531 = vector.shape_cast %parallel_loop3A_530 : vector<1x16xf32> to vector<16xf32>
        %parallel_loop3A_532 = arith.index_cast %parallel_loop3A_408 : i32 to index
        %parallel_loop3A_533 = arith.constant 112 : index
        %parallel_loop3A_534 = tpu.vector_load %arg9[%parallel_loop3A_532, %parallel_loop3A_533] {strides = array<i32>} : memref<80x128xf32, #tpu.memory_space<vmem>>, vector<1x16xf32>,
        %parallel_loop3A_535 = vector.shape_cast %parallel_loop3A_534 : vector<1x16xf32> to vector<16xf32>
        %parallel_loop3A_536 = arith.addf %parallel_loop3A_531, %parallel_loop3A_535 : vector<16xf32>
        %parallel_loop3A_537 = arith.constant 0.000000e+00 : f32
        %parallel_loop3A_538 = vector.broadcast %parallel_loop3A_537 : f32 to vector<16xf32>
        %parallel_loop3A_539 = arith.maximumf %parallel_loop3A_536, %parallel_loop3A_538 : vector<16xf32>
        %parallel_loop3A_540 = arith.index_cast %parallel_loop3A_408 : i32 to index
        %parallel_loop3A_541 = arith.constant 112 : index
        %parallel_loop3A_542 = tpu.vector_load %arg8[%parallel_loop3A_540, %parallel_loop3A_541] {strides = array<i32>} : memref<80x128xf32, #tpu.memory_space<vmem>>, vector<1x16xf32>,
        %parallel_loop3A_543 = vector.shape_cast %parallel_loop3A_542 : vector<1x16xf32> to vector<16xf32>
        %parallel_loop3A_544 = vector.shape_cast %parallel_loop3A_539 : vector<16xf32> to vector<1x16xf32>
        tpu.vector_store %arg8[%parallel_loop3A_540, %parallel_loop3A_541], %parallel_loop3A_544 {strides = array<i32>} : memref<80x128xf32, #tpu.memory_space<vmem>>, vector<1x16xf32>,
      } {sc.loop_unroll_factor = 4 : i64, sc.parallel_access}
      %dma_start3A_355 = arith.constant 0 : i32
      %dma_start3A_356 = arith.constant 0 : i32
      %dma_start3A_357 = tpu.memref_slice %arg22[%dma_start3A_355, %dma_start3A_356] : memref<10000x128xf32, #tpu.memory_space<vmem_shared>> -> memref<10000x128xf32, #tpu.memory_space<vmem_shared>>
      tpu.enqueue_indirect_dma source(%arg8 : memref<80x128xf32, #tpu.memory_space<vmem>>) target(%dma_start3A_357 : memref<10000x128xf32, #tpu.memory_space<vmem_shared>>) offsets(%arg18 : memref<80xi32, #tpu.memory_space<vmem>>) semaphore(%arg26 : memref<!tpu.dma_semaphore, #tpu.memory_space<semaphore_mem>>) {add = true}
      %add3A_358 = arith.constant 2 : i32
      %add3A_359 = arith.addi %add3A_345, %add3A_358 : i32
      %lt3A_360 = arith.constant 125 : i32
      %lt3A_361 = arith.cmpi slt, %add3A_359, %lt3A_360 : i32
      %convert_element_type3A_362 = arith.extui %lt3A_361 : i1 to i32
      %cond3A_363 = arith.constant 0 : i32
      %cond3A_364 = arith.cmpi ne, %convert_element_type3A_362, %cond3A_363 : i32
      scf.if %cond3A_364 {
        %add3A_408 = arith.constant 2 : i32
        %add3A_409 = arith.addi %add3A_345, %add3A_408 : i32
        %mul3A_410 = arith.constant 80 : i32
        %mul3A_411 = arith.muli %add3A_409, %mul3A_410 : i32
        %add3A_412 = arith.addi %mul3A_3, %mul3A_411 : i32
        %dma_wait3A_413 = tpu.memref_slice %arg3[%add3A_412] : memref<160000xi32, #tpu.memory_space<hbm>> -> memref<80xi32, #tpu.memory_space<hbm>>
        %dma_wait3A_414 = tpu.memref_slice %arg3[%add3A_412] : memref<160000xi32, #tpu.memory_space<hbm>> -> memref<80xi32, #tpu.memory_space<hbm>>
        tpu.wait_dma2 semaphore(%arg30 : memref<!tpu.dma_semaphore, #tpu.memory_space<semaphore_mem>>) src(%dma_wait3A_414 : memref<80xi32, #tpu.memory_space<hbm>>) dst(%arg19 : memref<80xi32, #tpu.memory_space<vmem>>)
        %mul3A_415 = arith.constant 80 : i32
        %mul3A_416 = arith.muli %add3A_409, %mul3A_415 : i32
        %add3A_417 = arith.addi %mul3A_3, %mul3A_416 : i32
        %dma_wait3A_418 = tpu.memref_slice %arg4[%add3A_417] : memref<160000xi32, #tpu.memory_space<hbm>> -> memref<80xi32, #tpu.memory_space<hbm>>
        %dma_wait3A_419 = tpu.memref_slice %arg4[%add3A_417] : memref<160000xi32, #tpu.memory_space<hbm>> -> memref<80xi32, #tpu.memory_space<hbm>>
        tpu.wait_dma2 semaphore(%arg30 : memref<!tpu.dma_semaphore, #tpu.memory_space<semaphore_mem>>) src(%dma_wait3A_419 : memref<80xi32, #tpu.memory_space<hbm>>) dst(%arg21 : memref<80xi32, #tpu.memory_space<vmem>>)
        %get3A_420 = arith.constant 0 : index
        %get3A_421 = tpu.vector_load %arg19[%get3A_420] {strides = array<i32>} : memref<80xi32, #tpu.memory_space<vmem>>, vector<16xi32>,
        %get3A_422 = vector.shape_cast %get3A_421 : vector<16xi32> to vector<16xi32>
        %add3A_423 = vector.broadcast %mul3A_1 : i32 to vector<16xi32>
        %add3A_424 = arith.addi %get3A_422, %add3A_423 : vector<16xi32>
        %swap3A_425 = arith.constant 0 : index
        %swap3A_426 = tpu.vector_load %arg19[%swap3A_425] {strides = array<i32>} : memref<80xi32, #tpu.memory_space<vmem>>, vector<16xi32>,
        %swap3A_427 = vector.shape_cast %swap3A_426 : vector<16xi32> to vector<16xi32>
        %swap3A_428 = vector.shape_cast %add3A_424 : vector<16xi32> to vector<16xi32>
        tpu.vector_store %arg19[%swap3A_425], %swap3A_428 {strides = array<i32>} : memref<80xi32, #tpu.memory_space<vmem>>, vector<16xi32>,
        %get3A_429 = arith.constant 0 : index
        %get3A_430 = tpu.vector_load %arg21[%get3A_429] {strides = array<i32>} : memref<80xi32, #tpu.memory_space<vmem>>, vector<16xi32>,
        %get3A_431 = vector.shape_cast %get3A_430 : vector<16xi32> to vector<16xi32>
        %add3A_432 = arith.constant 10000 : i32
        %add3A_433 = arith.addi %mul3A_1, %add3A_432 : i32
        %add3A_434 = vector.broadcast %add3A_433 : i32 to vector<16xi32>
        %add3A_435 = arith.addi %get3A_431, %add3A_434 : vector<16xi32>
        %swap3A_436 = arith.constant 0 : index
        %swap3A_437 = tpu.vector_load %arg20[%swap3A_436] {strides = array<i32>} : memref<80xi32, #tpu.memory_space<vmem>>, vector<16xi32>,
        %swap3A_438 = vector.shape_cast %swap3A_437 : vector<16xi32> to vector<16xi32>
        %swap3A_439 = vector.shape_cast %add3A_435 : vector<16xi32> to vector<16xi32>
        tpu.vector_store %arg20[%swap3A_436], %swap3A_439 {strides = array<i32>} : memref<80xi32, #tpu.memory_space<vmem>>, vector<16xi32>,
        %get3A_440 = arith.constant 16 : index
        %get3A_441 = tpu.vector_load %arg19[%get3A_440] {strides = array<i32>} : memref<80xi32, #tpu.memory_space<vmem>>, vector<16xi32>,
        %get3A_442 = vector.shape_cast %get3A_441 : vector<16xi32> to vector<16xi32>
        %add3A_443 = vector.broadcast %mul3A_1 : i32 to vector<16xi32>
        %add3A_444 = arith.addi %get3A_442, %add3A_443 : vector<16xi32>
        %swap3A_445 = arith.constant 16 : index
        %swap3A_446 = tpu.vector_load %arg19[%swap3A_445] {strides = array<i32>} : memref<80xi32, #tpu.memory_space<vmem>>, vector<16xi32>,
        %swap3A_447 = vector.shape_cast %swap3A_446 : vector<16xi32> to vector<16xi32>
        %swap3A_448 = vector.shape_cast %add3A_444 : vector<16xi32> to vector<16xi32>
        tpu.vector_store %arg19[%swap3A_445], %swap3A_448 {strides = array<i32>} : memref<80xi32, #tpu.memory_space<vmem>>, vector<16xi32>,
        %get3A_449 = arith.constant 16 : index
        %get3A_450 = tpu.vector_load %arg21[%get3A_449] {strides = array<i32>} : memref<80xi32, #tpu.memory_space<vmem>>, vector<16xi32>,
        %get3A_451 = vector.shape_cast %get3A_450 : vector<16xi32> to vector<16xi32>
        %add3A_452 = arith.constant 10000 : i32
        %add3A_453 = arith.addi %mul3A_1, %add3A_452 : i32
        %add3A_454 = vector.broadcast %add3A_453 : i32 to vector<16xi32>
        %add3A_455 = arith.addi %get3A_451, %add3A_454 : vector<16xi32>
        %swap3A_456 = arith.constant 16 : index
        %swap3A_457 = tpu.vector_load %arg20[%swap3A_456] {strides = array<i32>} : memref<80xi32, #tpu.memory_space<vmem>>, vector<16xi32>,
        %swap3A_458 = vector.shape_cast %swap3A_457 : vector<16xi32> to vector<16xi32>
        %swap3A_459 = vector.shape_cast %add3A_455 : vector<16xi32> to vector<16xi32>
        tpu.vector_store %arg20[%swap3A_456], %swap3A_459 {strides = array<i32>} : memref<80xi32, #tpu.memory_space<vmem>>, vector<16xi32>,
        %get3A_460 = arith.constant 32 : index
        %get3A_461 = tpu.vector_load %arg19[%get3A_460] {strides = array<i32>} : memref<80xi32, #tpu.memory_space<vmem>>, vector<16xi32>,
        %get3A_462 = vector.shape_cast %get3A_461 : vector<16xi32> to vector<16xi32>
        %add3A_463 = vector.broadcast %mul3A_1 : i32 to vector<16xi32>
        %add3A_464 = arith.addi %get3A_462, %add3A_463 : vector<16xi32>
        %swap3A_465 = arith.constant 32 : index
        %swap3A_466 = tpu.vector_load %arg19[%swap3A_465] {strides = array<i32>} : memref<80xi32, #tpu.memory_space<vmem>>, vector<16xi32>,
        %swap3A_467 = vector.shape_cast %swap3A_466 : vector<16xi32> to vector<16xi32>
        %swap3A_468 = vector.shape_cast %add3A_464 : vector<16xi32> to vector<16xi32>
        tpu.vector_store %arg19[%swap3A_465], %swap3A_468 {strides = array<i32>} : memref<80xi32, #tpu.memory_space<vmem>>, vector<16xi32>,
        %get3A_469 = arith.constant 32 : index
        %get3A_470 = tpu.vector_load %arg21[%get3A_469] {strides = array<i32>} : memref<80xi32, #tpu.memory_space<vmem>>, vector<16xi32>,
        %get3A_471 = vector.shape_cast %get3A_470 : vector<16xi32> to vector<16xi32>
        %add3A_472 = arith.constant 10000 : i32
        %add3A_473 = arith.addi %mul3A_1, %add3A_472 : i32
        %add3A_474 = vector.broadcast %add3A_473 : i32 to vector<16xi32>
        %add3A_475 = arith.addi %get3A_471, %add3A_474 : vector<16xi32>
        %swap3A_476 = arith.constant 32 : index
        %swap3A_477 = tpu.vector_load %arg20[%swap3A_476] {strides = array<i32>} : memref<80xi32, #tpu.memory_space<vmem>>, vector<16xi32>,
        %swap3A_478 = vector.shape_cast %swap3A_477 : vector<16xi32> to vector<16xi32>
        %swap3A_479 = vector.shape_cast %add3A_475 : vector<16xi32> to vector<16xi32>
        tpu.vector_store %arg20[%swap3A_476], %swap3A_479 {strides = array<i32>} : memref<80xi32, #tpu.memory_space<vmem>>, vector<16xi32>,
        %get3A_480 = arith.constant 48 : index
        %get3A_481 = tpu.vector_load %arg19[%get3A_480] {strides = array<i32>} : memref<80xi32, #tpu.memory_space<vmem>>, vector<16xi32>,
        %get3A_482 = vector.shape_cast %get3A_481 : vector<16xi32> to vector<16xi32>
        %add3A_483 = vector.broadcast %mul3A_1 : i32 to vector<16xi32>
        %add3A_484 = arith.addi %get3A_482, %add3A_483 : vector<16xi32>
        %swap3A_485 = arith.constant 48 : index
        %swap3A_486 = tpu.vector_load %arg19[%swap3A_485] {strides = array<i32>} : memref<80xi32, #tpu.memory_space<vmem>>, vector<16xi32>,
        %swap3A_487 = vector.shape_cast %swap3A_486 : vector<16xi32> to vector<16xi32>
        %swap3A_488 = vector.shape_cast %add3A_484 : vector<16xi32> to vector<16xi32>
        tpu.vector_store %arg19[%swap3A_485], %swap3A_488 {strides = array<i32>} : memref<80xi32, #tpu.memory_space<vmem>>, vector<16xi32>,
        %get3A_489 = arith.constant 48 : index
        %get3A_490 = tpu.vector_load %arg21[%get3A_489] {strides = array<i32>} : memref<80xi32, #tpu.memory_space<vmem>>, vector<16xi32>,
        %get3A_491 = vector.shape_cast %get3A_490 : vector<16xi32> to vector<16xi32>
        %add3A_492 = arith.constant 10000 : i32
        %add3A_493 = arith.addi %mul3A_1, %add3A_492 : i32
        %add3A_494 = vector.broadcast %add3A_493 : i32 to vector<16xi32>
        %add3A_495 = arith.addi %get3A_491, %add3A_494 : vector<16xi32>
        %swap3A_496 = arith.constant 48 : index
        %swap3A_497 = tpu.vector_load %arg20[%swap3A_496] {strides = array<i32>} : memref<80xi32, #tpu.memory_space<vmem>>, vector<16xi32>,
        %swap3A_498 = vector.shape_cast %swap3A_497 : vector<16xi32> to vector<16xi32>
        %swap3A_499 = vector.shape_cast %add3A_495 : vector<16xi32> to vector<16xi32>
        tpu.vector_store %arg20[%swap3A_496], %swap3A_499 {strides = array<i32>} : memref<80xi32, #tpu.memory_space<vmem>>, vector<16xi32>,
        %get3A_500 = arith.constant 64 : index
        %get3A_501 = tpu.vector_load %arg19[%get3A_500] {strides = array<i32>} : memref<80xi32, #tpu.memory_space<vmem>>, vector<16xi32>,
        %get3A_502 = vector.shape_cast %get3A_501 : vector<16xi32> to vector<16xi32>
        %add3A_503 = vector.broadcast %mul3A_1 : i32 to vector<16xi32>
        %add3A_504 = arith.addi %get3A_502, %add3A_503 : vector<16xi32>
        %swap3A_505 = arith.constant 64 : index
        %swap3A_506 = tpu.vector_load %arg19[%swap3A_505] {strides = array<i32>} : memref<80xi32, #tpu.memory_space<vmem>>, vector<16xi32>,
        %swap3A_507 = vector.shape_cast %swap3A_506 : vector<16xi32> to vector<16xi32>
        %swap3A_508 = vector.shape_cast %add3A_504 : vector<16xi32> to vector<16xi32>
        tpu.vector_store %arg19[%swap3A_505], %swap3A_508 {strides = array<i32>} : memref<80xi32, #tpu.memory_space<vmem>>, vector<16xi32>,
        %get3A_509 = arith.constant 64 : index
        %get3A_510 = tpu.vector_load %arg21[%get3A_509] {strides = array<i32>} : memref<80xi32, #tpu.memory_space<vmem>>, vector<16xi32>,
        %get3A_511 = vector.shape_cast %get3A_510 : vector<16xi32> to vector<16xi32>
        %add3A_512 = arith.constant 10000 : i32
        %add3A_513 = arith.addi %mul3A_1, %add3A_512 : i32
        %add3A_514 = vector.broadcast %add3A_513 : i32 to vector<16xi32>
        %add3A_515 = arith.addi %get3A_511, %add3A_514 : vector<16xi32>
        %swap3A_516 = arith.constant 64 : index
        %swap3A_517 = tpu.vector_load %arg20[%swap3A_516] {strides = array<i32>} : memref<80xi32, #tpu.memory_space<vmem>>, vector<16xi32>,
        %swap3A_518 = vector.shape_cast %swap3A_517 : vector<16xi32> to vector<16xi32>
        %swap3A_519 = vector.shape_cast %add3A_515 : vector<16xi32> to vector<16xi32>
        tpu.vector_store %arg20[%swap3A_516], %swap3A_519 {strides = array<i32>} : memref<80xi32, #tpu.memory_space<vmem>>, vector<16xi32>,
        %dma_start3A_520 = arith.constant 0 : i32
        %dma_start3A_521 = arith.constant 0 : i32
        %dma_start3A_522 = tpu.memref_slice %arg2[%dma_start3A_520, %dma_start3A_521] : memref<40000x128xf32, #tpu.memory_space<hbm>> -> memref<40000x128xf32, #tpu.memory_space<hbm>>
        tpu.enqueue_indirect_dma source(%dma_start3A_522 : memref<40000x128xf32, #tpu.memory_space<hbm>>) target(%arg9 : memref<80x128xf32, #tpu.memory_space<vmem>>) offsets(%arg20 : memref<80xi32, #tpu.memory_space<vmem>>) semaphore(%arg24 : memref<!tpu.dma_semaphore, #tpu.memory_space<semaphore_mem>>)
        %dma_wait3A_523 = arith.constant 0 : i32
        %dma_wait3A_524 = arith.constant 0 : i32
        %dma_wait3A_525 = tpu.memref_slice %arg22[%dma_wait3A_523, %dma_wait3A_524] : memref<10000x128xf32, #tpu.memory_space<vmem_shared>> -> memref<10000x128xf32, #tpu.memory_space<vmem_shared>>
        tpu.wait_indirect_dma semaphore(%arg26 : memref<!tpu.dma_semaphore, #tpu.memory_space<semaphore_mem>>) src(%arg8 : memref<80x128xf32, #tpu.memory_space<vmem>>) dst(%dma_wait3A_525 : memref<10000x128xf32, #tpu.memory_space<vmem_shared>>)
        %dma_start3A_526 = arith.constant 0 : i32
        %dma_start3A_527 = arith.constant 0 : i32
        %dma_start3A_528 = tpu.memref_slice %arg2[%dma_start3A_526, %dma_start3A_527] : memref<40000x128xf32, #tpu.memory_space<hbm>> -> memref<40000x128xf32, #tpu.memory_space<hbm>>
        tpu.enqueue_indirect_dma source(%dma_start3A_528 : memref<40000x128xf32, #tpu.memory_space<hbm>>) target(%arg8 : memref<80x128xf32, #tpu.memory_space<vmem>>) offsets(%arg19 : memref<80xi32, #tpu.memory_space<vmem>>) semaphore(%arg24 : memref<!tpu.dma_semaphore, #tpu.memory_space<semaphore_mem>>)
        %add3A_529 = arith.constant 4 : i32
        %add3A_530 = arith.addi %add3A_345, %add3A_529 : i32
        %lt3A_531 = arith.constant 125 : i32
        %lt3A_532 = arith.cmpi slt, %add3A_530, %lt3A_531 : i32
        %convert_element_type3A_533 = arith.extui %lt3A_532 : i1 to i32
        %cond3A_534 = arith.constant 0 : i32
        %cond3A_535 = arith.cmpi ne, %convert_element_type3A_533, %cond3A_534 : i32
        scf.if %cond3A_535 {
          %add3A_536 = arith.constant 4 : i32
          %add3A_537 = arith.addi %add3A_345, %add3A_536 : i32
          %mul3A_538 = arith.constant 80 : i32
          %mul3A_539 = arith.muli %add3A_537, %mul3A_538 : i32
          %add3A_540 = arith.addi %mul3A_3, %mul3A_539 : i32
          %dma_start3A_541 = tpu.memref_slice %arg3[%add3A_540] : memref<160000xi32, #tpu.memory_space<hbm>> -> memref<80xi32, #tpu.memory_space<hbm>>
          %dma_start3A_542 = tpu.memref_slice %arg3[%add3A_540] : memref<160000xi32, #tpu.memory_space<hbm>> -> memref<80xi32, #tpu.memory_space<hbm>>
          tpu.enqueue_dma source(%dma_start3A_542 : memref<80xi32, #tpu.memory_space<hbm>>) target(%arg16 : memref<80xi32, #tpu.memory_space<vmem>>) target_semaphore(%arg29 : memref<!tpu.dma_semaphore, #tpu.memory_space<semaphore_mem>>)
          %mul3A_543 = arith.constant 80 : i32
          %mul3A_544 = arith.muli %add3A_537, %mul3A_543 : i32
          %add3A_545 = arith.addi %mul3A_3, %mul3A_544 : i32
          %dma_start3A_546 = tpu.memref_slice %arg4[%add3A_545] : memref<160000xi32, #tpu.memory_space<hbm>> -> memref<80xi32, #tpu.memory_space<hbm>>
          %dma_start3A_547 = tpu.memref_slice %arg4[%add3A_545] : memref<160000xi32, #tpu.memory_space<hbm>> -> memref<80xi32, #tpu.memory_space<hbm>>
          tpu.enqueue_dma source(%dma_start3A_547 : memref<80xi32, #tpu.memory_space<hbm>>) target(%arg18 : memref<80xi32, #tpu.memory_space<vmem>>) target_semaphore(%arg29 : memref<!tpu.dma_semaphore, #tpu.memory_space<semaphore_mem>>)
        } else {
        }
      } else {
      }
      %add3A_365 = arith.constant 2 : i32
      %add3A_366 = arith.addi %mul3A_327, %add3A_365 : i32
      %dma_wait3A_367 = arith.constant 0 : i32
      %dma_wait3A_368 = arith.constant 0 : i32
      %dma_wait3A_369 = tpu.memref_slice %arg2[%dma_wait3A_367, %dma_wait3A_368] : memref<40000x128xf32, #tpu.memory_space<hbm>> -> memref<40000x128xf32, #tpu.memory_space<hbm>>
      tpu.wait_indirect_dma semaphore(%arg23 : memref<!tpu.dma_semaphore, #tpu.memory_space<semaphore_mem>>) src(%dma_wait3A_369 : memref<40000x128xf32, #tpu.memory_space<hbm>>) dst(%arg6 : memref<80x128xf32, #tpu.memory_space<vmem>>)
      %dma_wait3A_370 = arith.constant 0 : i32
      %dma_wait3A_371 = arith.constant 0 : i32
      %dma_wait3A_372 = tpu.memref_slice %arg2[%dma_wait3A_370, %dma_wait3A_371] : memref<40000x128xf32, #tpu.memory_space<hbm>> -> memref<40000x128xf32, #tpu.memory_space<hbm>>
      tpu.wait_indirect_dma semaphore(%arg23 : memref<!tpu.dma_semaphore, #tpu.memory_space<semaphore_mem>>) src(%dma_wait3A_372 : memref<40000x128xf32, #tpu.memory_space<hbm>>) dst(%arg7 : memref<80x128xf32, #tpu.memory_space<vmem>>)
      %parallel_loop3A_373 = arith.constant 0 : i32
      %parallel_loop3A_374 = arith.constant 80 : i32
      %parallel_loop3A_375 = arith.constant 1 : i32
      scf.for %parallel_loop3A_408 = %parallel_loop3A_373 to %parallel_loop3A_374 step %parallel_loop3A_375  : i32 {
        %parallel_loop3A_409 = arith.index_cast %parallel_loop3A_408 : i32 to index
        %parallel_loop3A_410 = arith.constant 0 : index
        %parallel_loop3A_411 = tpu.vector_load %arg6[%parallel_loop3A_409, %parallel_loop3A_410] {strides = array<i32>} : memref<80x128xf32, #tpu.memory_space<vmem>>, vector<1x16xf32>,
        %parallel_loop3A_412 = vector.shape_cast %parallel_loop3A_411 : vector<1x16xf32> to vector<16xf32>
        %parallel_loop3A_413 = arith.index_cast %parallel_loop3A_408 : i32 to index
        %parallel_loop3A_414 = arith.constant 0 : index
        %parallel_loop3A_415 = tpu.vector_load %arg7[%parallel_loop3A_413, %parallel_loop3A_414] {strides = array<i32>} : memref<80x128xf32, #tpu.memory_space<vmem>>, vector<1x16xf32>,
        %parallel_loop3A_416 = vector.shape_cast %parallel_loop3A_415 : vector<1x16xf32> to vector<16xf32>
        %parallel_loop3A_417 = arith.addf %parallel_loop3A_412, %parallel_loop3A_416 : vector<16xf32>
        %parallel_loop3A_418 = arith.constant 0.000000e+00 : f32
        %parallel_loop3A_419 = vector.broadcast %parallel_loop3A_418 : f32 to vector<16xf32>
        %parallel_loop3A_420 = arith.maximumf %parallel_loop3A_417, %parallel_loop3A_419 : vector<16xf32>
        %parallel_loop3A_421 = arith.index_cast %parallel_loop3A_408 : i32 to index
        %parallel_loop3A_422 = arith.constant 0 : index
        %parallel_loop3A_423 = tpu.vector_load %arg6[%parallel_loop3A_421, %parallel_loop3A_422] {strides = array<i32>} : memref<80x128xf32, #tpu.memory_space<vmem>>, vector<1x16xf32>,
        %parallel_loop3A_424 = vector.shape_cast %parallel_loop3A_423 : vector<1x16xf32> to vector<16xf32>
        %parallel_loop3A_425 = vector.shape_cast %parallel_loop3A_420 : vector<16xf32> to vector<1x16xf32>
        tpu.vector_store %arg6[%parallel_loop3A_421, %parallel_loop3A_422], %parallel_loop3A_425 {strides = array<i32>} : memref<80x128xf32, #tpu.memory_space<vmem>>, vector<1x16xf32>,
        %parallel_loop3A_426 = arith.index_cast %parallel_loop3A_408 : i32 to index
        %parallel_loop3A_427 = arith.constant 16 : index
        %parallel_loop3A_428 = tpu.vector_load %arg6[%parallel_loop3A_426, %parallel_loop3A_427] {strides = array<i32>} : memref<80x128xf32, #tpu.memory_space<vmem>>, vector<1x16xf32>,
        %parallel_loop3A_429 = vector.shape_cast %parallel_loop3A_428 : vector<1x16xf32> to vector<16xf32>
        %parallel_loop3A_430 = arith.index_cast %parallel_loop3A_408 : i32 to index
        %parallel_loop3A_431 = arith.constant 16 : index
        %parallel_loop3A_432 = tpu.vector_load %arg7[%parallel_loop3A_430, %parallel_loop3A_431] {strides = array<i32>} : memref<80x128xf32, #tpu.memory_space<vmem>>, vector<1x16xf32>,
        %parallel_loop3A_433 = vector.shape_cast %parallel_loop3A_432 : vector<1x16xf32> to vector<16xf32>
        %parallel_loop3A_434 = arith.addf %parallel_loop3A_429, %parallel_loop3A_433 : vector<16xf32>
        %parallel_loop3A_435 = arith.constant 0.000000e+00 : f32
        %parallel_loop3A_436 = vector.broadcast %parallel_loop3A_435 : f32 to vector<16xf32>
        %parallel_loop3A_437 = arith.maximumf %parallel_loop3A_434, %parallel_loop3A_436 : vector<16xf32>
        %parallel_loop3A_438 = arith.index_cast %parallel_loop3A_408 : i32 to index
        %parallel_loop3A_439 = arith.constant 16 : index
        %parallel_loop3A_440 = tpu.vector_load %arg6[%parallel_loop3A_438, %parallel_loop3A_439] {strides = array<i32>} : memref<80x128xf32, #tpu.memory_space<vmem>>, vector<1x16xf32>,
        %parallel_loop3A_441 = vector.shape_cast %parallel_loop3A_440 : vector<1x16xf32> to vector<16xf32>
        %parallel_loop3A_442 = vector.shape_cast %parallel_loop3A_437 : vector<16xf32> to vector<1x16xf32>
        tpu.vector_store %arg6[%parallel_loop3A_438, %parallel_loop3A_439], %parallel_loop3A_442 {strides = array<i32>} : memref<80x128xf32, #tpu.memory_space<vmem>>, vector<1x16xf32>,
        %parallel_loop3A_443 = arith.index_cast %parallel_loop3A_408 : i32 to index
        %parallel_loop3A_444 = arith.constant 32 : index
        %parallel_loop3A_445 = tpu.vector_load %arg6[%parallel_loop3A_443, %parallel_loop3A_444] {strides = array<i32>} : memref<80x128xf32, #tpu.memory_space<vmem>>, vector<1x16xf32>,
        %parallel_loop3A_446 = vector.shape_cast %parallel_loop3A_445 : vector<1x16xf32> to vector<16xf32>
        %parallel_loop3A_447 = arith.index_cast %parallel_loop3A_408 : i32 to index
        %parallel_loop3A_448 = arith.constant 32 : index
        %parallel_loop3A_449 = tpu.vector_load %arg7[%parallel_loop3A_447, %parallel_loop3A_448] {strides = array<i32>} : memref<80x128xf32, #tpu.memory_space<vmem>>, vector<1x16xf32>,
        %parallel_loop3A_450 = vector.shape_cast %parallel_loop3A_449 : vector<1x16xf32> to vector<16xf32>
        %parallel_loop3A_451 = arith.addf %parallel_loop3A_446, %parallel_loop3A_450 : vector<16xf32>
        %parallel_loop3A_452 = arith.constant 0.000000e+00 : f32
        %parallel_loop3A_453 = vector.broadcast %parallel_loop3A_452 : f32 to vector<16xf32>
        %parallel_loop3A_454 = arith.maximumf %parallel_loop3A_451, %parallel_loop3A_453 : vector<16xf32>
        %parallel_loop3A_455 = arith.index_cast %parallel_loop3A_408 : i32 to index
        %parallel_loop3A_456 = arith.constant 32 : index
        %parallel_loop3A_457 = tpu.vector_load %arg6[%parallel_loop3A_455, %parallel_loop3A_456] {strides = array<i32>} : memref<80x128xf32, #tpu.memory_space<vmem>>, vector<1x16xf32>,
        %parallel_loop3A_458 = vector.shape_cast %parallel_loop3A_457 : vector<1x16xf32> to vector<16xf32>
        %parallel_loop3A_459 = vector.shape_cast %parallel_loop3A_454 : vector<16xf32> to vector<1x16xf32>
        tpu.vector_store %arg6[%parallel_loop3A_455, %parallel_loop3A_456], %parallel_loop3A_459 {strides = array<i32>} : memref<80x128xf32, #tpu.memory_space<vmem>>, vector<1x16xf32>,
        %parallel_loop3A_460 = arith.index_cast %parallel_loop3A_408 : i32 to index
        %parallel_loop3A_461 = arith.constant 48 : index
        %parallel_loop3A_462 = tpu.vector_load %arg6[%parallel_loop3A_460, %parallel_loop3A_461] {strides = array<i32>} : memref<80x128xf32, #tpu.memory_space<vmem>>, vector<1x16xf32>,
        %parallel_loop3A_463 = vector.shape_cast %parallel_loop3A_462 : vector<1x16xf32> to vector<16xf32>
        %parallel_loop3A_464 = arith.index_cast %parallel_loop3A_408 : i32 to index
        %parallel_loop3A_465 = arith.constant 48 : index
        %parallel_loop3A_466 = tpu.vector_load %arg7[%parallel_loop3A_464, %parallel_loop3A_465] {strides = array<i32>} : memref<80x128xf32, #tpu.memory_space<vmem>>, vector<1x16xf32>,
        %parallel_loop3A_467 = vector.shape_cast %parallel_loop3A_466 : vector<1x16xf32> to vector<16xf32>
        %parallel_loop3A_468 = arith.addf %parallel_loop3A_463, %parallel_loop3A_467 : vector<16xf32>
        %parallel_loop3A_469 = arith.constant 0.000000e+00 : f32
        %parallel_loop3A_470 = vector.broadcast %parallel_loop3A_469 : f32 to vector<16xf32>
        %parallel_loop3A_471 = arith.maximumf %parallel_loop3A_468, %parallel_loop3A_470 : vector<16xf32>
        %parallel_loop3A_472 = arith.index_cast %parallel_loop3A_408 : i32 to index
        %parallel_loop3A_473 = arith.constant 48 : index
        %parallel_loop3A_474 = tpu.vector_load %arg6[%parallel_loop3A_472, %parallel_loop3A_473] {strides = array<i32>} : memref<80x128xf32, #tpu.memory_space<vmem>>, vector<1x16xf32>,
        %parallel_loop3A_475 = vector.shape_cast %parallel_loop3A_474 : vector<1x16xf32> to vector<16xf32>
        %parallel_loop3A_476 = vector.shape_cast %parallel_loop3A_471 : vector<16xf32> to vector<1x16xf32>
        tpu.vector_store %arg6[%parallel_loop3A_472, %parallel_loop3A_473], %parallel_loop3A_476 {strides = array<i32>} : memref<80x128xf32, #tpu.memory_space<vmem>>, vector<1x16xf32>,
        %parallel_loop3A_477 = arith.index_cast %parallel_loop3A_408 : i32 to index
        %parallel_loop3A_478 = arith.constant 64 : index
        %parallel_loop3A_479 = tpu.vector_load %arg6[%parallel_loop3A_477, %parallel_loop3A_478] {strides = array<i32>} : memref<80x128xf32, #tpu.memory_space<vmem>>, vector<1x16xf32>,
        %parallel_loop3A_480 = vector.shape_cast %parallel_loop3A_479 : vector<1x16xf32> to vector<16xf32>
        %parallel_loop3A_481 = arith.index_cast %parallel_loop3A_408 : i32 to index
        %parallel_loop3A_482 = arith.constant 64 : index
        %parallel_loop3A_483 = tpu.vector_load %arg7[%parallel_loop3A_481, %parallel_loop3A_482] {strides = array<i32>} : memref<80x128xf32, #tpu.memory_space<vmem>>, vector<1x16xf32>,
        %parallel_loop3A_484 = vector.shape_cast %parallel_loop3A_483 : vector<1x16xf32> to vector<16xf32>
        %parallel_loop3A_485 = arith.addf %parallel_loop3A_480, %parallel_loop3A_484 : vector<16xf32>
        %parallel_loop3A_486 = arith.constant 0.000000e+00 : f32
        %parallel_loop3A_487 = vector.broadcast %parallel_loop3A_486 : f32 to vector<16xf32>
        %parallel_loop3A_488 = arith.maximumf %parallel_loop3A_485, %parallel_loop3A_487 : vector<16xf32>
        %parallel_loop3A_489 = arith.index_cast %parallel_loop3A_408 : i32 to index
        %parallel_loop3A_490 = arith.constant 64 : index
        %parallel_loop3A_491 = tpu.vector_load %arg6[%parallel_loop3A_489, %parallel_loop3A_490] {strides = array<i32>} : memref<80x128xf32, #tpu.memory_space<vmem>>, vector<1x16xf32>,
        %parallel_loop3A_492 = vector.shape_cast %parallel_loop3A_491 : vector<1x16xf32> to vector<16xf32>
        %parallel_loop3A_493 = vector.shape_cast %parallel_loop3A_488 : vector<16xf32> to vector<1x16xf32>
        tpu.vector_store %arg6[%parallel_loop3A_489, %parallel_loop3A_490], %parallel_loop3A_493 {strides = array<i32>} : memref<80x128xf32, #tpu.memory_space<vmem>>, vector<1x16xf32>,
        %parallel_loop3A_494 = arith.index_cast %parallel_loop3A_408 : i32 to index
        %parallel_loop3A_495 = arith.constant 80 : index
        %parallel_loop3A_496 = tpu.vector_load %arg6[%parallel_loop3A_494, %parallel_loop3A_495] {strides = array<i32>} : memref<80x128xf32, #tpu.memory_space<vmem>>, vector<1x16xf32>,
        %parallel_loop3A_497 = vector.shape_cast %parallel_loop3A_496 : vector<1x16xf32> to vector<16xf32>
        %parallel_loop3A_498 = arith.index_cast %parallel_loop3A_408 : i32 to index
        %parallel_loop3A_499 = arith.constant 80 : index
        %parallel_loop3A_500 = tpu.vector_load %arg7[%parallel_loop3A_498, %parallel_loop3A_499] {strides = array<i32>} : memref<80x128xf32, #tpu.memory_space<vmem>>, vector<1x16xf32>,
        %parallel_loop3A_501 = vector.shape_cast %parallel_loop3A_500 : vector<1x16xf32> to vector<16xf32>
        %parallel_loop3A_502 = arith.addf %parallel_loop3A_497, %parallel_loop3A_501 : vector<16xf32>
        %parallel_loop3A_503 = arith.constant 0.000000e+00 : f32
        %parallel_loop3A_504 = vector.broadcast %parallel_loop3A_503 : f32 to vector<16xf32>
        %parallel_loop3A_505 = arith.maximumf %parallel_loop3A_502, %parallel_loop3A_504 : vector<16xf32>
        %parallel_loop3A_506 = arith.index_cast %parallel_loop3A_408 : i32 to index
        %parallel_loop3A_507 = arith.constant 80 : index
        %parallel_loop3A_508 = tpu.vector_load %arg6[%parallel_loop3A_506, %parallel_loop3A_507] {strides = array<i32>} : memref<80x128xf32, #tpu.memory_space<vmem>>, vector<1x16xf32>,
        %parallel_loop3A_509 = vector.shape_cast %parallel_loop3A_508 : vector<1x16xf32> to vector<16xf32>
        %parallel_loop3A_510 = vector.shape_cast %parallel_loop3A_505 : vector<16xf32> to vector<1x16xf32>
        tpu.vector_store %arg6[%parallel_loop3A_506, %parallel_loop3A_507], %parallel_loop3A_510 {strides = array<i32>} : memref<80x128xf32, #tpu.memory_space<vmem>>, vector<1x16xf32>,
        %parallel_loop3A_511 = arith.index_cast %parallel_loop3A_408 : i32 to index
        %parallel_loop3A_512 = arith.constant 96 : index
        %parallel_loop3A_513 = tpu.vector_load %arg6[%parallel_loop3A_511, %parallel_loop3A_512] {strides = array<i32>} : memref<80x128xf32, #tpu.memory_space<vmem>>, vector<1x16xf32>,
        %parallel_loop3A_514 = vector.shape_cast %parallel_loop3A_513 : vector<1x16xf32> to vector<16xf32>
        %parallel_loop3A_515 = arith.index_cast %parallel_loop3A_408 : i32 to index
        %parallel_loop3A_516 = arith.constant 96 : index
        %parallel_loop3A_517 = tpu.vector_load %arg7[%parallel_loop3A_515, %parallel_loop3A_516] {strides = array<i32>} : memref<80x128xf32, #tpu.memory_space<vmem>>, vector<1x16xf32>,
        %parallel_loop3A_518 = vector.shape_cast %parallel_loop3A_517 : vector<1x16xf32> to vector<16xf32>
        %parallel_loop3A_519 = arith.addf %parallel_loop3A_514, %parallel_loop3A_518 : vector<16xf32>
        %parallel_loop3A_520 = arith.constant 0.000000e+00 : f32
        %parallel_loop3A_521 = vector.broadcast %parallel_loop3A_520 : f32 to vector<16xf32>
        %parallel_loop3A_522 = arith.maximumf %parallel_loop3A_519, %parallel_loop3A_521 : vector<16xf32>
        %parallel_loop3A_523 = arith.index_cast %parallel_loop3A_408 : i32 to index
        %parallel_loop3A_524 = arith.constant 96 : index
        %parallel_loop3A_525 = tpu.vector_load %arg6[%parallel_loop3A_523, %parallel_loop3A_524] {strides = array<i32>} : memref<80x128xf32, #tpu.memory_space<vmem>>, vector<1x16xf32>,
        %parallel_loop3A_526 = vector.shape_cast %parallel_loop3A_525 : vector<1x16xf32> to vector<16xf32>
        %parallel_loop3A_527 = vector.shape_cast %parallel_loop3A_522 : vector<16xf32> to vector<1x16xf32>
        tpu.vector_store %arg6[%parallel_loop3A_523, %parallel_loop3A_524], %parallel_loop3A_527 {strides = array<i32>} : memref<80x128xf32, #tpu.memory_space<vmem>>, vector<1x16xf32>,
        %parallel_loop3A_528 = arith.index_cast %parallel_loop3A_408 : i32 to index
        %parallel_loop3A_529 = arith.constant 112 : index
        %parallel_loop3A_530 = tpu.vector_load %arg6[%parallel_loop3A_528, %parallel_loop3A_529] {strides = array<i32>} : memref<80x128xf32, #tpu.memory_space<vmem>>, vector<1x16xf32>,
        %parallel_loop3A_531 = vector.shape_cast %parallel_loop3A_530 : vector<1x16xf32> to vector<16xf32>
        %parallel_loop3A_532 = arith.index_cast %parallel_loop3A_408 : i32 to index
        %parallel_loop3A_533 = arith.constant 112 : index
        %parallel_loop3A_534 = tpu.vector_load %arg7[%parallel_loop3A_532, %parallel_loop3A_533] {strides = array<i32>} : memref<80x128xf32, #tpu.memory_space<vmem>>, vector<1x16xf32>,
        %parallel_loop3A_535 = vector.shape_cast %parallel_loop3A_534 : vector<1x16xf32> to vector<16xf32>
        %parallel_loop3A_536 = arith.addf %parallel_loop3A_531, %parallel_loop3A_535 : vector<16xf32>
        %parallel_loop3A_537 = arith.constant 0.000000e+00 : f32
        %parallel_loop3A_538 = vector.broadcast %parallel_loop3A_537 : f32 to vector<16xf32>
        %parallel_loop3A_539 = arith.maximumf %parallel_loop3A_536, %parallel_loop3A_538 : vector<16xf32>
        %parallel_loop3A_540 = arith.index_cast %parallel_loop3A_408 : i32 to index
        %parallel_loop3A_541 = arith.constant 112 : index
        %parallel_loop3A_542 = tpu.vector_load %arg6[%parallel_loop3A_540, %parallel_loop3A_541] {strides = array<i32>} : memref<80x128xf32, #tpu.memory_space<vmem>>, vector<1x16xf32>,
        %parallel_loop3A_543 = vector.shape_cast %parallel_loop3A_542 : vector<1x16xf32> to vector<16xf32>
        %parallel_loop3A_544 = vector.shape_cast %parallel_loop3A_539 : vector<16xf32> to vector<1x16xf32>
        tpu.vector_store %arg6[%parallel_loop3A_540, %parallel_loop3A_541], %parallel_loop3A_544 {strides = array<i32>} : memref<80x128xf32, #tpu.memory_space<vmem>>, vector<1x16xf32>,
      } {sc.loop_unroll_factor = 4 : i64, sc.parallel_access}
      %dma_start3A_376 = arith.constant 0 : i32
      %dma_start3A_377 = arith.constant 0 : i32
      %dma_start3A_378 = tpu.memref_slice %arg22[%dma_start3A_376, %dma_start3A_377] : memref<10000x128xf32, #tpu.memory_space<vmem_shared>> -> memref<10000x128xf32, #tpu.memory_space<vmem_shared>>
      tpu.enqueue_indirect_dma source(%arg6 : memref<80x128xf32, #tpu.memory_space<vmem>>) target(%dma_start3A_378 : memref<10000x128xf32, #tpu.memory_space<vmem_shared>>) offsets(%arg15 : memref<80xi32, #tpu.memory_space<vmem>>) semaphore(%arg25 : memref<!tpu.dma_semaphore, #tpu.memory_space<semaphore_mem>>) {add = true}
      %add3A_379 = arith.constant 2 : i32
      %add3A_380 = arith.addi %add3A_366, %add3A_379 : i32
      %lt3A_381 = arith.constant 125 : i32
      %lt3A_382 = arith.cmpi slt, %add3A_380, %lt3A_381 : i32
      %convert_element_type3A_383 = arith.extui %lt3A_382 : i1 to i32
      %cond3A_384 = arith.constant 0 : i32
      %cond3A_385 = arith.cmpi ne, %convert_element_type3A_383, %cond3A_384 : i32
      scf.if %cond3A_385 {
        %add3A_408 = arith.constant 2 : i32
        %add3A_409 = arith.addi %add3A_366, %add3A_408 : i32
        %mul3A_410 = arith.constant 80 : i32
        %mul3A_411 = arith.muli %add3A_409, %mul3A_410 : i32
        %add3A_412 = arith.addi %mul3A_3, %mul3A_411 : i32
        %dma_wait3A_413 = tpu.memref_slice %arg3[%add3A_412] : memref<160000xi32, #tpu.memory_space<hbm>> -> memref<80xi32, #tpu.memory_space<hbm>>
        %dma_wait3A_414 = tpu.memref_slice %arg3[%add3A_412] : memref<160000xi32, #tpu.memory_space<hbm>> -> memref<80xi32, #tpu.memory_space<hbm>>
        tpu.wait_dma2 semaphore(%arg27 : memref<!tpu.dma_semaphore, #tpu.memory_space<semaphore_mem>>) src(%dma_wait3A_414 : memref<80xi32, #tpu.memory_space<hbm>>) dst(%arg10 : memref<80xi32, #tpu.memory_space<vmem>>)
        %mul3A_415 = arith.constant 80 : i32
        %mul3A_416 = arith.muli %add3A_409, %mul3A_415 : i32
        %add3A_417 = arith.addi %mul3A_3, %mul3A_416 : i32
        %dma_wait3A_418 = tpu.memref_slice %arg4[%add3A_417] : memref<160000xi32, #tpu.memory_space<hbm>> -> memref<80xi32, #tpu.memory_space<hbm>>
        %dma_wait3A_419 = tpu.memref_slice %arg4[%add3A_417] : memref<160000xi32, #tpu.memory_space<hbm>> -> memref<80xi32, #tpu.memory_space<hbm>>
        tpu.wait_dma2 semaphore(%arg27 : memref<!tpu.dma_semaphore, #tpu.memory_space<semaphore_mem>>) src(%dma_wait3A_419 : memref<80xi32, #tpu.memory_space<hbm>>) dst(%arg12 : memref<80xi32, #tpu.memory_space<vmem>>)
        %get3A_420 = arith.constant 0 : index
        %get3A_421 = tpu.vector_load %arg10[%get3A_420] {strides = array<i32>} : memref<80xi32, #tpu.memory_space<vmem>>, vector<16xi32>,
        %get3A_422 = vector.shape_cast %get3A_421 : vector<16xi32> to vector<16xi32>
        %add3A_423 = vector.broadcast %mul3A_1 : i32 to vector<16xi32>
        %add3A_424 = arith.addi %get3A_422, %add3A_423 : vector<16xi32>
        %swap3A_425 = arith.constant 0 : index
        %swap3A_426 = tpu.vector_load %arg10[%swap3A_425] {strides = array<i32>} : memref<80xi32, #tpu.memory_space<vmem>>, vector<16xi32>,
        %swap3A_427 = vector.shape_cast %swap3A_426 : vector<16xi32> to vector<16xi32>
        %swap3A_428 = vector.shape_cast %add3A_424 : vector<16xi32> to vector<16xi32>
        tpu.vector_store %arg10[%swap3A_425], %swap3A_428 {strides = array<i32>} : memref<80xi32, #tpu.memory_space<vmem>>, vector<16xi32>,
        %get3A_429 = arith.constant 0 : index
        %get3A_430 = tpu.vector_load %arg12[%get3A_429] {strides = array<i32>} : memref<80xi32, #tpu.memory_space<vmem>>, vector<16xi32>,
        %get3A_431 = vector.shape_cast %get3A_430 : vector<16xi32> to vector<16xi32>
        %add3A_432 = arith.constant 10000 : i32
        %add3A_433 = arith.addi %mul3A_1, %add3A_432 : i32
        %add3A_434 = vector.broadcast %add3A_433 : i32 to vector<16xi32>
        %add3A_435 = arith.addi %get3A_431, %add3A_434 : vector<16xi32>
        %swap3A_436 = arith.constant 0 : index
        %swap3A_437 = tpu.vector_load %arg11[%swap3A_436] {strides = array<i32>} : memref<80xi32, #tpu.memory_space<vmem>>, vector<16xi32>,
        %swap3A_438 = vector.shape_cast %swap3A_437 : vector<16xi32> to vector<16xi32>
        %swap3A_439 = vector.shape_cast %add3A_435 : vector<16xi32> to vector<16xi32>
        tpu.vector_store %arg11[%swap3A_436], %swap3A_439 {strides = array<i32>} : memref<80xi32, #tpu.memory_space<vmem>>, vector<16xi32>,
        %get3A_440 = arith.constant 16 : index
        %get3A_441 = tpu.vector_load %arg10[%get3A_440] {strides = array<i32>} : memref<80xi32, #tpu.memory_space<vmem>>, vector<16xi32>,
        %get3A_442 = vector.shape_cast %get3A_441 : vector<16xi32> to vector<16xi32>
        %add3A_443 = vector.broadcast %mul3A_1 : i32 to vector<16xi32>
        %add3A_444 = arith.addi %get3A_442, %add3A_443 : vector<16xi32>
        %swap3A_445 = arith.constant 16 : index
        %swap3A_446 = tpu.vector_load %arg10[%swap3A_445] {strides = array<i32>} : memref<80xi32, #tpu.memory_space<vmem>>, vector<16xi32>,
        %swap3A_447 = vector.shape_cast %swap3A_446 : vector<16xi32> to vector<16xi32>
        %swap3A_448 = vector.shape_cast %add3A_444 : vector<16xi32> to vector<16xi32>
        tpu.vector_store %arg10[%swap3A_445], %swap3A_448 {strides = array<i32>} : memref<80xi32, #tpu.memory_space<vmem>>, vector<16xi32>,
        %get3A_449 = arith.constant 16 : index
        %get3A_450 = tpu.vector_load %arg12[%get3A_449] {strides = array<i32>} : memref<80xi32, #tpu.memory_space<vmem>>, vector<16xi32>,
        %get3A_451 = vector.shape_cast %get3A_450 : vector<16xi32> to vector<16xi32>
        %add3A_452 = arith.constant 10000 : i32
        %add3A_453 = arith.addi %mul3A_1, %add3A_452 : i32
        %add3A_454 = vector.broadcast %add3A_453 : i32 to vector<16xi32>
        %add3A_455 = arith.addi %get3A_451, %add3A_454 : vector<16xi32>
        %swap3A_456 = arith.constant 16 : index
        %swap3A_457 = tpu.vector_load %arg11[%swap3A_456] {strides = array<i32>} : memref<80xi32, #tpu.memory_space<vmem>>, vector<16xi32>,
        %swap3A_458 = vector.shape_cast %swap3A_457 : vector<16xi32> to vector<16xi32>
        %swap3A_459 = vector.shape_cast %add3A_455 : vector<16xi32> to vector<16xi32>
        tpu.vector_store %arg11[%swap3A_456], %swap3A_459 {strides = array<i32>} : memref<80xi32, #tpu.memory_space<vmem>>, vector<16xi32>,
        %get3A_460 = arith.constant 32 : index
        %get3A_461 = tpu.vector_load %arg10[%get3A_460] {strides = array<i32>} : memref<80xi32, #tpu.memory_space<vmem>>, vector<16xi32>,
        %get3A_462 = vector.shape_cast %get3A_461 : vector<16xi32> to vector<16xi32>
        %add3A_463 = vector.broadcast %mul3A_1 : i32 to vector<16xi32>
        %add3A_464 = arith.addi %get3A_462, %add3A_463 : vector<16xi32>
        %swap3A_465 = arith.constant 32 : index
        %swap3A_466 = tpu.vector_load %arg10[%swap3A_465] {strides = array<i32>} : memref<80xi32, #tpu.memory_space<vmem>>, vector<16xi32>,
        %swap3A_467 = vector.shape_cast %swap3A_466 : vector<16xi32> to vector<16xi32>
        %swap3A_468 = vector.shape_cast %add3A_464 : vector<16xi32> to vector<16xi32>
        tpu.vector_store %arg10[%swap3A_465], %swap3A_468 {strides = array<i32>} : memref<80xi32, #tpu.memory_space<vmem>>, vector<16xi32>,
        %get3A_469 = arith.constant 32 : index
        %get3A_470 = tpu.vector_load %arg12[%get3A_469] {strides = array<i32>} : memref<80xi32, #tpu.memory_space<vmem>>, vector<16xi32>,
        %get3A_471 = vector.shape_cast %get3A_470 : vector<16xi32> to vector<16xi32>
        %add3A_472 = arith.constant 10000 : i32
        %add3A_473 = arith.addi %mul3A_1, %add3A_472 : i32
        %add3A_474 = vector.broadcast %add3A_473 : i32 to vector<16xi32>
        %add3A_475 = arith.addi %get3A_471, %add3A_474 : vector<16xi32>
        %swap3A_476 = arith.constant 32 : index
        %swap3A_477 = tpu.vector_load %arg11[%swap3A_476] {strides = array<i32>} : memref<80xi32, #tpu.memory_space<vmem>>, vector<16xi32>,
        %swap3A_478 = vector.shape_cast %swap3A_477 : vector<16xi32> to vector<16xi32>
        %swap3A_479 = vector.shape_cast %add3A_475 : vector<16xi32> to vector<16xi32>
        tpu.vector_store %arg11[%swap3A_476], %swap3A_479 {strides = array<i32>} : memref<80xi32, #tpu.memory_space<vmem>>, vector<16xi32>,
        %get3A_480 = arith.constant 48 : index
        %get3A_481 = tpu.vector_load %arg10[%get3A_480] {strides = array<i32>} : memref<80xi32, #tpu.memory_space<vmem>>, vector<16xi32>,
        %get3A_482 = vector.shape_cast %get3A_481 : vector<16xi32> to vector<16xi32>
        %add3A_483 = vector.broadcast %mul3A_1 : i32 to vector<16xi32>
        %add3A_484 = arith.addi %get3A_482, %add3A_483 : vector<16xi32>
        %swap3A_485 = arith.constant 48 : index
        %swap3A_486 = tpu.vector_load %arg10[%swap3A_485] {strides = array<i32>} : memref<80xi32, #tpu.memory_space<vmem>>, vector<16xi32>,
        %swap3A_487 = vector.shape_cast %swap3A_486 : vector<16xi32> to vector<16xi32>
        %swap3A_488 = vector.shape_cast %add3A_484 : vector<16xi32> to vector<16xi32>
        tpu.vector_store %arg10[%swap3A_485], %swap3A_488 {strides = array<i32>} : memref<80xi32, #tpu.memory_space<vmem>>, vector<16xi32>,
        %get3A_489 = arith.constant 48 : index
        %get3A_490 = tpu.vector_load %arg12[%get3A_489] {strides = array<i32>} : memref<80xi32, #tpu.memory_space<vmem>>, vector<16xi32>,
        %get3A_491 = vector.shape_cast %get3A_490 : vector<16xi32> to vector<16xi32>
        %add3A_492 = arith.constant 10000 : i32
        %add3A_493 = arith.addi %mul3A_1, %add3A_492 : i32
        %add3A_494 = vector.broadcast %add3A_493 : i32 to vector<16xi32>
        %add3A_495 = arith.addi %get3A_491, %add3A_494 : vector<16xi32>
        %swap3A_496 = arith.constant 48 : index
        %swap3A_497 = tpu.vector_load %arg11[%swap3A_496] {strides = array<i32>} : memref<80xi32, #tpu.memory_space<vmem>>, vector<16xi32>,
        %swap3A_498 = vector.shape_cast %swap3A_497 : vector<16xi32> to vector<16xi32>
        %swap3A_499 = vector.shape_cast %add3A_495 : vector<16xi32> to vector<16xi32>
        tpu.vector_store %arg11[%swap3A_496], %swap3A_499 {strides = array<i32>} : memref<80xi32, #tpu.memory_space<vmem>>, vector<16xi32>,
        %get3A_500 = arith.constant 64 : index
        %get3A_501 = tpu.vector_load %arg10[%get3A_500] {strides = array<i32>} : memref<80xi32, #tpu.memory_space<vmem>>, vector<16xi32>,
        %get3A_502 = vector.shape_cast %get3A_501 : vector<16xi32> to vector<16xi32>
        %add3A_503 = vector.broadcast %mul3A_1 : i32 to vector<16xi32>
        %add3A_504 = arith.addi %get3A_502, %add3A_503 : vector<16xi32>
        %swap3A_505 = arith.constant 64 : index
        %swap3A_506 = tpu.vector_load %arg10[%swap3A_505] {strides = array<i32>} : memref<80xi32, #tpu.memory_space<vmem>>, vector<16xi32>,
        %swap3A_507 = vector.shape_cast %swap3A_506 : vector<16xi32> to vector<16xi32>
        %swap3A_508 = vector.shape_cast %add3A_504 : vector<16xi32> to vector<16xi32>
        tpu.vector_store %arg10[%swap3A_505], %swap3A_508 {strides = array<i32>} : memref<80xi32, #tpu.memory_space<vmem>>, vector<16xi32>,
        %get3A_509 = arith.constant 64 : index
        %get3A_510 = tpu.vector_load %arg12[%get3A_509] {strides = array<i32>} : memref<80xi32, #tpu.memory_space<vmem>>, vector<16xi32>,
        %get3A_511 = vector.shape_cast %get3A_510 : vector<16xi32> to vector<16xi32>
        %add3A_512 = arith.constant 10000 : i32
        %add3A_513 = arith.addi %mul3A_1, %add3A_512 : i32
        %add3A_514 = vector.broadcast %add3A_513 : i32 to vector<16xi32>
        %add3A_515 = arith.addi %get3A_511, %add3A_514 : vector<16xi32>
        %swap3A_516 = arith.constant 64 : index
        %swap3A_517 = tpu.vector_load %arg11[%swap3A_516] {strides = array<i32>} : memref<80xi32, #tpu.memory_space<vmem>>, vector<16xi32>,
        %swap3A_518 = vector.shape_cast %swap3A_517 : vector<16xi32> to vector<16xi32>
        %swap3A_519 = vector.shape_cast %add3A_515 : vector<16xi32> to vector<16xi32>
        tpu.vector_store %arg11[%swap3A_516], %swap3A_519 {strides = array<i32>} : memref<80xi32, #tpu.memory_space<vmem>>, vector<16xi32>,
        %dma_start3A_520 = arith.constant 0 : i32
        %dma_start3A_521 = arith.constant 0 : i32
        %dma_start3A_522 = tpu.memref_slice %arg2[%dma_start3A_520, %dma_start3A_521] : memref<40000x128xf32, #tpu.memory_space<hbm>> -> memref<40000x128xf32, #tpu.memory_space<hbm>>
        tpu.enqueue_indirect_dma source(%dma_start3A_522 : memref<40000x128xf32, #tpu.memory_space<hbm>>) target(%arg7 : memref<80x128xf32, #tpu.memory_space<vmem>>) offsets(%arg11 : memref<80xi32, #tpu.memory_space<vmem>>) semaphore(%arg23 : memref<!tpu.dma_semaphore, #tpu.memory_space<semaphore_mem>>)
        %dma_wait3A_523 = arith.constant 0 : i32
        %dma_wait3A_524 = arith.constant 0 : i32
        %dma_wait3A_525 = tpu.memref_slice %arg22[%dma_wait3A_523, %dma_wait3A_524] : memref<10000x128xf32, #tpu.memory_space<vmem_shared>> -> memref<10000x128xf32, #tpu.memory_space<vmem_shared>>
        tpu.wait_indirect_dma semaphore(%arg25 : memref<!tpu.dma_semaphore, #tpu.memory_space<semaphore_mem>>) src(%arg6 : memref<80x128xf32, #tpu.memory_space<vmem>>) dst(%dma_wait3A_525 : memref<10000x128xf32, #tpu.memory_space<vmem_shared>>)
        %dma_start3A_526 = arith.constant 0 : i32
        %dma_start3A_527 = arith.constant 0 : i32
        %dma_start3A_528 = tpu.memref_slice %arg2[%dma_start3A_526, %dma_start3A_527] : memref<40000x128xf32, #tpu.memory_space<hbm>> -> memref<40000x128xf32, #tpu.memory_space<hbm>>
        tpu.enqueue_indirect_dma source(%dma_start3A_528 : memref<40000x128xf32, #tpu.memory_space<hbm>>) target(%arg6 : memref<80x128xf32, #tpu.memory_space<vmem>>) offsets(%arg10 : memref<80xi32, #tpu.memory_space<vmem>>) semaphore(%arg23 : memref<!tpu.dma_semaphore, #tpu.memory_space<semaphore_mem>>)
        %add3A_529 = arith.constant 4 : i32
        %add3A_530 = arith.addi %add3A_366, %add3A_529 : i32
        %lt3A_531 = arith.constant 125 : i32
        %lt3A_532 = arith.cmpi slt, %add3A_530, %lt3A_531 : i32
        %convert_element_type3A_533 = arith.extui %lt3A_532 : i1 to i32
        %cond3A_534 = arith.constant 0 : i32
        %cond3A_535 = arith.cmpi ne, %convert_element_type3A_533, %cond3A_534 : i32
        scf.if %cond3A_535 {
          %add3A_536 = arith.constant 4 : i32
          %add3A_537 = arith.addi %add3A_366, %add3A_536 : i32
          %mul3A_538 = arith.constant 80 : i32
          %mul3A_539 = arith.muli %add3A_537, %mul3A_538 : i32
          %add3A_540 = arith.addi %mul3A_3, %mul3A_539 : i32
          %dma_start3A_541 = tpu.memref_slice %arg3[%add3A_540] : memref<160000xi32, #tpu.memory_space<hbm>> -> memref<80xi32, #tpu.memory_space<hbm>>
          %dma_start3A_542 = tpu.memref_slice %arg3[%add3A_540] : memref<160000xi32, #tpu.memory_space<hbm>> -> memref<80xi32, #tpu.memory_space<hbm>>
          tpu.enqueue_dma source(%dma_start3A_542 : memref<80xi32, #tpu.memory_space<hbm>>) target(%arg13 : memref<80xi32, #tpu.memory_space<vmem>>) target_semaphore(%arg28 : memref<!tpu.dma_semaphore, #tpu.memory_space<semaphore_mem>>)
          %mul3A_543 = arith.constant 80 : i32
          %mul3A_544 = arith.muli %add3A_537, %mul3A_543 : i32
          %add3A_545 = arith.addi %mul3A_3, %mul3A_544 : i32
          %dma_start3A_546 = tpu.memref_slice %arg4[%add3A_545] : memref<160000xi32, #tpu.memory_space<hbm>> -> memref<80xi32, #tpu.memory_space<hbm>>
          %dma_start3A_547 = tpu.memref_slice %arg4[%add3A_545] : memref<160000xi32, #tpu.memory_space<hbm>> -> memref<80xi32, #tpu.memory_space<hbm>>
          tpu.enqueue_dma source(%dma_start3A_547 : memref<80xi32, #tpu.memory_space<hbm>>) target(%arg15 : memref<80xi32, #tpu.memory_space<vmem>>) target_semaphore(%arg28 : memref<!tpu.dma_semaphore, #tpu.memory_space<semaphore_mem>>)
        } else {
        }
      } else {
      }
      %add3A_386 = arith.constant 3 : i32
      %add3A_387 = arith.addi %mul3A_327, %add3A_386 : i32
      %dma_wait3A_388 = arith.constant 0 : i32
      %dma_wait3A_389 = arith.constant 0 : i32
      %dma_wait3A_390 = tpu.memref_slice %arg2[%dma_wait3A_388, %dma_wait3A_389] : memref<40000x128xf32, #tpu.memory_space<hbm>> -> memref<40000x128xf32, #tpu.memory_space<hbm>>
      tpu.wait_indirect_dma semaphore(%arg24 : memref<!tpu.dma_semaphore, #tpu.memory_space<semaphore_mem>>) src(%dma_wait3A_390 : memref<40000x128xf32, #tpu.memory_space<hbm>>) dst(%arg8 : memref<80x128xf32, #tpu.memory_space<vmem>>)
      %dma_wait3A_391 = arith.constant 0 : i32
      %dma_wait3A_392 = arith.constant 0 : i32
      %dma_wait3A_393 = tpu.memref_slice %arg2[%dma_wait3A_391, %dma_wait3A_392] : memref<40000x128xf32, #tpu.memory_space<hbm>> -> memref<40000x128xf32, #tpu.memory_space<hbm>>
      tpu.wait_indirect_dma semaphore(%arg24 : memref<!tpu.dma_semaphore, #tpu.memory_space<semaphore_mem>>) src(%dma_wait3A_393 : memref<40000x128xf32, #tpu.memory_space<hbm>>) dst(%arg9 : memref<80x128xf32, #tpu.memory_space<vmem>>)
      %parallel_loop3A_394 = arith.constant 0 : i32
      %parallel_loop3A_395 = arith.constant 80 : i32
      %parallel_loop3A_396 = arith.constant 1 : i32
      scf.for %parallel_loop3A_408 = %parallel_loop3A_394 to %parallel_loop3A_395 step %parallel_loop3A_396  : i32 {
        %parallel_loop3A_409 = arith.index_cast %parallel_loop3A_408 : i32 to index
        %parallel_loop3A_410 = arith.constant 0 : index
        %parallel_loop3A_411 = tpu.vector_load %arg8[%parallel_loop3A_409, %parallel_loop3A_410] {strides = array<i32>} : memref<80x128xf32, #tpu.memory_space<vmem>>, vector<1x16xf32>,
        %parallel_loop3A_412 = vector.shape_cast %parallel_loop3A_411 : vector<1x16xf32> to vector<16xf32>
        %parallel_loop3A_413 = arith.index_cast %parallel_loop3A_408 : i32 to index
        %parallel_loop3A_414 = arith.constant 0 : index
        %parallel_loop3A_415 = tpu.vector_load %arg9[%parallel_loop3A_413, %parallel_loop3A_414] {strides = array<i32>} : memref<80x128xf32, #tpu.memory_space<vmem>>, vector<1x16xf32>,
        %parallel_loop3A_416 = vector.shape_cast %parallel_loop3A_415 : vector<1x16xf32> to vector<16xf32>
        %parallel_loop3A_417 = arith.addf %parallel_loop3A_412, %parallel_loop3A_416 : vector<16xf32>
        %parallel_loop3A_418 = arith.constant 0.000000e+00 : f32
        %parallel_loop3A_419 = vector.broadcast %parallel_loop3A_418 : f32 to vector<16xf32>
        %parallel_loop3A_420 = arith.maximumf %parallel_loop3A_417, %parallel_loop3A_419 : vector<16xf32>
        %parallel_loop3A_421 = arith.index_cast %parallel_loop3A_408 : i32 to index
        %parallel_loop3A_422 = arith.constant 0 : index
        %parallel_loop3A_423 = tpu.vector_load %arg8[%parallel_loop3A_421, %parallel_loop3A_422] {strides = array<i32>} : memref<80x128xf32, #tpu.memory_space<vmem>>, vector<1x16xf32>,
        %parallel_loop3A_424 = vector.shape_cast %parallel_loop3A_423 : vector<1x16xf32> to vector<16xf32>
        %parallel_loop3A_425 = vector.shape_cast %parallel_loop3A_420 : vector<16xf32> to vector<1x16xf32>
        tpu.vector_store %arg8[%parallel_loop3A_421, %parallel_loop3A_422], %parallel_loop3A_425 {strides = array<i32>} : memref<80x128xf32, #tpu.memory_space<vmem>>, vector<1x16xf32>,
        %parallel_loop3A_426 = arith.index_cast %parallel_loop3A_408 : i32 to index
        %parallel_loop3A_427 = arith.constant 16 : index
        %parallel_loop3A_428 = tpu.vector_load %arg8[%parallel_loop3A_426, %parallel_loop3A_427] {strides = array<i32>} : memref<80x128xf32, #tpu.memory_space<vmem>>, vector<1x16xf32>,
        %parallel_loop3A_429 = vector.shape_cast %parallel_loop3A_428 : vector<1x16xf32> to vector<16xf32>
        %parallel_loop3A_430 = arith.index_cast %parallel_loop3A_408 : i32 to index
        %parallel_loop3A_431 = arith.constant 16 : index
        %parallel_loop3A_432 = tpu.vector_load %arg9[%parallel_loop3A_430, %parallel_loop3A_431] {strides = array<i32>} : memref<80x128xf32, #tpu.memory_space<vmem>>, vector<1x16xf32>,
        %parallel_loop3A_433 = vector.shape_cast %parallel_loop3A_432 : vector<1x16xf32> to vector<16xf32>
        %parallel_loop3A_434 = arith.addf %parallel_loop3A_429, %parallel_loop3A_433 : vector<16xf32>
        %parallel_loop3A_435 = arith.constant 0.000000e+00 : f32
        %parallel_loop3A_436 = vector.broadcast %parallel_loop3A_435 : f32 to vector<16xf32>
        %parallel_loop3A_437 = arith.maximumf %parallel_loop3A_434, %parallel_loop3A_436 : vector<16xf32>
        %parallel_loop3A_438 = arith.index_cast %parallel_loop3A_408 : i32 to index
        %parallel_loop3A_439 = arith.constant 16 : index
        %parallel_loop3A_440 = tpu.vector_load %arg8[%parallel_loop3A_438, %parallel_loop3A_439] {strides = array<i32>} : memref<80x128xf32, #tpu.memory_space<vmem>>, vector<1x16xf32>,
        %parallel_loop3A_441 = vector.shape_cast %parallel_loop3A_440 : vector<1x16xf32> to vector<16xf32>
        %parallel_loop3A_442 = vector.shape_cast %parallel_loop3A_437 : vector<16xf32> to vector<1x16xf32>
        tpu.vector_store %arg8[%parallel_loop3A_438, %parallel_loop3A_439], %parallel_loop3A_442 {strides = array<i32>} : memref<80x128xf32, #tpu.memory_space<vmem>>, vector<1x16xf32>,
        %parallel_loop3A_443 = arith.index_cast %parallel_loop3A_408 : i32 to index
        %parallel_loop3A_444 = arith.constant 32 : index
        %parallel_loop3A_445 = tpu.vector_load %arg8[%parallel_loop3A_443, %parallel_loop3A_444] {strides = array<i32>} : memref<80x128xf32, #tpu.memory_space<vmem>>, vector<1x16xf32>,
        %parallel_loop3A_446 = vector.shape_cast %parallel_loop3A_445 : vector<1x16xf32> to vector<16xf32>
        %parallel_loop3A_447 = arith.index_cast %parallel_loop3A_408 : i32 to index
        %parallel_loop3A_448 = arith.constant 32 : index
        %parallel_loop3A_449 = tpu.vector_load %arg9[%parallel_loop3A_447, %parallel_loop3A_448] {strides = array<i32>} : memref<80x128xf32, #tpu.memory_space<vmem>>, vector<1x16xf32>,
        %parallel_loop3A_450 = vector.shape_cast %parallel_loop3A_449 : vector<1x16xf32> to vector<16xf32>
        %parallel_loop3A_451 = arith.addf %parallel_loop3A_446, %parallel_loop3A_450 : vector<16xf32>
        %parallel_loop3A_452 = arith.constant 0.000000e+00 : f32
        %parallel_loop3A_453 = vector.broadcast %parallel_loop3A_452 : f32 to vector<16xf32>
        %parallel_loop3A_454 = arith.maximumf %parallel_loop3A_451, %parallel_loop3A_453 : vector<16xf32>
        %parallel_loop3A_455 = arith.index_cast %parallel_loop3A_408 : i32 to index
        %parallel_loop3A_456 = arith.constant 32 : index
        %parallel_loop3A_457 = tpu.vector_load %arg8[%parallel_loop3A_455, %parallel_loop3A_456] {strides = array<i32>} : memref<80x128xf32, #tpu.memory_space<vmem>>, vector<1x16xf32>,
        %parallel_loop3A_458 = vector.shape_cast %parallel_loop3A_457 : vector<1x16xf32> to vector<16xf32>
        %parallel_loop3A_459 = vector.shape_cast %parallel_loop3A_454 : vector<16xf32> to vector<1x16xf32>
        tpu.vector_store %arg8[%parallel_loop3A_455, %parallel_loop3A_456], %parallel_loop3A_459 {strides = array<i32>} : memref<80x128xf32, #tpu.memory_space<vmem>>, vector<1x16xf32>,
        %parallel_loop3A_460 = arith.index_cast %parallel_loop3A_408 : i32 to index
        %parallel_loop3A_461 = arith.constant 48 : index
        %parallel_loop3A_462 = tpu.vector_load %arg8[%parallel_loop3A_460, %parallel_loop3A_461] {strides = array<i32>} : memref<80x128xf32, #tpu.memory_space<vmem>>, vector<1x16xf32>,
        %parallel_loop3A_463 = vector.shape_cast %parallel_loop3A_462 : vector<1x16xf32> to vector<16xf32>
        %parallel_loop3A_464 = arith.index_cast %parallel_loop3A_408 : i32 to index
        %parallel_loop3A_465 = arith.constant 48 : index
        %parallel_loop3A_466 = tpu.vector_load %arg9[%parallel_loop3A_464, %parallel_loop3A_465] {strides = array<i32>} : memref<80x128xf32, #tpu.memory_space<vmem>>, vector<1x16xf32>,
        %parallel_loop3A_467 = vector.shape_cast %parallel_loop3A_466 : vector<1x16xf32> to vector<16xf32>
        %parallel_loop3A_468 = arith.addf %parallel_loop3A_463, %parallel_loop3A_467 : vector<16xf32>
        %parallel_loop3A_469 = arith.constant 0.000000e+00 : f32
        %parallel_loop3A_470 = vector.broadcast %parallel_loop3A_469 : f32 to vector<16xf32>
        %parallel_loop3A_471 = arith.maximumf %parallel_loop3A_468, %parallel_loop3A_470 : vector<16xf32>
        %parallel_loop3A_472 = arith.index_cast %parallel_loop3A_408 : i32 to index
        %parallel_loop3A_473 = arith.constant 48 : index
        %parallel_loop3A_474 = tpu.vector_load %arg8[%parallel_loop3A_472, %parallel_loop3A_473] {strides = array<i32>} : memref<80x128xf32, #tpu.memory_space<vmem>>, vector<1x16xf32>,
        %parallel_loop3A_475 = vector.shape_cast %parallel_loop3A_474 : vector<1x16xf32> to vector<16xf32>
        %parallel_loop3A_476 = vector.shape_cast %parallel_loop3A_471 : vector<16xf32> to vector<1x16xf32>
        tpu.vector_store %arg8[%parallel_loop3A_472, %parallel_loop3A_473], %parallel_loop3A_476 {strides = array<i32>} : memref<80x128xf32, #tpu.memory_space<vmem>>, vector<1x16xf32>,
        %parallel_loop3A_477 = arith.index_cast %parallel_loop3A_408 : i32 to index
        %parallel_loop3A_478 = arith.constant 64 : index
        %parallel_loop3A_479 = tpu.vector_load %arg8[%parallel_loop3A_477, %parallel_loop3A_478] {strides = array<i32>} : memref<80x128xf32, #tpu.memory_space<vmem>>, vector<1x16xf32>,
        %parallel_loop3A_480 = vector.shape_cast %parallel_loop3A_479 : vector<1x16xf32> to vector<16xf32>
        %parallel_loop3A_481 = arith.index_cast %parallel_loop3A_408 : i32 to index
        %parallel_loop3A_482 = arith.constant 64 : index
        %parallel_loop3A_483 = tpu.vector_load %arg9[%parallel_loop3A_481, %parallel_loop3A_482] {strides = array<i32>} : memref<80x128xf32, #tpu.memory_space<vmem>>, vector<1x16xf32>,
        %parallel_loop3A_484 = vector.shape_cast %parallel_loop3A_483 : vector<1x16xf32> to vector<16xf32>
        %parallel_loop3A_485 = arith.addf %parallel_loop3A_480, %parallel_loop3A_484 : vector<16xf32>
        %parallel_loop3A_486 = arith.constant 0.000000e+00 : f32
        %parallel_loop3A_487 = vector.broadcast %parallel_loop3A_486 : f32 to vector<16xf32>
        %parallel_loop3A_488 = arith.maximumf %parallel_loop3A_485, %parallel_loop3A_487 : vector<16xf32>
        %parallel_loop3A_489 = arith.index_cast %parallel_loop3A_408 : i32 to index
        %parallel_loop3A_490 = arith.constant 64 : index
        %parallel_loop3A_491 = tpu.vector_load %arg8[%parallel_loop3A_489, %parallel_loop3A_490] {strides = array<i32>} : memref<80x128xf32, #tpu.memory_space<vmem>>, vector<1x16xf32>,
        %parallel_loop3A_492 = vector.shape_cast %parallel_loop3A_491 : vector<1x16xf32> to vector<16xf32>
        %parallel_loop3A_493 = vector.shape_cast %parallel_loop3A_488 : vector<16xf32> to vector<1x16xf32>
        tpu.vector_store %arg8[%parallel_loop3A_489, %parallel_loop3A_490], %parallel_loop3A_493 {strides = array<i32>} : memref<80x128xf32, #tpu.memory_space<vmem>>, vector<1x16xf32>,
        %parallel_loop3A_494 = arith.index_cast %parallel_loop3A_408 : i32 to index
        %parallel_loop3A_495 = arith.constant 80 : index
        %parallel_loop3A_496 = tpu.vector_load %arg8[%parallel_loop3A_494, %parallel_loop3A_495] {strides = array<i32>} : memref<80x128xf32, #tpu.memory_space<vmem>>, vector<1x16xf32>,
        %parallel_loop3A_497 = vector.shape_cast %parallel_loop3A_496 : vector<1x16xf32> to vector<16xf32>
        %parallel_loop3A_498 = arith.index_cast %parallel_loop3A_408 : i32 to index
        %parallel_loop3A_499 = arith.constant 80 : index
        %parallel_loop3A_500 = tpu.vector_load %arg9[%parallel_loop3A_498, %parallel_loop3A_499] {strides = array<i32>} : memref<80x128xf32, #tpu.memory_space<vmem>>, vector<1x16xf32>,
        %parallel_loop3A_501 = vector.shape_cast %parallel_loop3A_500 : vector<1x16xf32> to vector<16xf32>
        %parallel_loop3A_502 = arith.addf %parallel_loop3A_497, %parallel_loop3A_501 : vector<16xf32>
        %parallel_loop3A_503 = arith.constant 0.000000e+00 : f32
        %parallel_loop3A_504 = vector.broadcast %parallel_loop3A_503 : f32 to vector<16xf32>
        %parallel_loop3A_505 = arith.maximumf %parallel_loop3A_502, %parallel_loop3A_504 : vector<16xf32>
        %parallel_loop3A_506 = arith.index_cast %parallel_loop3A_408 : i32 to index
        %parallel_loop3A_507 = arith.constant 80 : index
        %parallel_loop3A_508 = tpu.vector_load %arg8[%parallel_loop3A_506, %parallel_loop3A_507] {strides = array<i32>} : memref<80x128xf32, #tpu.memory_space<vmem>>, vector<1x16xf32>,
        %parallel_loop3A_509 = vector.shape_cast %parallel_loop3A_508 : vector<1x16xf32> to vector<16xf32>
        %parallel_loop3A_510 = vector.shape_cast %parallel_loop3A_505 : vector<16xf32> to vector<1x16xf32>
        tpu.vector_store %arg8[%parallel_loop3A_506, %parallel_loop3A_507], %parallel_loop3A_510 {strides = array<i32>} : memref<80x128xf32, #tpu.memory_space<vmem>>, vector<1x16xf32>,
        %parallel_loop3A_511 = arith.index_cast %parallel_loop3A_408 : i32 to index
        %parallel_loop3A_512 = arith.constant 96 : index
        %parallel_loop3A_513 = tpu.vector_load %arg8[%parallel_loop3A_511, %parallel_loop3A_512] {strides = array<i32>} : memref<80x128xf32, #tpu.memory_space<vmem>>, vector<1x16xf32>,
        %parallel_loop3A_514 = vector.shape_cast %parallel_loop3A_513 : vector<1x16xf32> to vector<16xf32>
        %parallel_loop3A_515 = arith.index_cast %parallel_loop3A_408 : i32 to index
        %parallel_loop3A_516 = arith.constant 96 : index
        %parallel_loop3A_517 = tpu.vector_load %arg9[%parallel_loop3A_515, %parallel_loop3A_516] {strides = array<i32>} : memref<80x128xf32, #tpu.memory_space<vmem>>, vector<1x16xf32>,
        %parallel_loop3A_518 = vector.shape_cast %parallel_loop3A_517 : vector<1x16xf32> to vector<16xf32>
        %parallel_loop3A_519 = arith.addf %parallel_loop3A_514, %parallel_loop3A_518 : vector<16xf32>
        %parallel_loop3A_520 = arith.constant 0.000000e+00 : f32
        %parallel_loop3A_521 = vector.broadcast %parallel_loop3A_520 : f32 to vector<16xf32>
        %parallel_loop3A_522 = arith.maximumf %parallel_loop3A_519, %parallel_loop3A_521 : vector<16xf32>
        %parallel_loop3A_523 = arith.index_cast %parallel_loop3A_408 : i32 to index
        %parallel_loop3A_524 = arith.constant 96 : index
        %parallel_loop3A_525 = tpu.vector_load %arg8[%parallel_loop3A_523, %parallel_loop3A_524] {strides = array<i32>} : memref<80x128xf32, #tpu.memory_space<vmem>>, vector<1x16xf32>,
        %parallel_loop3A_526 = vector.shape_cast %parallel_loop3A_525 : vector<1x16xf32> to vector<16xf32>
        %parallel_loop3A_527 = vector.shape_cast %parallel_loop3A_522 : vector<16xf32> to vector<1x16xf32>
        tpu.vector_store %arg8[%parallel_loop3A_523, %parallel_loop3A_524], %parallel_loop3A_527 {strides = array<i32>} : memref<80x128xf32, #tpu.memory_space<vmem>>, vector<1x16xf32>,
        %parallel_loop3A_528 = arith.index_cast %parallel_loop3A_408 : i32 to index
        %parallel_loop3A_529 = arith.constant 112 : index
        %parallel_loop3A_530 = tpu.vector_load %arg8[%parallel_loop3A_528, %parallel_loop3A_529] {strides = array<i32>} : memref<80x128xf32, #tpu.memory_space<vmem>>, vector<1x16xf32>,
        %parallel_loop3A_531 = vector.shape_cast %parallel_loop3A_530 : vector<1x16xf32> to vector<16xf32>
        %parallel_loop3A_532 = arith.index_cast %parallel_loop3A_408 : i32 to index
        %parallel_loop3A_533 = arith.constant 112 : index
        %parallel_loop3A_534 = tpu.vector_load %arg9[%parallel_loop3A_532, %parallel_loop3A_533] {strides = array<i32>} : memref<80x128xf32, #tpu.memory_space<vmem>>, vector<1x16xf32>,
        %parallel_loop3A_535 = vector.shape_cast %parallel_loop3A_534 : vector<1x16xf32> to vector<16xf32>
        %parallel_loop3A_536 = arith.addf %parallel_loop3A_531, %parallel_loop3A_535 : vector<16xf32>
        %parallel_loop3A_537 = arith.constant 0.000000e+00 : f32
        %parallel_loop3A_538 = vector.broadcast %parallel_loop3A_537 : f32 to vector<16xf32>
        %parallel_loop3A_539 = arith.maximumf %parallel_loop3A_536, %parallel_loop3A_538 : vector<16xf32>
        %parallel_loop3A_540 = arith.index_cast %parallel_loop3A_408 : i32 to index
        %parallel_loop3A_541 = arith.constant 112 : index
        %parallel_loop3A_542 = tpu.vector_load %arg8[%parallel_loop3A_540, %parallel_loop3A_541] {strides = array<i32>} : memref<80x128xf32, #tpu.memory_space<vmem>>, vector<1x16xf32>,
        %parallel_loop3A_543 = vector.shape_cast %parallel_loop3A_542 : vector<1x16xf32> to vector<16xf32>
        %parallel_loop3A_544 = vector.shape_cast %parallel_loop3A_539 : vector<16xf32> to vector<1x16xf32>
        tpu.vector_store %arg8[%parallel_loop3A_540, %parallel_loop3A_541], %parallel_loop3A_544 {strides = array<i32>} : memref<80x128xf32, #tpu.memory_space<vmem>>, vector<1x16xf32>,
      } {sc.loop_unroll_factor = 4 : i64, sc.parallel_access}
      %dma_start3A_397 = arith.constant 0 : i32
      %dma_start3A_398 = arith.constant 0 : i32
      %dma_start3A_399 = tpu.memref_slice %arg22[%dma_start3A_397, %dma_start3A_398] : memref<10000x128xf32, #tpu.memory_space<vmem_shared>> -> memref<10000x128xf32, #tpu.memory_space<vmem_shared>>
      tpu.enqueue_indirect_dma source(%arg8 : memref<80x128xf32, #tpu.memory_space<vmem>>) target(%dma_start3A_399 : memref<10000x128xf32, #tpu.memory_space<vmem_shared>>) offsets(%arg21 : memref<80xi32, #tpu.memory_space<vmem>>) semaphore(%arg26 : memref<!tpu.dma_semaphore, #tpu.memory_space<semaphore_mem>>) {add = true}
      %add3A_400 = arith.constant 2 : i32
      %add3A_401 = arith.addi %add3A_387, %add3A_400 : i32
      %lt3A_402 = arith.constant 125 : i32
      %lt3A_403 = arith.cmpi slt, %add3A_401, %lt3A_402 : i32
      %convert_element_type3A_404 = arith.extui %lt3A_403 : i1 to i32
      %cond3A_405 = arith.constant 0 : i32
      %cond3A_406 = arith.cmpi ne, %convert_element_type3A_404, %cond3A_405 : i32
      scf.if %cond3A_406 {
        %add3A_408 = arith.constant 2 : i32
        %add3A_409 = arith.addi %add3A_387, %add3A_408 : i32
        %mul3A_410 = arith.constant 80 : i32
        %mul3A_411 = arith.muli %add3A_409, %mul3A_410 : i32
        %add3A_412 = arith.addi %mul3A_3, %mul3A_411 : i32
        %dma_wait3A_413 = tpu.memref_slice %arg3[%add3A_412] : memref<160000xi32, #tpu.memory_space<hbm>> -> memref<80xi32, #tpu.memory_space<hbm>>
        %dma_wait3A_414 = tpu.memref_slice %arg3[%add3A_412] : memref<160000xi32, #tpu.memory_space<hbm>> -> memref<80xi32, #tpu.memory_space<hbm>>
        tpu.wait_dma2 semaphore(%arg29 : memref<!tpu.dma_semaphore, #tpu.memory_space<semaphore_mem>>) src(%dma_wait3A_414 : memref<80xi32, #tpu.memory_space<hbm>>) dst(%arg16 : memref<80xi32, #tpu.memory_space<vmem>>)
        %mul3A_415 = arith.constant 80 : i32
        %mul3A_416 = arith.muli %add3A_409, %mul3A_415 : i32
        %add3A_417 = arith.addi %mul3A_3, %mul3A_416 : i32
        %dma_wait3A_418 = tpu.memref_slice %arg4[%add3A_417] : memref<160000xi32, #tpu.memory_space<hbm>> -> memref<80xi32, #tpu.memory_space<hbm>>
        %dma_wait3A_419 = tpu.memref_slice %arg4[%add3A_417] : memref<160000xi32, #tpu.memory_space<hbm>> -> memref<80xi32, #tpu.memory_space<hbm>>
        tpu.wait_dma2 semaphore(%arg29 : memref<!tpu.dma_semaphore, #tpu.memory_space<semaphore_mem>>) src(%dma_wait3A_419 : memref<80xi32, #tpu.memory_space<hbm>>) dst(%arg18 : memref<80xi32, #tpu.memory_space<vmem>>)
        %get3A_420 = arith.constant 0 : index
        %get3A_421 = tpu.vector_load %arg16[%get3A_420] {strides = array<i32>} : memref<80xi32, #tpu.memory_space<vmem>>, vector<16xi32>,
        %get3A_422 = vector.shape_cast %get3A_421 : vector<16xi32> to vector<16xi32>
        %add3A_423 = vector.broadcast %mul3A_1 : i32 to vector<16xi32>
        %add3A_424 = arith.addi %get3A_422, %add3A_423 : vector<16xi32>
        %swap3A_425 = arith.constant 0 : index
        %swap3A_426 = tpu.vector_load %arg16[%swap3A_425] {strides = array<i32>} : memref<80xi32, #tpu.memory_space<vmem>>, vector<16xi32>,
        %swap3A_427 = vector.shape_cast %swap3A_426 : vector<16xi32> to vector<16xi32>
        %swap3A_428 = vector.shape_cast %add3A_424 : vector<16xi32> to vector<16xi32>
        tpu.vector_store %arg16[%swap3A_425], %swap3A_428 {strides = array<i32>} : memref<80xi32, #tpu.memory_space<vmem>>, vector<16xi32>,
        %get3A_429 = arith.constant 0 : index
        %get3A_430 = tpu.vector_load %arg18[%get3A_429] {strides = array<i32>} : memref<80xi32, #tpu.memory_space<vmem>>, vector<16xi32>,
        %get3A_431 = vector.shape_cast %get3A_430 : vector<16xi32> to vector<16xi32>
        %add3A_432 = arith.constant 10000 : i32
        %add3A_433 = arith.addi %mul3A_1, %add3A_432 : i32
        %add3A_434 = vector.broadcast %add3A_433 : i32 to vector<16xi32>
        %add3A_435 = arith.addi %get3A_431, %add3A_434 : vector<16xi32>
        %swap3A_436 = arith.constant 0 : index
        %swap3A_437 = tpu.vector_load %arg17[%swap3A_436] {strides = array<i32>} : memref<80xi32, #tpu.memory_space<vmem>>, vector<16xi32>,
        %swap3A_438 = vector.shape_cast %swap3A_437 : vector<16xi32> to vector<16xi32>
        %swap3A_439 = vector.shape_cast %add3A_435 : vector<16xi32> to vector<16xi32>
        tpu.vector_store %arg17[%swap3A_436], %swap3A_439 {strides = array<i32>} : memref<80xi32, #tpu.memory_space<vmem>>, vector<16xi32>,
        %get3A_440 = arith.constant 16 : index
        %get3A_441 = tpu.vector_load %arg16[%get3A_440] {strides = array<i32>} : memref<80xi32, #tpu.memory_space<vmem>>, vector<16xi32>,
        %get3A_442 = vector.shape_cast %get3A_441 : vector<16xi32> to vector<16xi32>
        %add3A_443 = vector.broadcast %mul3A_1 : i32 to vector<16xi32>
        %add3A_444 = arith.addi %get3A_442, %add3A_443 : vector<16xi32>
        %swap3A_445 = arith.constant 16 : index
        %swap3A_446 = tpu.vector_load %arg16[%swap3A_445] {strides = array<i32>} : memref<80xi32, #tpu.memory_space<vmem>>, vector<16xi32>,
        %swap3A_447 = vector.shape_cast %swap3A_446 : vector<16xi32> to vector<16xi32>
        %swap3A_448 = vector.shape_cast %add3A_444 : vector<16xi32> to vector<16xi32>
        tpu.vector_store %arg16[%swap3A_445], %swap3A_448 {strides = array<i32>} : memref<80xi32, #tpu.memory_space<vmem>>, vector<16xi32>,
        %get3A_449 = arith.constant 16 : index
        %get3A_450 = tpu.vector_load %arg18[%get3A_449] {strides = array<i32>} : memref<80xi32, #tpu.memory_space<vmem>>, vector<16xi32>,
        %get3A_451 = vector.shape_cast %get3A_450 : vector<16xi32> to vector<16xi32>
        %add3A_452 = arith.constant 10000 : i32
        %add3A_453 = arith.addi %mul3A_1, %add3A_452 : i32
        %add3A_454 = vector.broadcast %add3A_453 : i32 to vector<16xi32>
        %add3A_455 = arith.addi %get3A_451, %add3A_454 : vector<16xi32>
        %swap3A_456 = arith.constant 16 : index
        %swap3A_457 = tpu.vector_load %arg17[%swap3A_456] {strides = array<i32>} : memref<80xi32, #tpu.memory_space<vmem>>, vector<16xi32>,
        %swap3A_458 = vector.shape_cast %swap3A_457 : vector<16xi32> to vector<16xi32>
        %swap3A_459 = vector.shape_cast %add3A_455 : vector<16xi32> to vector<16xi32>
        tpu.vector_store %arg17[%swap3A_456], %swap3A_459 {strides = array<i32>} : memref<80xi32, #tpu.memory_space<vmem>>, vector<16xi32>,
        %get3A_460 = arith.constant 32 : index
        %get3A_461 = tpu.vector_load %arg16[%get3A_460] {strides = array<i32>} : memref<80xi32, #tpu.memory_space<vmem>>, vector<16xi32>,
        %get3A_462 = vector.shape_cast %get3A_461 : vector<16xi32> to vector<16xi32>
        %add3A_463 = vector.broadcast %mul3A_1 : i32 to vector<16xi32>
        %add3A_464 = arith.addi %get3A_462, %add3A_463 : vector<16xi32>
        %swap3A_465 = arith.constant 32 : index
        %swap3A_466 = tpu.vector_load %arg16[%swap3A_465] {strides = array<i32>} : memref<80xi32, #tpu.memory_space<vmem>>, vector<16xi32>,
        %swap3A_467 = vector.shape_cast %swap3A_466 : vector<16xi32> to vector<16xi32>
        %swap3A_468 = vector.shape_cast %add3A_464 : vector<16xi32> to vector<16xi32>
        tpu.vector_store %arg16[%swap3A_465], %swap3A_468 {strides = array<i32>} : memref<80xi32, #tpu.memory_space<vmem>>, vector<16xi32>,
        %get3A_469 = arith.constant 32 : index
        %get3A_470 = tpu.vector_load %arg18[%get3A_469] {strides = array<i32>} : memref<80xi32, #tpu.memory_space<vmem>>, vector<16xi32>,
        %get3A_471 = vector.shape_cast %get3A_470 : vector<16xi32> to vector<16xi32>
        %add3A_472 = arith.constant 10000 : i32
        %add3A_473 = arith.addi %mul3A_1, %add3A_472 : i32
        %add3A_474 = vector.broadcast %add3A_473 : i32 to vector<16xi32>
        %add3A_475 = arith.addi %get3A_471, %add3A_474 : vector<16xi32>
        %swap3A_476 = arith.constant 32 : index
        %swap3A_477 = tpu.vector_load %arg17[%swap3A_476] {strides = array<i32>} : memref<80xi32, #tpu.memory_space<vmem>>, vector<16xi32>,
        %swap3A_478 = vector.shape_cast %swap3A_477 : vector<16xi32> to vector<16xi32>
        %swap3A_479 = vector.shape_cast %add3A_475 : vector<16xi32> to vector<16xi32>
        tpu.vector_store %arg17[%swap3A_476], %swap3A_479 {strides = array<i32>} : memref<80xi32, #tpu.memory_space<vmem>>, vector<16xi32>,
        %get3A_480 = arith.constant 48 : index
        %get3A_481 = tpu.vector_load %arg16[%get3A_480] {strides = array<i32>} : memref<80xi32, #tpu.memory_space<vmem>>, vector<16xi32>,
        %get3A_482 = vector.shape_cast %get3A_481 : vector<16xi32> to vector<16xi32>
        %add3A_483 = vector.broadcast %mul3A_1 : i32 to vector<16xi32>
        %add3A_484 = arith.addi %get3A_482, %add3A_483 : vector<16xi32>
        %swap3A_485 = arith.constant 48 : index
        %swap3A_486 = tpu.vector_load %arg16[%swap3A_485] {strides = array<i32>} : memref<80xi32, #tpu.memory_space<vmem>>, vector<16xi32>,
        %swap3A_487 = vector.shape_cast %swap3A_486 : vector<16xi32> to vector<16xi32>
        %swap3A_488 = vector.shape_cast %add3A_484 : vector<16xi32> to vector<16xi32>
        tpu.vector_store %arg16[%swap3A_485], %swap3A_488 {strides = array<i32>} : memref<80xi32, #tpu.memory_space<vmem>>, vector<16xi32>,
        %get3A_489 = arith.constant 48 : index
        %get3A_490 = tpu.vector_load %arg18[%get3A_489] {strides = array<i32>} : memref<80xi32, #tpu.memory_space<vmem>>, vector<16xi32>,
        %get3A_491 = vector.shape_cast %get3A_490 : vector<16xi32> to vector<16xi32>
        %add3A_492 = arith.constant 10000 : i32
        %add3A_493 = arith.addi %mul3A_1, %add3A_492 : i32
        %add3A_494 = vector.broadcast %add3A_493 : i32 to vector<16xi32>
        %add3A_495 = arith.addi %get3A_491, %add3A_494 : vector<16xi32>
        %swap3A_496 = arith.constant 48 : index
        %swap3A_497 = tpu.vector_load %arg17[%swap3A_496] {strides = array<i32>} : memref<80xi32, #tpu.memory_space<vmem>>, vector<16xi32>,
        %swap3A_498 = vector.shape_cast %swap3A_497 : vector<16xi32> to vector<16xi32>
        %swap3A_499 = vector.shape_cast %add3A_495 : vector<16xi32> to vector<16xi32>
        tpu.vector_store %arg17[%swap3A_496], %swap3A_499 {strides = array<i32>} : memref<80xi32, #tpu.memory_space<vmem>>, vector<16xi32>,
        %get3A_500 = arith.constant 64 : index
        %get3A_501 = tpu.vector_load %arg16[%get3A_500] {strides = array<i32>} : memref<80xi32, #tpu.memory_space<vmem>>, vector<16xi32>,
        %get3A_502 = vector.shape_cast %get3A_501 : vector<16xi32> to vector<16xi32>
        %add3A_503 = vector.broadcast %mul3A_1 : i32 to vector<16xi32>
        %add3A_504 = arith.addi %get3A_502, %add3A_503 : vector<16xi32>
        %swap3A_505 = arith.constant 64 : index
        %swap3A_506 = tpu.vector_load %arg16[%swap3A_505] {strides = array<i32>} : memref<80xi32, #tpu.memory_space<vmem>>, vector<16xi32>,
        %swap3A_507 = vector.shape_cast %swap3A_506 : vector<16xi32> to vector<16xi32>
        %swap3A_508 = vector.shape_cast %add3A_504 : vector<16xi32> to vector<16xi32>
        tpu.vector_store %arg16[%swap3A_505], %swap3A_508 {strides = array<i32>} : memref<80xi32, #tpu.memory_space<vmem>>, vector<16xi32>,
        %get3A_509 = arith.constant 64 : index
        %get3A_510 = tpu.vector_load %arg18[%get3A_509] {strides = array<i32>} : memref<80xi32, #tpu.memory_space<vmem>>, vector<16xi32>,
        %get3A_511 = vector.shape_cast %get3A_510 : vector<16xi32> to vector<16xi32>
        %add3A_512 = arith.constant 10000 : i32
        %add3A_513 = arith.addi %mul3A_1, %add3A_512 : i32
        %add3A_514 = vector.broadcast %add3A_513 : i32 to vector<16xi32>
        %add3A_515 = arith.addi %get3A_511, %add3A_514 : vector<16xi32>
        %swap3A_516 = arith.constant 64 : index
        %swap3A_517 = tpu.vector_load %arg17[%swap3A_516] {strides = array<i32>} : memref<80xi32, #tpu.memory_space<vmem>>, vector<16xi32>,
        %swap3A_518 = vector.shape_cast %swap3A_517 : vector<16xi32> to vector<16xi32>
        %swap3A_519 = vector.shape_cast %add3A_515 : vector<16xi32> to vector<16xi32>
        tpu.vector_store %arg17[%swap3A_516], %swap3A_519 {strides = array<i32>} : memref<80xi32, #tpu.memory_space<vmem>>, vector<16xi32>,
        %dma_start3A_520 = arith.constant 0 : i32
        %dma_start3A_521 = arith.constant 0 : i32
        %dma_start3A_522 = tpu.memref_slice %arg2[%dma_start3A_520, %dma_start3A_521] : memref<40000x128xf32, #tpu.memory_space<hbm>> -> memref<40000x128xf32, #tpu.memory_space<hbm>>
        tpu.enqueue_indirect_dma source(%dma_start3A_522 : memref<40000x128xf32, #tpu.memory_space<hbm>>) target(%arg9 : memref<80x128xf32, #tpu.memory_space<vmem>>) offsets(%arg17 : memref<80xi32, #tpu.memory_space<vmem>>) semaphore(%arg24 : memref<!tpu.dma_semaphore, #tpu.memory_space<semaphore_mem>>)
        %dma_wait3A_523 = arith.constant 0 : i32
        %dma_wait3A_524 = arith.constant 0 : i32
        %dma_wait3A_525 = tpu.memref_slice %arg22[%dma_wait3A_523, %dma_wait3A_524] : memref<10000x128xf32, #tpu.memory_space<vmem_shared>> -> memref<10000x128xf32, #tpu.memory_space<vmem_shared>>
        tpu.wait_indirect_dma semaphore(%arg26 : memref<!tpu.dma_semaphore, #tpu.memory_space<semaphore_mem>>) src(%arg8 : memref<80x128xf32, #tpu.memory_space<vmem>>) dst(%dma_wait3A_525 : memref<10000x128xf32, #tpu.memory_space<vmem_shared>>)
        %dma_start3A_526 = arith.constant 0 : i32
        %dma_start3A_527 = arith.constant 0 : i32
        %dma_start3A_528 = tpu.memref_slice %arg2[%dma_start3A_526, %dma_start3A_527] : memref<40000x128xf32, #tpu.memory_space<hbm>> -> memref<40000x128xf32, #tpu.memory_space<hbm>>
        tpu.enqueue_indirect_dma source(%dma_start3A_528 : memref<40000x128xf32, #tpu.memory_space<hbm>>) target(%arg8 : memref<80x128xf32, #tpu.memory_space<vmem>>) offsets(%arg16 : memref<80xi32, #tpu.memory_space<vmem>>) semaphore(%arg24 : memref<!tpu.dma_semaphore, #tpu.memory_space<semaphore_mem>>)
        %add3A_529 = arith.constant 4 : i32
        %add3A_530 = arith.addi %add3A_387, %add3A_529 : i32
        %lt3A_531 = arith.constant 125 : i32
        %lt3A_532 = arith.cmpi slt, %add3A_530, %lt3A_531 : i32
        %convert_element_type3A_533 = arith.extui %lt3A_532 : i1 to i32
        %cond3A_534 = arith.constant 0 : i32
        %cond3A_535 = arith.cmpi ne, %convert_element_type3A_533, %cond3A_534 : i32
        scf.if %cond3A_535 {
          %add3A_536 = arith.constant 4 : i32
          %add3A_537 = arith.addi %add3A_387, %add3A_536 : i32
          %mul3A_538 = arith.constant 80 : i32
          %mul3A_539 = arith.muli %add3A_537, %mul3A_538 : i32
          %add3A_540 = arith.addi %mul3A_3, %mul3A_539 : i32
          %dma_start3A_541 = tpu.memref_slice %arg3[%add3A_540] : memref<160000xi32, #tpu.memory_space<hbm>> -> memref<80xi32, #tpu.memory_space<hbm>>
          %dma_start3A_542 = tpu.memref_slice %arg3[%add3A_540] : memref<160000xi32, #tpu.memory_space<hbm>> -> memref<80xi32, #tpu.memory_space<hbm>>
          tpu.enqueue_dma source(%dma_start3A_542 : memref<80xi32, #tpu.memory_space<hbm>>) target(%arg19 : memref<80xi32, #tpu.memory_space<vmem>>) target_semaphore(%arg30 : memref<!tpu.dma_semaphore, #tpu.memory_space<semaphore_mem>>)
          %mul3A_543 = arith.constant 80 : i32
          %mul3A_544 = arith.muli %add3A_537, %mul3A_543 : i32
          %add3A_545 = arith.addi %mul3A_3, %mul3A_544 : i32
          %dma_start3A_546 = tpu.memref_slice %arg4[%add3A_545] : memref<160000xi32, #tpu.memory_space<hbm>> -> memref<80xi32, #tpu.memory_space<hbm>>
          %dma_start3A_547 = tpu.memref_slice %arg4[%add3A_545] : memref<160000xi32, #tpu.memory_space<hbm>> -> memref<80xi32, #tpu.memory_space<hbm>>
          tpu.enqueue_dma source(%dma_start3A_547 : memref<80xi32, #tpu.memory_space<hbm>>) target(%arg21 : memref<80xi32, #tpu.memory_space<vmem>>) target_semaphore(%arg30 : memref<!tpu.dma_semaphore, #tpu.memory_space<semaphore_mem>>)
        } else {
        }
      } else {
      }
      %scan3A_407 = arith.constant 0 : i32
      scf.yield %scan3A_407 : i32
    }
    %scan3A_303 = arith.constant 31 : i32
    %dma_wait3A_304 = arith.constant 0 : i32
    %dma_wait3A_305 = arith.constant 0 : i32
    %dma_wait3A_306 = tpu.memref_slice %arg2[%dma_wait3A_304, %dma_wait3A_305] : memref<40000x128xf32, #tpu.memory_space<hbm>> -> memref<40000x128xf32, #tpu.memory_space<hbm>>
    tpu.wait_indirect_dma semaphore(%arg23 : memref<!tpu.dma_semaphore, #tpu.memory_space<semaphore_mem>>) src(%dma_wait3A_306 : memref<40000x128xf32, #tpu.memory_space<hbm>>) dst(%arg6 : memref<80x128xf32, #tpu.memory_space<vmem>>)
    %dma_wait3A_307 = arith.constant 0 : i32
    %dma_wait3A_308 = arith.constant 0 : i32
    %dma_wait3A_309 = tpu.memref_slice %arg2[%dma_wait3A_307, %dma_wait3A_308] : memref<40000x128xf32, #tpu.memory_space<hbm>> -> memref<40000x128xf32, #tpu.memory_space<hbm>>
    tpu.wait_indirect_dma semaphore(%arg23 : memref<!tpu.dma_semaphore, #tpu.memory_space<semaphore_mem>>) src(%dma_wait3A_309 : memref<40000x128xf32, #tpu.memory_space<hbm>>) dst(%arg7 : memref<80x128xf32, #tpu.memory_space<vmem>>)
    %parallel_loop3A = arith.constant 0 : i32
    %parallel_loop3A_310 = arith.constant 80 : i32
    %parallel_loop3A_311 = arith.constant 1 : i32
    scf.for %parallel_loop3A_324 = %parallel_loop3A to %parallel_loop3A_310 step %parallel_loop3A_311  : i32 {
      %parallel_loop3A_325 = arith.index_cast %parallel_loop3A_324 : i32 to index
      %parallel_loop3A_326 = arith.constant 0 : index
      %parallel_loop3A_327 = tpu.vector_load %arg6[%parallel_loop3A_325, %parallel_loop3A_326] {strides = array<i32>} : memref<80x128xf32, #tpu.memory_space<vmem>>, vector<1x16xf32>,
      %parallel_loop3A_328 = vector.shape_cast %parallel_loop3A_327 : vector<1x16xf32> to vector<16xf32>
      %parallel_loop3A_329 = arith.index_cast %parallel_loop3A_324 : i32 to index
      %parallel_loop3A_330 = arith.constant 0 : index
      %parallel_loop3A_331 = tpu.vector_load %arg7[%parallel_loop3A_329, %parallel_loop3A_330] {strides = array<i32>} : memref<80x128xf32, #tpu.memory_space<vmem>>, vector<1x16xf32>,
      %parallel_loop3A_332 = vector.shape_cast %parallel_loop3A_331 : vector<1x16xf32> to vector<16xf32>
      %parallel_loop3A_333 = arith.addf %parallel_loop3A_328, %parallel_loop3A_332 : vector<16xf32>
      %parallel_loop3A_334 = arith.constant 0.000000e+00 : f32
      %parallel_loop3A_335 = vector.broadcast %parallel_loop3A_334 : f32 to vector<16xf32>
      %parallel_loop3A_336 = arith.maximumf %parallel_loop3A_333, %parallel_loop3A_335 : vector<16xf32>
      %parallel_loop3A_337 = arith.index_cast %parallel_loop3A_324 : i32 to index
      %parallel_loop3A_338 = arith.constant 0 : index
      %parallel_loop3A_339 = tpu.vector_load %arg6[%parallel_loop3A_337, %parallel_loop3A_338] {strides = array<i32>} : memref<80x128xf32, #tpu.memory_space<vmem>>, vector<1x16xf32>,
      %parallel_loop3A_340 = vector.shape_cast %parallel_loop3A_339 : vector<1x16xf32> to vector<16xf32>
      %parallel_loop3A_341 = vector.shape_cast %parallel_loop3A_336 : vector<16xf32> to vector<1x16xf32>
      tpu.vector_store %arg6[%parallel_loop3A_337, %parallel_loop3A_338], %parallel_loop3A_341 {strides = array<i32>} : memref<80x128xf32, #tpu.memory_space<vmem>>, vector<1x16xf32>,
      %parallel_loop3A_342 = arith.index_cast %parallel_loop3A_324 : i32 to index
      %parallel_loop3A_343 = arith.constant 16 : index
      %parallel_loop3A_344 = tpu.vector_load %arg6[%parallel_loop3A_342, %parallel_loop3A_343] {strides = array<i32>} : memref<80x128xf32, #tpu.memory_space<vmem>>, vector<1x16xf32>,
      %parallel_loop3A_345 = vector.shape_cast %parallel_loop3A_344 : vector<1x16xf32> to vector<16xf32>
      %parallel_loop3A_346 = arith.index_cast %parallel_loop3A_324 : i32 to index
      %parallel_loop3A_347 = arith.constant 16 : index
      %parallel_loop3A_348 = tpu.vector_load %arg7[%parallel_loop3A_346, %parallel_loop3A_347] {strides = array<i32>} : memref<80x128xf32, #tpu.memory_space<vmem>>, vector<1x16xf32>,
      %parallel_loop3A_349 = vector.shape_cast %parallel_loop3A_348 : vector<1x16xf32> to vector<16xf32>
      %parallel_loop3A_350 = arith.addf %parallel_loop3A_345, %parallel_loop3A_349 : vector<16xf32>
      %parallel_loop3A_351 = arith.constant 0.000000e+00 : f32
      %parallel_loop3A_352 = vector.broadcast %parallel_loop3A_351 : f32 to vector<16xf32>
      %parallel_loop3A_353 = arith.maximumf %parallel_loop3A_350, %parallel_loop3A_352 : vector<16xf32>
      %parallel_loop3A_354 = arith.index_cast %parallel_loop3A_324 : i32 to index
      %parallel_loop3A_355 = arith.constant 16 : index
      %parallel_loop3A_356 = tpu.vector_load %arg6[%parallel_loop3A_354, %parallel_loop3A_355] {strides = array<i32>} : memref<80x128xf32, #tpu.memory_space<vmem>>, vector<1x16xf32>,
      %parallel_loop3A_357 = vector.shape_cast %parallel_loop3A_356 : vector<1x16xf32> to vector<16xf32>
      %parallel_loop3A_358 = vector.shape_cast %parallel_loop3A_353 : vector<16xf32> to vector<1x16xf32>
      tpu.vector_store %arg6[%parallel_loop3A_354, %parallel_loop3A_355], %parallel_loop3A_358 {strides = array<i32>} : memref<80x128xf32, #tpu.memory_space<vmem>>, vector<1x16xf32>,
      %parallel_loop3A_359 = arith.index_cast %parallel_loop3A_324 : i32 to index
      %parallel_loop3A_360 = arith.constant 32 : index
      %parallel_loop3A_361 = tpu.vector_load %arg6[%parallel_loop3A_359, %parallel_loop3A_360] {strides = array<i32>} : memref<80x128xf32, #tpu.memory_space<vmem>>, vector<1x16xf32>,
      %parallel_loop3A_362 = vector.shape_cast %parallel_loop3A_361 : vector<1x16xf32> to vector<16xf32>
      %parallel_loop3A_363 = arith.index_cast %parallel_loop3A_324 : i32 to index
      %parallel_loop3A_364 = arith.constant 32 : index
      %parallel_loop3A_365 = tpu.vector_load %arg7[%parallel_loop3A_363, %parallel_loop3A_364] {strides = array<i32>} : memref<80x128xf32, #tpu.memory_space<vmem>>, vector<1x16xf32>,
      %parallel_loop3A_366 = vector.shape_cast %parallel_loop3A_365 : vector<1x16xf32> to vector<16xf32>
      %parallel_loop3A_367 = arith.addf %parallel_loop3A_362, %parallel_loop3A_366 : vector<16xf32>
      %parallel_loop3A_368 = arith.constant 0.000000e+00 : f32
      %parallel_loop3A_369 = vector.broadcast %parallel_loop3A_368 : f32 to vector<16xf32>
      %parallel_loop3A_370 = arith.maximumf %parallel_loop3A_367, %parallel_loop3A_369 : vector<16xf32>
      %parallel_loop3A_371 = arith.index_cast %parallel_loop3A_324 : i32 to index
      %parallel_loop3A_372 = arith.constant 32 : index
      %parallel_loop3A_373 = tpu.vector_load %arg6[%parallel_loop3A_371, %parallel_loop3A_372] {strides = array<i32>} : memref<80x128xf32, #tpu.memory_space<vmem>>, vector<1x16xf32>,
      %parallel_loop3A_374 = vector.shape_cast %parallel_loop3A_373 : vector<1x16xf32> to vector<16xf32>
      %parallel_loop3A_375 = vector.shape_cast %parallel_loop3A_370 : vector<16xf32> to vector<1x16xf32>
      tpu.vector_store %arg6[%parallel_loop3A_371, %parallel_loop3A_372], %parallel_loop3A_375 {strides = array<i32>} : memref<80x128xf32, #tpu.memory_space<vmem>>, vector<1x16xf32>,
      %parallel_loop3A_376 = arith.index_cast %parallel_loop3A_324 : i32 to index
      %parallel_loop3A_377 = arith.constant 48 : index
      %parallel_loop3A_378 = tpu.vector_load %arg6[%parallel_loop3A_376, %parallel_loop3A_377] {strides = array<i32>} : memref<80x128xf32, #tpu.memory_space<vmem>>, vector<1x16xf32>,
      %parallel_loop3A_379 = vector.shape_cast %parallel_loop3A_378 : vector<1x16xf32> to vector<16xf32>
      %parallel_loop3A_380 = arith.index_cast %parallel_loop3A_324 : i32 to index
      %parallel_loop3A_381 = arith.constant 48 : index
      %parallel_loop3A_382 = tpu.vector_load %arg7[%parallel_loop3A_380, %parallel_loop3A_381] {strides = array<i32>} : memref<80x128xf32, #tpu.memory_space<vmem>>, vector<1x16xf32>,
      %parallel_loop3A_383 = vector.shape_cast %parallel_loop3A_382 : vector<1x16xf32> to vector<16xf32>
      %parallel_loop3A_384 = arith.addf %parallel_loop3A_379, %parallel_loop3A_383 : vector<16xf32>
      %parallel_loop3A_385 = arith.constant 0.000000e+00 : f32
      %parallel_loop3A_386 = vector.broadcast %parallel_loop3A_385 : f32 to vector<16xf32>
      %parallel_loop3A_387 = arith.maximumf %parallel_loop3A_384, %parallel_loop3A_386 : vector<16xf32>
      %parallel_loop3A_388 = arith.index_cast %parallel_loop3A_324 : i32 to index
      %parallel_loop3A_389 = arith.constant 48 : index
      %parallel_loop3A_390 = tpu.vector_load %arg6[%parallel_loop3A_388, %parallel_loop3A_389] {strides = array<i32>} : memref<80x128xf32, #tpu.memory_space<vmem>>, vector<1x16xf32>,
      %parallel_loop3A_391 = vector.shape_cast %parallel_loop3A_390 : vector<1x16xf32> to vector<16xf32>
      %parallel_loop3A_392 = vector.shape_cast %parallel_loop3A_387 : vector<16xf32> to vector<1x16xf32>
      tpu.vector_store %arg6[%parallel_loop3A_388, %parallel_loop3A_389], %parallel_loop3A_392 {strides = array<i32>} : memref<80x128xf32, #tpu.memory_space<vmem>>, vector<1x16xf32>,
      %parallel_loop3A_393 = arith.index_cast %parallel_loop3A_324 : i32 to index
      %parallel_loop3A_394 = arith.constant 64 : index
      %parallel_loop3A_395 = tpu.vector_load %arg6[%parallel_loop3A_393, %parallel_loop3A_394] {strides = array<i32>} : memref<80x128xf32, #tpu.memory_space<vmem>>, vector<1x16xf32>,
      %parallel_loop3A_396 = vector.shape_cast %parallel_loop3A_395 : vector<1x16xf32> to vector<16xf32>
      %parallel_loop3A_397 = arith.index_cast %parallel_loop3A_324 : i32 to index
      %parallel_loop3A_398 = arith.constant 64 : index
      %parallel_loop3A_399 = tpu.vector_load %arg7[%parallel_loop3A_397, %parallel_loop3A_398] {strides = array<i32>} : memref<80x128xf32, #tpu.memory_space<vmem>>, vector<1x16xf32>,
      %parallel_loop3A_400 = vector.shape_cast %parallel_loop3A_399 : vector<1x16xf32> to vector<16xf32>
      %parallel_loop3A_401 = arith.addf %parallel_loop3A_396, %parallel_loop3A_400 : vector<16xf32>
      %parallel_loop3A_402 = arith.constant 0.000000e+00 : f32
      %parallel_loop3A_403 = vector.broadcast %parallel_loop3A_402 : f32 to vector<16xf32>
      %parallel_loop3A_404 = arith.maximumf %parallel_loop3A_401, %parallel_loop3A_403 : vector<16xf32>
      %parallel_loop3A_405 = arith.index_cast %parallel_loop3A_324 : i32 to index
      %parallel_loop3A_406 = arith.constant 64 : index
      %parallel_loop3A_407 = tpu.vector_load %arg6[%parallel_loop3A_405, %parallel_loop3A_406] {strides = array<i32>} : memref<80x128xf32, #tpu.memory_space<vmem>>, vector<1x16xf32>,
      %parallel_loop3A_408 = vector.shape_cast %parallel_loop3A_407 : vector<1x16xf32> to vector<16xf32>
      %parallel_loop3A_409 = vector.shape_cast %parallel_loop3A_404 : vector<16xf32> to vector<1x16xf32>
      tpu.vector_store %arg6[%parallel_loop3A_405, %parallel_loop3A_406], %parallel_loop3A_409 {strides = array<i32>} : memref<80x128xf32, #tpu.memory_space<vmem>>, vector<1x16xf32>,
      %parallel_loop3A_410 = arith.index_cast %parallel_loop3A_324 : i32 to index
      %parallel_loop3A_411 = arith.constant 80 : index
      %parallel_loop3A_412 = tpu.vector_load %arg6[%parallel_loop3A_410, %parallel_loop3A_411] {strides = array<i32>} : memref<80x128xf32, #tpu.memory_space<vmem>>, vector<1x16xf32>,
      %parallel_loop3A_413 = vector.shape_cast %parallel_loop3A_412 : vector<1x16xf32> to vector<16xf32>
      %parallel_loop3A_414 = arith.index_cast %parallel_loop3A_324 : i32 to index
      %parallel_loop3A_415 = arith.constant 80 : index
      %parallel_loop3A_416 = tpu.vector_load %arg7[%parallel_loop3A_414, %parallel_loop3A_415] {strides = array<i32>} : memref<80x128xf32, #tpu.memory_space<vmem>>, vector<1x16xf32>,
      %parallel_loop3A_417 = vector.shape_cast %parallel_loop3A_416 : vector<1x16xf32> to vector<16xf32>
      %parallel_loop3A_418 = arith.addf %parallel_loop3A_413, %parallel_loop3A_417 : vector<16xf32>
      %parallel_loop3A_419 = arith.constant 0.000000e+00 : f32
      %parallel_loop3A_420 = vector.broadcast %parallel_loop3A_419 : f32 to vector<16xf32>
      %parallel_loop3A_421 = arith.maximumf %parallel_loop3A_418, %parallel_loop3A_420 : vector<16xf32>
      %parallel_loop3A_422 = arith.index_cast %parallel_loop3A_324 : i32 to index
      %parallel_loop3A_423 = arith.constant 80 : index
      %parallel_loop3A_424 = tpu.vector_load %arg6[%parallel_loop3A_422, %parallel_loop3A_423] {strides = array<i32>} : memref<80x128xf32, #tpu.memory_space<vmem>>, vector<1x16xf32>,
      %parallel_loop3A_425 = vector.shape_cast %parallel_loop3A_424 : vector<1x16xf32> to vector<16xf32>
      %parallel_loop3A_426 = vector.shape_cast %parallel_loop3A_421 : vector<16xf32> to vector<1x16xf32>
      tpu.vector_store %arg6[%parallel_loop3A_422, %parallel_loop3A_423], %parallel_loop3A_426 {strides = array<i32>} : memref<80x128xf32, #tpu.memory_space<vmem>>, vector<1x16xf32>,
      %parallel_loop3A_427 = arith.index_cast %parallel_loop3A_324 : i32 to index
      %parallel_loop3A_428 = arith.constant 96 : index
      %parallel_loop3A_429 = tpu.vector_load %arg6[%parallel_loop3A_427, %parallel_loop3A_428] {strides = array<i32>} : memref<80x128xf32, #tpu.memory_space<vmem>>, vector<1x16xf32>,
      %parallel_loop3A_430 = vector.shape_cast %parallel_loop3A_429 : vector<1x16xf32> to vector<16xf32>
      %parallel_loop3A_431 = arith.index_cast %parallel_loop3A_324 : i32 to index
      %parallel_loop3A_432 = arith.constant 96 : index
      %parallel_loop3A_433 = tpu.vector_load %arg7[%parallel_loop3A_431, %parallel_loop3A_432] {strides = array<i32>} : memref<80x128xf32, #tpu.memory_space<vmem>>, vector<1x16xf32>,
      %parallel_loop3A_434 = vector.shape_cast %parallel_loop3A_433 : vector<1x16xf32> to vector<16xf32>
      %parallel_loop3A_435 = arith.addf %parallel_loop3A_430, %parallel_loop3A_434 : vector<16xf32>
      %parallel_loop3A_436 = arith.constant 0.000000e+00 : f32
      %parallel_loop3A_437 = vector.broadcast %parallel_loop3A_436 : f32 to vector<16xf32>
      %parallel_loop3A_438 = arith.maximumf %parallel_loop3A_435, %parallel_loop3A_437 : vector<16xf32>
      %parallel_loop3A_439 = arith.index_cast %parallel_loop3A_324 : i32 to index
      %parallel_loop3A_440 = arith.constant 96 : index
      %parallel_loop3A_441 = tpu.vector_load %arg6[%parallel_loop3A_439, %parallel_loop3A_440] {strides = array<i32>} : memref<80x128xf32, #tpu.memory_space<vmem>>, vector<1x16xf32>,
      %parallel_loop3A_442 = vector.shape_cast %parallel_loop3A_441 : vector<1x16xf32> to vector<16xf32>
      %parallel_loop3A_443 = vector.shape_cast %parallel_loop3A_438 : vector<16xf32> to vector<1x16xf32>
      tpu.vector_store %arg6[%parallel_loop3A_439, %parallel_loop3A_440], %parallel_loop3A_443 {strides = array<i32>} : memref<80x128xf32, #tpu.memory_space<vmem>>, vector<1x16xf32>,
      %parallel_loop3A_444 = arith.index_cast %parallel_loop3A_324 : i32 to index
      %parallel_loop3A_445 = arith.constant 112 : index
      %parallel_loop3A_446 = tpu.vector_load %arg6[%parallel_loop3A_444, %parallel_loop3A_445] {strides = array<i32>} : memref<80x128xf32, #tpu.memory_space<vmem>>, vector<1x16xf32>,
      %parallel_loop3A_447 = vector.shape_cast %parallel_loop3A_446 : vector<1x16xf32> to vector<16xf32>
      %parallel_loop3A_448 = arith.index_cast %parallel_loop3A_324 : i32 to index
      %parallel_loop3A_449 = arith.constant 112 : index
      %parallel_loop3A_450 = tpu.vector_load %arg7[%parallel_loop3A_448, %parallel_loop3A_449] {strides = array<i32>} : memref<80x128xf32, #tpu.memory_space<vmem>>, vector<1x16xf32>,
      %parallel_loop3A_451 = vector.shape_cast %parallel_loop3A_450 : vector<1x16xf32> to vector<16xf32>
      %parallel_loop3A_452 = arith.addf %parallel_loop3A_447, %parallel_loop3A_451 : vector<16xf32>
      %parallel_loop3A_453 = arith.constant 0.000000e+00 : f32
      %parallel_loop3A_454 = vector.broadcast %parallel_loop3A_453 : f32 to vector<16xf32>
      %parallel_loop3A_455 = arith.maximumf %parallel_loop3A_452, %parallel_loop3A_454 : vector<16xf32>
      %parallel_loop3A_456 = arith.index_cast %parallel_loop3A_324 : i32 to index
      %parallel_loop3A_457 = arith.constant 112 : index
      %parallel_loop3A_458 = tpu.vector_load %arg6[%parallel_loop3A_456, %parallel_loop3A_457] {strides = array<i32>} : memref<80x128xf32, #tpu.memory_space<vmem>>, vector<1x16xf32>,
      %parallel_loop3A_459 = vector.shape_cast %parallel_loop3A_458 : vector<1x16xf32> to vector<16xf32>
      %parallel_loop3A_460 = vector.shape_cast %parallel_loop3A_455 : vector<16xf32> to vector<1x16xf32>
      tpu.vector_store %arg6[%parallel_loop3A_456, %parallel_loop3A_457], %parallel_loop3A_460 {strides = array<i32>} : memref<80x128xf32, #tpu.memory_space<vmem>>, vector<1x16xf32>,
    } {sc.loop_unroll_factor = 4 : i64, sc.parallel_access}
    %dma_start3A_312 = arith.constant 0 : i32
    %dma_start3A_313 = arith.constant 0 : i32
    %dma_start3A_314 = tpu.memref_slice %arg22[%dma_start3A_312, %dma_start3A_313] : memref<10000x128xf32, #tpu.memory_space<vmem_shared>> -> memref<10000x128xf32, #tpu.memory_space<vmem_shared>>
    tpu.enqueue_indirect_dma source(%arg6 : memref<80x128xf32, #tpu.memory_space<vmem>>) target(%dma_start3A_314 : memref<10000x128xf32, #tpu.memory_space<vmem_shared>>) offsets(%arg12 : memref<80xi32, #tpu.memory_space<vmem>>) semaphore(%arg25 : memref<!tpu.dma_semaphore, #tpu.memory_space<semaphore_mem>>) {add = true}
    %dma_wait3A_315 = arith.constant 0 : i32
    %dma_wait3A_316 = arith.constant 0 : i32
    %dma_wait3A_317 = tpu.memref_slice %arg22[%dma_wait3A_315, %dma_wait3A_316] : memref<10000x128xf32, #tpu.memory_space<vmem_shared>> -> memref<10000x128xf32, #tpu.memory_space<vmem_shared>>
    tpu.wait_indirect_dma semaphore(%arg25 : memref<!tpu.dma_semaphore, #tpu.memory_space<semaphore_mem>>) src(%arg6 : memref<80x128xf32, #tpu.memory_space<vmem>>) dst(%dma_wait3A_317 : memref<10000x128xf32, #tpu.memory_space<vmem_shared>>)
    %dma_wait3A_318 = arith.constant 0 : i32
    %dma_wait3A_319 = arith.constant 0 : i32
    %dma_wait3A_320 = tpu.memref_slice %arg22[%dma_wait3A_318, %dma_wait3A_319] : memref<10000x128xf32, #tpu.memory_space<vmem_shared>> -> memref<10000x128xf32, #tpu.memory_space<vmem_shared>>
    tpu.wait_indirect_dma semaphore(%arg26 : memref<!tpu.dma_semaphore, #tpu.memory_space<semaphore_mem>>) src(%arg8 : memref<80x128xf32, #tpu.memory_space<vmem>>) dst(%dma_wait3A_320 : memref<10000x128xf32, #tpu.memory_space<vmem_shared>>)
    %barrier3A_321 = arith.constant 0 : index
    tpu.barrier barrier_id(%barrier3A_321)
    %mul3A_322 = arith.constant 624 : i32
    %mul3A_323 = arith.muli %arg1, %mul3A_322 : i32
    "tpu.region"() ({
      %run_scoped3A = tpu.sem_alloc : memref<!tpu.dma_semaphore, #tpu.memory_space<semaphore_mem>>
      %dma_start3A_324 = arith.constant 0 : i32
      %dma_start3A_325 = arith.constant 0 : i32
      %dma_start3A_326 = tpu.memref_slice %arg5[%arg0, %dma_start3A_324, %dma_start3A_325] : memref<2x10000x128xf32, #tpu.memory_space<hbm>> -> memref<1x10000x128xf32, #tpu.memory_space<hbm>>
      %dma_start3A_327 = tpu.memref_squeeze %dma_start3A_326 : memref<1x10000x128xf32, #tpu.memory_space<hbm>> -> memref<10000x128xf32, #tpu.memory_space<hbm>>
      %dma_start3A_328 = arith.constant 0 : i32
      %dma_start3A_329 = tpu.memref_slice %dma_start3A_327[%mul3A_323, %dma_start3A_328] : memref<10000x128xf32, #tpu.memory_space<hbm>> -> memref<640x128xf32, #tpu.memory_space<hbm>>
      %dma_start3A_330 = arith.constant 0 : i32
      %dma_start3A_331 = tpu.memref_slice %arg22[%mul3A_323, %dma_start3A_330] : memref<10000x128xf32, #tpu.memory_space<vmem_shared>> -> memref<640x128xf32, #tpu.memory_space<vmem_shared>>
      tpu.enqueue_dma source(%dma_start3A_331 : memref<640x128xf32, #tpu.memory_space<vmem_shared>>) target(%dma_start3A_329 : memref<640x128xf32, #tpu.memory_space<hbm>>) target_semaphore(%run_scoped3A : memref<!tpu.dma_semaphore, #tpu.memory_space<semaphore_mem>>)
      %dma_wait3A_332 = arith.constant 0 : i32
      %dma_wait3A_333 = arith.constant 0 : i32
      %dma_wait3A_334 = tpu.memref_slice %arg5[%arg0, %dma_wait3A_332, %dma_wait3A_333] : memref<2x10000x128xf32, #tpu.memory_space<hbm>> -> memref<1x10000x128xf32, #tpu.memory_space<hbm>>
      %dma_wait3A_335 = tpu.memref_squeeze %dma_wait3A_334 : memref<1x10000x128xf32, #tpu.memory_space<hbm>> -> memref<10000x128xf32, #tpu.memory_space<hbm>>
      %dma_wait3A_336 = arith.constant 0 : i32
      %dma_wait3A_337 = tpu.memref_slice %dma_wait3A_335[%mul3A_323, %dma_wait3A_336] : memref<10000x128xf32, #tpu.memory_space<hbm>> -> memref<640x128xf32, #tpu.memory_space<hbm>>
      %dma_wait3A_338 = arith.constant 0 : i32
      %dma_wait3A_339 = tpu.memref_slice %arg22[%mul3A_323, %dma_wait3A_338] : memref<10000x128xf32, #tpu.memory_space<vmem_shared>> -> memref<640x128xf32, #tpu.memory_space<vmem_shared>>
      tpu.wait_dma2 semaphore(%run_scoped3A : memref<!tpu.dma_semaphore, #tpu.memory_space<semaphore_mem>>) src(%dma_wait3A_339 : memref<640x128xf32, #tpu.memory_space<vmem_shared>>) dst(%dma_wait3A_337 : memref<640x128xf32, #tpu.memory_space<hbm>>)
      tpu.yield
    }) : () -> ()
    return
  }
}

module attributes {stable_mosaic.version = 14 : i64} {
  func.func @_tc1_body(%arg0: i32, %arg1: memref<2000x256xf32, #tpu.memory_space<vmem>>, %arg2: memref<256x512xf32, #tpu.memory_space<vmem>>, %arg3: memref<4x1x128xf32, #tpu.memory_space<vmem>>, %arg4: memref<4x2000x128xf32, #tpu.memory_space<vmem>>) attributes {dimension_semantics = [#tpu.dimension_semantics<arbitrary>], iteration_bounds = array<i64: 5>, scalar_prefetch = 0 : i64, scratch_operands = 0 : i64, tpu.core_type = #tpu.core_type<tc>, window_params = [{transform_indices = @transform_0, window_bounds = array<i64: 2000, 256>}, {pipeline_mode = #tpu.pipeline_mode<synchronous>, transform_indices = @transform_1, window_bounds = array<i64: 256, 512>}, {pipeline_mode = #tpu.pipeline_mode<synchronous>, transform_indices = @transform_2, window_bounds = array<i64: 4, 1, 128>}, {transform_indices = @transform_3, window_bounds = array<i64: 4, 2000, 128>}]} {
    %get3A = arith.constant 0 : index
    %get3A_0 = arith.constant 0 : index
    %get3A_1 = vector.load %arg1[%get3A, %get3A_0] : memref<2000x256xf32, #tpu.memory_space<vmem>>, vector<2000x256xf32>
    %get3A_2 = arith.constant 0 : index
    %get3A_3 = arith.constant 0 : index
    %get3A_4 = vector.load %arg2[%get3A_2, %get3A_3] : memref<256x512xf32, #tpu.memory_space<vmem>>, vector<256x128xf32>
    %dot_general3A = arith.constant dense<0.000000e+00> : vector<2000x128xf32>
    %dot_general3A_5 = tpu.matmul %get3A_1, %get3A_4, %dot_general3A {dimension_numbers = #tpu.dot_dimension_numbers<[1], [0], [0], [1], [0, 0, 1, 1], [], []>, transpose_lhs_hint = false} : vector<2000x256xf32>, vector<256x128xf32>, vector<2000x128xf32> -> vector<2000x128xf32>
    %get3A_6 = arith.constant 0 : index
    %get3A_7 = arith.constant 0 : index
    %get3A_8 = arith.constant 0 : index
    %get3A_9 = vector.load %arg3[%get3A_6, %get3A_7, %get3A_8] : memref<4x1x128xf32, #tpu.memory_space<vmem>>, vector<1x1x128xf32>
    %get3A_10 = vector.shape_cast %get3A_9 : vector<1x1x128xf32> to vector<1x128xf32>
    %add3A = vector.broadcast %get3A_10 : vector<1x128xf32> to vector<2000x128xf32>
    %add3A_11 = arith.addf %dot_general3A_5, %add3A : vector<2000x128xf32>
    %swap3A = arith.constant 0 : index
    %swap3A_12 = arith.constant 0 : index
    %swap3A_13 = arith.constant 0 : index
    %swap3A_14 = vector.load %arg4[%swap3A, %swap3A_12, %swap3A_13] : memref<4x2000x128xf32, #tpu.memory_space<vmem>>, vector<1x2000x128xf32>
    %swap3A_15 = vector.shape_cast %swap3A_14 : vector<1x2000x128xf32> to vector<2000x128xf32>
    %swap3A_16 = vector.shape_cast %add3A_11 : vector<2000x128xf32> to vector<1x2000x128xf32>
    tpu.vector_store %arg4[%swap3A, %swap3A_12, %swap3A_13], %swap3A_16 {strides = array<i32>} : memref<4x2000x128xf32, #tpu.memory_space<vmem>>, vector<1x2000x128xf32>,
    %get3A_17 = arith.constant 0 : index
    %get3A_18 = arith.constant 128 : index
    %get3A_19 = vector.load %arg2[%get3A_17, %get3A_18] : memref<256x512xf32, #tpu.memory_space<vmem>>, vector<256x128xf32>
    %dot_general3A_20 = arith.constant dense<0.000000e+00> : vector<2000x128xf32>
    %dot_general3A_21 = tpu.matmul %get3A_1, %get3A_19, %dot_general3A_20 {dimension_numbers = #tpu.dot_dimension_numbers<[1], [0], [0], [1], [0, 0, 1, 1], [], []>, transpose_lhs_hint = false} : vector<2000x256xf32>, vector<256x128xf32>, vector<2000x128xf32> -> vector<2000x128xf32>
    %get3A_22 = arith.constant 1 : index
    %get3A_23 = arith.constant 0 : index
    %get3A_24 = arith.constant 0 : index
    %get3A_25 = vector.load %arg3[%get3A_22, %get3A_23, %get3A_24] : memref<4x1x128xf32, #tpu.memory_space<vmem>>, vector<1x1x128xf32>
    %get3A_26 = vector.shape_cast %get3A_25 : vector<1x1x128xf32> to vector<1x128xf32>
    %add3A_27 = vector.broadcast %get3A_26 : vector<1x128xf32> to vector<2000x128xf32>
    %add3A_28 = arith.addf %dot_general3A_21, %add3A_27 : vector<2000x128xf32>
    %swap3A_29 = arith.constant 1 : index
    %swap3A_30 = arith.constant 0 : index
    %swap3A_31 = arith.constant 0 : index
    %swap3A_32 = vector.load %arg4[%swap3A_29, %swap3A_30, %swap3A_31] : memref<4x2000x128xf32, #tpu.memory_space<vmem>>, vector<1x2000x128xf32>
    %swap3A_33 = vector.shape_cast %swap3A_32 : vector<1x2000x128xf32> to vector<2000x128xf32>
    %swap3A_34 = vector.shape_cast %add3A_28 : vector<2000x128xf32> to vector<1x2000x128xf32>
    tpu.vector_store %arg4[%swap3A_29, %swap3A_30, %swap3A_31], %swap3A_34 {strides = array<i32>} : memref<4x2000x128xf32, #tpu.memory_space<vmem>>, vector<1x2000x128xf32>,
    %get3A_35 = arith.constant 0 : index
    %get3A_36 = arith.constant 256 : index
    %get3A_37 = vector.load %arg2[%get3A_35, %get3A_36] : memref<256x512xf32, #tpu.memory_space<vmem>>, vector<256x128xf32>
    %dot_general3A_38 = arith.constant dense<0.000000e+00> : vector<2000x128xf32>
    %dot_general3A_39 = tpu.matmul %get3A_1, %get3A_37, %dot_general3A_38 {dimension_numbers = #tpu.dot_dimension_numbers<[1], [0], [0], [1], [0, 0, 1, 1], [], []>, transpose_lhs_hint = false} : vector<2000x256xf32>, vector<256x128xf32>, vector<2000x128xf32> -> vector<2000x128xf32>
    %get3A_40 = arith.constant 2 : index
    %get3A_41 = arith.constant 0 : index
    %get3A_42 = arith.constant 0 : index
    %get3A_43 = vector.load %arg3[%get3A_40, %get3A_41, %get3A_42] : memref<4x1x128xf32, #tpu.memory_space<vmem>>, vector<1x1x128xf32>
    %get3A_44 = vector.shape_cast %get3A_43 : vector<1x1x128xf32> to vector<1x128xf32>
    %add3A_45 = vector.broadcast %get3A_44 : vector<1x128xf32> to vector<2000x128xf32>
    %add3A_46 = arith.addf %dot_general3A_39, %add3A_45 : vector<2000x128xf32>
    %swap3A_47 = arith.constant 2 : index
    %swap3A_48 = arith.constant 0 : index
    %swap3A_49 = arith.constant 0 : index
    %swap3A_50 = vector.load %arg4[%swap3A_47, %swap3A_48, %swap3A_49] : memref<4x2000x128xf32, #tpu.memory_space<vmem>>, vector<1x2000x128xf32>
    %swap3A_51 = vector.shape_cast %swap3A_50 : vector<1x2000x128xf32> to vector<2000x128xf32>
    %swap3A_52 = vector.shape_cast %add3A_46 : vector<2000x128xf32> to vector<1x2000x128xf32>
    tpu.vector_store %arg4[%swap3A_47, %swap3A_48, %swap3A_49], %swap3A_52 {strides = array<i32>} : memref<4x2000x128xf32, #tpu.memory_space<vmem>>, vector<1x2000x128xf32>,
    %get3A_53 = arith.constant 0 : index
    %get3A_54 = arith.constant 384 : index
    %get3A_55 = vector.load %arg2[%get3A_53, %get3A_54] : memref<256x512xf32, #tpu.memory_space<vmem>>, vector<256x128xf32>
    %dot_general3A_56 = arith.constant dense<0.000000e+00> : vector<2000x128xf32>
    %dot_general3A_57 = tpu.matmul %get3A_1, %get3A_55, %dot_general3A_56 {dimension_numbers = #tpu.dot_dimension_numbers<[1], [0], [0], [1], [0, 0, 1, 1], [], []>, transpose_lhs_hint = false} : vector<2000x256xf32>, vector<256x128xf32>, vector<2000x128xf32> -> vector<2000x128xf32>
    %get3A_58 = arith.constant 3 : index
    %get3A_59 = arith.constant 0 : index
    %get3A_60 = arith.constant 0 : index
    %get3A_61 = vector.load %arg3[%get3A_58, %get3A_59, %get3A_60] : memref<4x1x128xf32, #tpu.memory_space<vmem>>, vector<1x1x128xf32>
    %get3A_62 = vector.shape_cast %get3A_61 : vector<1x1x128xf32> to vector<1x128xf32>
    %add3A_63 = vector.broadcast %get3A_62 : vector<1x128xf32> to vector<2000x128xf32>
    %add3A_64 = arith.addf %dot_general3A_57, %add3A_63 : vector<2000x128xf32>
    %swap3A_65 = arith.constant 3 : index
    %swap3A_66 = arith.constant 0 : index
    %swap3A_67 = arith.constant 0 : index
    %swap3A_68 = vector.load %arg4[%swap3A_65, %swap3A_66, %swap3A_67] : memref<4x2000x128xf32, #tpu.memory_space<vmem>>, vector<1x2000x128xf32>
    %swap3A_69 = vector.shape_cast %swap3A_68 : vector<1x2000x128xf32> to vector<2000x128xf32>
    %swap3A_70 = vector.shape_cast %add3A_64 : vector<2000x128xf32> to vector<1x2000x128xf32>
    tpu.vector_store %arg4[%swap3A_65, %swap3A_66, %swap3A_67], %swap3A_70 {strides = array<i32>} : memref<4x2000x128xf32, #tpu.memory_space<vmem>>, vector<1x2000x128xf32>,
    return
  }
  func.func @transform_0(%arg0: i32) -> (i32, i32) {
    %c0_i32 = arith.constant 0 : i32
    %c0_i32_0 = arith.constant 0 : i32
    return %arg0, %c0_i32 : i32, i32
  }
  func.func @transform_1(%arg0: i32) -> (i32, i32) {
    %c0_i32 = arith.constant 0 : i32
    %c0_i32_0 = arith.constant 0 : i32
    %c0_i32_1 = arith.constant 0 : i32
    return %c0_i32, %c0_i32_0 : i32, i32
  }
  func.func @transform_2(%arg0: i32) -> (i32, i32, i32) {
    %c0_i32 = arith.constant 0 : i32
    %c0_i32_0 = arith.constant 0 : i32
    %c0_i32_1 = arith.constant 0 : i32
    %c0_i32_2 = arith.constant 0 : i32
    return %c0_i32, %c0_i32_0, %c0_i32_1 : i32, i32, i32
  }
  func.func @transform_3(%arg0: i32) -> (i32, i32, i32) {
    %c0_i32 = arith.constant 0 : i32
    %c0_i32_0 = arith.constant 0 : i32
    %c0_i32_1 = arith.constant 0 : i32
    return %c0_i32, %arg0, %c0_i32_0 : i32, i32, i32
  }
}

module attributes {stable_mosaic.version = 14 : i64} {
  func.func @_tc2_body(%arg0: i32, %arg1: memref<2x2000x128xf32, #tpu.memory_space<vmem>>, %arg2: memref<2000x256xf32, #tpu.memory_space<vmem>>, %arg3: memref<256x256xf32, #tpu.memory_space<vmem>>, %arg4: memref<1x256xf32, #tpu.memory_space<vmem>>, %arg5: memref<256x256xf32, #tpu.memory_space<vmem>>, %arg6: memref<1x256xf32, #tpu.memory_space<vmem>>, %arg7: memref<256x256xf32, #tpu.memory_space<vmem>>, %arg8: memref<1x256xf32, #tpu.memory_space<vmem>>, %arg9: memref<2000x256xf32, #tpu.memory_space<vmem>>) attributes {dimension_semantics = [#tpu.dimension_semantics<arbitrary>], iteration_bounds = array<i64: 5>, scalar_prefetch = 0 : i64, scratch_operands = 0 : i64, tpu.core_type = #tpu.core_type<tc>, window_params = [{transform_indices = @transform_0, window_bounds = array<i64: 2, 2000, 128>}, {transform_indices = @transform_1, window_bounds = array<i64: 2000, 256>}, {pipeline_mode = #tpu.pipeline_mode<synchronous>, transform_indices = @transform_2, window_bounds = array<i64: 256, 256>}, {pipeline_mode = #tpu.pipeline_mode<synchronous>, transform_indices = @transform_3, window_bounds = array<i64: 1, 256>}, {pipeline_mode = #tpu.pipeline_mode<synchronous>, transform_indices = @transform_4, window_bounds = array<i64: 256, 256>}, {pipeline_mode = #tpu.pipeline_mode<synchronous>, transform_indices = @transform_5, window_bounds = array<i64: 1, 256>}, {pipeline_mode = #tpu.pipeline_mode<synchronous>, transform_indices = @transform_6, window_bounds = array<i64: 256, 256>}, {pipeline_mode = #tpu.pipeline_mode<synchronous>, transform_indices = @transform_7, window_bounds = array<i64: 1, 256>}, {transform_indices = @transform_8, window_bounds = array<i64: 2000, 256>}]} {
    %get3A = arith.constant 0 : index
    %get3A_0 = arith.constant 0 : index
    %get3A_1 = arith.constant 0 : index
    %get3A_2 = vector.load %arg1[%get3A, %get3A_0, %get3A_1] : memref<2x2000x128xf32, #tpu.memory_space<vmem>>, vector<1x2000x128xf32>
    %get3A_3 = vector.shape_cast %get3A_2 : vector<1x2000x128xf32> to vector<2000x128xf32>
    %get3A_4 = arith.constant 1 : index
    %get3A_5 = arith.constant 0 : index
    %get3A_6 = arith.constant 0 : index
    %get3A_7 = vector.load %arg1[%get3A_4, %get3A_5, %get3A_6] : memref<2x2000x128xf32, #tpu.memory_space<vmem>>, vector<1x2000x128xf32>
    %get3A_8 = vector.shape_cast %get3A_7 : vector<1x2000x128xf32> to vector<2000x128xf32>
    %concatenate3A = tpu.concatenate %get3A_3, %get3A_8 in 1 : vector<2000x128xf32>, vector<2000x128xf32> -> vector<2000x256xf32>
    %get3A_9 = arith.constant 0 : index
    %get3A_10 = arith.constant 0 : index
    %get3A_11 = vector.load %arg3[%get3A_9, %get3A_10] : memref<256x256xf32, #tpu.memory_space<vmem>>, vector<256x256xf32>
    %dot_general3A = arith.constant dense<0.000000e+00> : vector<2000x256xf32>
    %dot_general3A_12 = tpu.matmul %concatenate3A, %get3A_11, %dot_general3A {dimension_numbers = #tpu.dot_dimension_numbers<[1], [0], [0], [1], [0, 0, 1, 1], [], []>, transpose_lhs_hint = false} : vector<2000x256xf32>, vector<256x256xf32>, vector<2000x256xf32> -> vector<2000x256xf32>
    %get3A_13 = arith.constant 0 : index
    %get3A_14 = arith.constant 0 : index
    %get3A_15 = vector.load %arg2[%get3A_13, %get3A_14] : memref<2000x256xf32, #tpu.memory_space<vmem>>, vector<2000x256xf32>
    %add3A = arith.addf %get3A_15, %dot_general3A_12 : vector<2000x256xf32>
    %get3A_16 = arith.constant 0 : index
    %get3A_17 = arith.constant 0 : index
    %get3A_18 = vector.load %arg5[%get3A_16, %get3A_17] : memref<256x256xf32, #tpu.memory_space<vmem>>, vector<256x256xf32>
    %dot_general3A_19 = arith.constant dense<0.000000e+00> : vector<2000x256xf32>
    %dot_general3A_20 = tpu.matmul %add3A, %get3A_18, %dot_general3A_19 {dimension_numbers = #tpu.dot_dimension_numbers<[1], [0], [0], [1], [0, 0, 1, 1], [], []>, transpose_lhs_hint = false} : vector<2000x256xf32>, vector<256x256xf32>, vector<2000x256xf32> -> vector<2000x256xf32>
    %get3A_21 = arith.constant 0 : index
    %get3A_22 = arith.constant 0 : index
    %get3A_23 = vector.load %arg6[%get3A_21, %get3A_22] : memref<1x256xf32, #tpu.memory_space<vmem>>, vector<1x256xf32>
    %add3A_24 = vector.broadcast %get3A_23 : vector<1x256xf32> to vector<2000x256xf32>
    %add3A_25 = arith.addf %dot_general3A_20, %add3A_24 : vector<2000x256xf32>
    %max3A = arith.constant 0.000000e+00 : f32
    %max3A_26 = vector.broadcast %max3A : f32 to vector<2000x256xf32>
    %max3A_27 = arith.maximumf %add3A_25, %max3A_26 : vector<2000x256xf32>
    %get3A_28 = arith.constant 0 : index
    %get3A_29 = arith.constant 0 : index
    %get3A_30 = vector.load %arg7[%get3A_28, %get3A_29] : memref<256x256xf32, #tpu.memory_space<vmem>>, vector<256x256xf32>
    %dot_general3A_31 = arith.constant dense<0.000000e+00> : vector<2000x256xf32>
    %dot_general3A_32 = tpu.matmul %max3A_27, %get3A_30, %dot_general3A_31 {dimension_numbers = #tpu.dot_dimension_numbers<[1], [0], [0], [1], [0, 0, 1, 1], [], []>, transpose_lhs_hint = false} : vector<2000x256xf32>, vector<256x256xf32>, vector<2000x256xf32> -> vector<2000x256xf32>
    %get3A_33 = arith.constant 0 : index
    %get3A_34 = arith.constant 0 : index
    %get3A_35 = vector.load %arg8[%get3A_33, %get3A_34] : memref<1x256xf32, #tpu.memory_space<vmem>>, vector<1x256xf32>
    %add3A_36 = vector.broadcast %get3A_35 : vector<1x256xf32> to vector<2000x256xf32>
    %add3A_37 = arith.addf %dot_general3A_32, %add3A_36 : vector<2000x256xf32>
    %swap3A = arith.constant 0 : index
    %swap3A_38 = arith.constant 0 : index
    %swap3A_39 = vector.load %arg9[%swap3A, %swap3A_38] : memref<2000x256xf32, #tpu.memory_space<vmem>>, vector<2000x256xf32>
    tpu.vector_store %arg9[%swap3A, %swap3A_38], %add3A_37 {strides = array<i32>} : memref<2000x256xf32, #tpu.memory_space<vmem>>, vector<2000x256xf32>,
    return
  }
  func.func @transform_0(%arg0: i32) -> (i32, i32, i32) {
    %c0_i32 = arith.constant 0 : i32
    %c0_i32_0 = arith.constant 0 : i32
    %c0_i32_1 = arith.constant 0 : i32
    return %c0_i32, %arg0, %c0_i32_0 : i32, i32, i32
  }
  func.func @transform_1(%arg0: i32) -> (i32, i32) {
    %c0_i32 = arith.constant 0 : i32
    %c0_i32_0 = arith.constant 0 : i32
    return %arg0, %c0_i32 : i32, i32
  }
  func.func @transform_2(%arg0: i32) -> (i32, i32) {
    %c0_i32 = arith.constant 0 : i32
    %c0_i32_0 = arith.constant 0 : i32
    %c0_i32_1 = arith.constant 0 : i32
    return %c0_i32, %c0_i32_0 : i32, i32
  }
  func.func @transform_3(%arg0: i32) -> (i32, i32) {
    %c0_i32 = arith.constant 0 : i32
    %c0_i32_0 = arith.constant 0 : i32
    %c0_i32_1 = arith.constant 0 : i32
    return %c0_i32, %c0_i32_0 : i32, i32
  }
  func.func @transform_4(%arg0: i32) -> (i32, i32) {
    %c0_i32 = arith.constant 0 : i32
    %c0_i32_0 = arith.constant 0 : i32
    %c0_i32_1 = arith.constant 0 : i32
    return %c0_i32, %c0_i32_0 : i32, i32
  }
  func.func @transform_5(%arg0: i32) -> (i32, i32) {
    %c0_i32 = arith.constant 0 : i32
    %c0_i32_0 = arith.constant 0 : i32
    %c0_i32_1 = arith.constant 0 : i32
    return %c0_i32, %c0_i32_0 : i32, i32
  }
  func.func @transform_6(%arg0: i32) -> (i32, i32) {
    %c0_i32 = arith.constant 0 : i32
    %c0_i32_0 = arith.constant 0 : i32
    %c0_i32_1 = arith.constant 0 : i32
    return %c0_i32, %c0_i32_0 : i32, i32
  }
  func.func @transform_7(%arg0: i32) -> (i32, i32) {
    %c0_i32 = arith.constant 0 : i32
    %c0_i32_0 = arith.constant 0 : i32
    %c0_i32_1 = arith.constant 0 : i32
    return %c0_i32, %c0_i32_0 : i32, i32
  }
  func.func @transform_8(%arg0: i32) -> (i32, i32) {
    %c0_i32 = arith.constant 0 : i32
    %c0_i32_0 = arith.constant 0 : i32
    return %arg0, %c0_i32 : i32, i32
  }
}

</mosaic_0001>

<sc_bundles>
// kernel: kernel.5.cloned.1.call-start
scs
__scs_entry_jumppad:
0x0: {  	(pc) =	sbr.rel $0x88, $3  }
0x1: {  	(tag) =	ssettag $0x0;
	lr =	simm.s32 $0x1  }
0x2: {  	[smem:$0x3F97] =	sst lr;
	_ =	strace $0xD0000000  }
0x3: {  	_ = 	snop  }
0x4: {  	_ = 	snop  }
0x5: {  	_ = 	snop  }
0x6: {  	_ = 	snop  }
0x7: {  	_ = 	snop  }
__scs_overlays_trampoline_lowered:
0x8: {  	[smem:$0x3FA6] =	sst s0  }
0x9: {  	[smem:$0x3FA7] =	sst s1  }
0xa: {  	[smem:$0x3FA8] =	sst s2  }
0xb: {  	[smem:$0x3FA9] =	sst s3  }
0xc: {  	[smem:$0x3FAA] =	sst s4  }
0xd: {  	[smem:$0x3FAB] =	sst s5  }
0xe: {  	[smem:$0x3FAC] =	sst s6  }
0xf: {  	[smem:$0x3FAD] =	sst s7  }
0x10: {  	[smem:$0x3FAE] =	sst s8  }
0x11: {  	[smem:$0x3FAF] =	sst s9;
	s0 =	simm.s32 @!p0 $0x0  }
0x12: {  	s1 =	sld [smem:$0x3F95];
	s0 =	simm.s32 @p0 $0x1  }
0x13: {  	[smem:$0x3FB0] =	sst s0;
	s0 =	simm.s32 @!p1 $0x0  }
0x14: {  	s2 =	sld [smem:$0x3F94];
	s0 =	simm.s32 @p1 $0x1  }
0x15: {  	[smem:$0x3FB1] =	sst s0;
	s0 =	simm.s32 @!p2 $0x0  }
0x16: {  	s3 =	sld [smem:$0x3FDB];
	s0 =	simm.s32 @p2 $0x1  }
0x17: {  	s4 =	simm.s32 $0x1BF5;
	[smem:$0x3FB3] =	sst s0  }
0x18: {  	s0 =	sld [smem:$0x3F96];
	_ =	swait.ge [sflag:s4], $0x0  }
0x19: {  	s7 =	sld [smem:$0x3F97]  }
0x1a: {  	s8 =	sadd.s32 $0xFFFFE003, lr  }
0x1b: {  	s9 =	sadd.s32 $0xFFFFFEF7, lr;
	s5 =	simm.s32 $0xFFFFFFFF;
	p2 =	slt.u32 s8, $0xFFFFF086  }
0x1c: {  	p1 =	slt.u32 s9, $0xF7A;
	s5 =	simm.s32 @!p2 $0x0  }
0x1d: {  	s5 =	simm.s32 @p1 $0x1;
	p0 =	seq.s32 s7, s2  }
0x1e: {  	s7 =	smul.u32 @!p0 $0xF7A, s2;
	p2 =	seq.s32 @!p0 s5, $0x0  }
0x1f: {  	s9 =	smul.u32 $0xF7A, s1;
	s8 =	simm.s32 @!p0 $0x1BF5;
	p2 =	por !p2, p0  }
0x20: {  	[sflag:s8] =	ssyncset.s32 @!p0 $0xFFFFF086;
	s6 =	sadd.s32 @!p0 s3, s7;
	s7 =	simm.s32 @!p0 $0x108  }
0x21: {  	s3 =	sadd.s32 s3, s9;
	s6 =	sadd.s32 @!p0 $0x88, s6;
	s7 =	simm.s32 @p2 $0x1082  }
0x22: {  	[simem:s7], [sflag:s8] =	dma.local @!p0 [hbm:s6], $0xF7A  }
0x23: {  	s9 =	sor.u32 $0xD0000000, s2;
	s6 =	simm.s32 $0x108;
	_ =	swait.ge @!p0 [sflag:s8], $0x0  }
0x24: {  	s3 =	sadd.s32 $0x88, s3;
	s6 =	simm.s32 @!p1 $0x1082;
	[sflag:s4] =	ssyncset.s32 $0xFFFFF086  }
0x25: {  	[simem:s6], [sflag:s4] =	dma.local [hbm:s3], $0xF7A  }
0x26: {  	[smem:$0x3F97] =	sst s1;
	(tag) =	ssettag s2;
	_ =	strace s9  }
0x27: {  	s1 =	sld [smem:$0x3FA7]  }
0x28: {  	s2 =	sld [smem:$0x3FA8]  }
0x29: {  	s4 =	sld [smem:$0x3FAA]  }
0x2a: {  	p0 =	seq.s32 s5, $0x0;
	s5 =	sld [smem:$0x3FAB]  }
0x2b: {  	s6 =	sld [smem:$0x3FAC]  }
0x2c: {  	s7 =	sld [smem:$0x3FAD]  }
0x2d: {  	s3 =	simm.s32 $0x108;
	s8 =	sld [smem:$0x3FAE]  }
0x2e: {  	s3 =	simm.s32 @!p0 $0x1082;
	s9 =	sld [smem:$0x3FAF]  }
0x2f: {  	lr =	sadd.s32 s0, s3;
	s0 =	sld [smem:$0x3FA6]  }
0x30: {  	s3 =	sld [smem:$0x3FA9]  }
0x31: {  	[smem:$0x3FB2] =	sst s10  }
0x32: {  	s10 =	sld [smem:$0x3FB0];
	_ =	sdelay $0x3  }
0x33: {  	p0 =	seq.s32 s10, $0x1;
	s10 =	sld [smem:$0x3FB2];
	_ =	sdelay $0x3  }
0x34: {  	[smem:$0x3FB2] =	sst s10  }
0x35: {  	s10 =	sld [smem:$0x3FB1];
	_ =	sdelay $0x3  }
0x36: {  	p1 =	seq.s32 s10, $0x1;
	s10 =	sld [smem:$0x3FB2];
	_ =	sdelay $0x3  }
0x37: {  	[smem:$0x3FB2] =	sst s10  }
0x38: {  	s10 =	sld [smem:$0x3FB3]  }
0x39: {  	_ = 	snop;
	(pc) =	sbr.ind lr, $3  }
0x3a: {  	_ = 	snop  }
0x3b: {  	_ = 	snop  }
0x3c: {  	p2 =	seq.s32 s10, $0x1;
	s10 =	sld [smem:$0x3FB2]  }
0x3d: {  	_ =	shalt  }
0x3e: {  	_ =	shalt  }
0x3f: {  	_ =	shalt  }
0x40: {  	_ =	shalt  }
0x41: {  	_ =	shalt  }
0x42: {  	_ =	shalt  }
0x43: {  	_ =	shalt  }
0x44: {  	_ =	shalt  }
0x45: {  	_ =	shalt  }
0x46: {  	_ =	shalt  }
0x47: {  	_ =	shalt  }
0x48: {  	_ =	shalt  }
0x49: {  	_ =	shalt  }
0x4a: {  	_ =	shalt  }
0x4b: {  	_ =	shalt  }
0x4c: {  	_ =	shalt  }
0x4d: {  	_ =	shalt  }
0x4e: {  	_ =	shalt  }
0x4f: {  	_ =	shalt  }
0x50: {  	_ =	shalt  }
0x51: {  	_ =	shalt  }
0x52: {  	_ =	shalt  }
0x53: {  	_ =	shalt  }
0x54: {  	_ =	shalt  }
0x55: {  	_ =	shalt  }
0x56: {  	_ =	shalt  }
0x57: {  	_ =	shalt  }
0x58: {  	_ =	shalt  }
0x59: {  	_ =	shalt  }
0x5a: {  	_ =	shalt  }
0x5b: {  	_ =	shalt  }
0x5c: {  	_ =	shalt  }
0x5d: {  	_ =	shalt  }
0x5e: {  	_ =	shalt  }
0x5f: {  	_ =	shalt  }
0x60: {  	_ =	shalt  }
0x61: {  	_ =	shalt  }
0x62: {  	_ =	shalt  }
0x63: {  	_ =	shalt  }
0x64: {  	_ =	shalt  }
0x65: {  	_ =	shalt  }
0x66: {  	_ =	shalt  }
0x67: {  	_ =	shalt  }
0x68: {  	_ =	shalt  }
0x69: {  	_ =	shalt  }
0x6a: {  	_ =	shalt  }
0x6b: {  	_ =	shalt  }
0x6c: {  	_ =	shalt  }
0x6d: {  	_ =	shalt  }
0x6e: {  	_ =	shalt  }
0x6f: {  	_ =	shalt  }
0x70: {  	_ =	shalt  }
0x71: {  	_ =	shalt  }
0x72: {  	_ =	shalt  }
0x73: {  	_ =	shalt  }
0x74: {  	_ =	shalt  }
0x75: {  	_ =	shalt  }
0x76: {  	_ =	shalt  }
0x77: {  	_ =	shalt  }
0x78: {  	_ =	shalt  }
0x79: {  	_ =	shalt  }
0x7a: {  	_ =	shalt  }
0x7b: {  	_ =	shalt  }
0x7c: {  	_ =	shalt  }
0x7d: {  	_ =	shalt  }
0x7e: {  	_ =	shalt  }
0x7f: {  	_ =	shalt  }
0x80: {  	_ =	shalt  }
0x81: {  	_ =	shalt  }
0x82: {  	_ =	shalt  }
0x83: {  	_ =	shalt  }
0x84: {  	_ =	shalt  }
0x85: {  	_ =	shalt  }
0x86: {  	_ =	shalt  }
0x87: {  	_ =	shalt  }
.Lfunc_end0:
.L_simem_size_0:
called_computation_lowered:
.L_overlay_start_0:
0x88: {  	s2 =	sld [smem:$0x3FD9]  }
0x89: {  	s3 =	sld [smem:$0x3FFE];
	_ =	sdelay $0x1  }
0x8a: {  	s1 =	srdreg.scid  }
0x8b: {  	s0 =	sand.u32 $0x1, s1  }
0x8c: {  	s17 =	sshll.u32 s0, $0xA;
	s2 =	sadd.s32 s3, s2  }
0x8d: {  	s2 =	sadd.s32 s2, s17  }
0x8e: {  	[smem:$0x3FBE] =	sst s2  }
0x8f: {  	_ = 	snop  }
0x90: {  	s2 =	sld [smem:$0x3FD0];
	(tm) =	ssettm $0x1  }
0x91: {  	s18 =	sld [smem:$0x3FFB];
	_ =	sdelay $0x3  }
0x92: {  	_ =	strace s18  }
0x93: {  	s3 =	sld [smem:$0x3FFC];
	_ =	sdelay $0x3  }
0x94: {  	_ =	strace s3  }
0x95: {  	s3 =	sld [smem:$0x3FFD];
	_ =	sdelay $0x3  }
0x96: {  	_ =	strace s3  }
0x97: {  	_ =	strace $0x8FFFFFFF  }
0x98: {  	s19 =	sld [smem:$0x3FDB];
	_ =	sdelay $0x1  }
0x99: {  	s4 =	simm.s32 $_scs_section_size  }
0x9a: {  	s5 =	simm.s32 $_size__tile_overlayer_lowered;
	s6 =	simm.s32 $_tile_overlayer_lowered  }
0x9b: {  	s22 =	simm.s32 $0x1BFF;
	s21 =	sshll.u32 s6, $0x1;
	s3 =	sadd.s32 s4, s19  }
0x9c: {  	s7 =	simm.s32 $0x0;
	s20 =	sshll.u32 s5, $0x1;
	s5 =	sadd.s32 s21, s3  }
0x9d: {  	[timem:s7], [sflag:s22] =	dma.local [hbm:s5], s20  }
0x9e: {  	_ =	swait.ge [sflag:s22], s20  }
0x9f: {  	s4 =	ssub.s32 $0x0, s20;
	[sflag:s22] =	ssyncset.done $0x0  }
0xa0: {  	[sflag:s22] =	ssyncadd.s32 s4;
	_ =	sdelay $0x1  }
0xa1: {  	s23 =	simm.s32 $0x1B8B  }
0xa2: {  	_ =	swait.ge [sflag:s23], $0x1  }
0xa3: {  	[sflag:s23] =	ssyncset.done $0x0  }
0xa4: {  	s25 =	simm.s32 $0x1B8E;
	s24 =	sld [smem:$0x3FFE];
	[sflag:s23] =	ssyncadd.s32 $0xFFFFFFFF  }
0xa5: {  	s26 =	simm.s32 $execute0_lowered;
	[smem:$0x3FD2] =	sst s25  }
0xa6: {  	s5 =	sshll.u32 s26, $0x1;
	_ =	strace $0x80000046;
	[dreg:$0x1] =	wrdreg $0xFFFFFFFF  }
0xa7: {  	s28 =	simm.s32 $_size_execute0_lowered;
	s3 =	sadd.s32 s3, s5;
	[dreg:$0x0] =	wrdreg $0x0  }
0xa8: {  	s5 =	sshll.u32 s28, $0x1;
	[dreg:$0x2] =	wrdreg s3  }
0xa9: {  	[dreg:$0x3] =	wrdreg s5  }
0xaa: {  	[dreg:$0x4] =	wrdreg $0xC0  }
0xab: {  	_ =	task [dreg:s7], $0x5FFFF  }
0xac: {  	[dreg:$0x1] =	wrdreg $0xFFFFFFFF  }
0xad: {  	[dreg:$0x0] =	wrdreg $0x60  }
0xae: {  	[dreg:$0x2] =	wrdreg s24  }
0xaf: {  	[dreg:$0x3] =	wrdreg s2  }
0xb0: {  	[dreg:$0x4] =	wrdreg $0xA6000  }
0xb1: {  	[dreg:$0x5] =	wrdreg $0x9  }
0xb2: {  	_ =	task.clear_ibuf [dreg:s7], $0x6FFFF;
	_ =	strace $0x90000046  }
0xb3: {  	s29 =	simm.s32 $0x9;
	_ =	strace $0x80000048  }
0xb4: {  	_ =	swait.ge [sflag:s29], $0x1  }
0xb5: {  	[sflag:s29] =	ssyncadd.s32 $0xFFFFFFFF  }
0xb6: {  	_ =	strace $0x90000048  }
0xb7: {  	_ =	sfence  }
0xb8: {  	s30 =	sld [smem:$0x0];
	_ =	sdelay $0x2  }
0xb9: {  	s31 =	sshll.u32 s1, $0xD;
	s1 =	sshrl.u32 s1, $0x2  }
0xba: {  	s3 =	sand.u32 $0x4000, s31;
	s1 =	sadd.s32 s1, s30  }
0xbb: {  	s0 =	sor.u32 s3, s0;
	s1 =	sshll.u32 s1, $0x11  }
0xbc: {  	s0 =	sor.u32 s1, s0  }
0xbd: {  	s0 =	sadd.s32 $0x8F2B, s0  }
0xbe: {  	[sflag:s0] =	ssyncadd.remote.s32 $0x1  }
0xbf: {  	_ =	sfence.sel $0xFFFF  }
0xc0: {  	[dreg:$0x0] =	wrdreg $0xFFFFFFFF;
	(pc) =	sbr.abs _section_cstart, $3  }
0xc1: {  	[dreg:$0x1] =	wrdreg $0xFFFFFFFF  }
0xc2: {  	_ =	task.clear_ibuf [dreg:s7], $0x2FFFF;
	_ =	strace $0x9FFFFFFF  }
0xc3: {  	(tm) =	ssettm $0x7FFFFFFF  }
tec
execute0_lowered:
.L_overlay_start_1:
0x0: {  	(tag) =	ssettag $0x1  }
0x1: {  	s0 =	rddreg [dreg:$0x0]  }
0x2: {  	s2 =	rddreg [dreg:$0x1]  }
0x3: {  	s1 =	rddreg [dreg:$0x2];
	s3 =	simm.s32 $0x0  }
0x4: {  	s4 =	srdreg.scid;
	s13 =	stileid.u32;
	s28 =	simm.s32 $0x6  }
0x5: {  	s30 =	simm.s32 $0x3;
	s31 =	simm.s32 $0x8;
	s6 =	smul.u32 $0x4E200, s13  }
0x6: {  	s29 =	simm.s32 $0x4;
	[smem:$0x7FF] =	sst s3;
	s10 =	smul.u32 $0x2710, s13  }
0x7: {  	s7 =	sand.u32 $0x1, s4;
	s4 =	sadd.s32 $0xBC00, s0;
	s24 =	smul.u32 $0x4E000, s13  }
0x8: {  	s5 =	sadd.s32 $0x6C00, s0;
	s26 =	smul.u32 $0x2700, s13;
	s8 =	ssub.s32 $0x2, s7  }
0x9: {  	_ =	strace $0x80000047;
	s9 =	sshrl.u32 s8, $0x1;
	s11 =	sshrl.u32 s6, $0x2  }
0xa: {  	s6 =	sadd.s32 $0x1C00, s0;
	s17 =	sshrl.u32 s10, $0x3;
	s13 =	sadd.s32 $0x230, s10  }
0xb: {  	s15 =	ssub.s32 s8, s9;
	s18 =	sadd.s32 s5, s17;
	[dreg:$0x10] =	wrdreg s13  }
0xc: {  	s14 =	sadd.s32 s11, s1;
	s12 =	sadd.s32 s6, s17;
	[dreg:$0x7] =	wrdreg s18  }
0xd: {  	s8 =	smul.u32 $0x4E20, s7;
	s19 =	sadd.s32 $0xA, s17;
	[dreg:$0x8] =	wrdreg s12  }
0xe: {  	s21 =	sadd.s32 $0x14, s17;
	s16 =	sadd.s32 $0x2800, s14;
	[dreg:$0x4] =	wrdreg s14  }
0xf: {  	s7 =	smul.u32 $0x27100, s7;
	s11 =	sadd.s32 $0x5000, s14;
	[dreg:$0x5] =	wrdreg s16  }
0x10: {  	s9 =	sadd.s32 $0x1E, s17;
	s20 =	sadd.s32 s5, s19;
	[dreg:$0x6] =	wrdreg s11  }
0x11: {  	s13 =	simm.s32 $0xA580;
	s22 =	sadd.s32 s5, s21;
	[dreg:$0x9] =	wrdreg s20  }
0x12: {  	s23 =	sadd.s32 s6, s21;
	s25 =	sadd.s32 s5, s9;
	[dreg:$0xb] =	wrdreg s22  }
0x13: {  	s9 =	sadd.s32 s6, s9;
	s18 =	sadd.s32 $0x140, s10;
	[dreg:$0xc] =	wrdreg s23  }
0x14: {  	s21 =	sadd.s32 $0x1E0, s10;
	s12 =	sshrl.u32 s24, $0x2;
	[dreg:$0xd] =	wrdreg s25  }
0x15: {  	s0 =	smax.u32 s15, $0x1;
	s17 =	sadd.s32 $0xA000, s14;
	[dreg:$0xe] =	wrdreg s9  }
0x16: {  	s11 =	sadd.s32 s6, s19;
	s2 =	sadd.s32 s2, s7;
	[dreg:$0x11] =	wrdreg s0  }
0x17: {  	s19 =	sadd.s32 $0x190, s10;
	s16 =	sadd.s32 $0x7800, s14;
	[dreg:$0x14] =	wrdreg s17  }
0x18: {  	s20 =	sadd.s32 $0xC800, s14;
	s22 =	sadd.s32 $0xF000, s14;
	s23 =	sadd.s32 $0x11800, s14  }
0x19: {  	s24 =	sadd.s32 $0x2710, s8;
	s10 =	simm.s32 $0x9;
	[dreg:$0xa] =	wrdreg s11  }
0x1a: {  	s0 =	simm.s32 $0xA000;
	s14 =	simm.s32 $0x5;
	[dreg:$0x13] =	wrdreg s16  }
0x1b: {  	s25 =	simm.s32 $0x7800;
	s7 =	simm.s32 $0x2;
	[dreg:$0x15] =	wrdreg s20  }
0x1c: {  	s9 =	simm.s32 $0x0;
	s2 =	sadd.s32 s26, s2;
	[dreg:$0x16] =	wrdreg s22  }
0x1d: {  	[dreg:$0x17] =	wrdreg s23;
	s16 =	simm.s32 $0x50;
	s20 =	simm.s32 $0x2800  }
0x1e: {  	s23 =	simm.s32 $0x5000;
	[dreg:$0xf] =	wrdreg s2;
	s2 =	sadd.s32 s12, s1  }
0x1f: {  	s26 =	simm.s32 $0x1;
	s12 =	simm.s32 $0xA480;
	s15 =	sshrl.u32 s2, $0x3  }
0x20: {  	v2 =	vimm.f32 $0.0e+00;
	v0 =	vmov s8;
	v1 =	vmov s24;
	s2 =	simm.s32 $0xA100;
	[dreg:$0x12] =	wrdreg s15;
	s15 =	simm.s32 $0x7  }
.LBB2_1:
0x21: {  	[dreg:$0x18] =	wrdreg s9;
	s8 =	simm.s32 $0x0;
	s9 =	simm.s32 $0x200  }
.LBB2_2:
0x22: {  	p0 =	sne.s32 s9, $0x9E00;
	[tilespmem:s8+$0x70] =	vst v2  }
0x23: {  	[tilespmem:s8+$0x0] =	vst v2  }
0x24: {  	[tilespmem:s8+$0x10] =	vst v2  }
.Ltmp0:
0x25: {  	[tilespmem:s8+$0x20] =	vst v2;
	(pc) =	sbr.rel @p0 .LBB2_2-.Ltmp0, $4  }
0x26: {  	[tilespmem:s8+$0x30] =	vst v2  }
0x27: {  	[tilespmem:s8+$0x40] =	vst v2  }
0x28: {  	[tilespmem:s8+$0x50] =	vst v2  }
0x29: {  	[tilespmem:s8+$0x60] =	vst v2;
	s8 =	sshra.s32 s9, $0x2;
	s9 =	sadd.s32 $0x200, s9  }
0x2a: {  	[tilespmem:s8+$0x70] =	vst v2  }
0x2b: {  	[tilespmem:s8+$0x0] =	vst v2  }
0x2c: {  	[tilespmem:s8+$0x10] =	vst v2  }
0x2d: {  	[tilespmem:s8+$0x20] =	vst v2  }
0x2e: {  	[tilespmem:s8+$0x30] =	vst v2  }
0x2f: {  	[tilespmem:s8+$0x40] =	vst v2  }
0x30: {  	[tilespmem:s8+$0x50] =	vst v2  }
0x31: {  	[tilespmem:s8+$0x60] =	vst v2;
	s24 =	simm.s32 $0x0;
	s9 =	rddreg [dreg:$0x4]  }
0x32: {  	[spmem:s9] =	stream.linear.scatter [tilespmem:s24], [sflag:$0x9], $0x2800, $0x38;
	[tilespmem:$0x1DE80] =	vst v63  }
0x33: {  	_ =	swait.ge [sflag:s10], $0x2800  }
0x34: {  	[sflag:s10] =	ssyncset.done $0x0  }
0x35: {  	s11 =	rddreg [dreg:$0x5];
	[sflag:s10] =	ssyncadd.s32 $0xFFFFD800  }
0x36: {  	[spmem:s11] =	stream.linear.scatter [tilespmem:s24], [sflag:$0x9], $0x2800, $0x38;
	[tilespmem:$0x1DE80] =	vst v63  }
0x37: {  	_ =	swait.ge [sflag:s10], $0x2800  }
0x38: {  	[sflag:s10] =	ssyncset.done $0x0  }
0x39: {  	s17 =	rddreg [dreg:$0x6];
	[sflag:s10] =	ssyncadd.s32 $0xFFFFD800  }
0x3a: {  	[spmem:s17] =	stream.linear.scatter [tilespmem:s24], [sflag:$0x9], $0x2800, $0x38;
	[tilespmem:$0x1DE80] =	vst v63  }
0x3b: {  	_ =	swait.ge [sflag:s10], $0x2800  }
0x3c: {  	[sflag:s10] =	ssyncset.done $0x0  }
0x3d: {  	s22 =	rddreg [dreg:$0x13];
	[sflag:s10] =	ssyncadd.s32 $0xFFFFD800  }
0x3e: {  	[spmem:s22] =	stream.linear.scatter [tilespmem:s24], [sflag:$0x9], $0x2800, $0x38;
	[tilespmem:$0x1DE80] =	vst v63  }
0x3f: {  	_ =	swait.ge [sflag:s10], $0x2800  }
0x40: {  	[sflag:s10] =	ssyncset.done $0x0  }
0x41: {  	s9 =	rddreg [dreg:$0x14];
	[sflag:s10] =	ssyncadd.s32 $0xFFFFD800  }
0x42: {  	[spmem:s9] =	stream.linear.scatter [tilespmem:s24], [sflag:$0x9], $0x2800, $0x38;
	[tilespmem:$0x1DE80] =	vst v63  }
0x43: {  	_ =	swait.ge [sflag:s10], $0x2800  }
0x44: {  	[sflag:s10] =	ssyncset.done $0x0  }
0x45: {  	s11 =	rddreg [dreg:$0x15];
	[sflag:s10] =	ssyncadd.s32 $0xFFFFD800  }
0x46: {  	[spmem:s11] =	stream.linear.scatter [tilespmem:s24], [sflag:$0x9], $0x2800, $0x38;
	[tilespmem:$0x1DE80] =	vst v63  }
0x47: {  	_ =	swait.ge [sflag:s10], $0x2800  }
0x48: {  	[sflag:s10] =	ssyncset.done $0x0  }
0x49: {  	s17 =	rddreg [dreg:$0x16];
	[sflag:s10] =	ssyncadd.s32 $0xFFFFD800  }
0x4a: {  	[spmem:s17] =	stream.linear.scatter [tilespmem:s24], [sflag:$0x9], $0x2800, $0x38;
	[tilespmem:$0x1DE80] =	vst v63  }
0x4b: {  	_ =	swait.ge [sflag:s10], $0x2800  }
0x4c: {  	[sflag:s10] =	ssyncset.done $0x0  }
0x4d: {  	s22 =	rddreg [dreg:$0x17];
	[sflag:s10] =	ssyncadd.s32 $0xFFFFD800  }
0x4e: {  	[spmem:s22] =	stream.linear.scatter [tilespmem:s24], [sflag:$0x9], $0x2080, $0x38;
	[tilespmem:$0x1DE80] =	vst v63  }
0x4f: {  	_ =	swait.ge [sflag:s10], $0x2080  }
0x50: {  	[sflag:s10] =	ssyncset.done $0x0  }
0x51: {  	s9 =	rddreg [dreg:$0x7];
	[sflag:s10] =	ssyncadd.s32 $0xFFFFDF80  }
0x52: {  	[tilespmem:s0], [sflag:$0x5] =	stream.linear.gather [hbm4b:s9+s24], $0x50, $0x38;
	[tilespmem:$0x1DE80] =	vst v63  }
0x53: {  	s10 =	rddreg [dreg:$0x8]  }
0x54: {  	[tilespmem:s2], [sflag:$0x5] =	stream.linear.gather [hbm4b:s10+s24], $0x50, $0x38;
	[tilespmem:$0x1DE80] =	vst v63  }
0x55: {  	s11 =	rddreg [dreg:$0x9];
	s9 =	simm.s32 $0xA300  }
0x56: {  	[tilespmem:s9], [sflag:$0x7] =	stream.linear.gather [hbm4b:s11+s24], $0x50, $0x38;
	[tilespmem:$0x1DE80] =	vst v63  }
0x57: {  	s22 =	simm.s32 $0xA400;
	s17 =	rddreg [dreg:$0xa]  }
0x58: {  	[tilespmem:s22], [sflag:$0x7] =	stream.linear.gather [hbm4b:s17+s24], $0x50, $0x38;
	[tilespmem:$0x1DE80] =	vst v63  }
0x59: {  	s10 =	rddreg [dreg:$0xb];
	s11 =	simm.s32 $0xA180  }
0x5a: {  	[tilespmem:s11], [sflag:$0x6] =	stream.linear.gather [hbm4b:s10+s24], $0x50, $0x38;
	[tilespmem:$0x1DE80] =	vst v63  }
0x5b: {  	s17 =	rddreg [dreg:$0xc];
	s22 =	simm.s32 $0xA280  }
0x5c: {  	[tilespmem:s22], [sflag:$0x6] =	stream.linear.gather [hbm4b:s17+s24], $0x50, $0x38;
	[tilespmem:$0x1DE80] =	vst v63  }
0x5d: {  	s10 =	rddreg [dreg:$0xd]  }
0x5e: {  	[tilespmem:s12], [sflag:$0x8] =	stream.linear.gather [hbm4b:s10+s24], $0x50, $0x38;
	[tilespmem:$0x1DE80] =	vst v63  }
0x5f: {  	s11 =	rddreg [dreg:$0xe]  }
0x60: {  	[tilespmem:s13], [sflag:$0x8] =	stream.linear.gather [hbm4b:s11+s24], $0x50, $0x38;
	[tilespmem:$0x1DE80] =	vst v63  }
0x61: {  	_ =	swait.ge [sflag:s14], $0x50  }
0x62: {  	[sflag:s14] =	ssyncset.done $0x0  }
0x63: {  	[sflag:s14] =	ssyncadd.s32 $0xFFFFFFB0  }
0x64: {  	_ =	swait.ge [sflag:s14], $0x50  }
0x65: {  	[sflag:s14] =	ssyncset.done $0x0  }
0x66: {  	[sflag:s14] =	ssyncadd.s32 $0xFFFFFFB0  }
0x67: {  	v3 =	vld [tilespmem:$0xA000]  }
0x68: {  	v4 =	vld [tilespmem:$0xA100]  }
0x69: {  	v5 =	vld [tilespmem:$0xA010]  }
0x6a: {  	v6 =	vld [tilespmem:$0xA110]  }
0x6b: {  	v7 =	vld [tilespmem:$0xA020]  }
0x6c: {  	v8 =	vld [tilespmem:$0xA120];
	v3 =	vadd.s32 v0, v3  }
0x6d: {  	v51 =	vld [tilespmem:$0xA030];
	[tilespmem:$0xA000] =	vst v3;
	v3 =	vadd.s32 v1, v4  }
0x6e: {  	v52 =	vld [tilespmem:$0xA130];
	[tilespmem:$0xA080] =	vst v3;
	v3 =	vadd.s32 v0, v5  }
0x6f: {  	v53 =	vld [tilespmem:$0xA040];
	[tilespmem:$0xA010] =	vst v3;
	v3 =	vadd.s32 v1, v6  }
0x70: {  	v54 =	vld [tilespmem:$0xA140];
	[tilespmem:$0xA090] =	vst v3;
	v3 =	vadd.s32 v0, v7  }
0x71: {  	[tilespmem:$0xA020] =	vst v3;
	v3 =	vadd.s32 v1, v8  }
0x72: {  	[tilespmem:$0xA0A0] =	vst v3;
	v3 =	vadd.s32 v0, v51  }
0x73: {  	[tilespmem:$0xA030] =	vst v3;
	v3 =	vadd.s32 v1, v52  }
0x74: {  	[tilespmem:$0xA0B0] =	vst v3;
	v3 =	vadd.s32 v0, v53  }
0x75: {  	[tilespmem:$0xA040] =	vst v3;
	v3 =	vadd.s32 v1, v54  }
0x76: {  	[tilespmem:$0xA0C0] =	vst v3  }
0x77: {  	_ =	swait.ge [sflag:s15], $0x50  }
0x78: {  	[sflag:s15] =	ssyncset.done $0x0  }
0x79: {  	[sflag:s15] =	ssyncadd.s32 $0xFFFFFFB0  }
0x7a: {  	_ =	swait.ge [sflag:s15], $0x50  }
0x7b: {  	[sflag:s15] =	ssyncset.done $0x0  }
0x7c: {  	[sflag:s15] =	ssyncadd.s32 $0xFFFFFFB0  }
0x7d: {  	v3 =	vld [tilespmem:$0xA300]  }
0x7e: {  	v55 =	vld [tilespmem:$0xA400]  }
0x7f: {  	v56 =	vld [tilespmem:$0xA310]  }
0x80: {  	v57 =	vld [tilespmem:$0xA410]  }
0x81: {  	v58 =	vld [tilespmem:$0xA320]  }
0x82: {  	v59 =	vld [tilespmem:$0xA420];
	v3 =	vadd.s32 v0, v3  }
0x83: {  	v60 =	vld [tilespmem:$0xA330];
	[tilespmem:$0xA300] =	vst v3;
	v3 =	vadd.s32 v1, v55  }
0x84: {  	v61 =	vld [tilespmem:$0xA430];
	[tilespmem:$0xA380] =	vst v3;
	v3 =	vadd.s32 v0, v56  }
0x85: {  	v62 =	vld [tilespmem:$0xA340];
	[tilespmem:$0xA310] =	vst v3;
	v3 =	vadd.s32 v1, v57  }
0x86: {  	v63 =	vld [tilespmem:$0xA440];
	[tilespmem:$0xA390] =	vst v3;
	v3 =	vadd.s32 v0, v58  }
0x87: {  	[tilespmem:$0xA320] =	vst v3;
	v3 =	vadd.s32 v1, v59  }
0x88: {  	[tilespmem:$0xA3A0] =	vst v3;
	v3 =	vadd.s32 v0, v60  }
0x89: {  	[tilespmem:$0xA330] =	vst v3;
	v3 =	vadd.s32 v1, v61  }
0x8a: {  	[tilespmem:$0xA3B0] =	vst v3;
	v3 =	vadd.s32 v0, v62  }
0x8b: {  	[tilespmem:$0xA340] =	vst v3;
	v3 =	vadd.s32 v1, v63  }
0x8c: {  	[tilespmem:$0xA3C0] =	vst v3  }
0x8d: {  	[tilespmem:s24], [sflag:$0x1] =	stream.indirect.gather [hbm4b:s4+s16], $0x80, s0, s16, $0xb8;
	[tilespmem:$0x1DE80] =	vst v63  }
0x8e: {  	s17 =	simm.s32 $0xA080  }
0x8f: {  	[tilespmem:s20], [sflag:$0x1] =	stream.indirect.gather [hbm4b:s4+s16], $0x80, s17, s16, $0xb8;
	[tilespmem:$0x1DE80] =	vst v63  }
0x90: {  	_ = 	snop  }
0x91: {  	[tilespmem:s23], [sflag:$0x2] =	stream.indirect.gather [hbm4b:s4+s16], $0x80, s9, s16, $0xb8;
	[tilespmem:$0x1DE80] =	vst v63  }
0x92: {  	s22 =	simm.s32 $0xA380  }
0x93: {  	[tilespmem:s25], [sflag:$0x2] =	stream.indirect.gather [hbm4b:s4+s16], $0x80, s22, s16, $0xb8;
	[tilespmem:$0x1DE80] =	vst v63  }
0x94: {  	[bflag:$0x0] =	sbarrier.arrive $0xFFFF  }
.LBB2_4:
0x95: {  	_ =	swait.ge [sflag:s26], $0x2800  }
0x96: {  	[sflag:s26] =	ssyncset.done $0x0  }
0x97: {  	[sflag:s26] =	ssyncadd.s32 $0xFFFFD800  }
0x98: {  	_ =	swait.ge [sflag:s26], $0x2800  }
0x99: {  	[sflag:s26] =	ssyncset.done $0x0  }
0x9a: {  	s8 =	simm.s32 $0x100;
	[sflag:s26] =	ssyncadd.s32 $0xFFFFD800  }
0x9b: {  	s9 =	simm.s32 $0x2900;
	v3 =	vld [tilespmem:s8+$0x80]  }
0x9c: {  	v4 =	vld [tilespmem:s9+$0x80]  }
0x9d: {  	v5 =	vld [tilespmem:s9+$0xFFFFFF00]  }
0x9e: {  	v6 =	vld [tilespmem:s8+$0xFFFFFF80]  }
0x9f: {  	v7 =	vld [tilespmem:s9+$0xFFFFFF80]  }
0xa0: {  	v8 =	vld [tilespmem:s9+$0x0]  }
0xa1: {  	v3 =	vadd.f32 v4, v3;
	v4 =	vld [tilespmem:s8+$0x0]  }
0xa2: {  	v9 =	vld [tilespmem:s8+$0xFFFFFF00]  }
0xa3: {  	v3 =	vmax.f32 v3, $0.0e+00  }
0xa4: {  	v6 =	vadd.f32 v7, v6;
	[tilespmem:s8+$0x80] =	vst v3;
	v3 =	vld [tilespmem:s8+$0x90]  }
0xa5: {  	v10 =	vld [tilespmem:s9+$0x90]  }
0xa6: {  	v11 =	vld [tilespmem:s8+$0xFFFFFF90];
	v6 =	vmax.f32 v6, $0.0e+00;
	v4 =	vadd.f32 v8, v4  }
0xa7: {  	v7 =	vld [tilespmem:s8+$0xFFFFFF10];
	v5 =	vadd.f32 v5, v9;
	[tilespmem:s8+$0xFFFFFF80] =	vst v6  }
0xa8: {  	v8 =	vld [tilespmem:s9+$0xFFFFFF90];
	v4 =	vmax.f32 v4, $0.0e+00  }
0xa9: {  	v5 =	vmax.f32 v5, $0.0e+00;
	v6 =	vld [tilespmem:s8+$0x10];
	[tilespmem:s8+$0x0] =	vst v4  }
0xaa: {  	[tilespmem:s8+$0xFFFFFF00] =	vst v5;
	v3 =	vadd.f32 v10, v3;
	v4 =	vld [tilespmem:s9+$0x10]  }
0xab: {  	v5 =	vld [tilespmem:s9+$0xFFFFFF10]  }
0xac: {  	v3 =	vmax.f32 v3, $0.0e+00  }
0xad: {  	v8 =	vadd.f32 v8, v11;
	[tilespmem:s8+$0x90] =	vst v3;
	v3 =	vld [tilespmem:s8+$0xA0]  }
0xae: {  	v10 =	vld [tilespmem:s9+$0xA0]  }
0xaf: {  	v9 =	vld [tilespmem:s8+$0xFFFFFF20];
	v8 =	vmax.f32 v8, $0.0e+00;
	v4 =	vadd.f32 v4, v6  }
0xb0: {  	v5 =	vadd.f32 v5, v7;
	v11 =	vld [tilespmem:s8+$0xFFFFFFA0];
	[tilespmem:s8+$0xFFFFFF90] =	vst v8  }
0xb1: {  	v7 =	vld [tilespmem:s9+$0xFFFFFFA0];
	v4 =	vmax.f32 v4, $0.0e+00  }
0xb2: {  	v5 =	vmax.f32 v5, $0.0e+00;
	v6 =	vld [tilespmem:s8+$0x20];
	[tilespmem:s8+$0x10] =	vst v4  }
0xb3: {  	[tilespmem:s8+$0xFFFFFF10] =	vst v5;
	v3 =	vadd.f32 v10, v3;
	v4 =	vld [tilespmem:s9+$0x20]  }
0xb4: {  	v5 =	vld [tilespmem:s9+$0xFFFFFF20]  }
0xb5: {  	v3 =	vmax.f32 v3, $0.0e+00  }
0xb6: {  	v7 =	vadd.f32 v7, v11;
	[tilespmem:s8+$0xA0] =	vst v3;
	v3 =	vld [tilespmem:s8+$0xB0]  }
0xb7: {  	v10 =	vld [tilespmem:s9+$0xB0]  }
0xb8: {  	v12 =	vld [tilespmem:s8+$0x30];
	v7 =	vmax.f32 v7, $0.0e+00;
	v4 =	vadd.f32 v4, v6  }
0xb9: {  	v5 =	vadd.f32 v5, v9;
	v11 =	vld [tilespmem:s8+$0xFFFFFFB0];
	[tilespmem:s8+$0xFFFFFFA0] =	vst v7  }
0xba: {  	v6 =	vld [tilespmem:s9+$0xFFFFFFB0];
	v4 =	vmax.f32 v4, $0.0e+00  }
0xbb: {  	v8 =	vld [tilespmem:s8+$0xFFFFFF30];
	[tilespmem:s8+$0x20] =	vst v4;
	v4 =	vmax.f32 v5, $0.0e+00  }
0xbc: {  	v3 =	vadd.f32 v10, v3;
	[tilespmem:s8+$0xFFFFFF20] =	vst v4;
	v4 =	vld [tilespmem:s9+$0x30]  }
0xbd: {  	v9 =	vld [tilespmem:s9+$0xFFFFFF30]  }
0xbe: {  	v13 =	vld [tilespmem:s8+$0xFFFFFF40];
	v3 =	vmax.f32 v3, $0.0e+00  }
0xbf: {  	v6 =	vadd.f32 v6, v11;
	[tilespmem:s8+$0xB0] =	vst v3;
	v3 =	vld [tilespmem:s8+$0xC0]  }
0xc0: {  	v10 =	vld [tilespmem:s9+$0xC0]  }
0xc1: {  	v14 =	vld [tilespmem:s8+$0xFFFFFFD0];
	v6 =	vmax.f32 v6, $0.0e+00;
	v4 =	vadd.f32 v4, v12  }
0xc2: {  	v7 =	vld [tilespmem:s8+$0xFFFFFFC0];
	[tilespmem:s8+$0xFFFFFFB0] =	vst v6;
	v8 =	vadd.f32 v9, v8  }
0xc3: {  	v9 =	vld [tilespmem:s9+$0xFFFFFFC0];
	v4 =	vmax.f32 v4, $0.0e+00  }
0xc4: {  	v5 =	vld [tilespmem:s8+$0x40];
	[tilespmem:s8+$0x30] =	vst v4;
	v4 =	vmax.f32 v8, $0.0e+00  }
0xc5: {  	v3 =	vadd.f32 v10, v3;
	v8 =	vld [tilespmem:s9+$0x40];
	[tilespmem:s8+$0xFFFFFF30] =	vst v4  }
0xc6: {  	v4 =	vld [tilespmem:s9+$0xFFFFFF40]  }
0xc7: {  	v11 =	vld [tilespmem:s8+$0xFFFFFF50];
	v3 =	vmax.f32 v3, $0.0e+00  }
0xc8: {  	[tilespmem:s8+$0xC0] =	vst v3;
	v3 =	vadd.f32 v9, v7;
	v9 =	vld [tilespmem:s8+$0xD0]  }
0xc9: {  	v10 =	vld [tilespmem:s9+$0xD0]  }
0xca: {  	v6 =	vld [tilespmem:s8+$0xFFFFFF60];
	v3 =	vmax.f32 v3, $0.0e+00;
	v5 =	vadd.f32 v8, v5  }
0xcb: {  	v12 =	vld [tilespmem:s8+$0x50];
	[tilespmem:s8+$0xFFFFFFC0] =	vst v3;
	v3 =	vadd.f32 v4, v13  }
0xcc: {  	v4 =	vld [tilespmem:s9+$0xFFFFFFD0];
	v5 =	vmax.f32 v5, $0.0e+00  }
0xcd: {  	v7 =	vld [tilespmem:s8+$0xFFFFFFE0];
	[tilespmem:s8+$0x40] =	vst v5;
	v3 =	vmax.f32 v3, $0.0e+00  }
0xce: {  	v5 =	vld [tilespmem:s9+$0x50];
	v9 =	vadd.f32 v10, v9;
	[tilespmem:s8+$0xFFFFFF40] =	vst v3  }
0xcf: {  	v3 =	vld [tilespmem:s9+$0xFFFFFF50]  }
0xd0: {  	v8 =	vld [tilespmem:s8+$0x60];
	v9 =	vmax.f32 v9, $0.0e+00  }
0xd1: {  	v4 =	vadd.f32 v4, v14;
	[tilespmem:s8+$0xD0] =	vst v9;
	v9 =	vld [tilespmem:s8+$0xE0]  }
0xd2: {  	v13 =	vld [tilespmem:s9+$0xE0]  }
0xd3: {  	v4 =	vmax.f32 v4, $0.0e+00;
	v10 =	vadd.f32 v5, v12;
	v5 =	vld [tilespmem:s8+$0xFFFFFF70]  }
0xd4: {  	[tilespmem:s8+$0xFFFFFFD0] =	vst v4;
	v3 =	vadd.f32 v3, v11;
	v4 =	vld [tilespmem:s8+$0xFFFFFFF0]  }
0xd5: {  	v11 =	vmax.f32 v10, $0.0e+00;
	v10 =	vld [tilespmem:s9+$0xFFFFFFE0]  }
0xd6: {  	[tilespmem:s8+$0x50] =	vst v11;
	v11 =	vmax.f32 v3, $0.0e+00;
	v3 =	vld [tilespmem:s8+$0x70]  }
0xd7: {  	[tilespmem:s8+$0xFFFFFF50] =	vst v11;
	v11 =	vld [tilespmem:s9+$0x60];
	v9 =	vadd.f32 v13, v9  }
0xd8: {  	v12 =	vld [tilespmem:s9+$0xFFFFFF60]  }
0xd9: {  	s10 =	simm.s32 $0x0;
	s11 =	simm.s32 $0x300;
	s17 =	simm.s32 $0x2900;
	v13 =	vmax.f32 v9, $0.0e+00;
	v9 =	vld [tilespmem:s8+$0xF0]  }
.LBB2_5:
0xda: {  	v14 =	vld [tilespmem:s11+$0x80];
	v7 =	vadd.f32 v10, v7;
	[tilespmem:s8+$0xE0] =	vst v13  }
0xdb: {  	s17 =	sadd.s32 $0x200, s17;
	v10 =	vld [tilespmem:s9+$0xF0]  }
0xdc: {  	s10 =	sadd.s32 $0x4, s10;
	v13 =	vld [tilespmem:s17+$0x80];
	v7 =	vmax.f32 v7, $0.0e+00;
	v8 =	vadd.f32 v11, v8  }
0xdd: {  	p0 =	slt.u32 s10, $0x4C;
	v11 =	vld [tilespmem:s17+$0xFFFFFF00];
	v6 =	vadd.f32 v12, v6;
	[tilespmem:s8+$0xFFFFFFE0] =	vst v7  }
0xde: {  	v7 =	vld [tilespmem:s11+$0xFFFFFF80];
	v8 =	vmax.f32 v8, $0.0e+00  }
0xdf: {  	v12 =	vld [tilespmem:s17+$0xFFFFFF80];
	v6 =	vmax.f32 v6, $0.0e+00;
	[tilespmem:s8+$0x60] =	vst v8  }
0xe0: {  	v8 =	vld [tilespmem:s11+$0x0];
	[tilespmem:s8+$0xFFFFFF60] =	vst v6;
	v6 =	vadd.f32 v10, v9  }
0xe1: {  	v9 =	vld [tilespmem:s17+$0x0];
	v10 =	vadd.f32 v13, v14  }
0xe2: {  	v13 =	vld [tilespmem:s11+$0xFFFFFF00];
	v6 =	vmax.f32 v6, $0.0e+00  }
0xe3: {  	v14 =	vld [tilespmem:s11+$0xFFFFFF10];
	v10 =	vmax.f32 v10, $0.0e+00;
	[tilespmem:s8+$0xF0] =	vst v6  }
0xe4: {  	v6 =	vadd.f32 v12, v7;
	[tilespmem:s11+$0x80] =	vst v10;
	v7 =	vld [tilespmem:s11+$0x90]  }
0xe5: {  	v10 =	vld [tilespmem:s17+$0x90]  }
0xe6: {  	v6 =	vmax.f32 v6, $0.0e+00;
	v12 =	vld [tilespmem:s11+$0xFFFFFF90];
	v8 =	vadd.f32 v9, v8  }
0xe7: {  	v9 =	vadd.f32 v11, v13;
	[tilespmem:s11+$0xFFFFFF80] =	vst v6;
	v6 =	vld [tilespmem:s11+$0x10]  }
0xe8: {  	v11 =	vld [tilespmem:s17+$0xFFFFFF90];
	v8 =	vmax.f32 v8, $0.0e+00  }
0xe9: {  	v9 =	vmax.f32 v9, $0.0e+00;
	v13 =	vld [tilespmem:s11+$0xFFFFFF20];
	[tilespmem:s11+$0x0] =	vst v8  }
0xea: {  	[tilespmem:s11+$0xFFFFFF00] =	vst v9;
	v8 =	vld [tilespmem:s17+$0x10];
	v7 =	vadd.f32 v10, v7  }
0xeb: {  	v9 =	vld [tilespmem:s17+$0xFFFFFF10]  }
0xec: {  	v10 =	vld [tilespmem:s11+$0xFFFFFFA0];
	v7 =	vmax.f32 v7, $0.0e+00  }
0xed: {  	v11 =	vadd.f32 v11, v12;
	[tilespmem:s11+$0x90] =	vst v7;
	v7 =	vld [tilespmem:s11+$0xA0]  }
0xee: {  	v12 =	vld [tilespmem:s17+$0xA0]  }
0xef: {  	v11 =	vmax.f32 v11, $0.0e+00;
	v6 =	vadd.f32 v8, v6;
	v8 =	vld [tilespmem:s11+$0x20]  }
0xf0: {  	v9 =	vadd.f32 v9, v14;
	v14 =	vld [tilespmem:s11+$0xFFFFFF30];
	[tilespmem:s11+$0xFFFFFF90] =	vst v11  }
0xf1: {  	v11 =	vld [tilespmem:s17+$0xFFFFFFA0];
	v6 =	vmax.f32 v6, $0.0e+00  }
0xf2: {  	v9 =	vmax.f32 v9, $0.0e+00;
	v15 =	vld [tilespmem:s11+$0xFFFFFFB0];
	[tilespmem:s11+$0x10] =	vst v6  }
0xf3: {  	[tilespmem:s11+$0xFFFFFF10] =	vst v9;
	v6 =	vld [tilespmem:s17+$0x20];
	v7 =	vadd.f32 v12, v7  }
0xf4: {  	v9 =	vld [tilespmem:s17+$0xFFFFFF20]  }
0xf5: {  	v12 =	vld [tilespmem:s11+$0x30];
	v7 =	vmax.f32 v7, $0.0e+00  }
0xf6: {  	v10 =	vadd.f32 v11, v10;
	[tilespmem:s11+$0xA0] =	vst v7;
	v7 =	vld [tilespmem:s11+$0xB0]  }
0xf7: {  	v11 =	vld [tilespmem:s17+$0xB0]  }
0xf8: {  	v16 =	vld [tilespmem:s11+$0xFFFFFF40];
	v10 =	vmax.f32 v10, $0.0e+00;
	v6 =	vadd.f32 v6, v8  }
0xf9: {  	v8 =	vadd.f32 v9, v13;
	[tilespmem:s11+$0xFFFFFFA0] =	vst v10;
	v9 =	vld [tilespmem:s11+$0xFFFFFFC0]  }
0xfa: {  	v10 =	vld [tilespmem:s17+$0xFFFFFFB0];
	v6 =	vmax.f32 v6, $0.0e+00  }
0xfb: {  	v8 =	vmax.f32 v8, $0.0e+00;
	[tilespmem:s11+$0x20] =	vst v6;
	v13 =	vld [tilespmem:s11+$0x40]  }
0xfc: {  	[tilespmem:s11+$0xFFFFFF20] =	vst v8;
	v6 =	vld [tilespmem:s17+$0x30];
	v7 =	vadd.f32 v11, v7  }
0xfd: {  	v8 =	vld [tilespmem:s17+$0xFFFFFF30]  }
0xfe: {  	v11 =	vld [tilespmem:s11+$0xFFFFFF50];
	v7 =	vmax.f32 v7, $0.0e+00  }
0xff: {  	v10 =	vadd.f32 v10, v15;
	[tilespmem:s11+$0xB0] =	vst v7;
	v7 =	vld [tilespmem:s11+$0xC0]  }
0x100: {  	v15 =	vld [tilespmem:s17+$0xC0]  }
0x101: {  	v10 =	vmax.f32 v10, $0.0e+00;
	v17 =	vld [tilespmem:s11+$0xFFFFFFD0];
	v6 =	vadd.f32 v6, v12  }
0x102: {  	v8 =	vadd.f32 v8, v14;
	[tilespmem:s11+$0xFFFFFFB0] =	vst v10;
	v10 =	vld [tilespmem:s11+$0x50]  }
0x103: {  	v12 =	vld [tilespmem:s17+$0xFFFFFFC0];
	v14 =	vmax.f32 v6, $0.0e+00  }
0x104: {  	v8 =	vmax.f32 v8, $0.0e+00;
	v6 =	vld [tilespmem:s11+$0xFFFFFF60];
	[tilespmem:s11+$0x30] =	vst v14  }
0x105: {  	[tilespmem:s11+$0xFFFFFF30] =	vst v8;
	v8 =	vld [tilespmem:s17+$0x40];
	v14 =	vadd.f32 v15, v7  }
0x106: {  	v15 =	vld [tilespmem:s17+$0xFFFFFF40]  }
0x107: {  	v7 =	vld [tilespmem:s11+$0xFFFFFFE0];
	v14 =	vmax.f32 v14, $0.0e+00  }
0x108: {  	v9 =	vadd.f32 v12, v9;
	[tilespmem:s11+$0xC0] =	vst v14;
	v12 =	vld [tilespmem:s11+$0xD0]  }
0x109: {  	v14 =	vld [tilespmem:s17+$0xD0]  }
0x10a: {  	v9 =	vmax.f32 v9, $0.0e+00;
	v13 =	vadd.f32 v8, v13;
	v8 =	vld [tilespmem:s11+$0x60]  }
0x10b: {  	v15 =	vadd.f32 v15, v16;
	[tilespmem:s11+$0xFFFFFFC0] =	vst v9;
	v9 =	vld [tilespmem:s9+$0xFFFFFF70]  }
0x10c: {  	v16 =	vld [tilespmem:s17+$0xFFFFFFD0];
	v13 =	vmax.f32 v13, $0.0e+00  }
0x10d: {  	v15 =	vmax.f32 v15, $0.0e+00;
	[tilespmem:s11+$0x40] =	vst v13;
	v13 =	vld [tilespmem:s9+$0xFFFFFFF0]  }
0x10e: {  	[tilespmem:s11+$0xFFFFFF40] =	vst v15;
	v15 =	vld [tilespmem:s17+$0x50];
	v12 =	vadd.f32 v14, v12  }
0x10f: {  	v14 =	vld [tilespmem:s17+$0xFFFFFF50]  }
0x110: {  	v12 =	vmax.f32 v12, $0.0e+00;
	v5 =	vadd.f32 v9, v5;
	v9 =	vld [tilespmem:s9+$0x70];
	s9 =	smov.u32 s17  }
0x111: {  	v16 =	vadd.f32 v16, v17;
	[tilespmem:s11+$0xD0] =	vst v12;
	v12 =	vld [tilespmem:s11+$0xE0]  }
0x112: {  	v17 =	vld [tilespmem:s17+$0xE0];
	v18 =	vmax.f32 v5, $0.0e+00;
	v13 =	vadd.f32 v13, v4  }
0x113: {  	v5 =	vld [tilespmem:s11+$0xFFFFFF70];
	v4 =	vmax.f32 v16, $0.0e+00;
	v15 =	vadd.f32 v15, v10;
	[tilespmem:s8+$0xFFFFFF70] =	vst v18  }
0x114: {  	v11 =	vadd.f32 v14, v11;
	[tilespmem:s11+$0xFFFFFFD0] =	vst v4;
	v4 =	vld [tilespmem:s11+$0xFFFFFFF0];
	v13 =	vmax.f32 v13, $0.0e+00  }
.Ltmp1:
0x115: {  	v10 =	vld [tilespmem:s17+$0xFFFFFFE0];
	v14 =	vmax.f32 v15, $0.0e+00;
	[tilespmem:s8+$0xFFFFFFF0] =	vst v13;
	v9 =	vadd.f32 v9, v3;
	(pc) =	sbr.rel @p0 .LBB2_5-.Ltmp1, $4  }
0x116: {  	v11 =	vmax.f32 v11, $0.0e+00;
	[tilespmem:s11+$0x50] =	vst v14;
	v3 =	vld [tilespmem:s11+$0x70]  }
0x117: {  	[tilespmem:s11+$0xFFFFFF50] =	vst v11;
	v11 =	vld [tilespmem:s17+$0x60];
	v13 =	vadd.f32 v17, v12;
	v9 =	vmax.f32 v9, $0.0e+00  }
0x118: {  	v12 =	vld [tilespmem:s17+$0xFFFFFF60];
	[tilespmem:s8+$0x70] =	vst v9;
	s8 =	smov.u32 s11  }
0x119: {  	s11 =	sadd.s32 $0x200, s11;
	v13 =	vmax.f32 v13, $0.0e+00;
	v9 =	vld [tilespmem:s8+$0xF0]  }
0x11a: {  	_ =	sdelay $0x2  }
0x11b: {  	v6 =	vadd.f32 v12, v6  }
0x11c: {  	v7 =	vadd.f32 v10, v7  }
0x11d: {  	[tilespmem:s8+$0xE0] =	vst v13;
	v8 =	vadd.f32 v11, v8;
	v6 =	vmax.f32 v6, $0.0e+00  }
0x11e: {  	v10 =	vld [tilespmem:s9+$0xF0];
	v7 =	vmax.f32 v7, $0.0e+00;
	[tilespmem:s8+$0xFFFFFF60] =	vst v6  }
0x11f: {  	[tilespmem:s8+$0xFFFFFFE0] =	vst v7;
	v6 =	vmax.f32 v8, $0.0e+00;
	v7 =	vld [tilespmem:s9+$0xFFFFFF70]  }
0x120: {  	[tilespmem:s8+$0x60] =	vst v6;
	v6 =	vld [tilespmem:s9+$0xFFFFFFF0]  }
0x121: {  	v8 =	vld [tilespmem:s9+$0x70];
	_ =	sdelay $0x1  }
0x122: {  	v9 =	vadd.f32 v10, v9  }
0x123: {  	v5 =	vadd.f32 v7, v5  }
0x124: {  	v7 =	vmax.f32 v9, $0.0e+00;
	v4 =	vadd.f32 v6, v4  }
0x125: {  	[tilespmem:s8+$0xF0] =	vst v7;
	v3 =	vadd.f32 v8, v3;
	v5 =	vmax.f32 v5, $0.0e+00  }
0x126: {  	v4 =	vmax.f32 v4, $0.0e+00;
	[tilespmem:s8+$0xFFFFFF70] =	vst v5  }
0x127: {  	[tilespmem:s8+$0xFFFFFFF0] =	vst v4;
	v3 =	vmax.f32 v3, $0.0e+00  }
0x128: {  	[tilespmem:s8+$0x70] =	vst v3  }
0x129: {  	[spmem:s1] =	stream.indirect.scatter.add.f32 [tilespmem:s3], [sflag:$0x3], $0x80, s2, s16, $0xb8;
	[tilespmem:$0x1DE80] =	vst v63  }
0x12a: {  	_ =	swait.ge [sflag:s28], $0x50  }
0x12b: {  	[sflag:s28] =	ssyncset.done $0x0  }
0x12c: {  	[sflag:s28] =	ssyncadd.s32 $0xFFFFFFB0  }
0x12d: {  	_ =	swait.ge [sflag:s28], $0x50  }
0x12e: {  	[sflag:s28] =	ssyncset.done $0x0  }
0x12f: {  	[sflag:s28] =	ssyncadd.s32 $0xFFFFFFB0  }
0x130: {  	v3 =	vld [tilespmem:$0xA180]  }
0x131: {  	v4 =	vld [tilespmem:$0xA280]  }
0x132: {  	v5 =	vld [tilespmem:$0xA190]  }
0x133: {  	v6 =	vld [tilespmem:$0xA290]  }
0x134: {  	v7 =	vld [tilespmem:$0xA1A0]  }
0x135: {  	v8 =	vld [tilespmem:$0xA2A0];
	v3 =	vadd.s32 v0, v3  }
0x136: {  	[tilespmem:$0xA180] =	vst v3;
	v3 =	vadd.s32 v1, v4;
	v4 =	vld [tilespmem:$0xA1B0]  }
0x137: {  	[tilespmem:$0xA200] =	vst v3;
	v3 =	vadd.s32 v0, v5;
	v5 =	vld [tilespmem:$0xA2B0]  }
0x138: {  	[tilespmem:$0xA190] =	vst v3;
	v3 =	vadd.s32 v1, v6;
	v6 =	vld [tilespmem:$0xA1C0]  }
0x139: {  	[tilespmem:$0xA210] =	vst v3;
	v3 =	vadd.s32 v0, v7;
	v7 =	vld [tilespmem:$0xA2C0]  }
0x13a: {  	[tilespmem:$0xA1A0] =	vst v3;
	v3 =	vadd.s32 v1, v8  }
0x13b: {  	[tilespmem:$0xA220] =	vst v3;
	v3 =	vadd.s32 v0, v4  }
0x13c: {  	[tilespmem:$0xA1B0] =	vst v3;
	v3 =	vadd.s32 v1, v5  }
0x13d: {  	[tilespmem:$0xA230] =	vst v3;
	v3 =	vadd.s32 v0, v6  }
0x13e: {  	[tilespmem:$0xA1C0] =	vst v3;
	v3 =	vadd.s32 v1, v7  }
0x13f: {  	s11 =	simm.s32 $0xA200;
	s8 =	smul.u32 $0x140, s24;
	[tilespmem:$0xA240] =	vst v3  }
0x140: {  	[tilespmem:s20], [sflag:$0x1] =	stream.indirect.gather [hbm4b:s4+s16], $0x80, s11, s16, $0xb8;
	[tilespmem:$0x1DE80] =	vst v63  }
0x141: {  	_ =	swait.ge [sflag:s30], $0x2800  }
0x142: {  	s22 =	sadd.s32 s8, s18;
	[sflag:s30] =	ssyncset.done $0x0  }
0x143: {  	s17 =	simm.s32 $0xA180;
	s9 =	sshrl.u32 s22, $0x3;
	[sflag:s30] =	ssyncadd.s32 $0xFFFFD800  }
0x144: {  	[tilespmem:s3], [sflag:$0x1] =	stream.indirect.gather [hbm4b:s4+s16], $0x80, s17, s16, $0xb8;
	[tilespmem:$0x1DE80] =	vst v63  }
0x145: {  	s10 =	sadd.s32 s5, s9  }
0x146: {  	[tilespmem:s0], [sflag:$0x5] =	stream.linear.gather [hbm4b:s10+s3], $0x50, $0x38;
	[tilespmem:$0x1DE80] =	vst v63  }
0x147: {  	s9 =	sadd.s32 s6, s9  }
0x148: {  	[tilespmem:s2], [sflag:$0x5] =	stream.linear.gather [hbm4b:s9+s3], $0x50, $0x38;
	[tilespmem:$0x1DE80] =	vst v63  }
0x149: {  	_ =	swait.ge [sflag:s7], $0x2800  }
0x14a: {  	[sflag:s7] =	ssyncset.done $0x0  }
0x14b: {  	[sflag:s7] =	ssyncadd.s32 $0xFFFFD800  }
0x14c: {  	_ =	swait.ge [sflag:s7], $0x2800  }
0x14d: {  	[sflag:s7] =	ssyncset.done $0x0  }
0x14e: {  	s9 =	simm.s32 $0x5100;
	[sflag:s7] =	ssyncadd.s32 $0xFFFFD800  }
0x14f: {  	s10 =	simm.s32 $0x7900;
	v3 =	vld [tilespmem:s9+$0x80]  }
0x150: {  	v4 =	vld [tilespmem:s10+$0x80]  }
0x151: {  	v5 =	vld [tilespmem:s10+$0xFFFFFF00]  }
0x152: {  	v6 =	vld [tilespmem:s9+$0xFFFFFF80]  }
0x153: {  	v7 =	vld [tilespmem:s10+$0xFFFFFF80]  }
0x154: {  	v8 =	vld [tilespmem:s10+$0x0]  }
0x155: {  	v3 =	vadd.f32 v4, v3;
	v4 =	vld [tilespmem:s9+$0x0]  }
0x156: {  	v9 =	vld [tilespmem:s9+$0xFFFFFF00]  }
0x157: {  	v3 =	vmax.f32 v3, $0.0e+00  }
0x158: {  	v6 =	vadd.f32 v7, v6;
	[tilespmem:s9+$0x80] =	vst v3;
	v3 =	vld [tilespmem:s9+$0x90]  }
0x159: {  	v10 =	vld [tilespmem:s10+$0x90]  }
0x15a: {  	v11 =	vld [tilespmem:s9+$0xFFFFFF90];
	v6 =	vmax.f32 v6, $0.0e+00;
	v4 =	vadd.f32 v8, v4  }
0x15b: {  	v7 =	vld [tilespmem:s9+$0xFFFFFF10];
	v5 =	vadd.f32 v5, v9;
	[tilespmem:s9+$0xFFFFFF80] =	vst v6  }
0x15c: {  	v8 =	vld [tilespmem:s10+$0xFFFFFF90];
	v4 =	vmax.f32 v4, $0.0e+00  }
0x15d: {  	v5 =	vmax.f32 v5, $0.0e+00;
	v6 =	vld [tilespmem:s9+$0x10];
	[tilespmem:s9+$0x0] =	vst v4  }
0x15e: {  	[tilespmem:s9+$0xFFFFFF00] =	vst v5;
	v3 =	vadd.f32 v10, v3;
	v4 =	vld [tilespmem:s10+$0x10]  }
0x15f: {  	v5 =	vld [tilespmem:s10+$0xFFFFFF10]  }
0x160: {  	v3 =	vmax.f32 v3, $0.0e+00  }
0x161: {  	v8 =	vadd.f32 v8, v11;
	[tilespmem:s9+$0x90] =	vst v3;
	v3 =	vld [tilespmem:s9+$0xA0]  }
0x162: {  	v10 =	vld [tilespmem:s10+$0xA0]  }
0x163: {  	v9 =	vld [tilespmem:s9+$0xFFFFFF20];
	v8 =	vmax.f32 v8, $0.0e+00;
	v4 =	vadd.f32 v4, v6  }
0x164: {  	v5 =	vadd.f32 v5, v7;
	v11 =	vld [tilespmem:s9+$0xFFFFFFA0];
	[tilespmem:s9+$0xFFFFFF90] =	vst v8  }
0x165: {  	v7 =	vld [tilespmem:s10+$0xFFFFFFA0];
	v4 =	vmax.f32 v4, $0.0e+00  }
0x166: {  	v5 =	vmax.f32 v5, $0.0e+00;
	v6 =	vld [tilespmem:s9+$0x20];
	[tilespmem:s9+$0x10] =	vst v4  }
0x167: {  	[tilespmem:s9+$0xFFFFFF10] =	vst v5;
	v3 =	vadd.f32 v10, v3;
	v4 =	vld [tilespmem:s10+$0x20]  }
0x168: {  	v5 =	vld [tilespmem:s10+$0xFFFFFF20]  }
0x169: {  	v3 =	vmax.f32 v3, $0.0e+00  }
0x16a: {  	v7 =	vadd.f32 v7, v11;
	[tilespmem:s9+$0xA0] =	vst v3;
	v3 =	vld [tilespmem:s9+$0xB0]  }
0x16b: {  	v10 =	vld [tilespmem:s10+$0xB0]  }
0x16c: {  	v12 =	vld [tilespmem:s9+$0x30];
	v7 =	vmax.f32 v7, $0.0e+00;
	v4 =	vadd.f32 v4, v6  }
0x16d: {  	v5 =	vadd.f32 v5, v9;
	v11 =	vld [tilespmem:s9+$0xFFFFFFB0];
	[tilespmem:s9+$0xFFFFFFA0] =	vst v7  }
0x16e: {  	v6 =	vld [tilespmem:s10+$0xFFFFFFB0];
	v4 =	vmax.f32 v4, $0.0e+00  }
0x16f: {  	v8 =	vld [tilespmem:s9+$0xFFFFFF30];
	[tilespmem:s9+$0x20] =	vst v4;
	v4 =	vmax.f32 v5, $0.0e+00  }
0x170: {  	v3 =	vadd.f32 v10, v3;
	[tilespmem:s9+$0xFFFFFF20] =	vst v4;
	v4 =	vld [tilespmem:s10+$0x30]  }
0x171: {  	v9 =	vld [tilespmem:s10+$0xFFFFFF30]  }
0x172: {  	v13 =	vld [tilespmem:s9+$0xFFFFFF40];
	v3 =	vmax.f32 v3, $0.0e+00  }
0x173: {  	v6 =	vadd.f32 v6, v11;
	[tilespmem:s9+$0xB0] =	vst v3;
	v3 =	vld [tilespmem:s9+$0xC0]  }
0x174: {  	v10 =	vld [tilespmem:s10+$0xC0]  }
0x175: {  	v14 =	vld [tilespmem:s9+$0xFFFFFFD0];
	v6 =	vmax.f32 v6, $0.0e+00;
	v4 =	vadd.f32 v4, v12  }
0x176: {  	v7 =	vld [tilespmem:s9+$0xFFFFFFC0];
	[tilespmem:s9+$0xFFFFFFB0] =	vst v6;
	v8 =	vadd.f32 v9, v8  }
0x177: {  	v9 =	vld [tilespmem:s10+$0xFFFFFFC0];
	v4 =	vmax.f32 v4, $0.0e+00  }
0x178: {  	v5 =	vld [tilespmem:s9+$0x40];
	[tilespmem:s9+$0x30] =	vst v4;
	v4 =	vmax.f32 v8, $0.0e+00  }
0x179: {  	v3 =	vadd.f32 v10, v3;
	v8 =	vld [tilespmem:s10+$0x40];
	[tilespmem:s9+$0xFFFFFF30] =	vst v4  }
0x17a: {  	v4 =	vld [tilespmem:s10+$0xFFFFFF40]  }
0x17b: {  	v11 =	vld [tilespmem:s9+$0xFFFFFF50];
	v3 =	vmax.f32 v3, $0.0e+00  }
0x17c: {  	[tilespmem:s9+$0xC0] =	vst v3;
	v3 =	vadd.f32 v9, v7;
	v9 =	vld [tilespmem:s9+$0xD0]  }
0x17d: {  	v10 =	vld [tilespmem:s10+$0xD0]  }
0x17e: {  	v6 =	vld [tilespmem:s9+$0xFFFFFF60];
	v3 =	vmax.f32 v3, $0.0e+00;
	v5 =	vadd.f32 v8, v5  }
0x17f: {  	v12 =	vld [tilespmem:s9+$0x50];
	[tilespmem:s9+$0xFFFFFFC0] =	vst v3;
	v3 =	vadd.f32 v4, v13  }
0x180: {  	v4 =	vld [tilespmem:s10+$0xFFFFFFD0];
	v5 =	vmax.f32 v5, $0.0e+00  }
0x181: {  	v7 =	vld [tilespmem:s9+$0xFFFFFFE0];
	[tilespmem:s9+$0x40] =	vst v5;
	v3 =	vmax.f32 v3, $0.0e+00  }
0x182: {  	v5 =	vld [tilespmem:s10+$0x50];
	v9 =	vadd.f32 v10, v9;
	[tilespmem:s9+$0xFFFFFF40] =	vst v3  }
0x183: {  	v3 =	vld [tilespmem:s10+$0xFFFFFF50]  }
0x184: {  	v8 =	vld [tilespmem:s9+$0x60];
	v9 =	vmax.f32 v9, $0.0e+00  }
0x185: {  	v4 =	vadd.f32 v4, v14;
	[tilespmem:s9+$0xD0] =	vst v9;
	v9 =	vld [tilespmem:s9+$0xE0]  }
0x186: {  	v13 =	vld [tilespmem:s10+$0xE0]  }
0x187: {  	v4 =	vmax.f32 v4, $0.0e+00;
	v10 =	vadd.f32 v5, v12;
	v5 =	vld [tilespmem:s9+$0xFFFFFF70]  }
0x188: {  	[tilespmem:s9+$0xFFFFFFD0] =	vst v4;
	v3 =	vadd.f32 v3, v11;
	v4 =	vld [tilespmem:s9+$0xFFFFFFF0]  }
0x189: {  	v11 =	vmax.f32 v10, $0.0e+00;
	v10 =	vld [tilespmem:s10+$0xFFFFFFE0]  }
0x18a: {  	[tilespmem:s9+$0x50] =	vst v11;
	v11 =	vmax.f32 v3, $0.0e+00;
	v3 =	vld [tilespmem:s9+$0x70]  }
0x18b: {  	[tilespmem:s9+$0xFFFFFF50] =	vst v11;
	v11 =	vld [tilespmem:s10+$0x60];
	v9 =	vadd.f32 v13, v9  }
0x18c: {  	v12 =	vld [tilespmem:s10+$0xFFFFFF60]  }
0x18d: {  	s22 =	simm.s32 $0x7900;
	s11 =	simm.s32 $0x0;
	s17 =	simm.s32 $0x5300;
	v13 =	vmax.f32 v9, $0.0e+00;
	v9 =	vld [tilespmem:s9+$0xF0]  }
.LBB2_7:
0x18e: {  	v14 =	vld [tilespmem:s17+$0x80];
	v7 =	vadd.f32 v10, v7;
	[tilespmem:s9+$0xE0] =	vst v13  }
0x18f: {  	s22 =	sadd.s32 $0x200, s22;
	v10 =	vld [tilespmem:s10+$0xF0]  }
0x190: {  	s11 =	sadd.s32 $0x4, s11;
	v13 =	vld [tilespmem:s22+$0x80];
	v7 =	vmax.f32 v7, $0.0e+00;
	v8 =	vadd.f32 v11, v8  }
0x191: {  	p0 =	slt.u32 s11, $0x4C;
	v11 =	vld [tilespmem:s22+$0xFFFFFF00];
	v6 =	vadd.f32 v12, v6;
	[tilespmem:s9+$0xFFFFFFE0] =	vst v7  }
0x192: {  	v7 =	vld [tilespmem:s17+$0xFFFFFF80];
	v8 =	vmax.f32 v8, $0.0e+00  }
0x193: {  	v12 =	vld [tilespmem:s22+$0xFFFFFF80];
	v6 =	vmax.f32 v6, $0.0e+00;
	[tilespmem:s9+$0x60] =	vst v8  }
0x194: {  	v8 =	vld [tilespmem:s17+$0x0];
	[tilespmem:s9+$0xFFFFFF60] =	vst v6;
	v6 =	vadd.f32 v10, v9  }
0x195: {  	v9 =	vld [tilespmem:s22+$0x0];
	v10 =	vadd.f32 v13, v14  }
0x196: {  	v13 =	vld [tilespmem:s17+$0xFFFFFF00];
	v6 =	vmax.f32 v6, $0.0e+00  }
0x197: {  	v14 =	vld [tilespmem:s17+$0xFFFFFF10];
	v10 =	vmax.f32 v10, $0.0e+00;
	[tilespmem:s9+$0xF0] =	vst v6  }
0x198: {  	v6 =	vadd.f32 v12, v7;
	[tilespmem:s17+$0x80] =	vst v10;
	v7 =	vld [tilespmem:s17+$0x90]  }
0x199: {  	v10 =	vld [tilespmem:s22+$0x90]  }
0x19a: {  	v6 =	vmax.f32 v6, $0.0e+00;
	v12 =	vld [tilespmem:s17+$0xFFFFFF90];
	v8 =	vadd.f32 v9, v8  }
0x19b: {  	v9 =	vadd.f32 v11, v13;
	[tilespmem:s17+$0xFFFFFF80] =	vst v6;
	v6 =	vld [tilespmem:s17+$0x10]  }
0x19c: {  	v11 =	vld [tilespmem:s22+$0xFFFFFF90];
	v8 =	vmax.f32 v8, $0.0e+00  }
0x19d: {  	v9 =	vmax.f32 v9, $0.0e+00;
	v13 =	vld [tilespmem:s17+$0xFFFFFF20];
	[tilespmem:s17+$0x0] =	vst v8  }
0x19e: {  	[tilespmem:s17+$0xFFFFFF00] =	vst v9;
	v8 =	vld [tilespmem:s22+$0x10];
	v7 =	vadd.f32 v10, v7  }
0x19f: {  	v9 =	vld [tilespmem:s22+$0xFFFFFF10]  }
0x1a0: {  	v10 =	vld [tilespmem:s17+$0xFFFFFFA0];
	v7 =	vmax.f32 v7, $0.0e+00  }
0x1a1: {  	v11 =	vadd.f32 v11, v12;
	[tilespmem:s17+$0x90] =	vst v7;
	v7 =	vld [tilespmem:s17+$0xA0]  }
0x1a2: {  	v12 =	vld [tilespmem:s22+$0xA0]  }
0x1a3: {  	v11 =	vmax.f32 v11, $0.0e+00;
	v6 =	vadd.f32 v8, v6;
	v8 =	vld [tilespmem:s17+$0x20]  }
0x1a4: {  	v9 =	vadd.f32 v9, v14;
	v14 =	vld [tilespmem:s17+$0xFFFFFF30];
	[tilespmem:s17+$0xFFFFFF90] =	vst v11  }
0x1a5: {  	v11 =	vld [tilespmem:s22+$0xFFFFFFA0];
	v6 =	vmax.f32 v6, $0.0e+00  }
0x1a6: {  	v9 =	vmax.f32 v9, $0.0e+00;
	v15 =	vld [tilespmem:s17+$0xFFFFFFB0];
	[tilespmem:s17+$0x10] =	vst v6  }
0x1a7: {  	[tilespmem:s17+$0xFFFFFF10] =	vst v9;
	v6 =	vld [tilespmem:s22+$0x20];
	v7 =	vadd.f32 v12, v7  }
0x1a8: {  	v9 =	vld [tilespmem:s22+$0xFFFFFF20]  }
0x1a9: {  	v12 =	vld [tilespmem:s17+$0x30];
	v7 =	vmax.f32 v7, $0.0e+00  }
0x1aa: {  	v10 =	vadd.f32 v11, v10;
	[tilespmem:s17+$0xA0] =	vst v7;
	v7 =	vld [tilespmem:s17+$0xB0]  }
0x1ab: {  	v11 =	vld [tilespmem:s22+$0xB0]  }
0x1ac: {  	v16 =	vld [tilespmem:s17+$0xFFFFFF40];
	v10 =	vmax.f32 v10, $0.0e+00;
	v6 =	vadd.f32 v6, v8  }
0x1ad: {  	v8 =	vadd.f32 v9, v13;
	[tilespmem:s17+$0xFFFFFFA0] =	vst v10;
	v9 =	vld [tilespmem:s17+$0xFFFFFFC0]  }
0x1ae: {  	v10 =	vld [tilespmem:s22+$0xFFFFFFB0];
	v6 =	vmax.f32 v6, $0.0e+00  }
0x1af: {  	v8 =	vmax.f32 v8, $0.0e+00;
	[tilespmem:s17+$0x20] =	vst v6;
	v13 =	vld [tilespmem:s17+$0x40]  }
0x1b0: {  	[tilespmem:s17+$0xFFFFFF20] =	vst v8;
	v6 =	vld [tilespmem:s22+$0x30];
	v7 =	vadd.f32 v11, v7  }
0x1b1: {  	v8 =	vld [tilespmem:s22+$0xFFFFFF30]  }
0x1b2: {  	v11 =	vld [tilespmem:s17+$0xFFFFFF50];
	v7 =	vmax.f32 v7, $0.0e+00  }
0x1b3: {  	v10 =	vadd.f32 v10, v15;
	[tilespmem:s17+$0xB0] =	vst v7;
	v7 =	vld [tilespmem:s17+$0xC0]  }
0x1b4: {  	v15 =	vld [tilespmem:s22+$0xC0]  }
0x1b5: {  	v10 =	vmax.f32 v10, $0.0e+00;
	v17 =	vld [tilespmem:s17+$0xFFFFFFD0];
	v6 =	vadd.f32 v6, v12  }
0x1b6: {  	v8 =	vadd.f32 v8, v14;
	[tilespmem:s17+$0xFFFFFFB0] =	vst v10;
	v10 =	vld [tilespmem:s17+$0x50]  }
0x1b7: {  	v12 =	vld [tilespmem:s22+$0xFFFFFFC0];
	v14 =	vmax.f32 v6, $0.0e+00  }
0x1b8: {  	v8 =	vmax.f32 v8, $0.0e+00;
	v6 =	vld [tilespmem:s17+$0xFFFFFF60];
	[tilespmem:s17+$0x30] =	vst v14  }
0x1b9: {  	[tilespmem:s17+$0xFFFFFF30] =	vst v8;
	v8 =	vld [tilespmem:s22+$0x40];
	v14 =	vadd.f32 v15, v7  }
0x1ba: {  	v15 =	vld [tilespmem:s22+$0xFFFFFF40]  }
0x1bb: {  	v7 =	vld [tilespmem:s17+$0xFFFFFFE0];
	v14 =	vmax.f32 v14, $0.0e+00  }
0x1bc: {  	v9 =	vadd.f32 v12, v9;
	[tilespmem:s17+$0xC0] =	vst v14;
	v12 =	vld [tilespmem:s17+$0xD0]  }
0x1bd: {  	v14 =	vld [tilespmem:s22+$0xD0]  }
0x1be: {  	v9 =	vmax.f32 v9, $0.0e+00;
	v13 =	vadd.f32 v8, v13;
	v8 =	vld [tilespmem:s17+$0x60]  }
0x1bf: {  	v15 =	vadd.f32 v15, v16;
	[tilespmem:s17+$0xFFFFFFC0] =	vst v9;
	v9 =	vld [tilespmem:s10+$0xFFFFFF70]  }
0x1c0: {  	v16 =	vld [tilespmem:s22+$0xFFFFFFD0];
	v13 =	vmax.f32 v13, $0.0e+00  }
0x1c1: {  	v15 =	vmax.f32 v15, $0.0e+00;
	[tilespmem:s17+$0x40] =	vst v13;
	v13 =	vld [tilespmem:s10+$0xFFFFFFF0]  }
0x1c2: {  	[tilespmem:s17+$0xFFFFFF40] =	vst v15;
	v15 =	vld [tilespmem:s22+$0x50];
	v12 =	vadd.f32 v14, v12  }
0x1c3: {  	v14 =	vld [tilespmem:s22+$0xFFFFFF50]  }
0x1c4: {  	v12 =	vmax.f32 v12, $0.0e+00;
	v5 =	vadd.f32 v9, v5;
	v9 =	vld [tilespmem:s10+$0x70];
	s10 =	smov.u32 s22  }
0x1c5: {  	v16 =	vadd.f32 v16, v17;
	[tilespmem:s17+$0xD0] =	vst v12;
	v12 =	vld [tilespmem:s17+$0xE0]  }
0x1c6: {  	v17 =	vld [tilespmem:s22+$0xE0];
	v18 =	vmax.f32 v5, $0.0e+00;
	v13 =	vadd.f32 v13, v4  }
0x1c7: {  	v5 =	vld [tilespmem:s17+$0xFFFFFF70];
	v4 =	vmax.f32 v16, $0.0e+00;
	v15 =	vadd.f32 v15, v10;
	[tilespmem:s9+$0xFFFFFF70] =	vst v18  }
0x1c8: {  	v11 =	vadd.f32 v14, v11;
	[tilespmem:s17+$0xFFFFFFD0] =	vst v4;
	v4 =	vld [tilespmem:s17+$0xFFFFFFF0];
	v13 =	vmax.f32 v13, $0.0e+00  }
.Ltmp2:
0x1c9: {  	v10 =	vld [tilespmem:s22+$0xFFFFFFE0];
	v14 =	vmax.f32 v15, $0.0e+00;
	[tilespmem:s9+$0xFFFFFFF0] =	vst v13;
	v9 =	vadd.f32 v9, v3;
	(pc) =	sbr.rel @p0 .LBB2_7-.Ltmp2, $4  }
0x1ca: {  	v11 =	vmax.f32 v11, $0.0e+00;
	[tilespmem:s17+$0x50] =	vst v14;
	v3 =	vld [tilespmem:s17+$0x70]  }
0x1cb: {  	[tilespmem:s17+$0xFFFFFF50] =	vst v11;
	v11 =	vld [tilespmem:s22+$0x60];
	v13 =	vadd.f32 v17, v12;
	v9 =	vmax.f32 v9, $0.0e+00  }
0x1cc: {  	v12 =	vld [tilespmem:s22+$0xFFFFFF60];
	[tilespmem:s9+$0x70] =	vst v9;
	s9 =	smov.u32 s17  }
0x1cd: {  	s17 =	sadd.s32 $0x200, s17;
	v13 =	vmax.f32 v13, $0.0e+00;
	v9 =	vld [tilespmem:s9+$0xF0]  }
0x1ce: {  	_ =	sdelay $0x2  }
0x1cf: {  	v6 =	vadd.f32 v12, v6  }
0x1d0: {  	v7 =	vadd.f32 v10, v7  }
0x1d1: {  	[tilespmem:s9+$0xE0] =	vst v13;
	v8 =	vadd.f32 v11, v8;
	v6 =	vmax.f32 v6, $0.0e+00  }
0x1d2: {  	v10 =	vld [tilespmem:s10+$0xF0];
	v7 =	vmax.f32 v7, $0.0e+00;
	[tilespmem:s9+$0xFFFFFF60] =	vst v6  }
0x1d3: {  	[tilespmem:s9+$0xFFFFFFE0] =	vst v7;
	v6 =	vmax.f32 v8, $0.0e+00;
	v7 =	vld [tilespmem:s10+$0xFFFFFF70]  }
0x1d4: {  	[tilespmem:s9+$0x60] =	vst v6;
	v6 =	vld [tilespmem:s10+$0xFFFFFFF0]  }
0x1d5: {  	v8 =	vld [tilespmem:s10+$0x70];
	_ =	sdelay $0x1  }
0x1d6: {  	v9 =	vadd.f32 v10, v9  }
0x1d7: {  	v5 =	vadd.f32 v7, v5  }
0x1d8: {  	v7 =	vmax.f32 v9, $0.0e+00;
	v4 =	vadd.f32 v6, v4  }
0x1d9: {  	[tilespmem:s9+$0xF0] =	vst v7;
	v3 =	vadd.f32 v8, v3;
	v5 =	vmax.f32 v5, $0.0e+00  }
0x1da: {  	v4 =	vmax.f32 v4, $0.0e+00;
	[tilespmem:s9+$0xFFFFFF70] =	vst v5  }
0x1db: {  	[tilespmem:s9+$0xFFFFFFF0] =	vst v4;
	v3 =	vmax.f32 v3, $0.0e+00  }
0x1dc: {  	s17 =	simm.s32 $0xA400;
	[tilespmem:s9+$0x70] =	vst v3  }
0x1dd: {  	[spmem:s1] =	stream.indirect.scatter.add.f32 [tilespmem:s23], [sflag:$0x4], $0x80, s17, s16, $0xb8;
	[tilespmem:$0x1DE80] =	vst v63  }
0x1de: {  	_ =	swait.ge [sflag:s31], $0x50  }
0x1df: {  	[sflag:s31] =	ssyncset.done $0x0  }
0x1e0: {  	[sflag:s31] =	ssyncadd.s32 $0xFFFFFFB0  }
0x1e1: {  	_ =	swait.ge [sflag:s31], $0x50  }
0x1e2: {  	[sflag:s31] =	ssyncset.done $0x0  }
0x1e3: {  	[sflag:s31] =	ssyncadd.s32 $0xFFFFFFB0  }
0x1e4: {  	v3 =	vld [tilespmem:$0xA480]  }
0x1e5: {  	v4 =	vld [tilespmem:$0xA580]  }
0x1e6: {  	v5 =	vld [tilespmem:$0xA490]  }
0x1e7: {  	v6 =	vld [tilespmem:$0xA590]  }
0x1e8: {  	v7 =	vld [tilespmem:$0xA4A0]  }
0x1e9: {  	v8 =	vld [tilespmem:$0xA5A0];
	v3 =	vadd.s32 v0, v3  }
0x1ea: {  	[tilespmem:$0xA480] =	vst v3;
	v3 =	vadd.s32 v1, v4;
	v4 =	vld [tilespmem:$0xA4B0]  }
0x1eb: {  	[tilespmem:$0xA500] =	vst v3;
	v3 =	vadd.s32 v0, v5;
	v5 =	vld [tilespmem:$0xA5B0]  }
0x1ec: {  	[tilespmem:$0xA490] =	vst v3;
	v3 =	vadd.s32 v1, v6;
	v6 =	vld [tilespmem:$0xA4C0]  }
0x1ed: {  	[tilespmem:$0xA510] =	vst v3;
	v3 =	vadd.s32 v0, v7;
	v7 =	vld [tilespmem:$0xA5C0]  }
0x1ee: {  	[tilespmem:$0xA4A0] =	vst v3;
	v3 =	vadd.s32 v1, v8  }
0x1ef: {  	[tilespmem:$0xA520] =	vst v3;
	v3 =	vadd.s32 v0, v4  }
0x1f0: {  	[tilespmem:$0xA4B0] =	vst v3;
	v3 =	vadd.s32 v1, v5  }
0x1f1: {  	[tilespmem:$0xA530] =	vst v3;
	v3 =	vadd.s32 v0, v6  }
0x1f2: {  	[tilespmem:$0xA4C0] =	vst v3;
	v3 =	vadd.s32 v1, v7  }
0x1f3: {  	s22 =	simm.s32 $0xA500;
	[tilespmem:$0xA540] =	vst v3  }
0x1f4: {  	[tilespmem:s25], [sflag:$0x2] =	stream.indirect.gather [hbm4b:s4+s16], $0x80, s22, s16, $0xb8;
	[tilespmem:$0x1DE80] =	vst v63  }
0x1f5: {  	p0 =	seq.s32 s24, $0x1E;
	_ =	swait.ge [sflag:s29], $0x2800  }
0x1f6: {  	s9 =	sadd.s32 @!p0 s8, s19;
	[sflag:s29] =	ssyncset.done $0x0  }
0x1f7: {  	s9 =	sshrl.u32 @!p0 s9, $0x3;
	[sflag:s29] =	ssyncadd.s32 $0xFFFFD800  }
0x1f8: {  	[tilespmem:s23], [sflag:$0x2] =	stream.indirect.gather [hbm4b:s4+s16], $0x80, s12, s16, $0xb8;
	[tilespmem:$0x1DE80] =	vst v63  }
0x1f9: {  	s11 =	simm.s32 @!p0 $0x0;
	s17 =	simm.s32 @!p0 $0xA300;
	s10 =	sadd.s32 @!p0 s5, s9  }
0x1fa: {  	[tilespmem:s17], [sflag:$0x7] =	stream.linear.gather @!p0 [hbm4b:s10+s11], $0x50, $0x38;
	[tilespmem:$0x1DE80] =	vst v63  }
0x1fb: {  	s9 =	sadd.s32 @!p0 s6, s9;
	s10 =	simm.s32 @!p0 $0xA400  }
0x1fc: {  	[tilespmem:s10], [sflag:$0x7] =	stream.linear.gather @!p0 [hbm4b:s9+s11], $0x50, $0x38;
	[tilespmem:$0x1DE80] =	vst v63  }
0x1fd: {  	_ =	swait.ge [sflag:s26], $0x2800  }
0x1fe: {  	[sflag:s26] =	ssyncset.done $0x0  }
0x1ff: {  	[sflag:s26] =	ssyncadd.s32 $0xFFFFD800  }
0x200: {  	_ =	swait.ge [sflag:s26], $0x2800  }
0x201: {  	[sflag:s26] =	ssyncset.done $0x0  }
0x202: {  	s9 =	simm.s32 $0x100;
	[sflag:s26] =	ssyncadd.s32 $0xFFFFD800  }
0x203: {  	s10 =	simm.s32 $0x2900;
	v3 =	vld [tilespmem:s9+$0x80]  }
0x204: {  	v4 =	vld [tilespmem:s10+$0x80]  }
0x205: {  	v5 =	vld [tilespmem:s10+$0xFFFFFF00]  }
0x206: {  	v6 =	vld [tilespmem:s9+$0xFFFFFF80]  }
0x207: {  	v7 =	vld [tilespmem:s10+$0xFFFFFF80]  }
0x208: {  	v8 =	vld [tilespmem:s10+$0x0]  }
0x209: {  	v3 =	vadd.f32 v4, v3;
	v4 =	vld [tilespmem:s9+$0x0]  }
0x20a: {  	v9 =	vld [tilespmem:s9+$0xFFFFFF00]  }
0x20b: {  	v3 =	vmax.f32 v3, $0.0e+00  }
0x20c: {  	v6 =	vadd.f32 v7, v6;
	[tilespmem:s9+$0x80] =	vst v3;
	v3 =	vld [tilespmem:s9+$0x90]  }
0x20d: {  	v10 =	vld [tilespmem:s10+$0x90]  }
0x20e: {  	v11 =	vld [tilespmem:s9+$0xFFFFFF90];
	v6 =	vmax.f32 v6, $0.0e+00;
	v4 =	vadd.f32 v8, v4  }
0x20f: {  	v7 =	vld [tilespmem:s9+$0xFFFFFF10];
	v5 =	vadd.f32 v5, v9;
	[tilespmem:s9+$0xFFFFFF80] =	vst v6  }
0x210: {  	v8 =	vld [tilespmem:s10+$0xFFFFFF90];
	v4 =	vmax.f32 v4, $0.0e+00  }
0x211: {  	v5 =	vmax.f32 v5, $0.0e+00;
	v6 =	vld [tilespmem:s9+$0x10];
	[tilespmem:s9+$0x0] =	vst v4  }
0x212: {  	[tilespmem:s9+$0xFFFFFF00] =	vst v5;
	v3 =	vadd.f32 v10, v3;
	v4 =	vld [tilespmem:s10+$0x10]  }
0x213: {  	v5 =	vld [tilespmem:s10+$0xFFFFFF10]  }
0x214: {  	v3 =	vmax.f32 v3, $0.0e+00  }
0x215: {  	v8 =	vadd.f32 v8, v11;
	[tilespmem:s9+$0x90] =	vst v3;
	v3 =	vld [tilespmem:s9+$0xA0]  }
0x216: {  	v10 =	vld [tilespmem:s10+$0xA0]  }
0x217: {  	v9 =	vld [tilespmem:s9+$0xFFFFFF20];
	v8 =	vmax.f32 v8, $0.0e+00;
	v4 =	vadd.f32 v4, v6  }
0x218: {  	v5 =	vadd.f32 v5, v7;
	v11 =	vld [tilespmem:s9+$0xFFFFFFA0];
	[tilespmem:s9+$0xFFFFFF90] =	vst v8  }
0x219: {  	v7 =	vld [tilespmem:s10+$0xFFFFFFA0];
	v4 =	vmax.f32 v4, $0.0e+00  }
0x21a: {  	v5 =	vmax.f32 v5, $0.0e+00;
	v6 =	vld [tilespmem:s9+$0x20];
	[tilespmem:s9+$0x10] =	vst v4  }
0x21b: {  	[tilespmem:s9+$0xFFFFFF10] =	vst v5;
	v3 =	vadd.f32 v10, v3;
	v4 =	vld [tilespmem:s10+$0x20]  }
0x21c: {  	v5 =	vld [tilespmem:s10+$0xFFFFFF20]  }
0x21d: {  	v3 =	vmax.f32 v3, $0.0e+00  }
0x21e: {  	v7 =	vadd.f32 v7, v11;
	[tilespmem:s9+$0xA0] =	vst v3;
	v3 =	vld [tilespmem:s9+$0xB0]  }
0x21f: {  	v10 =	vld [tilespmem:s10+$0xB0]  }
0x220: {  	v12 =	vld [tilespmem:s9+$0x30];
	v7 =	vmax.f32 v7, $0.0e+00;
	v4 =	vadd.f32 v4, v6  }
0x221: {  	v5 =	vadd.f32 v5, v9;
	v11 =	vld [tilespmem:s9+$0xFFFFFFB0];
	[tilespmem:s9+$0xFFFFFFA0] =	vst v7  }
0x222: {  	v6 =	vld [tilespmem:s10+$0xFFFFFFB0];
	v4 =	vmax.f32 v4, $0.0e+00  }
0x223: {  	v8 =	vld [tilespmem:s9+$0xFFFFFF30];
	[tilespmem:s9+$0x20] =	vst v4;
	v4 =	vmax.f32 v5, $0.0e+00  }
0x224: {  	v3 =	vadd.f32 v10, v3;
	[tilespmem:s9+$0xFFFFFF20] =	vst v4;
	v4 =	vld [tilespmem:s10+$0x30]  }
0x225: {  	v9 =	vld [tilespmem:s10+$0xFFFFFF30]  }
0x226: {  	v13 =	vld [tilespmem:s9+$0xFFFFFF40];
	v3 =	vmax.f32 v3, $0.0e+00  }
0x227: {  	v6 =	vadd.f32 v6, v11;
	[tilespmem:s9+$0xB0] =	vst v3;
	v3 =	vld [tilespmem:s9+$0xC0]  }
0x228: {  	v10 =	vld [tilespmem:s10+$0xC0]  }
0x229: {  	v14 =	vld [tilespmem:s9+$0xFFFFFFD0];
	v6 =	vmax.f32 v6, $0.0e+00;
	v4 =	vadd.f32 v4, v12  }
0x22a: {  	v7 =	vld [tilespmem:s9+$0xFFFFFFC0];
	[tilespmem:s9+$0xFFFFFFB0] =	vst v6;
	v8 =	vadd.f32 v9, v8  }
0x22b: {  	v9 =	vld [tilespmem:s10+$0xFFFFFFC0];
	v4 =	vmax.f32 v4, $0.0e+00  }
0x22c: {  	v5 =	vld [tilespmem:s9+$0x40];
	[tilespmem:s9+$0x30] =	vst v4;
	v4 =	vmax.f32 v8, $0.0e+00  }
0x22d: {  	v3 =	vadd.f32 v10, v3;
	v8 =	vld [tilespmem:s10+$0x40];
	[tilespmem:s9+$0xFFFFFF30] =	vst v4  }
0x22e: {  	v4 =	vld [tilespmem:s10+$0xFFFFFF40]  }
0x22f: {  	v11 =	vld [tilespmem:s9+$0xFFFFFF50];
	v3 =	vmax.f32 v3, $0.0e+00  }
0x230: {  	[tilespmem:s9+$0xC0] =	vst v3;
	v3 =	vadd.f32 v9, v7;
	v9 =	vld [tilespmem:s9+$0xD0]  }
0x231: {  	v10 =	vld [tilespmem:s10+$0xD0]  }
0x232: {  	v6 =	vld [tilespmem:s9+$0xFFFFFF60];
	v3 =	vmax.f32 v3, $0.0e+00;
	v5 =	vadd.f32 v8, v5  }
0x233: {  	v12 =	vld [tilespmem:s9+$0x50];
	[tilespmem:s9+$0xFFFFFFC0] =	vst v3;
	v3 =	vadd.f32 v4, v13  }
0x234: {  	v4 =	vld [tilespmem:s10+$0xFFFFFFD0];
	v5 =	vmax.f32 v5, $0.0e+00  }
0x235: {  	v7 =	vld [tilespmem:s9+$0xFFFFFFE0];
	[tilespmem:s9+$0x40] =	vst v5;
	v3 =	vmax.f32 v3, $0.0e+00  }
0x236: {  	v5 =	vld [tilespmem:s10+$0x50];
	v9 =	vadd.f32 v10, v9;
	[tilespmem:s9+$0xFFFFFF40] =	vst v3  }
0x237: {  	v3 =	vld [tilespmem:s10+$0xFFFFFF50]  }
0x238: {  	v8 =	vld [tilespmem:s9+$0x60];
	v9 =	vmax.f32 v9, $0.0e+00  }
0x239: {  	v4 =	vadd.f32 v4, v14;
	[tilespmem:s9+$0xD0] =	vst v9;
	v9 =	vld [tilespmem:s9+$0xE0]  }
0x23a: {  	v13 =	vld [tilespmem:s10+$0xE0]  }
0x23b: {  	v4 =	vmax.f32 v4, $0.0e+00;
	v10 =	vadd.f32 v5, v12;
	v5 =	vld [tilespmem:s9+$0xFFFFFF70]  }
0x23c: {  	[tilespmem:s9+$0xFFFFFFD0] =	vst v4;
	v3 =	vadd.f32 v3, v11;
	v4 =	vld [tilespmem:s9+$0xFFFFFFF0]  }
0x23d: {  	v11 =	vmax.f32 v10, $0.0e+00;
	v10 =	vld [tilespmem:s10+$0xFFFFFFE0]  }
0x23e: {  	[tilespmem:s9+$0x50] =	vst v11;
	v11 =	vmax.f32 v3, $0.0e+00;
	v3 =	vld [tilespmem:s9+$0x70]  }
0x23f: {  	[tilespmem:s9+$0xFFFFFF50] =	vst v11;
	v11 =	vld [tilespmem:s10+$0x60];
	v9 =	vadd.f32 v13, v9  }
0x240: {  	v12 =	vld [tilespmem:s10+$0xFFFFFF60]  }
0x241: {  	s22 =	simm.s32 $0x2900;
	s17 =	simm.s32 $0x300;
	s11 =	simm.s32 $0x0;
	v13 =	vmax.f32 v9, $0.0e+00;
	v9 =	vld [tilespmem:s9+$0xF0]  }
.LBB2_9:
0x242: {  	v14 =	vld [tilespmem:s17+$0x80];
	v7 =	vadd.f32 v10, v7;
	[tilespmem:s9+$0xE0] =	vst v13  }
0x243: {  	s22 =	sadd.s32 $0x200, s22;
	v10 =	vld [tilespmem:s10+$0xF0]  }
0x244: {  	s11 =	sadd.s32 $0x4, s11;
	v13 =	vld [tilespmem:s22+$0x80];
	v7 =	vmax.f32 v7, $0.0e+00;
	v8 =	vadd.f32 v11, v8  }
0x245: {  	p1 =	slt.u32 s11, $0x4C;
	v11 =	vld [tilespmem:s22+$0xFFFFFF00];
	v6 =	vadd.f32 v12, v6;
	[tilespmem:s9+$0xFFFFFFE0] =	vst v7  }
0x246: {  	v7 =	vld [tilespmem:s17+$0xFFFFFF80];
	v8 =	vmax.f32 v8, $0.0e+00  }
0x247: {  	v12 =	vld [tilespmem:s22+$0xFFFFFF80];
	v6 =	vmax.f32 v6, $0.0e+00;
	[tilespmem:s9+$0x60] =	vst v8  }
0x248: {  	v8 =	vld [tilespmem:s17+$0x0];
	[tilespmem:s9+$0xFFFFFF60] =	vst v6;
	v6 =	vadd.f32 v10, v9  }
0x249: {  	v9 =	vld [tilespmem:s22+$0x0];
	v10 =	vadd.f32 v13, v14  }
0x24a: {  	v13 =	vld [tilespmem:s17+$0xFFFFFF00];
	v6 =	vmax.f32 v6, $0.0e+00  }
0x24b: {  	v14 =	vld [tilespmem:s17+$0xFFFFFF10];
	v10 =	vmax.f32 v10, $0.0e+00;
	[tilespmem:s9+$0xF0] =	vst v6  }
0x24c: {  	v6 =	vadd.f32 v12, v7;
	[tilespmem:s17+$0x80] =	vst v10;
	v7 =	vld [tilespmem:s17+$0x90]  }
0x24d: {  	v10 =	vld [tilespmem:s22+$0x90]  }
0x24e: {  	v6 =	vmax.f32 v6, $0.0e+00;
	v12 =	vld [tilespmem:s17+$0xFFFFFF90];
	v8 =	vadd.f32 v9, v8  }
0x24f: {  	v9 =	vadd.f32 v11, v13;
	[tilespmem:s17+$0xFFFFFF80] =	vst v6;
	v6 =	vld [tilespmem:s17+$0x10]  }
0x250: {  	v11 =	vld [tilespmem:s22+$0xFFFFFF90];
	v8 =	vmax.f32 v8, $0.0e+00  }
0x251: {  	v9 =	vmax.f32 v9, $0.0e+00;
	v13 =	vld [tilespmem:s17+$0xFFFFFF20];
	[tilespmem:s17+$0x0] =	vst v8  }
0x252: {  	[tilespmem:s17+$0xFFFFFF00] =	vst v9;
	v8 =	vld [tilespmem:s22+$0x10];
	v7 =	vadd.f32 v10, v7  }
0x253: {  	v9 =	vld [tilespmem:s22+$0xFFFFFF10]  }
0x254: {  	v10 =	vld [tilespmem:s17+$0xFFFFFFA0];
	v7 =	vmax.f32 v7, $0.0e+00  }
0x255: {  	v11 =	vadd.f32 v11, v12;
	[tilespmem:s17+$0x90] =	vst v7;
	v7 =	vld [tilespmem:s17+$0xA0]  }
0x256: {  	v12 =	vld [tilespmem:s22+$0xA0]  }
0x257: {  	v11 =	vmax.f32 v11, $0.0e+00;
	v6 =	vadd.f32 v8, v6;
	v8 =	vld [tilespmem:s17+$0x20]  }
0x258: {  	v9 =	vadd.f32 v9, v14;
	v14 =	vld [tilespmem:s17+$0xFFFFFF30];
	[tilespmem:s17+$0xFFFFFF90] =	vst v11  }
0x259: {  	v11 =	vld [tilespmem:s22+$0xFFFFFFA0];
	v6 =	vmax.f32 v6, $0.0e+00  }
0x25a: {  	v9 =	vmax.f32 v9, $0.0e+00;
	v15 =	vld [tilespmem:s17+$0xFFFFFFB0];
	[tilespmem:s17+$0x10] =	vst v6  }
0x25b: {  	[tilespmem:s17+$0xFFFFFF10] =	vst v9;
	v6 =	vld [tilespmem:s22+$0x20];
	v7 =	vadd.f32 v12, v7  }
0x25c: {  	v9 =	vld [tilespmem:s22+$0xFFFFFF20]  }
0x25d: {  	v12 =	vld [tilespmem:s17+$0x30];
	v7 =	vmax.f32 v7, $0.0e+00  }
0x25e: {  	v10 =	vadd.f32 v11, v10;
	[tilespmem:s17+$0xA0] =	vst v7;
	v7 =	vld [tilespmem:s17+$0xB0]  }
0x25f: {  	v11 =	vld [tilespmem:s22+$0xB0]  }
0x260: {  	v16 =	vld [tilespmem:s17+$0xFFFFFF40];
	v10 =	vmax.f32 v10, $0.0e+00;
	v6 =	vadd.f32 v6, v8  }
0x261: {  	v8 =	vadd.f32 v9, v13;
	[tilespmem:s17+$0xFFFFFFA0] =	vst v10;
	v9 =	vld [tilespmem:s17+$0xFFFFFFC0]  }
0x262: {  	v10 =	vld [tilespmem:s22+$0xFFFFFFB0];
	v6 =	vmax.f32 v6, $0.0e+00  }
0x263: {  	v8 =	vmax.f32 v8, $0.0e+00;
	[tilespmem:s17+$0x20] =	vst v6;
	v13 =	vld [tilespmem:s17+$0x40]  }
0x264: {  	[tilespmem:s17+$0xFFFFFF20] =	vst v8;
	v6 =	vld [tilespmem:s22+$0x30];
	v7 =	vadd.f32 v11, v7  }
0x265: {  	v8 =	vld [tilespmem:s22+$0xFFFFFF30]  }
0x266: {  	v11 =	vld [tilespmem:s17+$0xFFFFFF50];
	v7 =	vmax.f32 v7, $0.0e+00  }
0x267: {  	v10 =	vadd.f32 v10, v15;
	[tilespmem:s17+$0xB0] =	vst v7;
	v7 =	vld [tilespmem:s17+$0xC0]  }
0x268: {  	v15 =	vld [tilespmem:s22+$0xC0]  }
0x269: {  	v10 =	vmax.f32 v10, $0.0e+00;
	v17 =	vld [tilespmem:s17+$0xFFFFFFD0];
	v6 =	vadd.f32 v6, v12  }
0x26a: {  	v8 =	vadd.f32 v8, v14;
	[tilespmem:s17+$0xFFFFFFB0] =	vst v10;
	v10 =	vld [tilespmem:s17+$0x50]  }
0x26b: {  	v12 =	vld [tilespmem:s22+$0xFFFFFFC0];
	v14 =	vmax.f32 v6, $0.0e+00  }
0x26c: {  	v8 =	vmax.f32 v8, $0.0e+00;
	v6 =	vld [tilespmem:s17+$0xFFFFFF60];
	[tilespmem:s17+$0x30] =	vst v14  }
0x26d: {  	[tilespmem:s17+$0xFFFFFF30] =	vst v8;
	v8 =	vld [tilespmem:s22+$0x40];
	v14 =	vadd.f32 v15, v7  }
0x26e: {  	v15 =	vld [tilespmem:s22+$0xFFFFFF40]  }
0x26f: {  	v7 =	vld [tilespmem:s17+$0xFFFFFFE0];
	v14 =	vmax.f32 v14, $0.0e+00  }
0x270: {  	v9 =	vadd.f32 v12, v9;
	[tilespmem:s17+$0xC0] =	vst v14;
	v12 =	vld [tilespmem:s17+$0xD0]  }
0x271: {  	v14 =	vld [tilespmem:s22+$0xD0]  }
0x272: {  	v9 =	vmax.f32 v9, $0.0e+00;
	v13 =	vadd.f32 v8, v13;
	v8 =	vld [tilespmem:s17+$0x60]  }
0x273: {  	v15 =	vadd.f32 v15, v16;
	[tilespmem:s17+$0xFFFFFFC0] =	vst v9;
	v9 =	vld [tilespmem:s10+$0xFFFFFF70]  }
0x274: {  	v16 =	vld [tilespmem:s22+$0xFFFFFFD0];
	v13 =	vmax.f32 v13, $0.0e+00  }
0x275: {  	v15 =	vmax.f32 v15, $0.0e+00;
	[tilespmem:s17+$0x40] =	vst v13;
	v13 =	vld [tilespmem:s10+$0xFFFFFFF0]  }
0x276: {  	[tilespmem:s17+$0xFFFFFF40] =	vst v15;
	v15 =	vld [tilespmem:s22+$0x50];
	v12 =	vadd.f32 v14, v12  }
0x277: {  	v14 =	vld [tilespmem:s22+$0xFFFFFF50]  }
0x278: {  	v12 =	vmax.f32 v12, $0.0e+00;
	v5 =	vadd.f32 v9, v5;
	v9 =	vld [tilespmem:s10+$0x70];
	s10 =	smov.u32 s22  }
0x279: {  	v16 =	vadd.f32 v16, v17;
	[tilespmem:s17+$0xD0] =	vst v12;
	v12 =	vld [tilespmem:s17+$0xE0]  }
0x27a: {  	v17 =	vld [tilespmem:s22+$0xE0];
	v18 =	vmax.f32 v5, $0.0e+00;
	v13 =	vadd.f32 v13, v4  }
0x27b: {  	v5 =	vld [tilespmem:s17+$0xFFFFFF70];
	v4 =	vmax.f32 v16, $0.0e+00;
	v15 =	vadd.f32 v15, v10;
	[tilespmem:s9+$0xFFFFFF70] =	vst v18  }
0x27c: {  	v11 =	vadd.f32 v14, v11;
	[tilespmem:s17+$0xFFFFFFD0] =	vst v4;
	v4 =	vld [tilespmem:s17+$0xFFFFFFF0];
	v13 =	vmax.f32 v13, $0.0e+00  }
.Ltmp3:
0x27d: {  	v10 =	vld [tilespmem:s22+$0xFFFFFFE0];
	v14 =	vmax.f32 v15, $0.0e+00;
	[tilespmem:s9+$0xFFFFFFF0] =	vst v13;
	v9 =	vadd.f32 v9, v3;
	(pc) =	sbr.rel @p1 .LBB2_9-.Ltmp3, $4  }
0x27e: {  	v11 =	vmax.f32 v11, $0.0e+00;
	[tilespmem:s17+$0x50] =	vst v14;
	v3 =	vld [tilespmem:s17+$0x70]  }
0x27f: {  	[tilespmem:s17+$0xFFFFFF50] =	vst v11;
	v11 =	vld [tilespmem:s22+$0x60];
	v13 =	vadd.f32 v17, v12;
	v9 =	vmax.f32 v9, $0.0e+00  }
0x280: {  	v12 =	vld [tilespmem:s22+$0xFFFFFF60];
	[tilespmem:s9+$0x70] =	vst v9;
	s9 =	smov.u32 s17  }
0x281: {  	s17 =	sadd.s32 $0x200, s17;
	v13 =	vmax.f32 v13, $0.0e+00;
	v9 =	vld [tilespmem:s9+$0xF0]  }
0x282: {  	_ =	sdelay $0x2  }
0x283: {  	v6 =	vadd.f32 v12, v6  }
0x284: {  	v7 =	vadd.f32 v10, v7  }
0x285: {  	[tilespmem:s9+$0xE0] =	vst v13;
	v8 =	vadd.f32 v11, v8;
	v6 =	vmax.f32 v6, $0.0e+00  }
0x286: {  	v10 =	vld [tilespmem:s10+$0xF0];
	v7 =	vmax.f32 v7, $0.0e+00;
	[tilespmem:s9+$0xFFFFFF60] =	vst v6  }
0x287: {  	[tilespmem:s9+$0xFFFFFFE0] =	vst v7;
	v6 =	vmax.f32 v8, $0.0e+00;
	v7 =	vld [tilespmem:s10+$0xFFFFFF70]  }
0x288: {  	[tilespmem:s9+$0x60] =	vst v6;
	v6 =	vld [tilespmem:s10+$0xFFFFFFF0]  }
0x289: {  	v8 =	vld [tilespmem:s10+$0x70];
	_ =	sdelay $0x1  }
0x28a: {  	v9 =	vadd.f32 v10, v9  }
0x28b: {  	v5 =	vadd.f32 v7, v5  }
0x28c: {  	v7 =	vmax.f32 v9, $0.0e+00;
	v4 =	vadd.f32 v6, v4  }
0x28d: {  	[tilespmem:s9+$0xF0] =	vst v7;
	v3 =	vadd.f32 v8, v3;
	v5 =	vmax.f32 v5, $0.0e+00  }
0x28e: {  	v4 =	vmax.f32 v4, $0.0e+00;
	[tilespmem:s9+$0xFFFFFF70] =	vst v5  }
0x28f: {  	[tilespmem:s9+$0xFFFFFFF0] =	vst v4;
	v3 =	vmax.f32 v3, $0.0e+00  }
0x290: {  	s17 =	simm.s32 $0xA280;
	[tilespmem:s9+$0x70] =	vst v3  }
0x291: {  	[spmem:s1] =	stream.indirect.scatter.add.f32 [tilespmem:s3], [sflag:$0x3], $0x80, s17, s16, $0xb8;
	[tilespmem:$0x1DE80] =	vst v63  }
0x292: {  	_ =	swait.ge [sflag:s14], $0x50  }
0x293: {  	[sflag:s14] =	ssyncset.done $0x0  }
0x294: {  	[sflag:s14] =	ssyncadd.s32 $0xFFFFFFB0  }
0x295: {  	_ =	swait.ge [sflag:s14], $0x50  }
0x296: {  	[sflag:s14] =	ssyncset.done $0x0  }
0x297: {  	[sflag:s14] =	ssyncadd.s32 $0xFFFFFFB0  }
0x298: {  	v3 =	vld [tilespmem:$0xA000]  }
0x299: {  	v4 =	vld [tilespmem:$0xA100]  }
0x29a: {  	v5 =	vld [tilespmem:$0xA010]  }
0x29b: {  	v6 =	vld [tilespmem:$0xA110]  }
0x29c: {  	v7 =	vld [tilespmem:$0xA020]  }
0x29d: {  	v8 =	vld [tilespmem:$0xA120];
	v3 =	vadd.s32 v0, v3  }
0x29e: {  	[tilespmem:$0xA000] =	vst v3;
	v3 =	vadd.s32 v1, v4;
	v4 =	vld [tilespmem:$0xA030]  }
0x29f: {  	[tilespmem:$0xA080] =	vst v3;
	v3 =	vadd.s32 v0, v5;
	v5 =	vld [tilespmem:$0xA130]  }
0x2a0: {  	[tilespmem:$0xA010] =	vst v3;
	v3 =	vadd.s32 v1, v6;
	v6 =	vld [tilespmem:$0xA040]  }
0x2a1: {  	[tilespmem:$0xA090] =	vst v3;
	v3 =	vadd.s32 v0, v7;
	v7 =	vld [tilespmem:$0xA140]  }
0x2a2: {  	[tilespmem:$0xA020] =	vst v3;
	v3 =	vadd.s32 v1, v8  }
0x2a3: {  	[tilespmem:$0xA0A0] =	vst v3;
	v3 =	vadd.s32 v0, v4  }
0x2a4: {  	[tilespmem:$0xA030] =	vst v3;
	v3 =	vadd.s32 v1, v5  }
0x2a5: {  	[tilespmem:$0xA0B0] =	vst v3;
	v3 =	vadd.s32 v0, v6  }
0x2a6: {  	[tilespmem:$0xA040] =	vst v3;
	v3 =	vadd.s32 v1, v7  }
0x2a7: {  	s22 =	simm.s32 $0xA080;
	[tilespmem:$0xA0C0] =	vst v3  }
0x2a8: {  	[tilespmem:s20], [sflag:$0x1] =	stream.indirect.gather [hbm4b:s4+s16], $0x80, s22, s16, $0xb8;
	[tilespmem:$0x1DE80] =	vst v63  }
0x2a9: {  	_ =	swait.ge [sflag:s30], $0x2800  }
0x2aa: {  	s9 =	sadd.s32 @!p0 s8, s21;
	[sflag:s30] =	ssyncset.done $0x0  }
0x2ab: {  	s9 =	sshrl.u32 @!p0 s9, $0x3;
	[sflag:s30] =	ssyncadd.s32 $0xFFFFD800  }
0x2ac: {  	[tilespmem:s3], [sflag:$0x1] =	stream.indirect.gather [hbm4b:s4+s16], $0x80, s0, s16, $0xb8;
	[tilespmem:$0x1DE80] =	vst v63  }
0x2ad: {  	s11 =	simm.s32 @!p0 $0x0;
	s17 =	simm.s32 @!p0 $0xA180;
	s10 =	sadd.s32 @!p0 s5, s9  }
0x2ae: {  	[tilespmem:s17], [sflag:$0x6] =	stream.linear.gather @!p0 [hbm4b:s10+s11], $0x50, $0x38;
	[tilespmem:$0x1DE80] =	vst v63  }
0x2af: {  	s9 =	sadd.s32 @!p0 s6, s9;
	s10 =	simm.s32 @!p0 $0xA280  }
0x2b0: {  	[tilespmem:s10], [sflag:$0x6] =	stream.linear.gather @!p0 [hbm4b:s9+s11], $0x50, $0x38;
	[tilespmem:$0x1DE80] =	vst v63  }
0x2b1: {  	_ =	swait.ge [sflag:s7], $0x2800  }
0x2b2: {  	[sflag:s7] =	ssyncset.done $0x0  }
0x2b3: {  	[sflag:s7] =	ssyncadd.s32 $0xFFFFD800  }
0x2b4: {  	_ =	swait.ge [sflag:s7], $0x2800  }
0x2b5: {  	[sflag:s7] =	ssyncset.done $0x0  }
0x2b6: {  	s9 =	simm.s32 $0x5100;
	[sflag:s7] =	ssyncadd.s32 $0xFFFFD800  }
0x2b7: {  	s10 =	simm.s32 $0x7900;
	v3 =	vld [tilespmem:s9+$0x80]  }
0x2b8: {  	v4 =	vld [tilespmem:s10+$0x80]  }
0x2b9: {  	v5 =	vld [tilespmem:s10+$0xFFFFFF00]  }
0x2ba: {  	v6 =	vld [tilespmem:s9+$0xFFFFFF80]  }
0x2bb: {  	v7 =	vld [tilespmem:s10+$0xFFFFFF80]  }
0x2bc: {  	v8 =	vld [tilespmem:s10+$0x0]  }
0x2bd: {  	v3 =	vadd.f32 v4, v3;
	v4 =	vld [tilespmem:s9+$0x0]  }
0x2be: {  	v9 =	vld [tilespmem:s9+$0xFFFFFF00]  }
0x2bf: {  	v3 =	vmax.f32 v3, $0.0e+00  }
0x2c0: {  	v6 =	vadd.f32 v7, v6;
	[tilespmem:s9+$0x80] =	vst v3;
	v3 =	vld [tilespmem:s9+$0x90]  }
0x2c1: {  	v10 =	vld [tilespmem:s10+$0x90]  }
0x2c2: {  	v11 =	vld [tilespmem:s9+$0xFFFFFF90];
	v6 =	vmax.f32 v6, $0.0e+00;
	v4 =	vadd.f32 v8, v4  }
0x2c3: {  	v7 =	vld [tilespmem:s9+$0xFFFFFF10];
	v5 =	vadd.f32 v5, v9;
	[tilespmem:s9+$0xFFFFFF80] =	vst v6  }
0x2c4: {  	v8 =	vld [tilespmem:s10+$0xFFFFFF90];
	v4 =	vmax.f32 v4, $0.0e+00  }
0x2c5: {  	v5 =	vmax.f32 v5, $0.0e+00;
	v6 =	vld [tilespmem:s9+$0x10];
	[tilespmem:s9+$0x0] =	vst v4  }
0x2c6: {  	[tilespmem:s9+$0xFFFFFF00] =	vst v5;
	v3 =	vadd.f32 v10, v3;
	v4 =	vld [tilespmem:s10+$0x10]  }
0x2c7: {  	v5 =	vld [tilespmem:s10+$0xFFFFFF10]  }
0x2c8: {  	v3 =	vmax.f32 v3, $0.0e+00  }
0x2c9: {  	v8 =	vadd.f32 v8, v11;
	[tilespmem:s9+$0x90] =	vst v3;
	v3 =	vld [tilespmem:s9+$0xA0]  }
0x2ca: {  	v10 =	vld [tilespmem:s10+$0xA0]  }
0x2cb: {  	v9 =	vld [tilespmem:s9+$0xFFFFFF20];
	v8 =	vmax.f32 v8, $0.0e+00;
	v4 =	vadd.f32 v4, v6  }
0x2cc: {  	v5 =	vadd.f32 v5, v7;
	v11 =	vld [tilespmem:s9+$0xFFFFFFA0];
	[tilespmem:s9+$0xFFFFFF90] =	vst v8  }
0x2cd: {  	v7 =	vld [tilespmem:s10+$0xFFFFFFA0];
	v4 =	vmax.f32 v4, $0.0e+00  }
0x2ce: {  	v5 =	vmax.f32 v5, $0.0e+00;
	v6 =	vld [tilespmem:s9+$0x20];
	[tilespmem:s9+$0x10] =	vst v4  }
0x2cf: {  	[tilespmem:s9+$0xFFFFFF10] =	vst v5;
	v3 =	vadd.f32 v10, v3;
	v4 =	vld [tilespmem:s10+$0x20]  }
0x2d0: {  	v5 =	vld [tilespmem:s10+$0xFFFFFF20]  }
0x2d1: {  	v3 =	vmax.f32 v3, $0.0e+00  }
0x2d2: {  	v7 =	vadd.f32 v7, v11;
	[tilespmem:s9+$0xA0] =	vst v3;
	v3 =	vld [tilespmem:s9+$0xB0]  }
0x2d3: {  	v10 =	vld [tilespmem:s10+$0xB0]  }
0x2d4: {  	v12 =	vld [tilespmem:s9+$0x30];
	v7 =	vmax.f32 v7, $0.0e+00;
	v4 =	vadd.f32 v4, v6  }
0x2d5: {  	v5 =	vadd.f32 v5, v9;
	v11 =	vld [tilespmem:s9+$0xFFFFFFB0];
	[tilespmem:s9+$0xFFFFFFA0] =	vst v7  }
0x2d6: {  	v6 =	vld [tilespmem:s10+$0xFFFFFFB0];
	v4 =	vmax.f32 v4, $0.0e+00  }
0x2d7: {  	v8 =	vld [tilespmem:s9+$0xFFFFFF30];
	[tilespmem:s9+$0x20] =	vst v4;
	v4 =	vmax.f32 v5, $0.0e+00  }
0x2d8: {  	v3 =	vadd.f32 v10, v3;
	[tilespmem:s9+$0xFFFFFF20] =	vst v4;
	v4 =	vld [tilespmem:s10+$0x30]  }
0x2d9: {  	v9 =	vld [tilespmem:s10+$0xFFFFFF30]  }
0x2da: {  	v13 =	vld [tilespmem:s9+$0xFFFFFF40];
	v3 =	vmax.f32 v3, $0.0e+00  }
0x2db: {  	v6 =	vadd.f32 v6, v11;
	[tilespmem:s9+$0xB0] =	vst v3;
	v3 =	vld [tilespmem:s9+$0xC0]  }
0x2dc: {  	v10 =	vld [tilespmem:s10+$0xC0]  }
0x2dd: {  	v14 =	vld [tilespmem:s9+$0xFFFFFFD0];
	v6 =	vmax.f32 v6, $0.0e+00;
	v4 =	vadd.f32 v4, v12  }
0x2de: {  	v7 =	vld [tilespmem:s9+$0xFFFFFFC0];
	[tilespmem:s9+$0xFFFFFFB0] =	vst v6;
	v8 =	vadd.f32 v9, v8  }
0x2df: {  	v9 =	vld [tilespmem:s10+$0xFFFFFFC0];
	v4 =	vmax.f32 v4, $0.0e+00  }
0x2e0: {  	v5 =	vld [tilespmem:s9+$0x40];
	[tilespmem:s9+$0x30] =	vst v4;
	v4 =	vmax.f32 v8, $0.0e+00  }
0x2e1: {  	v3 =	vadd.f32 v10, v3;
	v8 =	vld [tilespmem:s10+$0x40];
	[tilespmem:s9+$0xFFFFFF30] =	vst v4  }
0x2e2: {  	v4 =	vld [tilespmem:s10+$0xFFFFFF40]  }
0x2e3: {  	v11 =	vld [tilespmem:s9+$0xFFFFFF50];
	v3 =	vmax.f32 v3, $0.0e+00  }
0x2e4: {  	[tilespmem:s9+$0xC0] =	vst v3;
	v3 =	vadd.f32 v9, v7;
	v9 =	vld [tilespmem:s9+$0xD0]  }
0x2e5: {  	v10 =	vld [tilespmem:s10+$0xD0]  }
0x2e6: {  	v6 =	vld [tilespmem:s9+$0xFFFFFF60];
	v3 =	vmax.f32 v3, $0.0e+00;
	v5 =	vadd.f32 v8, v5  }
0x2e7: {  	v12 =	vld [tilespmem:s9+$0x50];
	[tilespmem:s9+$0xFFFFFFC0] =	vst v3;
	v3 =	vadd.f32 v4, v13  }
0x2e8: {  	v4 =	vld [tilespmem:s10+$0xFFFFFFD0];
	v5 =	vmax.f32 v5, $0.0e+00  }
0x2e9: {  	v7 =	vld [tilespmem:s9+$0xFFFFFFE0];
	[tilespmem:s9+$0x40] =	vst v5;
	v3 =	vmax.f32 v3, $0.0e+00  }
0x2ea: {  	v5 =	vld [tilespmem:s10+$0x50];
	v9 =	vadd.f32 v10, v9;
	[tilespmem:s9+$0xFFFFFF40] =	vst v3  }
0x2eb: {  	v3 =	vld [tilespmem:s10+$0xFFFFFF50]  }
0x2ec: {  	v8 =	vld [tilespmem:s9+$0x60];
	v9 =	vmax.f32 v9, $0.0e+00  }
0x2ed: {  	v4 =	vadd.f32 v4, v14;
	[tilespmem:s9+$0xD0] =	vst v9;
	v9 =	vld [tilespmem:s9+$0xE0]  }
0x2ee: {  	v13 =	vld [tilespmem:s10+$0xE0]  }
0x2ef: {  	v4 =	vmax.f32 v4, $0.0e+00;
	v10 =	vadd.f32 v5, v12;
	v5 =	vld [tilespmem:s9+$0xFFFFFF70]  }
0x2f0: {  	[tilespmem:s9+$0xFFFFFFD0] =	vst v4;
	v3 =	vadd.f32 v3, v11;
	v4 =	vld [tilespmem:s9+$0xFFFFFFF0]  }
0x2f1: {  	v11 =	vmax.f32 v10, $0.0e+00;
	v10 =	vld [tilespmem:s10+$0xFFFFFFE0]  }
0x2f2: {  	[tilespmem:s9+$0x50] =	vst v11;
	v11 =	vmax.f32 v3, $0.0e+00;
	v3 =	vld [tilespmem:s9+$0x70]  }
0x2f3: {  	[tilespmem:s9+$0xFFFFFF50] =	vst v11;
	v11 =	vld [tilespmem:s10+$0x60];
	v9 =	vadd.f32 v13, v9  }
0x2f4: {  	v12 =	vld [tilespmem:s10+$0xFFFFFF60]  }
0x2f5: {  	s22 =	simm.s32 $0x7900;
	s17 =	simm.s32 $0x5300;
	s11 =	simm.s32 $0x0;
	v13 =	vmax.f32 v9, $0.0e+00;
	v9 =	vld [tilespmem:s9+$0xF0]  }
.LBB2_11:
0x2f6: {  	v14 =	vld [tilespmem:s17+$0x80];
	v7 =	vadd.f32 v10, v7;
	[tilespmem:s9+$0xE0] =	vst v13  }
0x2f7: {  	s22 =	sadd.s32 $0x200, s22;
	v10 =	vld [tilespmem:s10+$0xF0]  }
0x2f8: {  	s11 =	sadd.s32 $0x4, s11;
	v13 =	vld [tilespmem:s22+$0x80];
	v7 =	vmax.f32 v7, $0.0e+00;
	v8 =	vadd.f32 v11, v8  }
0x2f9: {  	p1 =	slt.u32 s11, $0x4C;
	v11 =	vld [tilespmem:s22+$0xFFFFFF00];
	v6 =	vadd.f32 v12, v6;
	[tilespmem:s9+$0xFFFFFFE0] =	vst v7  }
0x2fa: {  	v7 =	vld [tilespmem:s17+$0xFFFFFF80];
	v8 =	vmax.f32 v8, $0.0e+00  }
0x2fb: {  	v12 =	vld [tilespmem:s22+$0xFFFFFF80];
	v6 =	vmax.f32 v6, $0.0e+00;
	[tilespmem:s9+$0x60] =	vst v8  }
0x2fc: {  	v8 =	vld [tilespmem:s17+$0x0];
	[tilespmem:s9+$0xFFFFFF60] =	vst v6;
	v6 =	vadd.f32 v10, v9  }
0x2fd: {  	v9 =	vld [tilespmem:s22+$0x0];
	v10 =	vadd.f32 v13, v14  }
0x2fe: {  	v13 =	vld [tilespmem:s17+$0xFFFFFF00];
	v6 =	vmax.f32 v6, $0.0e+00  }
0x2ff: {  	v14 =	vld [tilespmem:s17+$0xFFFFFF10];
	v10 =	vmax.f32 v10, $0.0e+00;
	[tilespmem:s9+$0xF0] =	vst v6  }
0x300: {  	v6 =	vadd.f32 v12, v7;
	[tilespmem:s17+$0x80] =	vst v10;
	v7 =	vld [tilespmem:s17+$0x90]  }
0x301: {  	v10 =	vld [tilespmem:s22+$0x90]  }
0x302: {  	v6 =	vmax.f32 v6, $0.0e+00;
	v12 =	vld [tilespmem:s17+$0xFFFFFF90];
	v8 =	vadd.f32 v9, v8  }
0x303: {  	v9 =	vadd.f32 v11, v13;
	[tilespmem:s17+$0xFFFFFF80] =	vst v6;
	v6 =	vld [tilespmem:s17+$0x10]  }
0x304: {  	v11 =	vld [tilespmem:s22+$0xFFFFFF90];
	v8 =	vmax.f32 v8, $0.0e+00  }
0x305: {  	v9 =	vmax.f32 v9, $0.0e+00;
	v13 =	vld [tilespmem:s17+$0xFFFFFF20];
	[tilespmem:s17+$0x0] =	vst v8  }
0x306: {  	[tilespmem:s17+$0xFFFFFF00] =	vst v9;
	v8 =	vld [tilespmem:s22+$0x10];
	v7 =	vadd.f32 v10, v7  }
0x307: {  	v9 =	vld [tilespmem:s22+$0xFFFFFF10]  }
0x308: {  	v10 =	vld [tilespmem:s17+$0xFFFFFFA0];
	v7 =	vmax.f32 v7, $0.0e+00  }
0x309: {  	v11 =	vadd.f32 v11, v12;
	[tilespmem:s17+$0x90] =	vst v7;
	v7 =	vld [tilespmem:s17+$0xA0]  }
0x30a: {  	v12 =	vld [tilespmem:s22+$0xA0]  }
0x30b: {  	v11 =	vmax.f32 v11, $0.0e+00;
	v6 =	vadd.f32 v8, v6;
	v8 =	vld [tilespmem:s17+$0x20]  }
0x30c: {  	v9 =	vadd.f32 v9, v14;
	v14 =	vld [tilespmem:s17+$0xFFFFFF30];
	[tilespmem:s17+$0xFFFFFF90] =	vst v11  }
0x30d: {  	v11 =	vld [tilespmem:s22+$0xFFFFFFA0];
	v6 =	vmax.f32 v6, $0.0e+00  }
0x30e: {  	v9 =	vmax.f32 v9, $0.0e+00;
	v15 =	vld [tilespmem:s17+$0xFFFFFFB0];
	[tilespmem:s17+$0x10] =	vst v6  }
0x30f: {  	[tilespmem:s17+$0xFFFFFF10] =	vst v9;
	v6 =	vld [tilespmem:s22+$0x20];
	v7 =	vadd.f32 v12, v7  }
0x310: {  	v9 =	vld [tilespmem:s22+$0xFFFFFF20]  }
0x311: {  	v12 =	vld [tilespmem:s17+$0x30];
	v7 =	vmax.f32 v7, $0.0e+00  }
0x312: {  	v10 =	vadd.f32 v11, v10;
	[tilespmem:s17+$0xA0] =	vst v7;
	v7 =	vld [tilespmem:s17+$0xB0]  }
0x313: {  	v11 =	vld [tilespmem:s22+$0xB0]  }
0x314: {  	v16 =	vld [tilespmem:s17+$0xFFFFFF40];
	v10 =	vmax.f32 v10, $0.0e+00;
	v6 =	vadd.f32 v6, v8  }
0x315: {  	v8 =	vadd.f32 v9, v13;
	[tilespmem:s17+$0xFFFFFFA0] =	vst v10;
	v9 =	vld [tilespmem:s17+$0xFFFFFFC0]  }
0x316: {  	v10 =	vld [tilespmem:s22+$0xFFFFFFB0];
	v6 =	vmax.f32 v6, $0.0e+00  }
0x317: {  	v8 =	vmax.f32 v8, $0.0e+00;
	[tilespmem:s17+$0x20] =	vst v6;
	v13 =	vld [tilespmem:s17+$0x40]  }
0x318: {  	[tilespmem:s17+$0xFFFFFF20] =	vst v8;
	v6 =	vld [tilespmem:s22+$0x30];
	v7 =	vadd.f32 v11, v7  }
0x319: {  	v8 =	vld [tilespmem:s22+$0xFFFFFF30]  }
0x31a: {  	v11 =	vld [tilespmem:s17+$0xFFFFFF50];
	v7 =	vmax.f32 v7, $0.0e+00  }
0x31b: {  	v10 =	vadd.f32 v10, v15;
	[tilespmem:s17+$0xB0] =	vst v7;
	v7 =	vld [tilespmem:s17+$0xC0]  }
0x31c: {  	v15 =	vld [tilespmem:s22+$0xC0]  }
0x31d: {  	v10 =	vmax.f32 v10, $0.0e+00;
	v17 =	vld [tilespmem:s17+$0xFFFFFFD0];
	v6 =	vadd.f32 v6, v12  }
0x31e: {  	v8 =	vadd.f32 v8, v14;
	[tilespmem:s17+$0xFFFFFFB0] =	vst v10;
	v10 =	vld [tilespmem:s17+$0x50]  }
0x31f: {  	v12 =	vld [tilespmem:s22+$0xFFFFFFC0];
	v14 =	vmax.f32 v6, $0.0e+00  }
0x320: {  	v8 =	vmax.f32 v8, $0.0e+00;
	v6 =	vld [tilespmem:s17+$0xFFFFFF60];
	[tilespmem:s17+$0x30] =	vst v14  }
0x321: {  	[tilespmem:s17+$0xFFFFFF30] =	vst v8;
	v8 =	vld [tilespmem:s22+$0x40];
	v14 =	vadd.f32 v15, v7  }
0x322: {  	v15 =	vld [tilespmem:s22+$0xFFFFFF40]  }
0x323: {  	v7 =	vld [tilespmem:s17+$0xFFFFFFE0];
	v14 =	vmax.f32 v14, $0.0e+00  }
0x324: {  	v9 =	vadd.f32 v12, v9;
	[tilespmem:s17+$0xC0] =	vst v14;
	v12 =	vld [tilespmem:s17+$0xD0]  }
0x325: {  	v14 =	vld [tilespmem:s22+$0xD0]  }
0x326: {  	v9 =	vmax.f32 v9, $0.0e+00;
	v13 =	vadd.f32 v8, v13;
	v8 =	vld [tilespmem:s17+$0x60]  }
0x327: {  	v15 =	vadd.f32 v15, v16;
	[tilespmem:s17+$0xFFFFFFC0] =	vst v9;
	v9 =	vld [tilespmem:s10+$0xFFFFFF70]  }
0x328: {  	v16 =	vld [tilespmem:s22+$0xFFFFFFD0];
	v13 =	vmax.f32 v13, $0.0e+00  }
0x329: {  	v15 =	vmax.f32 v15, $0.0e+00;
	[tilespmem:s17+$0x40] =	vst v13;
	v13 =	vld [tilespmem:s10+$0xFFFFFFF0]  }
0x32a: {  	[tilespmem:s17+$0xFFFFFF40] =	vst v15;
	v15 =	vld [tilespmem:s22+$0x50];
	v12 =	vadd.f32 v14, v12  }
0x32b: {  	v14 =	vld [tilespmem:s22+$0xFFFFFF50]  }
0x32c: {  	v12 =	vmax.f32 v12, $0.0e+00;
	v5 =	vadd.f32 v9, v5;
	v9 =	vld [tilespmem:s10+$0x70];
	s10 =	smov.u32 s22  }
0x32d: {  	v16 =	vadd.f32 v16, v17;
	[tilespmem:s17+$0xD0] =	vst v12;
	v12 =	vld [tilespmem:s17+$0xE0]  }
0x32e: {  	v17 =	vld [tilespmem:s22+$0xE0];
	v18 =	vmax.f32 v5, $0.0e+00;
	v13 =	vadd.f32 v13, v4  }
0x32f: {  	v5 =	vld [tilespmem:s17+$0xFFFFFF70];
	v4 =	vmax.f32 v16, $0.0e+00;
	v15 =	vadd.f32 v15, v10;
	[tilespmem:s9+$0xFFFFFF70] =	vst v18  }
0x330: {  	v11 =	vadd.f32 v14, v11;
	[tilespmem:s17+$0xFFFFFFD0] =	vst v4;
	v4 =	vld [tilespmem:s17+$0xFFFFFFF0];
	v13 =	vmax.f32 v13, $0.0e+00  }
.Ltmp4:
0x331: {  	v10 =	vld [tilespmem:s22+$0xFFFFFFE0];
	v14 =	vmax.f32 v15, $0.0e+00;
	[tilespmem:s9+$0xFFFFFFF0] =	vst v13;
	v9 =	vadd.f32 v9, v3;
	(pc) =	sbr.rel @p1 .LBB2_11-.Ltmp4, $4  }
0x332: {  	v11 =	vmax.f32 v11, $0.0e+00;
	[tilespmem:s17+$0x50] =	vst v14;
	v3 =	vld [tilespmem:s17+$0x70]  }
0x333: {  	[tilespmem:s17+$0xFFFFFF50] =	vst v11;
	v11 =	vld [tilespmem:s22+$0x60];
	v13 =	vadd.f32 v17, v12;
	v9 =	vmax.f32 v9, $0.0e+00  }
0x334: {  	v12 =	vld [tilespmem:s22+$0xFFFFFF60];
	[tilespmem:s9+$0x70] =	vst v9;
	s9 =	smov.u32 s17  }
0x335: {  	s17 =	sadd.s32 $0x200, s17;
	v13 =	vmax.f32 v13, $0.0e+00;
	v9 =	vld [tilespmem:s9+$0xF0]  }
0x336: {  	_ = 	snop  }
0x337: {  	v7 =	vadd.f32 v10, v7  }
0x338: {  	v8 =	vadd.f32 v11, v8  }
0x339: {  	[tilespmem:s9+$0xE0] =	vst v13;
	v7 =	vmax.f32 v7, $0.0e+00;
	v6 =	vadd.f32 v12, v6  }
0x33a: {  	v58 =	vld [tilespmem:s10+$0xF0];
	[tilespmem:s9+$0xFFFFFFE0] =	vst v7;
	v59 =	vmax.f32 v8, $0.0e+00  }
0x33b: {  	v61 =	vld [tilespmem:s10+$0xFFFFFFF0];
	v6 =	vmax.f32 v6, $0.0e+00;
	[tilespmem:s9+$0x60] =	vst v59  }
0x33c: {  	[tilespmem:s9+$0xFFFFFF60] =	vst v6;
	v62 =	vld [tilespmem:s10+$0x70]  }
0x33d: {  	v60 =	vld [tilespmem:s10+$0xFFFFFF70];
	_ =	sdelay $0x1  }
0x33e: {  	v9 =	vadd.f32 v58, v9  }
0x33f: {  	v4 =	vadd.f32 v61, v4  }
0x340: {  	v63 =	vmax.f32 v9, $0.0e+00;
	v3 =	vadd.f32 v62, v3  }
.Ltmp5:
0x341: {  	[tilespmem:s9+$0xF0] =	vst v63;
	v4 =	vmax.f32 v4, $0.0e+00;
	v5 =	vadd.f32 v60, v5;
	(pc) =	sbr.rel @p0 .LBB2_14-.Ltmp5, $4  }
0x342: {  	[tilespmem:s9+$0xFFFFFFF0] =	vst v4;
	v3 =	vmax.f32 v3, $0.0e+00  }
0x343: {  	v5 =	vmax.f32 v5, $0.0e+00;
	[tilespmem:s9+$0x70] =	vst v3  }
0x344: {  	[tilespmem:s9+$0xFFFFFF70] =	vst v5  }
0x345: {  	[spmem:s1] =	stream.indirect.scatter.add.f32 [tilespmem:s23], [sflag:$0x4], $0x80, s13, s16, $0xb8;
	[tilespmem:$0x1DE80] =	vst v63  }
0x346: {  	_ =	swait.ge [sflag:s15], $0x50  }
0x347: {  	[sflag:s15] =	ssyncset.done $0x0  }
0x348: {  	[sflag:s15] =	ssyncadd.s32 $0xFFFFFFB0  }
0x349: {  	_ =	swait.ge [sflag:s15], $0x50  }
0x34a: {  	[sflag:s15] =	ssyncset.done $0x0  }
0x34b: {  	[sflag:s15] =	ssyncadd.s32 $0xFFFFFFB0  }
0x34c: {  	v3 =	vld [tilespmem:$0xA300]  }
0x34d: {  	v4 =	vld [tilespmem:$0xA400]  }
0x34e: {  	v5 =	vld [tilespmem:$0xA310]  }
0x34f: {  	v6 =	vld [tilespmem:$0xA410]  }
0x350: {  	v7 =	vld [tilespmem:$0xA320]  }
0x351: {  	v8 =	vld [tilespmem:$0xA420];
	v3 =	vadd.s32 v0, v3  }
0x352: {  	v60 =	vld [tilespmem:$0xA330];
	[tilespmem:$0xA300] =	vst v3;
	v3 =	vadd.s32 v1, v4  }
0x353: {  	v61 =	vld [tilespmem:$0xA430];
	[tilespmem:$0xA380] =	vst v3;
	v3 =	vadd.s32 v0, v5  }
0x354: {  	v62 =	vld [tilespmem:$0xA340];
	[tilespmem:$0xA310] =	vst v3;
	v3 =	vadd.s32 v1, v6  }
0x355: {  	v63 =	vld [tilespmem:$0xA440];
	[tilespmem:$0xA390] =	vst v3;
	v3 =	vadd.s32 v0, v7  }
0x356: {  	[tilespmem:$0xA320] =	vst v3;
	v3 =	vadd.s32 v1, v8  }
0x357: {  	[tilespmem:$0xA3A0] =	vst v3;
	v3 =	vadd.s32 v0, v60  }
0x358: {  	[tilespmem:$0xA330] =	vst v3;
	v3 =	vadd.s32 v1, v61  }
0x359: {  	[tilespmem:$0xA3B0] =	vst v3;
	v3 =	vadd.s32 v0, v62  }
0x35a: {  	[tilespmem:$0xA340] =	vst v3;
	v3 =	vadd.s32 v1, v63  }
0x35b: {  	s9 =	simm.s32 $0xA380;
	[tilespmem:$0xA3C0] =	vst v3  }
0x35c: {  	[tilespmem:s25], [sflag:$0x2] =	stream.indirect.gather [hbm4b:s4+s16], $0x80, s9, s16, $0xb8;
	[tilespmem:$0x1DE80] =	vst v63  }
0x35d: {  	_ =	swait.ge [sflag:s29], $0x2800  }
0x35e: {  	[sflag:s29] =	ssyncset.done $0x0;
	s17 =	rddreg [dreg:$0x10]  }
0x35f: {  	s11 =	simm.s32 $0xA300;
	[sflag:s29] =	ssyncadd.s32 $0xFFFFD800;
	s8 =	sadd.s32 s8, s17  }
0x360: {  	[tilespmem:s23], [sflag:$0x2] =	stream.indirect.gather [hbm4b:s4+s16], $0x80, s11, s16, $0xb8;
	[tilespmem:$0x1DE80] =	vst v63  }
.Ltmp6:
0x361: {  	s8 =	sshrl.u32 s8, $0x3;
	(pc) =	sbr.rel .LBB2_4-.Ltmp6, $4  }
0x362: {  	s22 =	sadd.s32 s5, s8  }
0x363: {  	[tilespmem:s12], [sflag:$0x8] =	stream.linear.gather [hbm4b:s22+s3], $0x50, $0x38;
	[tilespmem:$0x1DE80] =	vst v63  }
0x364: {  	s24 =	sadd.s32 $0x1, s24;
	s8 =	sadd.s32 s6, s8  }
0x365: {  	[tilespmem:s13], [sflag:$0x8] =	stream.linear.gather [hbm4b:s8+s3], $0x50, $0x38;
	[tilespmem:$0x1DE80] =	vst v63  }
.LBB2_14:
0x366: {  	_ =	swait.ge [sflag:s26], $0x2800  }
0x367: {  	[sflag:s26] =	ssyncset.done $0x0  }
0x368: {  	[sflag:s26] =	ssyncadd.s32 $0xFFFFD800  }
0x369: {  	_ =	swait.ge [sflag:s26], $0x2800  }
0x36a: {  	[sflag:s26] =	ssyncset.done $0x0  }
0x36b: {  	s8 =	simm.s32 $0x100;
	[sflag:s26] =	ssyncadd.s32 $0xFFFFD800  }
0x36c: {  	s9 =	simm.s32 $0x2900;
	v3 =	vld [tilespmem:s8+$0x80]  }
0x36d: {  	v4 =	vld [tilespmem:s9+$0x80]  }
0x36e: {  	v5 =	vld [tilespmem:s9+$0xFFFFFF00]  }
0x36f: {  	v6 =	vld [tilespmem:s8+$0xFFFFFF80]  }
0x370: {  	v7 =	vld [tilespmem:s9+$0xFFFFFF80]  }
0x371: {  	v8 =	vld [tilespmem:s9+$0x0]  }
0x372: {  	v3 =	vadd.f32 v4, v3;
	v4 =	vld [tilespmem:s8+$0x0]  }
0x373: {  	v9 =	vld [tilespmem:s8+$0xFFFFFF00]  }
0x374: {  	v3 =	vmax.f32 v3, $0.0e+00  }
0x375: {  	v6 =	vadd.f32 v7, v6;
	[tilespmem:s8+$0x80] =	vst v3;
	v3 =	vld [tilespmem:s8+$0x90]  }
0x376: {  	v10 =	vld [tilespmem:s9+$0x90]  }
0x377: {  	v11 =	vld [tilespmem:s8+$0xFFFFFF90];
	v6 =	vmax.f32 v6, $0.0e+00;
	v4 =	vadd.f32 v8, v4  }
0x378: {  	v7 =	vld [tilespmem:s8+$0xFFFFFF10];
	v5 =	vadd.f32 v5, v9;
	[tilespmem:s8+$0xFFFFFF80] =	vst v6  }
0x379: {  	v8 =	vld [tilespmem:s9+$0xFFFFFF90];
	v4 =	vmax.f32 v4, $0.0e+00  }
0x37a: {  	v5 =	vmax.f32 v5, $0.0e+00;
	v6 =	vld [tilespmem:s8+$0x10];
	[tilespmem:s8+$0x0] =	vst v4  }
0x37b: {  	[tilespmem:s8+$0xFFFFFF00] =	vst v5;
	v3 =	vadd.f32 v10, v3;
	v4 =	vld [tilespmem:s9+$0x10]  }
0x37c: {  	v5 =	vld [tilespmem:s9+$0xFFFFFF10]  }
0x37d: {  	v3 =	vmax.f32 v3, $0.0e+00  }
0x37e: {  	v8 =	vadd.f32 v8, v11;
	[tilespmem:s8+$0x90] =	vst v3;
	v3 =	vld [tilespmem:s8+$0xA0]  }
0x37f: {  	v10 =	vld [tilespmem:s9+$0xA0]  }
0x380: {  	v9 =	vld [tilespmem:s8+$0xFFFFFF20];
	v8 =	vmax.f32 v8, $0.0e+00;
	v4 =	vadd.f32 v4, v6  }
0x381: {  	v5 =	vadd.f32 v5, v7;
	v11 =	vld [tilespmem:s8+$0xFFFFFFA0];
	[tilespmem:s8+$0xFFFFFF90] =	vst v8  }
0x382: {  	v7 =	vld [tilespmem:s9+$0xFFFFFFA0];
	v4 =	vmax.f32 v4, $0.0e+00  }
0x383: {  	v5 =	vmax.f32 v5, $0.0e+00;
	v6 =	vld [tilespmem:s8+$0x20];
	[tilespmem:s8+$0x10] =	vst v4  }
0x384: {  	[tilespmem:s8+$0xFFFFFF10] =	vst v5;
	v3 =	vadd.f32 v10, v3;
	v4 =	vld [tilespmem:s9+$0x20]  }
0x385: {  	v5 =	vld [tilespmem:s9+$0xFFFFFF20]  }
0x386: {  	v3 =	vmax.f32 v3, $0.0e+00  }
0x387: {  	v7 =	vadd.f32 v7, v11;
	[tilespmem:s8+$0xA0] =	vst v3;
	v3 =	vld [tilespmem:s8+$0xB0]  }
0x388: {  	v10 =	vld [tilespmem:s9+$0xB0]  }
0x389: {  	v12 =	vld [tilespmem:s8+$0x30];
	v7 =	vmax.f32 v7, $0.0e+00;
	v4 =	vadd.f32 v4, v6  }
0x38a: {  	v5 =	vadd.f32 v5, v9;
	v11 =	vld [tilespmem:s8+$0xFFFFFFB0];
	[tilespmem:s8+$0xFFFFFFA0] =	vst v7  }
0x38b: {  	v6 =	vld [tilespmem:s9+$0xFFFFFFB0];
	v4 =	vmax.f32 v4, $0.0e+00  }
0x38c: {  	v8 =	vld [tilespmem:s8+$0xFFFFFF30];
	[tilespmem:s8+$0x20] =	vst v4;
	v4 =	vmax.f32 v5, $0.0e+00  }
0x38d: {  	v3 =	vadd.f32 v10, v3;
	[tilespmem:s8+$0xFFFFFF20] =	vst v4;
	v4 =	vld [tilespmem:s9+$0x30]  }
0x38e: {  	v9 =	vld [tilespmem:s9+$0xFFFFFF30]  }
0x38f: {  	v13 =	vld [tilespmem:s8+$0xFFFFFF40];
	v3 =	vmax.f32 v3, $0.0e+00  }
0x390: {  	v6 =	vadd.f32 v6, v11;
	[tilespmem:s8+$0xB0] =	vst v3;
	v3 =	vld [tilespmem:s8+$0xC0]  }
0x391: {  	v10 =	vld [tilespmem:s9+$0xC0]  }
0x392: {  	v14 =	vld [tilespmem:s8+$0xFFFFFFD0];
	v6 =	vmax.f32 v6, $0.0e+00;
	v4 =	vadd.f32 v4, v12  }
0x393: {  	v7 =	vld [tilespmem:s8+$0xFFFFFFC0];
	[tilespmem:s8+$0xFFFFFFB0] =	vst v6;
	v8 =	vadd.f32 v9, v8  }
0x394: {  	v9 =	vld [tilespmem:s9+$0xFFFFFFC0];
	v4 =	vmax.f32 v4, $0.0e+00  }
0x395: {  	v5 =	vld [tilespmem:s8+$0x40];
	[tilespmem:s8+$0x30] =	vst v4;
	v4 =	vmax.f32 v8, $0.0e+00  }
0x396: {  	v3 =	vadd.f32 v10, v3;
	v8 =	vld [tilespmem:s9+$0x40];
	[tilespmem:s8+$0xFFFFFF30] =	vst v4  }
0x397: {  	v4 =	vld [tilespmem:s9+$0xFFFFFF40]  }
0x398: {  	v11 =	vld [tilespmem:s8+$0xFFFFFF50];
	v3 =	vmax.f32 v3, $0.0e+00  }
0x399: {  	[tilespmem:s8+$0xC0] =	vst v3;
	v3 =	vadd.f32 v9, v7;
	v9 =	vld [tilespmem:s8+$0xD0]  }
0x39a: {  	v10 =	vld [tilespmem:s9+$0xD0]  }
0x39b: {  	v6 =	vld [tilespmem:s8+$0xFFFFFF60];
	v3 =	vmax.f32 v3, $0.0e+00;
	v5 =	vadd.f32 v8, v5  }
0x39c: {  	v12 =	vld [tilespmem:s8+$0x50];
	[tilespmem:s8+$0xFFFFFFC0] =	vst v3;
	v3 =	vadd.f32 v4, v13  }
0x39d: {  	v4 =	vld [tilespmem:s9+$0xFFFFFFD0];
	v5 =	vmax.f32 v5, $0.0e+00  }
0x39e: {  	v7 =	vld [tilespmem:s8+$0xFFFFFFE0];
	[tilespmem:s8+$0x40] =	vst v5;
	v3 =	vmax.f32 v3, $0.0e+00  }
0x39f: {  	v5 =	vld [tilespmem:s9+$0x50];
	v9 =	vadd.f32 v10, v9;
	[tilespmem:s8+$0xFFFFFF40] =	vst v3  }
0x3a0: {  	v3 =	vld [tilespmem:s9+$0xFFFFFF50]  }
0x3a1: {  	v8 =	vld [tilespmem:s8+$0x60];
	v9 =	vmax.f32 v9, $0.0e+00  }
0x3a2: {  	v4 =	vadd.f32 v4, v14;
	[tilespmem:s8+$0xD0] =	vst v9;
	v9 =	vld [tilespmem:s8+$0xE0]  }
0x3a3: {  	v13 =	vld [tilespmem:s9+$0xE0]  }
0x3a4: {  	v4 =	vmax.f32 v4, $0.0e+00;
	v10 =	vadd.f32 v5, v12;
	v5 =	vld [tilespmem:s8+$0xFFFFFF70]  }
0x3a5: {  	[tilespmem:s8+$0xFFFFFFD0] =	vst v4;
	v3 =	vadd.f32 v3, v11;
	v4 =	vld [tilespmem:s8+$0xFFFFFFF0]  }
0x3a6: {  	v11 =	vmax.f32 v10, $0.0e+00;
	v10 =	vld [tilespmem:s9+$0xFFFFFFE0]  }
0x3a7: {  	[tilespmem:s8+$0x50] =	vst v11;
	v11 =	vmax.f32 v3, $0.0e+00;
	v3 =	vld [tilespmem:s8+$0x70]  }
0x3a8: {  	[tilespmem:s8+$0xFFFFFF50] =	vst v11;
	v11 =	vld [tilespmem:s9+$0x60];
	v9 =	vadd.f32 v13, v9  }
0x3a9: {  	v12 =	vld [tilespmem:s9+$0xFFFFFF60]  }
0x3aa: {  	s10 =	simm.s32 $0x0;
	s11 =	simm.s32 $0x300;
	s17 =	simm.s32 $0x2900;
	v13 =	vmax.f32 v9, $0.0e+00;
	v9 =	vld [tilespmem:s8+$0xF0]  }
.LBB2_15:
0x3ab: {  	v14 =	vld [tilespmem:s11+$0x80];
	v7 =	vadd.f32 v10, v7;
	[tilespmem:s8+$0xE0] =	vst v13  }
0x3ac: {  	s17 =	sadd.s32 $0x200, s17;
	v10 =	vld [tilespmem:s9+$0xF0]  }
0x3ad: {  	s10 =	sadd.s32 $0x4, s10;
	v13 =	vld [tilespmem:s17+$0x80];
	v7 =	vmax.f32 v7, $0.0e+00;
	v8 =	vadd.f32 v11, v8  }
0x3ae: {  	p0 =	slt.u32 s10, $0x4C;
	v11 =	vld [tilespmem:s17+$0xFFFFFF00];
	v6 =	vadd.f32 v12, v6;
	[tilespmem:s8+$0xFFFFFFE0] =	vst v7  }
0x3af: {  	v7 =	vld [tilespmem:s11+$0xFFFFFF80];
	v8 =	vmax.f32 v8, $0.0e+00  }
0x3b0: {  	v12 =	vld [tilespmem:s17+$0xFFFFFF80];
	v6 =	vmax.f32 v6, $0.0e+00;
	[tilespmem:s8+$0x60] =	vst v8  }
0x3b1: {  	v8 =	vld [tilespmem:s11+$0x0];
	[tilespmem:s8+$0xFFFFFF60] =	vst v6;
	v6 =	vadd.f32 v10, v9  }
0x3b2: {  	v9 =	vld [tilespmem:s17+$0x0];
	v10 =	vadd.f32 v13, v14  }
0x3b3: {  	v13 =	vld [tilespmem:s11+$0xFFFFFF00];
	v6 =	vmax.f32 v6, $0.0e+00  }
0x3b4: {  	v14 =	vld [tilespmem:s11+$0xFFFFFF10];
	v10 =	vmax.f32 v10, $0.0e+00;
	[tilespmem:s8+$0xF0] =	vst v6  }
0x3b5: {  	v6 =	vadd.f32 v12, v7;
	[tilespmem:s11+$0x80] =	vst v10;
	v7 =	vld [tilespmem:s11+$0x90]  }
0x3b6: {  	v10 =	vld [tilespmem:s17+$0x90]  }
0x3b7: {  	v6 =	vmax.f32 v6, $0.0e+00;
	v12 =	vld [tilespmem:s11+$0xFFFFFF90];
	v8 =	vadd.f32 v9, v8  }
0x3b8: {  	v9 =	vadd.f32 v11, v13;
	[tilespmem:s11+$0xFFFFFF80] =	vst v6;
	v6 =	vld [tilespmem:s11+$0x10]  }
0x3b9: {  	v11 =	vld [tilespmem:s17+$0xFFFFFF90];
	v8 =	vmax.f32 v8, $0.0e+00  }
0x3ba: {  	v9 =	vmax.f32 v9, $0.0e+00;
	v13 =	vld [tilespmem:s11+$0xFFFFFF20];
	[tilespmem:s11+$0x0] =	vst v8  }
0x3bb: {  	[tilespmem:s11+$0xFFFFFF00] =	vst v9;
	v8 =	vld [tilespmem:s17+$0x10];
	v7 =	vadd.f32 v10, v7  }
0x3bc: {  	v9 =	vld [tilespmem:s17+$0xFFFFFF10]  }
0x3bd: {  	v10 =	vld [tilespmem:s11+$0xFFFFFFA0];
	v7 =	vmax.f32 v7, $0.0e+00  }
0x3be: {  	v11 =	vadd.f32 v11, v12;
	[tilespmem:s11+$0x90] =	vst v7;
	v7 =	vld [tilespmem:s11+$0xA0]  }
0x3bf: {  	v12 =	vld [tilespmem:s17+$0xA0]  }
0x3c0: {  	v11 =	vmax.f32 v11, $0.0e+00;
	v6 =	vadd.f32 v8, v6;
	v8 =	vld [tilespmem:s11+$0x20]  }
0x3c1: {  	v9 =	vadd.f32 v9, v14;
	v14 =	vld [tilespmem:s11+$0xFFFFFF30];
	[tilespmem:s11+$0xFFFFFF90] =	vst v11  }
0x3c2: {  	v11 =	vld [tilespmem:s17+$0xFFFFFFA0];
	v6 =	vmax.f32 v6, $0.0e+00  }
0x3c3: {  	v9 =	vmax.f32 v9, $0.0e+00;
	v15 =	vld [tilespmem:s11+$0xFFFFFFB0];
	[tilespmem:s11+$0x10] =	vst v6  }
0x3c4: {  	[tilespmem:s11+$0xFFFFFF10] =	vst v9;
	v6 =	vld [tilespmem:s17+$0x20];
	v7 =	vadd.f32 v12, v7  }
0x3c5: {  	v9 =	vld [tilespmem:s17+$0xFFFFFF20]  }
0x3c6: {  	v12 =	vld [tilespmem:s11+$0x30];
	v7 =	vmax.f32 v7, $0.0e+00  }
0x3c7: {  	v10 =	vadd.f32 v11, v10;
	[tilespmem:s11+$0xA0] =	vst v7;
	v7 =	vld [tilespmem:s11+$0xB0]  }
0x3c8: {  	v11 =	vld [tilespmem:s17+$0xB0]  }
0x3c9: {  	v16 =	vld [tilespmem:s11+$0xFFFFFF40];
	v10 =	vmax.f32 v10, $0.0e+00;
	v6 =	vadd.f32 v6, v8  }
0x3ca: {  	v8 =	vadd.f32 v9, v13;
	[tilespmem:s11+$0xFFFFFFA0] =	vst v10;
	v9 =	vld [tilespmem:s11+$0xFFFFFFC0]  }
0x3cb: {  	v10 =	vld [tilespmem:s17+$0xFFFFFFB0];
	v6 =	vmax.f32 v6, $0.0e+00  }
0x3cc: {  	v8 =	vmax.f32 v8, $0.0e+00;
	[tilespmem:s11+$0x20] =	vst v6;
	v13 =	vld [tilespmem:s11+$0x40]  }
0x3cd: {  	[tilespmem:s11+$0xFFFFFF20] =	vst v8;
	v6 =	vld [tilespmem:s17+$0x30];
	v7 =	vadd.f32 v11, v7  }
0x3ce: {  	v8 =	vld [tilespmem:s17+$0xFFFFFF30]  }
0x3cf: {  	v11 =	vld [tilespmem:s11+$0xFFFFFF50];
	v7 =	vmax.f32 v7, $0.0e+00  }
0x3d0: {  	v10 =	vadd.f32 v10, v15;
	[tilespmem:s11+$0xB0] =	vst v7;
	v7 =	vld [tilespmem:s11+$0xC0]  }
0x3d1: {  	v15 =	vld [tilespmem:s17+$0xC0]  }
0x3d2: {  	v10 =	vmax.f32 v10, $0.0e+00;
	v17 =	vld [tilespmem:s11+$0xFFFFFFD0];
	v6 =	vadd.f32 v6, v12  }
0x3d3: {  	v8 =	vadd.f32 v8, v14;
	[tilespmem:s11+$0xFFFFFFB0] =	vst v10;
	v10 =	vld [tilespmem:s11+$0x50]  }
0x3d4: {  	v12 =	vld [tilespmem:s17+$0xFFFFFFC0];
	v14 =	vmax.f32 v6, $0.0e+00  }
0x3d5: {  	v8 =	vmax.f32 v8, $0.0e+00;
	v6 =	vld [tilespmem:s11+$0xFFFFFF60];
	[tilespmem:s11+$0x30] =	vst v14  }
0x3d6: {  	[tilespmem:s11+$0xFFFFFF30] =	vst v8;
	v8 =	vld [tilespmem:s17+$0x40];
	v14 =	vadd.f32 v15, v7  }
0x3d7: {  	v15 =	vld [tilespmem:s17+$0xFFFFFF40]  }
0x3d8: {  	v7 =	vld [tilespmem:s11+$0xFFFFFFE0];
	v14 =	vmax.f32 v14, $0.0e+00  }
0x3d9: {  	v9 =	vadd.f32 v12, v9;
	[tilespmem:s11+$0xC0] =	vst v14;
	v12 =	vld [tilespmem:s11+$0xD0]  }
0x3da: {  	v14 =	vld [tilespmem:s17+$0xD0]  }
0x3db: {  	v9 =	vmax.f32 v9, $0.0e+00;
	v13 =	vadd.f32 v8, v13;
	v8 =	vld [tilespmem:s11+$0x60]  }
0x3dc: {  	v15 =	vadd.f32 v15, v16;
	[tilespmem:s11+$0xFFFFFFC0] =	vst v9;
	v9 =	vld [tilespmem:s9+$0xFFFFFF70]  }
0x3dd: {  	v16 =	vld [tilespmem:s17+$0xFFFFFFD0];
	v13 =	vmax.f32 v13, $0.0e+00  }
0x3de: {  	v15 =	vmax.f32 v15, $0.0e+00;
	[tilespmem:s11+$0x40] =	vst v13;
	v13 =	vld [tilespmem:s9+$0xFFFFFFF0]  }
0x3df: {  	[tilespmem:s11+$0xFFFFFF40] =	vst v15;
	v15 =	vld [tilespmem:s17+$0x50];
	v12 =	vadd.f32 v14, v12  }
0x3e0: {  	v14 =	vld [tilespmem:s17+$0xFFFFFF50]  }
0x3e1: {  	v12 =	vmax.f32 v12, $0.0e+00;
	v5 =	vadd.f32 v9, v5;
	v9 =	vld [tilespmem:s9+$0x70];
	s9 =	smov.u32 s17  }
0x3e2: {  	v16 =	vadd.f32 v16, v17;
	[tilespmem:s11+$0xD0] =	vst v12;
	v12 =	vld [tilespmem:s11+$0xE0]  }
0x3e3: {  	v17 =	vld [tilespmem:s17+$0xE0];
	v18 =	vmax.f32 v5, $0.0e+00;
	v13 =	vadd.f32 v13, v4  }
0x3e4: {  	v5 =	vld [tilespmem:s11+$0xFFFFFF70];
	v4 =	vmax.f32 v16, $0.0e+00;
	v15 =	vadd.f32 v15, v10;
	[tilespmem:s8+$0xFFFFFF70] =	vst v18  }
0x3e5: {  	v11 =	vadd.f32 v14, v11;
	[tilespmem:s11+$0xFFFFFFD0] =	vst v4;
	v4 =	vld [tilespmem:s11+$0xFFFFFFF0];
	v13 =	vmax.f32 v13, $0.0e+00  }
.Ltmp7:
0x3e6: {  	v10 =	vld [tilespmem:s17+$0xFFFFFFE0];
	v14 =	vmax.f32 v15, $0.0e+00;
	[tilespmem:s8+$0xFFFFFFF0] =	vst v13;
	v9 =	vadd.f32 v9, v3;
	(pc) =	sbr.rel @p0 .LBB2_15-.Ltmp7, $4  }
0x3e7: {  	v11 =	vmax.f32 v11, $0.0e+00;
	[tilespmem:s11+$0x50] =	vst v14;
	v3 =	vld [tilespmem:s11+$0x70]  }
0x3e8: {  	[tilespmem:s11+$0xFFFFFF50] =	vst v11;
	v11 =	vld [tilespmem:s17+$0x60];
	v13 =	vadd.f32 v17, v12;
	v9 =	vmax.f32 v9, $0.0e+00  }
0x3e9: {  	v12 =	vld [tilespmem:s17+$0xFFFFFF60];
	[tilespmem:s8+$0x70] =	vst v9;
	s8 =	smov.u32 s11  }
0x3ea: {  	s11 =	sadd.s32 $0x200, s11;
	v13 =	vmax.f32 v13, $0.0e+00;
	v9 =	vld [tilespmem:s8+$0xF0]  }
0x3eb: {  	_ = 	snop  }
0x3ec: {  	v7 =	vadd.f32 v10, v7  }
0x3ed: {  	v8 =	vadd.f32 v11, v8  }
0x3ee: {  	[tilespmem:s8+$0xE0] =	vst v13;
	v7 =	vmax.f32 v7, $0.0e+00;
	v6 =	vadd.f32 v12, v6  }
0x3ef: {  	v58 =	vld [tilespmem:s9+$0xF0];
	[tilespmem:s8+$0xFFFFFFE0] =	vst v7;
	v59 =	vmax.f32 v8, $0.0e+00  }
0x3f0: {  	v61 =	vld [tilespmem:s9+$0xFFFFFFF0];
	v6 =	vmax.f32 v6, $0.0e+00;
	[tilespmem:s8+$0x60] =	vst v59  }
0x3f1: {  	[tilespmem:s8+$0xFFFFFF60] =	vst v6;
	v62 =	vld [tilespmem:s9+$0x70]  }
0x3f2: {  	v60 =	vld [tilespmem:s9+$0xFFFFFF70];
	_ =	sdelay $0x1  }
0x3f3: {  	v9 =	vadd.f32 v58, v9  }
0x3f4: {  	v4 =	vadd.f32 v61, v4  }
0x3f5: {  	v63 =	vmax.f32 v9, $0.0e+00;
	v3 =	vadd.f32 v62, v3  }
0x3f6: {  	[tilespmem:s8+$0xF0] =	vst v63;
	v4 =	vmax.f32 v4, $0.0e+00;
	v5 =	vadd.f32 v60, v5  }
0x3f7: {  	[tilespmem:s8+$0xFFFFFFF0] =	vst v4;
	v3 =	vmax.f32 v3, $0.0e+00  }
0x3f8: {  	v5 =	vmax.f32 v5, $0.0e+00;
	[tilespmem:s8+$0x70] =	vst v3  }
0x3f9: {  	[tilespmem:s8+$0xFFFFFF70] =	vst v5  }
0x3fa: {  	[spmem:s1] =	stream.indirect.scatter.add.f32 [tilespmem:s3], [sflag:$0x3], $0x80, s2, s16, $0xb8;
	[tilespmem:$0x1DE80] =	vst v63  }
0x3fb: {  	_ =	swait.ge [sflag:s30], $0x2800  }
0x3fc: {  	[sflag:s30] =	ssyncset.done $0x0  }
0x3fd: {  	[sflag:s30] =	ssyncadd.s32 $0xFFFFD800  }
0x3fe: {  	_ =	swait.ge [sflag:s29], $0x2800  }
0x3ff: {  	[sflag:s29] =	ssyncset.done $0x0  }
0x400: {  	[sflag:s29] =	ssyncadd.s32 $0xFFFFD800  }
0x401: {  	s11 =	stileid.u32;
	[bflag:$0x0] =	sbarrier.arrive $0xFFFF  }
0x402: {  	s8 =	sshll.u32 s11, $0x6;
	s17 =	rddreg [dreg:$0xf]  }
0x403: {  	s8 =	sor.u32 $0x1C09, s8;
	s10 =	rddreg [dreg:$0x12]  }
0x404: {  	[hbm:s17], [sflag:s8] =	dma.local [spmem:s10], $0x2800  }
0x405: {  	s10 =	simm.s32 $0x9  }
0x406: {  	_ =	swait.ge [sflag:s10], $0x2800  }
0x407: {  	s22 =	rddreg [dreg:$0x18]  }
0x408: {  	s24 =	rddreg [dreg:$0x11];
	s9 =	sadd.s32 $0x1, s22  }
0x409: {  	p0 =	sne.s32 s9, s24  }
.Ltmp8:
0x40a: {  	_ = 	snop;
	(pc) =	sbr.rel @p0 .LBB2_1-.Ltmp8, $3  }
0x40b: {  	_ =	sdelay $0x1  }
0x40c: {  	[sflag:s10] =	ssyncset.done $0x0  }
0x40d: {  	[sflag:s10] =	ssyncadd.s32 $0xFFFFD800  }
0x40e: {  	_ =	sfence.sel $0x180000  }
0x40f: {  	[bflag:$0x0] =	sbarrier.arrive $0xFFFF  }
0x410: {  	_ =	strace $0x90000047  }
0x411: {  	s0 =	stileid.u32;
	[bflag:$0x2] =	sbarrier.arrive $0xFFFF  }
0x412: {  	p0 =	sne.s32 s0, $0x0;
	s0 =	rddreg [dreg:$0x3]  }
0x413: {  	s0 =	sadd.s32 @!p0 $0x100000, s0  }
0x414: {  	[sflag:s0] =	ssyncadd.tile.s32 @!p0 $0x1;
	_ =	shalt  }
.Lfunc_end2:
_tile_overlayer_lowered:
.L_overlay_start_2:
0x415: {  	(tag) =	ssettag $0x2  }
0x416: {  	s0 =	rddreg [dreg:$0x0];
	s2 =	stileid.u32  }
0x417: {  	s1 =	rddreg [dreg:$0x1];
	p0 =	sne.s32 s2, $0x0  }
0x418: {  	s3 =	rddreg [dreg:$0x2];
	[bflag:$0x3] =	sbarrier.arrive $0xFFFF;
	s2 =	simm.s32 @!p0 $0x1C09  }
0x419: {  	[timem:s3], [sflag:s2] =	dma.local @!p0 [hbm:s0], s1  }
0x41a: {  	s0 =	simm.s32 @!p0 $0x9  }
0x41b: {  	_ =	swait.ge @!p0 [sflag:s0], s1  }
0x41c: {  	s1 =	ssub.s32 @!p0 $0x0, s1;
	[sflag:s0] =	ssyncset.done @!p0 $0x0  }
0x41d: {  	[sflag:s0] =	ssyncadd.s32 @!p0 s1  }
0x41e: {  	[bflag:$0x3] =	sbarrier.arrive $0xFFFF  }
0x41f: {  	_ =	shalt  }

</sc_bundles>
